<compile_context>
chip_gen: v7x
topology: tpu7x:2x2x1
jax: 0.10.2.dev20260603
libtpu: 0.0.44.dev20260713+nightly
codegen_flags: <defaults>
</compile_context>

<pallas_src>
import functools

import jax
import jax.numpy as jnp
from jax import lax
from jax.experimental import pallas as pl
from jax.experimental.pallas import tpu as pltpu
from jax.experimental.pallas import tpu_sc as plsc

N_VOCAB = 1000000
D = 64
B = 1024
NC, NS, L = 2, 16, 16
NW = NC * NS
BPW = B // NW



@functools.cache
def _build_sc_bias_sum():
  mesh = plsc.VectorSubcoreMesh(
      core_axis_name="c", subcore_axis_name="s", num_cores=NC, num_subcores=NS)

  @functools.partial(
      pl.kernel,
      out_type=jax.ShapeDtypeStruct((B,), jnp.float32),
      mesh=mesh,
      compiler_params=pltpu.CompilerParams(
          needs_layout_passes=False, use_tc_tiling_on_sc=False),
      scratch_types=[
          pltpu.VMEM((BPW,), jnp.int32),
          pltpu.VMEM((BPW,), jnp.int32),
          pltpu.VMEM((BPW,), jnp.float32),
          pltpu.VMEM((BPW,), jnp.float32),
          pltpu.VMEM((BPW,), jnp.float32),
          pltpu.SemaphoreType.DMA,
          pltpu.SemaphoreType.DMA,
      ],
  )
  def _sc_bias_sum(wi_hbm, wj_hbm, bi_hbm, bj_hbm, bs_hbm,
                   idx_i, idx_j, bi, bj, bsv, sem0, sem1):
    wid = lax.axis_index("s") * NC + lax.axis_index("c")
    base = wid * BPW
    pltpu.sync_copy(wi_hbm.at[pl.ds(base, BPW)], idx_i)
    pltpu.sync_copy(wj_hbm.at[pl.ds(base, BPW)], idx_j)
    cp0 = pltpu.async_copy(bi_hbm.at[idx_i], bi, sem0)
    cp1 = pltpu.async_copy(bj_hbm.at[idx_j], bj, sem1)
    cp0.wait()
    cp1.wait()
    for g in range(BPW // L):
      sl = pl.ds(g * L, L)
      bsv[sl] = bi[sl] + bj[sl]
    pltpu.sync_copy(bsv, bs_hbm.at[pl.ds(base, BPW)])

  return _sc_bias_sum



_SLOTS = 64
_STEPS = B // _SLOTS


def _gather_dot_body(wi_ref, wj_ref, wiv_ref, wjv_ref, *refs):
  blk_i = refs[:_SLOTS]
  blk_j = refs[_SLOTS:2 * _SLOTS]
  out_ref = refs[2 * _SLOTS]
  i = pl.program_id(0)
  w = _SLOTS * 128
  n_iota = lax.broadcasted_iota(jnp.int32, (_SLOTS, B), 1)
  k_iota = lax.broadcasted_iota(jnp.int32, (_SLOTS, B), 0)
  sel = jnp.where(n_iota == i * _SLOTS + k_iota, 1.0, 0.0)
  cdn = (((1,), (1,)), ((), ()))
  wiv = lax.dot_general(sel, wiv_ref[...].astype(jnp.float32), cdn)
  wjv = lax.dot_general(sel, wjv_ref[...].astype(jnp.float32), cdn)
  li = wiv.astype(jnp.int32) % 128
  lj = wjv.astype(jnp.int32) % 128
  c_iota = lax.broadcasted_iota(jnp.int32, (_SLOTS, w), 1)
  r_iota = lax.broadcasted_iota(jnp.int32, (_SLOTS, w), 0)
  blk_of_c = c_iota // 128
  lane_of_c = c_iota % 128
  oh_i = jnp.where((blk_of_c == r_iota) & (lane_of_c == li), 1.0, 0.0)
  oh_j = jnp.where((blk_of_c == r_iota) & (lane_of_c == lj), 1.0, 0.0)
  cat_i = jnp.concatenate([r[...] for r in blk_i], axis=1)
  cat_j = jnp.concatenate([r[...] for r in blk_j], axis=1)
  a = lax.dot_general(cat_i, oh_i, cdn)
  b = lax.dot_general(cat_j, oh_j, cdn)
  dots = jnp.sum(a * b, axis=0, keepdims=True)
  contrib = lax.dot_general(dots, sel, (((1,), (0,)), ((), ())),
                            precision=lax.Precision.HIGHEST)
  prev = jnp.where(i == 0, jnp.zeros((1, B), jnp.float32), out_ref[...])
  out_ref[...] = prev + contrib


def _make_gather_dot():
  in_specs = [
      pl.BlockSpec((1, B), lambda i, wi, wj: (0, 0)),
      pl.BlockSpec((1, B), lambda i, wi, wj: (0, 0)),
  ]
  for k in range(_SLOTS):
    in_specs.append(pl.BlockSpec(
        (D, 128),
        lambda i, wi, wj, k=k: (0, wi[i * _SLOTS + k] // 128)))
  for k in range(_SLOTS):
    in_specs.append(pl.BlockSpec(
        (D, 128),
        lambda i, wi, wj, k=k: (0, wj[i * _SLOTS + k] // 128)))
  grid_spec = pltpu.PrefetchScalarGridSpec(
      num_scalar_prefetch=2,
      grid=(_STEPS,),
      in_specs=in_specs,
      out_specs=pl.BlockSpec((1, B), lambda i, wi, wj: (0, 0)),
  )
  return pl.pallas_call(
      _gather_dot_body,
      grid_spec=grid_spec,
      out_shape=jax.ShapeDtypeStruct((1, B), jnp.float32),
  )


@functools.cache
def _gather_dot():
  return _make_gather_dot()



_ROWS = 128


def _bcast_body(dot_ref, bs_ref, out_ref):
    out_ref[...] = bs_ref[...] + dot_ref[...]


_bcast = pl.pallas_call(
    _bcast_body,
    grid=(B // _ROWS,),
    in_specs=[
        pl.BlockSpec((1, B), lambda i: (0, 0)),
        pl.BlockSpec((_ROWS, 1), lambda i: (i, 0)),
    ],
    out_specs=pl.BlockSpec((_ROWS, B), lambda i: (i, 0)),
    out_shape=jax.ShapeDtypeStruct((B, B), jnp.float32),
)


def kernel(w_i, w_j, embedding_i, embedding_j, bias_i, bias_j):
    del embedding_j
    w_i = w_i.astype(jnp.int32)
    w_j = w_j.astype(jnp.int32)
    bs = _build_sc_bias_sum()(
        w_i, w_j, bias_i.reshape(N_VOCAB), bias_j.reshape(N_VOCAB))
    emb_t = embedding_i.T
    dot = _gather_dot()(w_i, w_j,
                        (w_i % 128).reshape(1, B), (w_j % 128).reshape(1, B),
                        *([emb_t] * _SLOTS), *([emb_t] * _SLOTS))
    return _bcast(dot, bs.reshape(B, 1))

# --- scband reference (transcript-rebuilt; emitter-appended) ---
"""Pipeline reference for scband-glove-28939489641310 (READ-ONLY COPY).

The authoritative reference and input builder live on the scoring server;
editing this copy changes nothing except your own understanding.
"""

import jax, jax.numpy as jnp
import numpy as np

N_VOCAB = 1000000
N_DIM = 64
BATCH = 1024

def setup_inputs(seed: int = 0) -> dict:
    key = jax.random.key(seed)
    k1, k2, k3, k4, k5, k6 = jax.random.split(key, 6)
    w_i = jax.random.randint(k1, (BATCH,), 0, N_VOCAB, dtype=jnp.int64 if jax.config.jax_enable_x64 else jnp.int32)
    w_j = jax.random.randint(k2, (BATCH,), 0, N_VOCAB, dtype=jnp.int64 if jax.config.jax_enable_x64 else jnp.int32)
    embedding_i = jax.random.normal(k3, (N_VOCAB, N_DIM), dtype=jnp.float32)
    embedding_j = jax.random.normal(k4, (N_VOCAB, N_DIM), dtype=jnp.float32)
    bias_i = jax.random.normal(k5, (N_VOCAB, 1), dtype=jnp.float32)
    bias_j = jax.random.normal(k6, (N_VOCAB, 1), dtype=jnp.float32)
    return {"w_i": w_i, "w_j": w_j, "embedding_i": embedding_i, "embedding_j": embedding_j, "bias_i": bias_i, "bias_j": bias_j}

def reference(w_i, w_j, embedding_i, embedding_j, bias_i, bias_j):
    # Faithful to the torch module: BOTH e_i and e_j are looked up from embedding_i
    # (embedding_j is an unused parameter, kept for fidelity).
    e_i = jnp.take(embedding_i, w_i, axis=0)          # [B, D]
    e_j = jnp.take(embedding_i, w_j, axis=0)          # [B, D]
    w_i_bias = jnp.take(bias_i, w_i, axis=0)          # [B, 1]
    w_j_bias = jnp.take(bias_j, w_j, axis=0)          # [B, 1]
    dot_product = (e_i * e_j).sum(axis=1)             # [B]
    # [B] + [B,1] + [B,1] broadcasts to [B,B], exactly as in torch
    return dot_product + w_i_bias + w_j_bias

if __name__ == "__main__":
    import jax
    _d = setup_inputs()
    print(jax.jit(kernel)(*tuple(_d.values())))

</pallas_src>

<mosaic_0001>
#map = affine_map<(d0, d1) -> (0)>
module attributes {stable_mosaic.version = 14 : i64} {
  func.func @_sc_bias_sum(%arg0: i32, %arg1: i32, %arg2: memref<1024xi32, #tpu.memory_space<hbm>>, %arg3: memref<1024xi32, #tpu.memory_space<hbm>>, %arg4: memref<1000000xf32, #tpu.memory_space<hbm>>, %arg5: memref<1000000xf32, #tpu.memory_space<hbm>>, %arg6: memref<1024xf32, #tpu.memory_space<hbm>>, %arg7: memref<32xi32, #tpu.memory_space<vmem>>, %arg8: memref<32xi32, #tpu.memory_space<vmem>>, %arg9: memref<32xf32, #tpu.memory_space<vmem>>, %arg10: memref<32xf32, #tpu.memory_space<vmem>>, %arg11: memref<32xf32, #tpu.memory_space<vmem>>, %arg12: memref<!tpu.dma_semaphore, #tpu.memory_space<semaphore_mem>>, %arg13: memref<!tpu.dma_semaphore, #tpu.memory_space<semaphore_mem>>) attributes {dimension_semantics = [#tpu.dimension_semantics<core_parallel>, #tpu.dimension_semantics<subcore_parallel>], iteration_bounds = array<i64: 2, 16>, scalar_prefetch = 0 : i64, scratch_operands = 7 : i64, tpu.core_type = #tpu.core_type<sc_vector_subcore>, window_params = [{transform_indices = #map}, {transform_indices = #map}, {transform_indices = #map}, {transform_indices = #map}, {transform_indices = #map}]} {
    %mul3A = arith.constant 2 : i32
    %mul3A_0 = arith.muli %arg1, %mul3A : i32
    %add3A = arith.addi %mul3A_0, %arg0 : i32
    %mul3A_1 = arith.constant 32 : i32
    %mul3A_2 = arith.muli %add3A, %mul3A_1 : i32
    "tpu.region"() ({
      %run_scoped3A = tpu.sem_alloc : memref<!tpu.dma_semaphore, #tpu.memory_space<semaphore_mem>>
      %dma_start3A_21 = tpu.memref_slice %arg2[%mul3A_2] : memref<1024xi32, #tpu.memory_space<hbm>> -> memref<32xi32, #tpu.memory_space<hbm>>
      %dma_start3A_22 = tpu.memref_slice %arg2[%mul3A_2] : memref<1024xi32, #tpu.memory_space<hbm>> -> memref<32xi32, #tpu.memory_space<hbm>>
      tpu.enqueue_dma source(%dma_start3A_22 : memref<32xi32, #tpu.memory_space<hbm>>) target(%arg7 : memref<32xi32, #tpu.memory_space<vmem>>) target_semaphore(%run_scoped3A : memref<!tpu.dma_semaphore, #tpu.memory_space<semaphore_mem>>)
      %dma_wait3A_23 = tpu.memref_slice %arg2[%mul3A_2] : memref<1024xi32, #tpu.memory_space<hbm>> -> memref<32xi32, #tpu.memory_space<hbm>>
      %dma_wait3A_24 = tpu.memref_slice %arg2[%mul3A_2] : memref<1024xi32, #tpu.memory_space<hbm>> -> memref<32xi32, #tpu.memory_space<hbm>>
      tpu.wait_dma2 semaphore(%run_scoped3A : memref<!tpu.dma_semaphore, #tpu.memory_space<semaphore_mem>>) src(%dma_wait3A_24 : memref<32xi32, #tpu.memory_space<hbm>>) dst(%arg7 : memref<32xi32, #tpu.memory_space<vmem>>)
      tpu.yield
    }) : () -> ()
    "tpu.region"() ({
      %run_scoped3A = tpu.sem_alloc : memref<!tpu.dma_semaphore, #tpu.memory_space<semaphore_mem>>
      %dma_start3A_21 = tpu.memref_slice %arg3[%mul3A_2] : memref<1024xi32, #tpu.memory_space<hbm>> -> memref<32xi32, #tpu.memory_space<hbm>>
      %dma_start3A_22 = tpu.memref_slice %arg3[%mul3A_2] : memref<1024xi32, #tpu.memory_space<hbm>> -> memref<32xi32, #tpu.memory_space<hbm>>
      tpu.enqueue_dma source(%dma_start3A_22 : memref<32xi32, #tpu.memory_space<hbm>>) target(%arg8 : memref<32xi32, #tpu.memory_space<vmem>>) target_semaphore(%run_scoped3A : memref<!tpu.dma_semaphore, #tpu.memory_space<semaphore_mem>>)
      %dma_wait3A_23 = tpu.memref_slice %arg3[%mul3A_2] : memref<1024xi32, #tpu.memory_space<hbm>> -> memref<32xi32, #tpu.memory_space<hbm>>
      %dma_wait3A_24 = tpu.memref_slice %arg3[%mul3A_2] : memref<1024xi32, #tpu.memory_space<hbm>> -> memref<32xi32, #tpu.memory_space<hbm>>
      tpu.wait_dma2 semaphore(%run_scoped3A : memref<!tpu.dma_semaphore, #tpu.memory_space<semaphore_mem>>) src(%dma_wait3A_24 : memref<32xi32, #tpu.memory_space<hbm>>) dst(%arg8 : memref<32xi32, #tpu.memory_space<vmem>>)
      tpu.yield
    }) : () -> ()
    %dma_start3A = arith.constant 0 : i32
    %dma_start3A_3 = tpu.memref_slice %arg4[%dma_start3A] : memref<1000000xf32, #tpu.memory_space<hbm>> -> memref<1000000xf32, #tpu.memory_space<hbm>>
    tpu.enqueue_indirect_dma source(%dma_start3A_3 : memref<1000000xf32, #tpu.memory_space<hbm>>) target(%arg9 : memref<32xf32, #tpu.memory_space<vmem>>) offsets(%arg7 : memref<32xi32, #tpu.memory_space<vmem>>) semaphore(%arg12 : memref<!tpu.dma_semaphore, #tpu.memory_space<semaphore_mem>>)
    %dma_start3A_4 = arith.constant 0 : i32
    %dma_start3A_5 = tpu.memref_slice %arg5[%dma_start3A_4] : memref<1000000xf32, #tpu.memory_space<hbm>> -> memref<1000000xf32, #tpu.memory_space<hbm>>
    tpu.enqueue_indirect_dma source(%dma_start3A_5 : memref<1000000xf32, #tpu.memory_space<hbm>>) target(%arg10 : memref<32xf32, #tpu.memory_space<vmem>>) offsets(%arg8 : memref<32xi32, #tpu.memory_space<vmem>>) semaphore(%arg13 : memref<!tpu.dma_semaphore, #tpu.memory_space<semaphore_mem>>)
    %dma_wait3A = arith.constant 0 : i32
    %dma_wait3A_6 = tpu.memref_slice %arg4[%dma_wait3A] : memref<1000000xf32, #tpu.memory_space<hbm>> -> memref<1000000xf32, #tpu.memory_space<hbm>>
    tpu.wait_indirect_dma semaphore(%arg12 : memref<!tpu.dma_semaphore, #tpu.memory_space<semaphore_mem>>) src(%dma_wait3A_6 : memref<1000000xf32, #tpu.memory_space<hbm>>) dst(%arg9 : memref<32xf32, #tpu.memory_space<vmem>>)
    %dma_wait3A_7 = arith.constant 0 : i32
    %dma_wait3A_8 = tpu.memref_slice %arg5[%dma_wait3A_7] : memref<1000000xf32, #tpu.memory_space<hbm>> -> memref<1000000xf32, #tpu.memory_space<hbm>>
    tpu.wait_indirect_dma semaphore(%arg13 : memref<!tpu.dma_semaphore, #tpu.memory_space<semaphore_mem>>) src(%dma_wait3A_8 : memref<1000000xf32, #tpu.memory_space<hbm>>) dst(%arg10 : memref<32xf32, #tpu.memory_space<vmem>>)
    %get3A = arith.constant 0 : index
    %get3A_9 = tpu.vector_load %arg9[%get3A] {strides = array<i32>} : memref<32xf32, #tpu.memory_space<vmem>>, vector<16xf32>,
    %get3A_10 = arith.constant 0 : index
    %get3A_11 = tpu.vector_load %arg10[%get3A_10] {strides = array<i32>} : memref<32xf32, #tpu.memory_space<vmem>>, vector<16xf32>,
    %add3A_12 = arith.addf %get3A_9, %get3A_11 : vector<16xf32>
    %swap3A = arith.constant 0 : index
    %swap3A_13 = tpu.vector_load %arg11[%swap3A] {strides = array<i32>} : memref<32xf32, #tpu.memory_space<vmem>>, vector<16xf32>,
    tpu.vector_store %arg11[%swap3A], %add3A_12 {strides = array<i32>} : memref<32xf32, #tpu.memory_space<vmem>>, vector<16xf32>,
    %get3A_14 = arith.constant 16 : index
    %get3A_15 = tpu.vector_load %arg9[%get3A_14] {strides = array<i32>} : memref<32xf32, #tpu.memory_space<vmem>>, vector<16xf32>,
    %get3A_16 = arith.constant 16 : index
    %get3A_17 = tpu.vector_load %arg10[%get3A_16] {strides = array<i32>} : memref<32xf32, #tpu.memory_space<vmem>>, vector<16xf32>,
    %add3A_18 = arith.addf %get3A_15, %get3A_17 : vector<16xf32>
    %swap3A_19 = arith.constant 16 : index
    %swap3A_20 = tpu.vector_load %arg11[%swap3A_19] {strides = array<i32>} : memref<32xf32, #tpu.memory_space<vmem>>, vector<16xf32>,
    tpu.vector_store %arg11[%swap3A_19], %add3A_18 {strides = array<i32>} : memref<32xf32, #tpu.memory_space<vmem>>, vector<16xf32>,
    "tpu.region"() ({
      %run_scoped3A = tpu.sem_alloc : memref<!tpu.dma_semaphore, #tpu.memory_space<semaphore_mem>>
      %dma_start3A_21 = tpu.memref_slice %arg6[%mul3A_2] : memref<1024xf32, #tpu.memory_space<hbm>> -> memref<32xf32, #tpu.memory_space<hbm>>
      %dma_start3A_22 = tpu.memref_slice %arg6[%mul3A_2] : memref<1024xf32, #tpu.memory_space<hbm>> -> memref<32xf32, #tpu.memory_space<hbm>>
      tpu.enqueue_dma source(%arg11 : memref<32xf32, #tpu.memory_space<vmem>>) target(%dma_start3A_22 : memref<32xf32, #tpu.memory_space<hbm>>) target_semaphore(%run_scoped3A : memref<!tpu.dma_semaphore, #tpu.memory_space<semaphore_mem>>)
      %dma_wait3A_23 = tpu.memref_slice %arg6[%mul3A_2] : memref<1024xf32, #tpu.memory_space<hbm>> -> memref<32xf32, #tpu.memory_space<hbm>>
      %dma_wait3A_24 = tpu.memref_slice %arg6[%mul3A_2] : memref<1024xf32, #tpu.memory_space<hbm>> -> memref<32xf32, #tpu.memory_space<hbm>>
      tpu.wait_dma2 semaphore(%run_scoped3A : memref<!tpu.dma_semaphore, #tpu.memory_space<semaphore_mem>>) src(%arg11 : memref<32xf32, #tpu.memory_space<vmem>>) dst(%dma_wait3A_24 : memref<32xf32, #tpu.memory_space<hbm>>)
      tpu.yield
    }) : () -> ()
    return
  }
}

module attributes {stable_mosaic.version = 14 : i64} {
  func.func @_bcast_body(%arg0: i32, %arg1: memref<1x1024xf32, #tpu.memory_space<vmem>>, %arg2: memref<128x1xf32, #tpu.memory_space<vmem>>, %arg3: memref<128x1024xf32, #tpu.memory_space<vmem>>) attributes {dimension_semantics = [#tpu.dimension_semantics<arbitrary>], iteration_bounds = array<i64: 8>, scalar_prefetch = 0 : i64, scratch_operands = 0 : i64, tpu.core_type = #tpu.core_type<tc>, window_params = [{pipeline_mode = #tpu.pipeline_mode<synchronous>, transform_indices = @transform_0, window_bounds = array<i64: 1, 1024>}, {transform_indices = @transform_1, window_bounds = array<i64: 128, 1>}, {transform_indices = @transform_2, window_bounds = array<i64: 128, 1024>}]} {
    %get3A = arith.constant 0 : index
    %get3A_0 = arith.constant 0 : index
    %get3A_1 = vector.load %arg2[%get3A, %get3A_0] : memref<128x1xf32, #tpu.memory_space<vmem>>, vector<128x1xf32>
    %get3A_2 = arith.constant 0 : index
    %get3A_3 = arith.constant 0 : index
    %get3A_4 = vector.load %arg1[%get3A_2, %get3A_3] : memref<1x1024xf32, #tpu.memory_space<vmem>>, vector<1x1024xf32>
    %add3A = vector.broadcast %get3A_1 : vector<128x1xf32> to vector<128x1024xf32>
    %add3A_5 = vector.broadcast %get3A_4 : vector<1x1024xf32> to vector<128x1024xf32>
    %add3A_6 = arith.addf %add3A, %add3A_5 : vector<128x1024xf32>
    %swap3A = arith.constant 0 : index
    %swap3A_7 = arith.constant 0 : index
    %swap3A_8 = vector.load %arg3[%swap3A, %swap3A_7] : memref<128x1024xf32, #tpu.memory_space<vmem>>, vector<128x1024xf32>
    tpu.vector_store %arg3[%swap3A, %swap3A_7], %add3A_6 {strides = array<i32>} : memref<128x1024xf32, #tpu.memory_space<vmem>>, vector<128x1024xf32>,
    return
  }
  func.func @transform_0(%arg0: i32) -> (i32, i32) {
    %c0_i32 = arith.constant 0 : i32
    %c0_i32_0 = arith.constant 0 : i32
    %c0_i32_1 = arith.constant 0 : i32
    return %c0_i32, %c0_i32_0 : i32, i32
  }
  func.func @transform_1(%arg0: i32) -> (i32, i32) {
    %c0_i32 = arith.constant 0 : i32
    %c0_i32_0 = arith.constant 0 : i32
    return %arg0, %c0_i32 : i32, i32
  }
  func.func @transform_2(%arg0: i32) -> (i32, i32) {
    %c0_i32 = arith.constant 0 : i32
    %c0_i32_0 = arith.constant 0 : i32
    return %arg0, %c0_i32 : i32, i32
  }
}

module attributes {stable_mosaic.version = 14 : i64} {
  func.func @_gather_dot_body(%arg0: i32, %arg1: memref<1024xi32, #tpu.memory_space<smem>>, %arg2: memref<1024xi32, #tpu.memory_space<smem>>, %arg3: memref<1x1024xi32, #tpu.memory_space<vmem>>, %arg4: memref<1x1024xi32, #tpu.memory_space<vmem>>, %arg5: memref<64x128xf32, #tpu.memory_space<vmem>>, %arg6: memref<64x128xf32, #tpu.memory_space<vmem>>, %arg7: memref<64x128xf32, #tpu.memory_space<vmem>>, %arg8: memref<64x128xf32, #tpu.memory_space<vmem>>, %arg9: memref<64x128xf32, #tpu.memory_space<vmem>>, %arg10: memref<64x128xf32, #tpu.memory_space<vmem>>, %arg11: memref<64x128xf32, #tpu.memory_space<vmem>>, %arg12: memref<64x128xf32, #tpu.memory_space<vmem>>, %arg13: memref<64x128xf32, #tpu.memory_space<vmem>>, %arg14: memref<64x128xf32, #tpu.memory_space<vmem>>, %arg15: memref<64x128xf32, #tpu.memory_space<vmem>>, %arg16: memref<64x128xf32, #tpu.memory_space<vmem>>, %arg17: memref<64x128xf32, #tpu.memory_space<vmem>>, %arg18: memref<64x128xf32, #tpu.memory_space<vmem>>, %arg19: memref<64x128xf32, #tpu.memory_space<vmem>>, %arg20: memref<64x128xf32, #tpu.memory_space<vmem>>, %arg21: memref<64x128xf32, #tpu.memory_space<vmem>>, %arg22: memref<64x128xf32, #tpu.memory_space<vmem>>, %arg23: memref<64x128xf32, #tpu.memory_space<vmem>>, %arg24: memref<64x128xf32, #tpu.memory_space<vmem>>, %arg25: memref<64x128xf32, #tpu.memory_space<vmem>>, %arg26: memref<64x128xf32, #tpu.memory_space<vmem>>, %arg27: memref<64x128xf32, #tpu.memory_space<vmem>>, %arg28: memref<64x128xf32, #tpu.memory_space<vmem>>, %arg29: memref<64x128xf32, #tpu.memory_space<vmem>>, %arg30: memref<64x128xf32, #tpu.memory_space<vmem>>, %arg31: memref<64x128xf32, #tpu.memory_space<vmem>>, %arg32: memref<64x128xf32, #tpu.memory_space<vmem>>, %arg33: memref<64x128xf32, #tpu.memory_space<vmem>>, %arg34: memref<64x128xf32, #tpu.memory_space<vmem>>, %arg35: memref<64x128xf32, #tpu.memory_space<vmem>>, %arg36: memref<64x128xf32, #tpu.memory_space<vmem>>, %arg37: memref<64x128xf32, #tpu.memory_space<vmem>>, %arg38: memref<64x128xf32, #tpu.memory_space<vmem>>, %arg39: memref<64x128xf32, #tpu.memory_space<vmem>>, %arg40: memref<64x128xf32, #tpu.memory_space<vmem>>, %arg41: memref<64x128xf32, #tpu.memory_space<vmem>>, %arg42: memref<64x128xf32, #tpu.memory_space<vmem>>, %arg43: memref<64x128xf32, #tpu.memory_space<vmem>>, %arg44: memref<64x128xf32, #tpu.memory_space<vmem>>, %arg45: memref<64x128xf32, #tpu.memory_space<vmem>>, %arg46: memref<64x128xf32, #tpu.memory_space<vmem>>, %arg47: memref<64x128xf32, #tpu.memory_space<vmem>>, %arg48: memref<64x128xf32, #tpu.memory_space<vmem>>, %arg49: memref<64x128xf32, #tpu.memory_space<vmem>>, %arg50: memref<64x128xf32, #tpu.memory_space<vmem>>, %arg51: memref<64x128xf32, #tpu.memory_space<vmem>>, %arg52: memref<64x128xf32, #tpu.memory_space<vmem>>, %arg53: memref<64x128xf32, #tpu.memory_space<vmem>>, %arg54: memref<64x128xf32, #tpu.memory_space<vmem>>, %arg55: memref<64x128xf32, #tpu.memory_space<vmem>>, %arg56: memref<64x128xf32, #tpu.memory_space<vmem>>, %arg57: memref<64x128xf32, #tpu.memory_space<vmem>>, %arg58: memref<64x128xf32, #tpu.memory_space<vmem>>, %arg59: memref<64x128xf32, #tpu.memory_space<vmem>>, %arg60: memref<64x128xf32, #tpu.memory_space<vmem>>, %arg61: memref<64x128xf32, #tpu.memory_space<vmem>>, %arg62: memref<64x128xf32, #tpu.memory_space<vmem>>, %arg63: memref<64x128xf32, #tpu.memory_space<vmem>>, %arg64: memref<64x128xf32, #tpu.memory_space<vmem>>, %arg65: memref<64x128xf32, #tpu.memory_space<vmem>>, %arg66: memref<64x128xf32, #tpu.memory_space<vmem>>, %arg67: memref<64x128xf32, #tpu.memory_space<vmem>>, %arg68: memref<64x128xf32, #tpu.memory_space<vmem>>, %arg69: memref<64x128xf32, #tpu.memory_space<vmem>>, %arg70: memref<64x128xf32, #tpu.memory_space<vmem>>, %arg71: memref<64x128xf32, #tpu.memory_space<vmem>>, %arg72: memref<64x128xf32, #tpu.memory_space<vmem>>, %arg73: memref<64x128xf32, #tpu.memory_space<vmem>>, %arg74: memref<64x128xf32, #tpu.memory_space<vmem>>, %arg75: memref<64x128xf32, #tpu.memory_space<vmem>>, %arg76: memref<64x128xf32, #tpu.memory_space<vmem>>, %arg77: memref<64x128xf32, #tpu.memory_space<vmem>>, %arg78: memref<64x128xf32, #tpu.memory_space<vmem>>, %arg79: memref<64x128xf32, #tpu.memory_space<vmem>>, %arg80: memref<64x128xf32, #tpu.memory_space<vmem>>, %arg81: memref<64x128xf32, #tpu.memory_space<vmem>>, %arg82: memref<64x128xf32, #tpu.memory_space<vmem>>, %arg83: memref<64x128xf32, #tpu.memory_space<vmem>>, %arg84: memref<64x128xf32, #tpu.memory_space<vmem>>, %arg85: memref<64x128xf32, #tpu.memory_space<vmem>>, %arg86: memref<64x128xf32, #tpu.memory_space<vmem>>, %arg87: memref<64x128xf32, #tpu.memory_space<vmem>>, %arg88: memref<64x128xf32, #tpu.memory_space<vmem>>, %arg89: memref<64x128xf32, #tpu.memory_space<vmem>>, %arg90: memref<64x128xf32, #tpu.memory_space<vmem>>, %arg91: memref<64x128xf32, #tpu.memory_space<vmem>>, %arg92: memref<64x128xf32, #tpu.memory_space<vmem>>, %arg93: memref<64x128xf32, #tpu.memory_space<vmem>>, %arg94: memref<64x128xf32, #tpu.memory_space<vmem>>, %arg95: memref<64x128xf32, #tpu.memory_space<vmem>>, %arg96: memref<64x128xf32, #tpu.memory_space<vmem>>, %arg97: memref<64x128xf32, #tpu.memory_space<vmem>>, %arg98: memref<64x128xf32, #tpu.memory_space<vmem>>, %arg99: memref<64x128xf32, #tpu.memory_space<vmem>>, %arg100: memref<64x128xf32, #tpu.memory_space<vmem>>, %arg101: memref<64x128xf32, #tpu.memory_space<vmem>>, %arg102: memref<64x128xf32, #tpu.memory_space<vmem>>, %arg103: memref<64x128xf32, #tpu.memory_space<vmem>>, %arg104: memref<64x128xf32, #tpu.memory_space<vmem>>, %arg105: memref<64x128xf32, #tpu.memory_space<vmem>>, %arg106: memref<64x128xf32, #tpu.memory_space<vmem>>, %arg107: memref<64x128xf32, #tpu.memory_space<vmem>>, %arg108: memref<64x128xf32, #tpu.memory_space<vmem>>, %arg109: memref<64x128xf32, #tpu.memory_space<vmem>>, %arg110: memref<64x128xf32, #tpu.memory_space<vmem>>, %arg111: memref<64x128xf32, #tpu.memory_space<vmem>>, %arg112: memref<64x128xf32, #tpu.memory_space<vmem>>, %arg113: memref<64x128xf32, #tpu.memory_space<vmem>>, %arg114: memref<64x128xf32, #tpu.memory_space<vmem>>, %arg115: memref<64x128xf32, #tpu.memory_space<vmem>>, %arg116: memref<64x128xf32, #tpu.memory_space<vmem>>, %arg117: memref<64x128xf32, #tpu.memory_space<vmem>>, %arg118: memref<64x128xf32, #tpu.memory_space<vmem>>, %arg119: memref<64x128xf32, #tpu.memory_space<vmem>>, %arg120: memref<64x128xf32, #tpu.memory_space<vmem>>, %arg121: memref<64x128xf32, #tpu.memory_space<vmem>>, %arg122: memref<64x128xf32, #tpu.memory_space<vmem>>, %arg123: memref<64x128xf32, #tpu.memory_space<vmem>>, %arg124: memref<64x128xf32, #tpu.memory_space<vmem>>, %arg125: memref<64x128xf32, #tpu.memory_space<vmem>>, %arg126: memref<64x128xf32, #tpu.memory_space<vmem>>, %arg127: memref<64x128xf32, #tpu.memory_space<vmem>>, %arg128: memref<64x128xf32, #tpu.memory_space<vmem>>, %arg129: memref<64x128xf32, #tpu.memory_space<vmem>>, %arg130: memref<64x128xf32, #tpu.memory_space<vmem>>, %arg131: memref<64x128xf32, #tpu.memory_space<vmem>>, %arg132: memref<64x128xf32, #tpu.memory_space<vmem>>, %arg133: memref<1x1024xf32, #tpu.memory_space<vmem>>) attributes {dimension_semantics = [#tpu.dimension_semantics<arbitrary>], iteration_bounds = array<i64: 16>, scalar_prefetch = 2 : i64, scratch_operands = 0 : i64, tpu.core_type = #tpu.core_type<tc>, window_params = [{pipeline_mode = #tpu.pipeline_mode<synchronous>, transform_indices = @transform_0, window_bounds = array<i64: 1, 1024>}, {pipeline_mode = #tpu.pipeline_mode<synchronous>, transform_indices = @transform_1, window_bounds = array<i64: 1, 1024>}, {transform_indices = @transform_2, window_bounds = array<i64: 64, 128>}, {transform_indices = @transform_3, window_bounds = array<i64: 64, 128>}, {transform_indices = @transform_4, window_bounds = array<i64: 64, 128>}, {transform_indices = @transform_5, window_bounds = array<i64: 64, 128>}, {transform_indices = @transform_6, window_bounds = array<i64: 64, 128>}, {transform_indices = @transform_7, window_bounds = array<i64: 64, 128>}, {transform_indices = @transform_8, window_bounds = array<i64: 64, 128>}, {transform_indices = @transform_9, window_bounds = array<i64: 64, 128>}, {transform_indices = @transform_10, window_bounds = array<i64: 64, 128>}, {transform_indices = @transform_11, window_bounds = array<i64: 64, 128>}, {transform_indices = @transform_12, window_bounds = array<i64: 64, 128>}, {transform_indices = @transform_13, window_bounds = array<i64: 64, 128>}, {transform_indices = @transform_14, window_bounds = array<i64: 64, 128>}, {transform_indices = @transform_15, window_bounds = array<i64: 64, 128>}, {transform_indices = @transform_16, window_bounds = array<i64: 64, 128>}, {transform_indices = @transform_17, window_bounds = array<i64: 64, 128>}, {transform_indices = @transform_18, window_bounds = array<i64: 64, 128>}, {transform_indices = @transform_19, window_bounds = array<i64: 64, 128>}, {transform_indices = @transform_20, window_bounds = array<i64: 64, 128>}, {transform_indices = @transform_21, window_bounds = array<i64: 64, 128>}, {transform_indices = @transform_22, window_bounds = array<i64: 64, 128>}, {transform_indices = @transform_23, window_bounds = array<i64: 64, 128>}, {transform_indices = @transform_24, window_bounds = array<i64: 64, 128>}, {transform_indices = @transform_25, window_bounds = array<i64: 64, 128>}, {transform_indices = @transform_26, window_bounds = array<i64: 64, 128>}, {transform_indices = @transform_27, window_bounds = array<i64: 64, 128>}, {transform_indices = @transform_28, window_bounds = array<i64: 64, 128>}, {transform_indices = @transform_29, window_bounds = array<i64: 64, 128>}, {transform_indices = @transform_30, window_bounds = array<i64: 64, 128>}, {transform_indices = @transform_31, window_bounds = array<i64: 64, 128>}, {transform_indices = @transform_32, window_bounds = array<i64: 64, 128>}, {transform_indices = @transform_33, window_bounds = array<i64: 64, 128>}, {transform_indices = @transform_34, window_bounds = array<i64: 64, 128>}, {transform_indices = @transform_35, window_bounds = array<i64: 64, 128>}, {transform_indices = @transform_36, window_bounds = array<i64: 64, 128>}, {transform_indices = @transform_37, window_bounds = array<i64: 64, 128>}, {transform_indices = @transform_38, window_bounds = array<i64: 64, 128>}, {transform_indices = @transform_39, window_bounds = array<i64: 64, 128>}, {transform_indices = @transform_40, window_bounds = array<i64: 64, 128>}, {transform_indices = @transform_41, window_bounds = array<i64: 64, 128>}, {transform_indices = @transform_42, window_bounds = array<i64: 64, 128>}, {transform_indices = @transform_43, window_bounds = array<i64: 64, 128>}, {transform_indices = @transform_44, window_bounds = array<i64: 64, 128>}, {transform_indices = @transform_45, window_bounds = array<i64: 64, 128>}, {transform_indices = @transform_46, window_bounds = array<i64: 64, 128>}, {transform_indices = @transform_47, window_bounds = array<i64: 64, 128>}, {transform_indices = @transform_48, window_bounds = array<i64: 64, 128>}, {transform_indices = @transform_49, window_bounds = array<i64: 64, 128>}, {transform_indices = @transform_50, window_bounds = array<i64: 64, 128>}, {transform_indices = @transform_51, window_bounds = array<i64: 64, 128>}, {transform_indices = @transform_52, window_bounds = array<i64: 64, 128>}, {transform_indices = @transform_53, window_bounds = array<i64: 64, 128>}, {transform_indices = @transform_54, window_bounds = array<i64: 64, 128>}, {transform_indices = @transform_55, window_bounds = array<i64: 64, 128>}, {transform_indices = @transform_56, window_bounds = array<i64: 64, 128>}, {transform_indices = @transform_57, window_bounds = array<i64: 64, 128>}, {transform_indices = @transform_58, window_bounds = array<i64: 64, 128>}, {transform_indices = @transform_59, window_bounds = array<i64: 64, 128>}, {transform_indices = @transform_60, window_bounds = array<i64: 64, 128>}, {transform_indices = @transform_61, window_bounds = array<i64: 64, 128>}, {transform_indices = @transform_62, window_bounds = array<i64: 64, 128>}, {transform_indices = @transform_63, window_bounds = array<i64: 64, 128>}, {transform_indices = @transform_64, window_bounds = array<i64: 64, 128>}, {transform_indices = @transform_65, window_bounds = array<i64: 64, 128>}, {transform_indices = @transform_66, window_bounds = array<i64: 64, 128>}, {transform_indices = @transform_67, window_bounds = array<i64: 64, 128>}, {transform_indices = @transform_68, window_bounds = array<i64: 64, 128>}, {transform_indices = @transform_69, window_bounds = array<i64: 64, 128>}, {transform_indices = @transform_70, window_bounds = array<i64: 64, 128>}, {transform_indices = @transform_71, window_bounds = array<i64: 64, 128>}, {transform_indices = @transform_72, window_bounds = array<i64: 64, 128>}, {transform_indices = @transform_73, window_bounds = array<i64: 64, 128>}, {transform_indices = @transform_74, window_bounds = array<i64: 64, 128>}, {transform_indices = @transform_75, window_bounds = array<i64: 64, 128>}, {transform_indices = @transform_76, window_bounds = array<i64: 64, 128>}, {transform_indices = @transform_77, window_bounds = array<i64: 64, 128>}, {transform_indices = @transform_78, window_bounds = array<i64: 64, 128>}, {transform_indices = @transform_79, window_bounds = array<i64: 64, 128>}, {transform_indices = @transform_80, window_bounds = array<i64: 64, 128>}, {transform_indices = @transform_81, window_bounds = array<i64: 64, 128>}, {transform_indices = @transform_82, window_bounds = array<i64: 64, 128>}, {transform_indices = @transform_83, window_bounds = array<i64: 64, 128>}, {transform_indices = @transform_84, window_bounds = array<i64: 64, 128>}, {transform_indices = @transform_85, window_bounds = array<i64: 64, 128>}, {transform_indices = @transform_86, window_bounds = array<i64: 64, 128>}, {transform_indices = @transform_87, window_bounds = array<i64: 64, 128>}, {transform_indices = @transform_88, window_bounds = array<i64: 64, 128>}, {transform_indices = @transform_89, window_bounds = array<i64: 64, 128>}, {transform_indices = @transform_90, window_bounds = array<i64: 64, 128>}, {transform_indices = @transform_91, window_bounds = array<i64: 64, 128>}, {transform_indices = @transform_92, window_bounds = array<i64: 64, 128>}, {transform_indices = @transform_93, window_bounds = array<i64: 64, 128>}, {transform_indices = @transform_94, window_bounds = array<i64: 64, 128>}, {transform_indices = @transform_95, window_bounds = array<i64: 64, 128>}, {transform_indices = @transform_96, window_bounds = array<i64: 64, 128>}, {transform_indices = @transform_97, window_bounds = array<i64: 64, 128>}, {transform_indices = @transform_98, window_bounds = array<i64: 64, 128>}, {transform_indices = @transform_99, window_bounds = array<i64: 64, 128>}, {transform_indices = @transform_100, window_bounds = array<i64: 64, 128>}, {transform_indices = @transform_101, window_bounds = array<i64: 64, 128>}, {transform_indices = @transform_102, window_bounds = array<i64: 64, 128>}, {transform_indices = @transform_103, window_bounds = array<i64: 64, 128>}, {transform_indices = @transform_104, window_bounds = array<i64: 64, 128>}, {transform_indices = @transform_105, window_bounds = array<i64: 64, 128>}, {transform_indices = @transform_106, window_bounds = array<i64: 64, 128>}, {transform_indices = @transform_107, window_bounds = array<i64: 64, 128>}, {transform_indices = @transform_108, window_bounds = array<i64: 64, 128>}, {transform_indices = @transform_109, window_bounds = array<i64: 64, 128>}, {transform_indices = @transform_110, window_bounds = array<i64: 64, 128>}, {transform_indices = @transform_111, window_bounds = array<i64: 64, 128>}, {transform_indices = @transform_112, window_bounds = array<i64: 64, 128>}, {transform_indices = @transform_113, window_bounds = array<i64: 64, 128>}, {transform_indices = @transform_114, window_bounds = array<i64: 64, 128>}, {transform_indices = @transform_115, window_bounds = array<i64: 64, 128>}, {transform_indices = @transform_116, window_bounds = array<i64: 64, 128>}, {transform_indices = @transform_117, window_bounds = array<i64: 64, 128>}, {transform_indices = @transform_118, window_bounds = array<i64: 64, 128>}, {transform_indices = @transform_119, window_bounds = array<i64: 64, 128>}, {transform_indices = @transform_120, window_bounds = array<i64: 64, 128>}, {transform_indices = @transform_121, window_bounds = array<i64: 64, 128>}, {transform_indices = @transform_122, window_bounds = array<i64: 64, 128>}, {transform_indices = @transform_123, window_bounds = array<i64: 64, 128>}, {transform_indices = @transform_124, window_bounds = array<i64: 64, 128>}, {transform_indices = @transform_125, window_bounds = array<i64: 64, 128>}, {transform_indices = @transform_126, window_bounds = array<i64: 64, 128>}, {transform_indices = @transform_127, window_bounds = array<i64: 64, 128>}, {transform_indices = @transform_128, window_bounds = array<i64: 64, 128>}, {transform_indices = @transform_129, window_bounds = array<i64: 64, 128>}, {pipeline_mode = #tpu.pipeline_mode<synchronous>, transform_indices = @transform_130, window_bounds = array<i64: 1, 1024>}]} {
    %iota3A = tpu.iota {dimensions = array<i32: 1>} : vector<64x1024xi32>
    %iota3A_0 = tpu.iota {dimensions = array<i32: 0>} : vector<64x1024xi32>
    %mul3A = arith.constant 64 : i32
    %mul3A_1 = arith.muli %arg0, %mul3A : i32
    %add3A = vector.broadcast %mul3A_1 : i32 to vector<64x1024xi32>
    %add3A_2 = arith.addi %add3A, %iota3A_0 : vector<64x1024xi32>
    %eq3A = arith.cmpi eq, %iota3A, %add3A_2 : vector<64x1024xi32>
    %jit3A = arith.constant 1.000000e+00 : f32
    %jit3A_3 = arith.constant 0.000000e+00 : f32
    %broadcast_in_dim3A = vector.broadcast %jit3A : f32 to vector<64x1024xf32>
    %broadcast_in_dim3A_4 = vector.broadcast %jit3A_3 : f32 to vector<64x1024xf32>
    %select_n3A = arith.select %eq3A, %broadcast_in_dim3A, %broadcast_in_dim3A_4 : vector<64x1024xi1>, vector<64x1024xf32>
    %get3A = arith.constant 0 : index
    %get3A_5 = arith.constant 0 : index
    %get3A_6 = vector.load %arg3[%get3A, %get3A_5] : memref<1x1024xi32, #tpu.memory_space<vmem>>, vector<1x1024xi32>
    %convert_element_type3A = arith.sitofp %get3A_6 : vector<1x1024xi32> to vector<1x1024xf32>
    %dot_general3A = arith.constant dense<0.000000e+00> : vector<64x1xf32>
    %dot_general3A_7 = tpu.matmul %select_n3A, %convert_element_type3A, %dot_general3A {dimension_numbers = #tpu.dot_dimension_numbers<[1], [1], [0], [0], [0, 0, 1, 0], [], []>, transpose_lhs_hint = false} : vector<64x1024xf32>, vector<1x1024xf32>, vector<64x1xf32> -> vector<64x1xf32>
    %get3A_8 = arith.constant 0 : index
    %get3A_9 = arith.constant 0 : index
    %get3A_10 = vector.load %arg4[%get3A_8, %get3A_9] : memref<1x1024xi32, #tpu.memory_space<vmem>>, vector<1x1024xi32>
    %convert_element_type3A_11 = arith.sitofp %get3A_10 : vector<1x1024xi32> to vector<1x1024xf32>
    %dot_general3A_12 = arith.constant dense<0.000000e+00> : vector<64x1xf32>
    %dot_general3A_13 = tpu.matmul %select_n3A, %convert_element_type3A_11, %dot_general3A_12 {dimension_numbers = #tpu.dot_dimension_numbers<[1], [1], [0], [0], [0, 0, 1, 0], [], []>, transpose_lhs_hint = false} : vector<64x1024xf32>, vector<1x1024xf32>, vector<64x1xf32> -> vector<64x1xf32>
    %convert_element_type3A_14 = arith.fptosi %dot_general3A_7 : vector<64x1xf32> to vector<64x1xi32>
    %jit3A_15 = arith.constant 128 : i32
    %eq3A_16 = arith.constant 0 : i32
    %eq3A_17 = arith.cmpi eq, %jit3A_15, %eq3A_16 : i32
    %jit3A_18 = arith.constant 1 : i32
    %select_n3A_19 = arith.select %eq3A_17, %jit3A_18, %jit3A_15 : i32
    %rem3A = vector.broadcast %select_n3A_19 : i32 to vector<64x1xi32>
    %rem3A_20 = arith.remsi %convert_element_type3A_14, %rem3A : vector<64x1xi32>
    %ne3A = arith.constant 0 : i32
    %ne3A_21 = vector.broadcast %ne3A : i32 to vector<64x1xi32>
    %ne3A_22 = arith.cmpi ne, %rem3A_20, %ne3A_21 : vector<64x1xi32>
    %lt3A = arith.constant 0 : i32
    %lt3A_23 = vector.broadcast %lt3A : i32 to vector<64x1xi32>
    %lt3A_24 = arith.cmpi slt, %rem3A_20, %lt3A_23 : vector<64x1xi32>
    %lt3A_25 = arith.constant 0 : i32
    %lt3A_26 = arith.cmpi slt, %select_n3A_19, %lt3A_25 : i32
    %ne3A_27 = vector.broadcast %lt3A_26 : i1 to vector<64x1xi1>
    %ne3A_28 = vector.broadcast %ne3A_27 : vector<64x1xi1> to vector<64x1xi1>
    %ne3A_29 = arith.xori %lt3A_24, %ne3A_28 : vector<64x1xi1>
    %and3A = arith.andi %ne3A_29, %ne3A_22 : vector<64x1xi1>
    %add3A_30 = vector.broadcast %select_n3A_19 : i32 to vector<64x1xi32>
    %add3A_31 = arith.addi %rem3A_20, %add3A_30 : vector<64x1xi32>
    %select_n3A_32 = arith.select %and3A, %add3A_31, %rem3A_20 : vector<64x1xi1>, vector<64x1xi32>
    %convert_element_type3A_33 = arith.fptosi %dot_general3A_13 : vector<64x1xf32> to vector<64x1xi32>
    %jit3A_34 = arith.constant 128 : i32
    %eq3A_35 = arith.constant 0 : i32
    %eq3A_36 = arith.cmpi eq, %jit3A_34, %eq3A_35 : i32
    %jit3A_37 = arith.constant 1 : i32
    %select_n3A_38 = arith.select %eq3A_36, %jit3A_37, %jit3A_34 : i32
    %rem3A_39 = vector.broadcast %select_n3A_38 : i32 to vector<64x1xi32>
    %rem3A_40 = arith.remsi %convert_element_type3A_33, %rem3A_39 : vector<64x1xi32>
    %ne3A_41 = arith.constant 0 : i32
    %ne3A_42 = vector.broadcast %ne3A_41 : i32 to vector<64x1xi32>
    %ne3A_43 = arith.cmpi ne, %rem3A_40, %ne3A_42 : vector<64x1xi32>
    %lt3A_44 = arith.constant 0 : i32
    %lt3A_45 = vector.broadcast %lt3A_44 : i32 to vector<64x1xi32>
    %lt3A_46 = arith.cmpi slt, %rem3A_40, %lt3A_45 : vector<64x1xi32>
    %lt3A_47 = arith.constant 0 : i32
    %lt3A_48 = arith.cmpi slt, %select_n3A_38, %lt3A_47 : i32
    %ne3A_49 = vector.broadcast %lt3A_48 : i1 to vector<64x1xi1>
    %ne3A_50 = vector.broadcast %ne3A_49 : vector<64x1xi1> to vector<64x1xi1>
    %ne3A_51 = arith.xori %lt3A_46, %ne3A_50 : vector<64x1xi1>
    %and3A_52 = arith.andi %ne3A_51, %ne3A_43 : vector<64x1xi1>
    %add3A_53 = vector.broadcast %select_n3A_38 : i32 to vector<64x1xi32>
    %add3A_54 = arith.addi %rem3A_40, %add3A_53 : vector<64x1xi32>
    %select_n3A_55 = arith.select %and3A_52, %add3A_54, %rem3A_40 : vector<64x1xi1>, vector<64x1xi32>
    %iota3A_56 = tpu.iota {dimensions = array<i32: 1>} : vector<64x8192xi32>
    %iota3A_57 = tpu.iota {dimensions = array<i32: 0>} : vector<64x8192xi32>
    %jit3A_58 = arith.constant 128 : i32
    %div3A = vector.broadcast %jit3A_58 : i32 to vector<64x8192xi32>
    %div3A_59 = arith.divsi %iota3A_56, %div3A : vector<64x8192xi32>
    %sign3A = arith.constant 0 : i32
    %sign3A_60 = vector.broadcast %sign3A : i32 to vector<64x8192xi32>
    %sign3A_61 = arith.cmpi sgt, %iota3A_56, %sign3A_60 : vector<64x8192xi32>
    %sign3A_62 = arith.extui %sign3A_61 : vector<64x8192xi1> to vector<64x8192xi32>
    %sign3A_63 = arith.constant 0 : i32
    %sign3A_64 = vector.broadcast %sign3A_63 : i32 to vector<64x8192xi32>
    %sign3A_65 = arith.cmpi slt, %iota3A_56, %sign3A_64 : vector<64x8192xi32>
    %sign3A_66 = arith.extui %sign3A_65 : vector<64x8192xi1> to vector<64x8192xi32>
    %sign3A_67 = arith.subi %sign3A_62, %sign3A_66 : vector<64x8192xi32>
    %sign3A_68 = arith.constant 0 : i32
    %sign3A_69 = arith.cmpi sgt, %jit3A_58, %sign3A_68 : i32
    %sign3A_70 = arith.extui %sign3A_69 : i1 to i32
    %sign3A_71 = arith.constant 0 : i32
    %sign3A_72 = arith.cmpi slt, %jit3A_58, %sign3A_71 : i32
    %sign3A_73 = arith.extui %sign3A_72 : i1 to i32
    %sign3A_74 = arith.subi %sign3A_70, %sign3A_73 : i32
    %ne3A_75 = vector.broadcast %sign3A_74 : i32 to vector<64x8192xi32>
    %ne3A_76 = arith.cmpi ne, %sign3A_67, %ne3A_75 : vector<64x8192xi32>
    %rem3A_77 = vector.broadcast %jit3A_58 : i32 to vector<64x8192xi32>
    %rem3A_78 = arith.remsi %iota3A_56, %rem3A_77 : vector<64x8192xi32>
    %ne3A_79 = arith.constant 0 : i32
    %ne3A_80 = vector.broadcast %ne3A_79 : i32 to vector<64x8192xi32>
    %ne3A_81 = arith.cmpi ne, %rem3A_78, %ne3A_80 : vector<64x8192xi32>
    %and3A_82 = arith.andi %ne3A_76, %ne3A_81 : vector<64x8192xi1>
    %sub3A = arith.constant 1 : i32
    %sub3A_83 = vector.broadcast %sub3A : i32 to vector<64x8192xi32>
    %sub3A_84 = arith.subi %div3A_59, %sub3A_83 : vector<64x8192xi32>
    %select_n3A_85 = arith.select %and3A_82, %sub3A_84, %div3A_59 : vector<64x8192xi1>, vector<64x8192xi32>
    %jit3A_86 = arith.constant 128 : i32
    %eq3A_87 = arith.constant 0 : i32
    %eq3A_88 = arith.cmpi eq, %jit3A_86, %eq3A_87 : i32
    %jit3A_89 = arith.constant 1 : i32
    %select_n3A_90 = arith.select %eq3A_88, %jit3A_89, %jit3A_86 : i32
    %rem3A_91 = vector.broadcast %select_n3A_90 : i32 to vector<64x8192xi32>
    %rem3A_92 = arith.remsi %iota3A_56, %rem3A_91 : vector<64x8192xi32>
    %ne3A_93 = arith.constant 0 : i32
    %ne3A_94 = vector.broadcast %ne3A_93 : i32 to vector<64x8192xi32>
    %ne3A_95 = arith.cmpi ne, %rem3A_92, %ne3A_94 : vector<64x8192xi32>
    %lt3A_96 = arith.constant 0 : i32
    %lt3A_97 = vector.broadcast %lt3A_96 : i32 to vector<64x8192xi32>
    %lt3A_98 = arith.cmpi slt, %rem3A_92, %lt3A_97 : vector<64x8192xi32>
    %lt3A_99 = arith.constant 0 : i32
    %lt3A_100 = arith.cmpi slt, %select_n3A_90, %lt3A_99 : i32
    %ne3A_101 = vector.broadcast %lt3A_100 : i1 to vector<64x8192xi1>
    %ne3A_102 = vector.broadcast %ne3A_101 : vector<64x8192xi1> to vector<64x8192xi1>
    %ne3A_103 = arith.xori %lt3A_98, %ne3A_102 : vector<64x8192xi1>
    %and3A_104 = arith.andi %ne3A_103, %ne3A_95 : vector<64x8192xi1>
    %add3A_105 = vector.broadcast %select_n3A_90 : i32 to vector<64x8192xi32>
    %add3A_106 = arith.addi %rem3A_92, %add3A_105 : vector<64x8192xi32>
    %select_n3A_107 = arith.select %and3A_104, %add3A_106, %rem3A_92 : vector<64x8192xi1>, vector<64x8192xi32>
    %eq3A_108 = arith.cmpi eq, %select_n3A_85, %iota3A_57 : vector<64x8192xi32>
    %eq3A_109 = vector.broadcast %select_n3A_32 : vector<64x1xi32> to vector<64x8192xi32>
    %eq3A_110 = arith.cmpi eq, %select_n3A_107, %eq3A_109 : vector<64x8192xi32>
    %and3A_111 = arith.andi %eq3A_108, %eq3A_110 : vector<64x8192xi1>
    %jit3A_112 = arith.constant 1.000000e+00 : f32
    %jit3A_113 = arith.constant 0.000000e+00 : f32
    %broadcast_in_dim3A_114 = vector.broadcast %jit3A_112 : f32 to vector<64x8192xf32>
    %broadcast_in_dim3A_115 = vector.broadcast %jit3A_113 : f32 to vector<64x8192xf32>
    %select_n3A_116 = arith.select %and3A_111, %broadcast_in_dim3A_114, %broadcast_in_dim3A_115 : vector<64x8192xi1>, vector<64x8192xf32>
    %eq3A_117 = arith.cmpi eq, %select_n3A_85, %iota3A_57 : vector<64x8192xi32>
    %eq3A_118 = vector.broadcast %select_n3A_55 : vector<64x1xi32> to vector<64x8192xi32>
    %eq3A_119 = arith.cmpi eq, %select_n3A_107, %eq3A_118 : vector<64x8192xi32>
    %and3A_120 = arith.andi %eq3A_117, %eq3A_119 : vector<64x8192xi1>
    %jit3A_121 = arith.constant 1.000000e+00 : f32
    %jit3A_122 = arith.constant 0.000000e+00 : f32
    %broadcast_in_dim3A_123 = vector.broadcast %jit3A_121 : f32 to vector<64x8192xf32>
    %broadcast_in_dim3A_124 = vector.broadcast %jit3A_122 : f32 to vector<64x8192xf32>
    %select_n3A_125 = arith.select %and3A_120, %broadcast_in_dim3A_123, %broadcast_in_dim3A_124 : vector<64x8192xi1>, vector<64x8192xf32>
    %get3A_126 = arith.constant 0 : index
    %get3A_127 = arith.constant 0 : index
    %get3A_128 = vector.load %arg5[%get3A_126, %get3A_127] : memref<64x128xf32, #tpu.memory_space<vmem>>, vector<64x128xf32>
    %get3A_129 = arith.constant 0 : index
    %get3A_130 = arith.constant 0 : index
    %get3A_131 = vector.load %arg6[%get3A_129, %get3A_130] : memref<64x128xf32, #tpu.memory_space<vmem>>, vector<64x128xf32>
    %get3A_132 = arith.constant 0 : index
    %get3A_133 = arith.constant 0 : index
    %get3A_134 = vector.load %arg7[%get3A_132, %get3A_133] : memref<64x128xf32, #tpu.memory_space<vmem>>, vector<64x128xf32>
    %get3A_135 = arith.constant 0 : index
    %get3A_136 = arith.constant 0 : index
    %get3A_137 = vector.load %arg8[%get3A_135, %get3A_136] : memref<64x128xf32, #tpu.memory_space<vmem>>, vector<64x128xf32>
    %get3A_138 = arith.constant 0 : index
    %get3A_139 = arith.constant 0 : index
    %get3A_140 = vector.load %arg9[%get3A_138, %get3A_139] : memref<64x128xf32, #tpu.memory_space<vmem>>, vector<64x128xf32>
    %get3A_141 = arith.constant 0 : index
    %get3A_142 = arith.constant 0 : index
    %get3A_143 = vector.load %arg10[%get3A_141, %get3A_142] : memref<64x128xf32, #tpu.memory_space<vmem>>, vector<64x128xf32>
    %get3A_144 = arith.constant 0 : index
    %get3A_145 = arith.constant 0 : index
    %get3A_146 = vector.load %arg11[%get3A_144, %get3A_145] : memref<64x128xf32, #tpu.memory_space<vmem>>, vector<64x128xf32>
    %get3A_147 = arith.constant 0 : index
    %get3A_148 = arith.constant 0 : index
    %get3A_149 = vector.load %arg12[%get3A_147, %get3A_148] : memref<64x128xf32, #tpu.memory_space<vmem>>, vector<64x128xf32>
    %get3A_150 = arith.constant 0 : index
    %get3A_151 = arith.constant 0 : index
    %get3A_152 = vector.load %arg13[%get3A_150, %get3A_151] : memref<64x128xf32, #tpu.memory_space<vmem>>, vector<64x128xf32>
    %get3A_153 = arith.constant 0 : index
    %get3A_154 = arith.constant 0 : index
    %get3A_155 = vector.load %arg14[%get3A_153, %get3A_154] : memref<64x128xf32, #tpu.memory_space<vmem>>, vector<64x128xf32>
    %get3A_156 = arith.constant 0 : index
    %get3A_157 = arith.constant 0 : index
    %get3A_158 = vector.load %arg15[%get3A_156, %get3A_157] : memref<64x128xf32, #tpu.memory_space<vmem>>, vector<64x128xf32>
    %get3A_159 = arith.constant 0 : index
    %get3A_160 = arith.constant 0 : index
    %get3A_161 = vector.load %arg16[%get3A_159, %get3A_160] : memref<64x128xf32, #tpu.memory_space<vmem>>, vector<64x128xf32>
    %get3A_162 = arith.constant 0 : index
    %get3A_163 = arith.constant 0 : index
    %get3A_164 = vector.load %arg17[%get3A_162, %get3A_163] : memref<64x128xf32, #tpu.memory_space<vmem>>, vector<64x128xf32>
    %get3A_165 = arith.constant 0 : index
    %get3A_166 = arith.constant 0 : index
    %get3A_167 = vector.load %arg18[%get3A_165, %get3A_166] : memref<64x128xf32, #tpu.memory_space<vmem>>, vector<64x128xf32>
    %get3A_168 = arith.constant 0 : index
    %get3A_169 = arith.constant 0 : index
    %get3A_170 = vector.load %arg19[%get3A_168, %get3A_169] : memref<64x128xf32, #tpu.memory_space<vmem>>, vector<64x128xf32>
    %get3A_171 = arith.constant 0 : index
    %get3A_172 = arith.constant 0 : index
    %get3A_173 = vector.load %arg20[%get3A_171, %get3A_172] : memref<64x128xf32, #tpu.memory_space<vmem>>, vector<64x128xf32>
    %get3A_174 = arith.constant 0 : index
    %get3A_175 = arith.constant 0 : index
    %get3A_176 = vector.load %arg21[%get3A_174, %get3A_175] : memref<64x128xf32, #tpu.memory_space<vmem>>, vector<64x128xf32>
    %get3A_177 = arith.constant 0 : index
    %get3A_178 = arith.constant 0 : index
    %get3A_179 = vector.load %arg22[%get3A_177, %get3A_178] : memref<64x128xf32, #tpu.memory_space<vmem>>, vector<64x128xf32>
    %get3A_180 = arith.constant 0 : index
    %get3A_181 = arith.constant 0 : index
    %get3A_182 = vector.load %arg23[%get3A_180, %get3A_181] : memref<64x128xf32, #tpu.memory_space<vmem>>, vector<64x128xf32>
    %get3A_183 = arith.constant 0 : index
    %get3A_184 = arith.constant 0 : index
    %get3A_185 = vector.load %arg24[%get3A_183, %get3A_184] : memref<64x128xf32, #tpu.memory_space<vmem>>, vector<64x128xf32>
    %get3A_186 = arith.constant 0 : index
    %get3A_187 = arith.constant 0 : index
    %get3A_188 = vector.load %arg25[%get3A_186, %get3A_187] : memref<64x128xf32, #tpu.memory_space<vmem>>, vector<64x128xf32>
    %get3A_189 = arith.constant 0 : index
    %get3A_190 = arith.constant 0 : index
    %get3A_191 = vector.load %arg26[%get3A_189, %get3A_190] : memref<64x128xf32, #tpu.memory_space<vmem>>, vector<64x128xf32>
    %get3A_192 = arith.constant 0 : index
    %get3A_193 = arith.constant 0 : index
    %get3A_194 = vector.load %arg27[%get3A_192, %get3A_193] : memref<64x128xf32, #tpu.memory_space<vmem>>, vector<64x128xf32>
    %get3A_195 = arith.constant 0 : index
    %get3A_196 = arith.constant 0 : index
    %get3A_197 = vector.load %arg28[%get3A_195, %get3A_196] : memref<64x128xf32, #tpu.memory_space<vmem>>, vector<64x128xf32>
    %get3A_198 = arith.constant 0 : index
    %get3A_199 = arith.constant 0 : index
    %get3A_200 = vector.load %arg29[%get3A_198, %get3A_199] : memref<64x128xf32, #tpu.memory_space<vmem>>, vector<64x128xf32>
    %get3A_201 = arith.constant 0 : index
    %get3A_202 = arith.constant 0 : index
    %get3A_203 = vector.load %arg30[%get3A_201, %get3A_202] : memref<64x128xf32, #tpu.memory_space<vmem>>, vector<64x128xf32>
    %get3A_204 = arith.constant 0 : index
    %get3A_205 = arith.constant 0 : index
    %get3A_206 = vector.load %arg31[%get3A_204, %get3A_205] : memref<64x128xf32, #tpu.memory_space<vmem>>, vector<64x128xf32>
    %get3A_207 = arith.constant 0 : index
    %get3A_208 = arith.constant 0 : index
    %get3A_209 = vector.load %arg32[%get3A_207, %get3A_208] : memref<64x128xf32, #tpu.memory_space<vmem>>, vector<64x128xf32>
    %get3A_210 = arith.constant 0 : index
    %get3A_211 = arith.constant 0 : index
    %get3A_212 = vector.load %arg33[%get3A_210, %get3A_211] : memref<64x128xf32, #tpu.memory_space<vmem>>, vector<64x128xf32>
    %get3A_213 = arith.constant 0 : index
    %get3A_214 = arith.constant 0 : index
    %get3A_215 = vector.load %arg34[%get3A_213, %get3A_214] : memref<64x128xf32, #tpu.memory_space<vmem>>, vector<64x128xf32>
    %get3A_216 = arith.constant 0 : index
    %get3A_217 = arith.constant 0 : index
    %get3A_218 = vector.load %arg35[%get3A_216, %get3A_217] : memref<64x128xf32, #tpu.memory_space<vmem>>, vector<64x128xf32>
    %get3A_219 = arith.constant 0 : index
    %get3A_220 = arith.constant 0 : index
    %get3A_221 = vector.load %arg36[%get3A_219, %get3A_220] : memref<64x128xf32, #tpu.memory_space<vmem>>, vector<64x128xf32>
    %get3A_222 = arith.constant 0 : index
    %get3A_223 = arith.constant 0 : index
    %get3A_224 = vector.load %arg37[%get3A_222, %get3A_223] : memref<64x128xf32, #tpu.memory_space<vmem>>, vector<64x128xf32>
    %get3A_225 = arith.constant 0 : index
    %get3A_226 = arith.constant 0 : index
    %get3A_227 = vector.load %arg38[%get3A_225, %get3A_226] : memref<64x128xf32, #tpu.memory_space<vmem>>, vector<64x128xf32>
    %get3A_228 = arith.constant 0 : index
    %get3A_229 = arith.constant 0 : index
    %get3A_230 = vector.load %arg39[%get3A_228, %get3A_229] : memref<64x128xf32, #tpu.memory_space<vmem>>, vector<64x128xf32>
    %get3A_231 = arith.constant 0 : index
    %get3A_232 = arith.constant 0 : index
    %get3A_233 = vector.load %arg40[%get3A_231, %get3A_232] : memref<64x128xf32, #tpu.memory_space<vmem>>, vector<64x128xf32>
    %get3A_234 = arith.constant 0 : index
    %get3A_235 = arith.constant 0 : index
    %get3A_236 = vector.load %arg41[%get3A_234, %get3A_235] : memref<64x128xf32, #tpu.memory_space<vmem>>, vector<64x128xf32>
    %get3A_237 = arith.constant 0 : index
    %get3A_238 = arith.constant 0 : index
    %get3A_239 = vector.load %arg42[%get3A_237, %get3A_238] : memref<64x128xf32, #tpu.memory_space<vmem>>, vector<64x128xf32>
    %get3A_240 = arith.constant 0 : index
    %get3A_241 = arith.constant 0 : index
    %get3A_242 = vector.load %arg43[%get3A_240, %get3A_241] : memref<64x128xf32, #tpu.memory_space<vmem>>, vector<64x128xf32>
    %get3A_243 = arith.constant 0 : index
    %get3A_244 = arith.constant 0 : index
    %get3A_245 = vector.load %arg44[%get3A_243, %get3A_244] : memref<64x128xf32, #tpu.memory_space<vmem>>, vector<64x128xf32>
    %get3A_246 = arith.constant 0 : index
    %get3A_247 = arith.constant 0 : index
    %get3A_248 = vector.load %arg45[%get3A_246, %get3A_247] : memref<64x128xf32, #tpu.memory_space<vmem>>, vector<64x128xf32>
    %get3A_249 = arith.constant 0 : index
    %get3A_250 = arith.constant 0 : index
    %get3A_251 = vector.load %arg46[%get3A_249, %get3A_250] : memref<64x128xf32, #tpu.memory_space<vmem>>, vector<64x128xf32>
    %get3A_252 = arith.constant 0 : index
    %get3A_253 = arith.constant 0 : index
    %get3A_254 = vector.load %arg47[%get3A_252, %get3A_253] : memref<64x128xf32, #tpu.memory_space<vmem>>, vector<64x128xf32>
    %get3A_255 = arith.constant 0 : index
    %get3A_256 = arith.constant 0 : index
    %get3A_257 = vector.load %arg48[%get3A_255, %get3A_256] : memref<64x128xf32, #tpu.memory_space<vmem>>, vector<64x128xf32>
    %get3A_258 = arith.constant 0 : index
    %get3A_259 = arith.constant 0 : index
    %get3A_260 = vector.load %arg49[%get3A_258, %get3A_259] : memref<64x128xf32, #tpu.memory_space<vmem>>, vector<64x128xf32>
    %get3A_261 = arith.constant 0 : index
    %get3A_262 = arith.constant 0 : index
    %get3A_263 = vector.load %arg50[%get3A_261, %get3A_262] : memref<64x128xf32, #tpu.memory_space<vmem>>, vector<64x128xf32>
    %get3A_264 = arith.constant 0 : index
    %get3A_265 = arith.constant 0 : index
    %get3A_266 = vector.load %arg51[%get3A_264, %get3A_265] : memref<64x128xf32, #tpu.memory_space<vmem>>, vector<64x128xf32>
    %get3A_267 = arith.constant 0 : index
    %get3A_268 = arith.constant 0 : index
    %get3A_269 = vector.load %arg52[%get3A_267, %get3A_268] : memref<64x128xf32, #tpu.memory_space<vmem>>, vector<64x128xf32>
    %get3A_270 = arith.constant 0 : index
    %get3A_271 = arith.constant 0 : index
    %get3A_272 = vector.load %arg53[%get3A_270, %get3A_271] : memref<64x128xf32, #tpu.memory_space<vmem>>, vector<64x128xf32>
    %get3A_273 = arith.constant 0 : index
    %get3A_274 = arith.constant 0 : index
    %get3A_275 = vector.load %arg54[%get3A_273, %get3A_274] : memref<64x128xf32, #tpu.memory_space<vmem>>, vector<64x128xf32>
    %get3A_276 = arith.constant 0 : index
    %get3A_277 = arith.constant 0 : index
    %get3A_278 = vector.load %arg55[%get3A_276, %get3A_277] : memref<64x128xf32, #tpu.memory_space<vmem>>, vector<64x128xf32>
    %get3A_279 = arith.constant 0 : index
    %get3A_280 = arith.constant 0 : index
    %get3A_281 = vector.load %arg56[%get3A_279, %get3A_280] : memref<64x128xf32, #tpu.memory_space<vmem>>, vector<64x128xf32>
    %get3A_282 = arith.constant 0 : index
    %get3A_283 = arith.constant 0 : index
    %get3A_284 = vector.load %arg57[%get3A_282, %get3A_283] : memref<64x128xf32, #tpu.memory_space<vmem>>, vector<64x128xf32>
    %get3A_285 = arith.constant 0 : index
    %get3A_286 = arith.constant 0 : index
    %get3A_287 = vector.load %arg58[%get3A_285, %get3A_286] : memref<64x128xf32, #tpu.memory_space<vmem>>, vector<64x128xf32>
    %get3A_288 = arith.constant 0 : index
    %get3A_289 = arith.constant 0 : index
    %get3A_290 = vector.load %arg59[%get3A_288, %get3A_289] : memref<64x128xf32, #tpu.memory_space<vmem>>, vector<64x128xf32>
    %get3A_291 = arith.constant 0 : index
    %get3A_292 = arith.constant 0 : index
    %get3A_293 = vector.load %arg60[%get3A_291, %get3A_292] : memref<64x128xf32, #tpu.memory_space<vmem>>, vector<64x128xf32>
    %get3A_294 = arith.constant 0 : index
    %get3A_295 = arith.constant 0 : index
    %get3A_296 = vector.load %arg61[%get3A_294, %get3A_295] : memref<64x128xf32, #tpu.memory_space<vmem>>, vector<64x128xf32>
    %get3A_297 = arith.constant 0 : index
    %get3A_298 = arith.constant 0 : index
    %get3A_299 = vector.load %arg62[%get3A_297, %get3A_298] : memref<64x128xf32, #tpu.memory_space<vmem>>, vector<64x128xf32>
    %get3A_300 = arith.constant 0 : index
    %get3A_301 = arith.constant 0 : index
    %get3A_302 = vector.load %arg63[%get3A_300, %get3A_301] : memref<64x128xf32, #tpu.memory_space<vmem>>, vector<64x128xf32>
    %get3A_303 = arith.constant 0 : index
    %get3A_304 = arith.constant 0 : index
    %get3A_305 = vector.load %arg64[%get3A_303, %get3A_304] : memref<64x128xf32, #tpu.memory_space<vmem>>, vector<64x128xf32>
    %get3A_306 = arith.constant 0 : index
    %get3A_307 = arith.constant 0 : index
    %get3A_308 = vector.load %arg65[%get3A_306, %get3A_307] : memref<64x128xf32, #tpu.memory_space<vmem>>, vector<64x128xf32>
    %get3A_309 = arith.constant 0 : index
    %get3A_310 = arith.constant 0 : index
    %get3A_311 = vector.load %arg66[%get3A_309, %get3A_310] : memref<64x128xf32, #tpu.memory_space<vmem>>, vector<64x128xf32>
    %get3A_312 = arith.constant 0 : index
    %get3A_313 = arith.constant 0 : index
    %get3A_314 = vector.load %arg67[%get3A_312, %get3A_313] : memref<64x128xf32, #tpu.memory_space<vmem>>, vector<64x128xf32>
    %get3A_315 = arith.constant 0 : index
    %get3A_316 = arith.constant 0 : index
    %get3A_317 = vector.load %arg68[%get3A_315, %get3A_316] : memref<64x128xf32, #tpu.memory_space<vmem>>, vector<64x128xf32>
    %concatenate3A = tpu.concatenate %get3A_128, %get3A_131, %get3A_134, %get3A_137, %get3A_140, %get3A_143, %get3A_146, %get3A_149, %get3A_152, %get3A_155, %get3A_158, %get3A_161, %get3A_164, %get3A_167, %get3A_170, %get3A_173, %get3A_176, %get3A_179, %get3A_182, %get3A_185, %get3A_188, %get3A_191, %get3A_194, %get3A_197, %get3A_200, %get3A_203, %get3A_206, %get3A_209, %get3A_212, %get3A_215, %get3A_218, %get3A_221, %get3A_224, %get3A_227, %get3A_230, %get3A_233, %get3A_236, %get3A_239, %get3A_242, %get3A_245, %get3A_248, %get3A_251, %get3A_254, %get3A_257, %get3A_260, %get3A_263, %get3A_266, %get3A_269, %get3A_272, %get3A_275, %get3A_278, %get3A_281, %get3A_284, %get3A_287, %get3A_290, %get3A_293, %get3A_296, %get3A_299, %get3A_302, %get3A_305, %get3A_308, %get3A_311, %get3A_314, %get3A_317 in 1 : vector<64x128xf32>, vector<64x128xf32>, vector<64x128xf32>, vector<64x128xf32>, vector<64x128xf32>, vector<64x128xf32>, vector<64x128xf32>, vector<64x128xf32>, vector<64x128xf32>, vector<64x128xf32>, vector<64x128xf32>, vector<64x128xf32>, vector<64x128xf32>, vector<64x128xf32>, vector<64x128xf32>, vector<64x128xf32>, vector<64x128xf32>, vector<64x128xf32>, vector<64x128xf32>, vector<64x128xf32>, vector<64x128xf32>, vector<64x128xf32>, vector<64x128xf32>, vector<64x128xf32>, vector<64x128xf32>, vector<64x128xf32>, vector<64x128xf32>, vector<64x128xf32>, vector<64x128xf32>, vector<64x128xf32>, vector<64x128xf32>, vector<64x128xf32>, vector<64x128xf32>, vector<64x128xf32>, vector<64x128xf32>, vector<64x128xf32>, vector<64x128xf32>, vector<64x128xf32>, vector<64x128xf32>, vector<64x128xf32>, vector<64x128xf32>, vector<64x128xf32>, vector<64x128xf32>, vector<64x128xf32>, vector<64x128xf32>, vector<64x128xf32>, vector<64x128xf32>, vector<64x128xf32>, vector<64x128xf32>, vector<64x128xf32>, vector<64x128xf32>, vector<64x128xf32>, vector<64x128xf32>, vector<64x128xf32>, vector<64x128xf32>, vector<64x128xf32>, vector<64x128xf32>, vector<64x128xf32>, vector<64x128xf32>, vector<64x128xf32>, vector<64x128xf32>, vector<64x128xf32>, vector<64x128xf32>, vector<64x128xf32> -> vector<64x8192xf32>
    %get3A_318 = arith.constant 0 : index
    %get3A_319 = arith.constant 0 : index
    %get3A_320 = vector.load %arg69[%get3A_318, %get3A_319] : memref<64x128xf32, #tpu.memory_space<vmem>>, vector<64x128xf32>
    %get3A_321 = arith.constant 0 : index
    %get3A_322 = arith.constant 0 : index
    %get3A_323 = vector.load %arg70[%get3A_321, %get3A_322] : memref<64x128xf32, #tpu.memory_space<vmem>>, vector<64x128xf32>
    %get3A_324 = arith.constant 0 : index
    %get3A_325 = arith.constant 0 : index
    %get3A_326 = vector.load %arg71[%get3A_324, %get3A_325] : memref<64x128xf32, #tpu.memory_space<vmem>>, vector<64x128xf32>
    %get3A_327 = arith.constant 0 : index
    %get3A_328 = arith.constant 0 : index
    %get3A_329 = vector.load %arg72[%get3A_327, %get3A_328] : memref<64x128xf32, #tpu.memory_space<vmem>>, vector<64x128xf32>
    %get3A_330 = arith.constant 0 : index
    %get3A_331 = arith.constant 0 : index
    %get3A_332 = vector.load %arg73[%get3A_330, %get3A_331] : memref<64x128xf32, #tpu.memory_space<vmem>>, vector<64x128xf32>
    %get3A_333 = arith.constant 0 : index
    %get3A_334 = arith.constant 0 : index
    %get3A_335 = vector.load %arg74[%get3A_333, %get3A_334] : memref<64x128xf32, #tpu.memory_space<vmem>>, vector<64x128xf32>
    %get3A_336 = arith.constant 0 : index
    %get3A_337 = arith.constant 0 : index
    %get3A_338 = vector.load %arg75[%get3A_336, %get3A_337] : memref<64x128xf32, #tpu.memory_space<vmem>>, vector<64x128xf32>
    %get3A_339 = arith.constant 0 : index
    %get3A_340 = arith.constant 0 : index
    %get3A_341 = vector.load %arg76[%get3A_339, %get3A_340] : memref<64x128xf32, #tpu.memory_space<vmem>>, vector<64x128xf32>
    %get3A_342 = arith.constant 0 : index
    %get3A_343 = arith.constant 0 : index
    %get3A_344 = vector.load %arg77[%get3A_342, %get3A_343] : memref<64x128xf32, #tpu.memory_space<vmem>>, vector<64x128xf32>
    %get3A_345 = arith.constant 0 : index
    %get3A_346 = arith.constant 0 : index
    %get3A_347 = vector.load %arg78[%get3A_345, %get3A_346] : memref<64x128xf32, #tpu.memory_space<vmem>>, vector<64x128xf32>
    %get3A_348 = arith.constant 0 : index
    %get3A_349 = arith.constant 0 : index
    %get3A_350 = vector.load %arg79[%get3A_348, %get3A_349] : memref<64x128xf32, #tpu.memory_space<vmem>>, vector<64x128xf32>
    %get3A_351 = arith.constant 0 : index
    %get3A_352 = arith.constant 0 : index
    %get3A_353 = vector.load %arg80[%get3A_351, %get3A_352] : memref<64x128xf32, #tpu.memory_space<vmem>>, vector<64x128xf32>
    %get3A_354 = arith.constant 0 : index
    %get3A_355 = arith.constant 0 : index
    %get3A_356 = vector.load %arg81[%get3A_354, %get3A_355] : memref<64x128xf32, #tpu.memory_space<vmem>>, vector<64x128xf32>
    %get3A_357 = arith.constant 0 : index
    %get3A_358 = arith.constant 0 : index
    %get3A_359 = vector.load %arg82[%get3A_357, %get3A_358] : memref<64x128xf32, #tpu.memory_space<vmem>>, vector<64x128xf32>
    %get3A_360 = arith.constant 0 : index
    %get3A_361 = arith.constant 0 : index
    %get3A_362 = vector.load %arg83[%get3A_360, %get3A_361] : memref<64x128xf32, #tpu.memory_space<vmem>>, vector<64x128xf32>
    %get3A_363 = arith.constant 0 : index
    %get3A_364 = arith.constant 0 : index
    %get3A_365 = vector.load %arg84[%get3A_363, %get3A_364] : memref<64x128xf32, #tpu.memory_space<vmem>>, vector<64x128xf32>
    %get3A_366 = arith.constant 0 : index
    %get3A_367 = arith.constant 0 : index
    %get3A_368 = vector.load %arg85[%get3A_366, %get3A_367] : memref<64x128xf32, #tpu.memory_space<vmem>>, vector<64x128xf32>
    %get3A_369 = arith.constant 0 : index
    %get3A_370 = arith.constant 0 : index
    %get3A_371 = vector.load %arg86[%get3A_369, %get3A_370] : memref<64x128xf32, #tpu.memory_space<vmem>>, vector<64x128xf32>
    %get3A_372 = arith.constant 0 : index
    %get3A_373 = arith.constant 0 : index
    %get3A_374 = vector.load %arg87[%get3A_372, %get3A_373] : memref<64x128xf32, #tpu.memory_space<vmem>>, vector<64x128xf32>
    %get3A_375 = arith.constant 0 : index
    %get3A_376 = arith.constant 0 : index
    %get3A_377 = vector.load %arg88[%get3A_375, %get3A_376] : memref<64x128xf32, #tpu.memory_space<vmem>>, vector<64x128xf32>
    %get3A_378 = arith.constant 0 : index
    %get3A_379 = arith.constant 0 : index
    %get3A_380 = vector.load %arg89[%get3A_378, %get3A_379] : memref<64x128xf32, #tpu.memory_space<vmem>>, vector<64x128xf32>
    %get3A_381 = arith.constant 0 : index
    %get3A_382 = arith.constant 0 : index
    %get3A_383 = vector.load %arg90[%get3A_381, %get3A_382] : memref<64x128xf32, #tpu.memory_space<vmem>>, vector<64x128xf32>
    %get3A_384 = arith.constant 0 : index
    %get3A_385 = arith.constant 0 : index
    %get3A_386 = vector.load %arg91[%get3A_384, %get3A_385] : memref<64x128xf32, #tpu.memory_space<vmem>>, vector<64x128xf32>
    %get3A_387 = arith.constant 0 : index
    %get3A_388 = arith.constant 0 : index
    %get3A_389 = vector.load %arg92[%get3A_387, %get3A_388] : memref<64x128xf32, #tpu.memory_space<vmem>>, vector<64x128xf32>
    %get3A_390 = arith.constant 0 : index
    %get3A_391 = arith.constant 0 : index
    %get3A_392 = vector.load %arg93[%get3A_390, %get3A_391] : memref<64x128xf32, #tpu.memory_space<vmem>>, vector<64x128xf32>
    %get3A_393 = arith.constant 0 : index
    %get3A_394 = arith.constant 0 : index
    %get3A_395 = vector.load %arg94[%get3A_393, %get3A_394] : memref<64x128xf32, #tpu.memory_space<vmem>>, vector<64x128xf32>
    %get3A_396 = arith.constant 0 : index
    %get3A_397 = arith.constant 0 : index
    %get3A_398 = vector.load %arg95[%get3A_396, %get3A_397] : memref<64x128xf32, #tpu.memory_space<vmem>>, vector<64x128xf32>
    %get3A_399 = arith.constant 0 : index
    %get3A_400 = arith.constant 0 : index
    %get3A_401 = vector.load %arg96[%get3A_399, %get3A_400] : memref<64x128xf32, #tpu.memory_space<vmem>>, vector<64x128xf32>
    %get3A_402 = arith.constant 0 : index
    %get3A_403 = arith.constant 0 : index
    %get3A_404 = vector.load %arg97[%get3A_402, %get3A_403] : memref<64x128xf32, #tpu.memory_space<vmem>>, vector<64x128xf32>
    %get3A_405 = arith.constant 0 : index
    %get3A_406 = arith.constant 0 : index
    %get3A_407 = vector.load %arg98[%get3A_405, %get3A_406] : memref<64x128xf32, #tpu.memory_space<vmem>>, vector<64x128xf32>
    %get3A_408 = arith.constant 0 : index
    %get3A_409 = arith.constant 0 : index
    %get3A_410 = vector.load %arg99[%get3A_408, %get3A_409] : memref<64x128xf32, #tpu.memory_space<vmem>>, vector<64x128xf32>
    %get3A_411 = arith.constant 0 : index
    %get3A_412 = arith.constant 0 : index
    %get3A_413 = vector.load %arg100[%get3A_411, %get3A_412] : memref<64x128xf32, #tpu.memory_space<vmem>>, vector<64x128xf32>
    %get3A_414 = arith.constant 0 : index
    %get3A_415 = arith.constant 0 : index
    %get3A_416 = vector.load %arg101[%get3A_414, %get3A_415] : memref<64x128xf32, #tpu.memory_space<vmem>>, vector<64x128xf32>
    %get3A_417 = arith.constant 0 : index
    %get3A_418 = arith.constant 0 : index
    %get3A_419 = vector.load %arg102[%get3A_417, %get3A_418] : memref<64x128xf32, #tpu.memory_space<vmem>>, vector<64x128xf32>
    %get3A_420 = arith.constant 0 : index
    %get3A_421 = arith.constant 0 : index
    %get3A_422 = vector.load %arg103[%get3A_420, %get3A_421] : memref<64x128xf32, #tpu.memory_space<vmem>>, vector<64x128xf32>
    %get3A_423 = arith.constant 0 : index
    %get3A_424 = arith.constant 0 : index
    %get3A_425 = vector.load %arg104[%get3A_423, %get3A_424] : memref<64x128xf32, #tpu.memory_space<vmem>>, vector<64x128xf32>
    %get3A_426 = arith.constant 0 : index
    %get3A_427 = arith.constant 0 : index
    %get3A_428 = vector.load %arg105[%get3A_426, %get3A_427] : memref<64x128xf32, #tpu.memory_space<vmem>>, vector<64x128xf32>
    %get3A_429 = arith.constant 0 : index
    %get3A_430 = arith.constant 0 : index
    %get3A_431 = vector.load %arg106[%get3A_429, %get3A_430] : memref<64x128xf32, #tpu.memory_space<vmem>>, vector<64x128xf32>
    %get3A_432 = arith.constant 0 : index
    %get3A_433 = arith.constant 0 : index
    %get3A_434 = vector.load %arg107[%get3A_432, %get3A_433] : memref<64x128xf32, #tpu.memory_space<vmem>>, vector<64x128xf32>
    %get3A_435 = arith.constant 0 : index
    %get3A_436 = arith.constant 0 : index
    %get3A_437 = vector.load %arg108[%get3A_435, %get3A_436] : memref<64x128xf32, #tpu.memory_space<vmem>>, vector<64x128xf32>
    %get3A_438 = arith.constant 0 : index
    %get3A_439 = arith.constant 0 : index
    %get3A_440 = vector.load %arg109[%get3A_438, %get3A_439] : memref<64x128xf32, #tpu.memory_space<vmem>>, vector<64x128xf32>
    %get3A_441 = arith.constant 0 : index
    %get3A_442 = arith.constant 0 : index
    %get3A_443 = vector.load %arg110[%get3A_441, %get3A_442] : memref<64x128xf32, #tpu.memory_space<vmem>>, vector<64x128xf32>
    %get3A_444 = arith.constant 0 : index
    %get3A_445 = arith.constant 0 : index
    %get3A_446 = vector.load %arg111[%get3A_444, %get3A_445] : memref<64x128xf32, #tpu.memory_space<vmem>>, vector<64x128xf32>
    %get3A_447 = arith.constant 0 : index
    %get3A_448 = arith.constant 0 : index
    %get3A_449 = vector.load %arg112[%get3A_447, %get3A_448] : memref<64x128xf32, #tpu.memory_space<vmem>>, vector<64x128xf32>
    %get3A_450 = arith.constant 0 : index
    %get3A_451 = arith.constant 0 : index
    %get3A_452 = vector.load %arg113[%get3A_450, %get3A_451] : memref<64x128xf32, #tpu.memory_space<vmem>>, vector<64x128xf32>
    %get3A_453 = arith.constant 0 : index
    %get3A_454 = arith.constant 0 : index
    %get3A_455 = vector.load %arg114[%get3A_453, %get3A_454] : memref<64x128xf32, #tpu.memory_space<vmem>>, vector<64x128xf32>
    %get3A_456 = arith.constant 0 : index
    %get3A_457 = arith.constant 0 : index
    %get3A_458 = vector.load %arg115[%get3A_456, %get3A_457] : memref<64x128xf32, #tpu.memory_space<vmem>>, vector<64x128xf32>
    %get3A_459 = arith.constant 0 : index
    %get3A_460 = arith.constant 0 : index
    %get3A_461 = vector.load %arg116[%get3A_459, %get3A_460] : memref<64x128xf32, #tpu.memory_space<vmem>>, vector<64x128xf32>
    %get3A_462 = arith.constant 0 : index
    %get3A_463 = arith.constant 0 : index
    %get3A_464 = vector.load %arg117[%get3A_462, %get3A_463] : memref<64x128xf32, #tpu.memory_space<vmem>>, vector<64x128xf32>
    %get3A_465 = arith.constant 0 : index
    %get3A_466 = arith.constant 0 : index
    %get3A_467 = vector.load %arg118[%get3A_465, %get3A_466] : memref<64x128xf32, #tpu.memory_space<vmem>>, vector<64x128xf32>
    %get3A_468 = arith.constant 0 : index
    %get3A_469 = arith.constant 0 : index
    %get3A_470 = vector.load %arg119[%get3A_468, %get3A_469] : memref<64x128xf32, #tpu.memory_space<vmem>>, vector<64x128xf32>
    %get3A_471 = arith.constant 0 : index
    %get3A_472 = arith.constant 0 : index
    %get3A_473 = vector.load %arg120[%get3A_471, %get3A_472] : memref<64x128xf32, #tpu.memory_space<vmem>>, vector<64x128xf32>
    %get3A_474 = arith.constant 0 : index
    %get3A_475 = arith.constant 0 : index
    %get3A_476 = vector.load %arg121[%get3A_474, %get3A_475] : memref<64x128xf32, #tpu.memory_space<vmem>>, vector<64x128xf32>
    %get3A_477 = arith.constant 0 : index
    %get3A_478 = arith.constant 0 : index
    %get3A_479 = vector.load %arg122[%get3A_477, %get3A_478] : memref<64x128xf32, #tpu.memory_space<vmem>>, vector<64x128xf32>
    %get3A_480 = arith.constant 0 : index
    %get3A_481 = arith.constant 0 : index
    %get3A_482 = vector.load %arg123[%get3A_480, %get3A_481] : memref<64x128xf32, #tpu.memory_space<vmem>>, vector<64x128xf32>
    %get3A_483 = arith.constant 0 : index
    %get3A_484 = arith.constant 0 : index
    %get3A_485 = vector.load %arg124[%get3A_483, %get3A_484] : memref<64x128xf32, #tpu.memory_space<vmem>>, vector<64x128xf32>
    %get3A_486 = arith.constant 0 : index
    %get3A_487 = arith.constant 0 : index
    %get3A_488 = vector.load %arg125[%get3A_486, %get3A_487] : memref<64x128xf32, #tpu.memory_space<vmem>>, vector<64x128xf32>
    %get3A_489 = arith.constant 0 : index
    %get3A_490 = arith.constant 0 : index
    %get3A_491 = vector.load %arg126[%get3A_489, %get3A_490] : memref<64x128xf32, #tpu.memory_space<vmem>>, vector<64x128xf32>
    %get3A_492 = arith.constant 0 : index
    %get3A_493 = arith.constant 0 : index
    %get3A_494 = vector.load %arg127[%get3A_492, %get3A_493] : memref<64x128xf32, #tpu.memory_space<vmem>>, vector<64x128xf32>
    %get3A_495 = arith.constant 0 : index
    %get3A_496 = arith.constant 0 : index
    %get3A_497 = vector.load %arg128[%get3A_495, %get3A_496] : memref<64x128xf32, #tpu.memory_space<vmem>>, vector<64x128xf32>
    %get3A_498 = arith.constant 0 : index
    %get3A_499 = arith.constant 0 : index
    %get3A_500 = vector.load %arg129[%get3A_498, %get3A_499] : memref<64x128xf32, #tpu.memory_space<vmem>>, vector<64x128xf32>
    %get3A_501 = arith.constant 0 : index
    %get3A_502 = arith.constant 0 : index
    %get3A_503 = vector.load %arg130[%get3A_501, %get3A_502] : memref<64x128xf32, #tpu.memory_space<vmem>>, vector<64x128xf32>
    %get3A_504 = arith.constant 0 : index
    %get3A_505 = arith.constant 0 : index
    %get3A_506 = vector.load %arg131[%get3A_504, %get3A_505] : memref<64x128xf32, #tpu.memory_space<vmem>>, vector<64x128xf32>
    %get3A_507 = arith.constant 0 : index
    %get3A_508 = arith.constant 0 : index
    %get3A_509 = vector.load %arg132[%get3A_507, %get3A_508] : memref<64x128xf32, #tpu.memory_space<vmem>>, vector<64x128xf32>
    %concatenate3A_510 = tpu.concatenate %get3A_320, %get3A_323, %get3A_326, %get3A_329, %get3A_332, %get3A_335, %get3A_338, %get3A_341, %get3A_344, %get3A_347, %get3A_350, %get3A_353, %get3A_356, %get3A_359, %get3A_362, %get3A_365, %get3A_368, %get3A_371, %get3A_374, %get3A_377, %get3A_380, %get3A_383, %get3A_386, %get3A_389, %get3A_392, %get3A_395, %get3A_398, %get3A_401, %get3A_404, %get3A_407, %get3A_410, %get3A_413, %get3A_416, %get3A_419, %get3A_422, %get3A_425, %get3A_428, %get3A_431, %get3A_434, %get3A_437, %get3A_440, %get3A_443, %get3A_446, %get3A_449, %get3A_452, %get3A_455, %get3A_458, %get3A_461, %get3A_464, %get3A_467, %get3A_470, %get3A_473, %get3A_476, %get3A_479, %get3A_482, %get3A_485, %get3A_488, %get3A_491, %get3A_494, %get3A_497, %get3A_500, %get3A_503, %get3A_506, %get3A_509 in 1 : vector<64x128xf32>, vector<64x128xf32>, vector<64x128xf32>, vector<64x128xf32>, vector<64x128xf32>, vector<64x128xf32>, vector<64x128xf32>, vector<64x128xf32>, vector<64x128xf32>, vector<64x128xf32>, vector<64x128xf32>, vector<64x128xf32>, vector<64x128xf32>, vector<64x128xf32>, vector<64x128xf32>, vector<64x128xf32>, vector<64x128xf32>, vector<64x128xf32>, vector<64x128xf32>, vector<64x128xf32>, vector<64x128xf32>, vector<64x128xf32>, vector<64x128xf32>, vector<64x128xf32>, vector<64x128xf32>, vector<64x128xf32>, vector<64x128xf32>, vector<64x128xf32>, vector<64x128xf32>, vector<64x128xf32>, vector<64x128xf32>, vector<64x128xf32>, vector<64x128xf32>, vector<64x128xf32>, vector<64x128xf32>, vector<64x128xf32>, vector<64x128xf32>, vector<64x128xf32>, vector<64x128xf32>, vector<64x128xf32>, vector<64x128xf32>, vector<64x128xf32>, vector<64x128xf32>, vector<64x128xf32>, vector<64x128xf32>, vector<64x128xf32>, vector<64x128xf32>, vector<64x128xf32>, vector<64x128xf32>, vector<64x128xf32>, vector<64x128xf32>, vector<64x128xf32>, vector<64x128xf32>, vector<64x128xf32>, vector<64x128xf32>, vector<64x128xf32>, vector<64x128xf32>, vector<64x128xf32>, vector<64x128xf32>, vector<64x128xf32>, vector<64x128xf32>, vector<64x128xf32>, vector<64x128xf32>, vector<64x128xf32> -> vector<64x8192xf32>
    %dot_general3A_511 = arith.constant dense<0.000000e+00> : vector<64x64xf32>
    %dot_general3A_512 = tpu.matmul %concatenate3A, %select_n3A_116, %dot_general3A_511 {dimension_numbers = #tpu.dot_dimension_numbers<[1], [1], [0], [0], [0, 0, 1, 0], [], []>, transpose_lhs_hint = false} : vector<64x8192xf32>, vector<64x8192xf32>, vector<64x64xf32> -> vector<64x64xf32>
    %dot_general3A_513 = arith.constant dense<0.000000e+00> : vector<64x64xf32>
    %dot_general3A_514 = tpu.matmul %concatenate3A_510, %select_n3A_125, %dot_general3A_513 {dimension_numbers = #tpu.dot_dimension_numbers<[1], [1], [0], [0], [0, 0, 1, 0], [], []>, transpose_lhs_hint = false} : vector<64x8192xf32>, vector<64x8192xf32>, vector<64x64xf32> -> vector<64x64xf32>
    %mul3A_515 = arith.mulf %dot_general3A_512, %dot_general3A_514 : vector<64x64xf32>
    %reduce_sum3A = arith.constant dense<0.000000e+00> : vector<64xf32>
    %reduce_sum3A_516 = vector.multi_reduction <add>, %mul3A_515, %reduce_sum3A [0] : vector<64x64xf32> to vector<64xf32>
    %broadcast_in_dim3A_517 = vector.shape_cast %reduce_sum3A_516 : vector<64xf32> to vector<1x64xf32>
    %dot_general3A_518 = arith.constant dense<0.000000e+00> : vector<1x1024xf32>
    %dot_general3A_519 = tpu.matmul %broadcast_in_dim3A_517, %select_n3A, %dot_general3A_518 {dimension_numbers = #tpu.dot_dimension_numbers<[1], [0], [0], [1], [0, 0, 1, 1], [], []>, precision = #tpu.contract_precision<fp32>, transpose_lhs_hint = false} : vector<1x64xf32>, vector<64x1024xf32>, vector<1x1024xf32> -> vector<1x1024xf32>
    %eq3A_520 = arith.constant 0 : i32
    %eq3A_521 = arith.cmpi eq, %arg0, %eq3A_520 : i32
    %broadcast_in_dim3A_522 = arith.constant 0.000000e+00 : f32
    %broadcast_in_dim3A_523 = vector.broadcast %broadcast_in_dim3A_522 : f32 to vector<1x1024xf32>
    %get3A_524 = arith.constant 0 : index
    %get3A_525 = arith.constant 0 : index
    %get3A_526 = vector.load %arg133[%get3A_524, %get3A_525] : memref<1x1024xf32, #tpu.memory_space<vmem>>, vector<1x1024xf32>
    %select_n3A_527 = arith.select %eq3A_521, %broadcast_in_dim3A_523, %get3A_526 : vector<1x1024xf32>
    %add3A_528 = arith.addf %select_n3A_527, %dot_general3A_519 : vector<1x1024xf32>
    %swap3A = arith.constant 0 : index
    %swap3A_529 = arith.constant 0 : index
    %swap3A_530 = vector.load %arg133[%swap3A, %swap3A_529] : memref<1x1024xf32, #tpu.memory_space<vmem>>, vector<1x1024xf32>
    tpu.vector_store %arg133[%swap3A, %swap3A_529], %add3A_528 {strides = array<i32>} : memref<1x1024xf32, #tpu.memory_space<vmem>>, vector<1x1024xf32>,
    return
  }
  func.func @transform_0(%arg0: i32, %arg1: memref<1024xi32, #tpu.memory_space<smem>>, %arg2: memref<1024xi32, #tpu.memory_space<smem>>) -> (i32, i32) {
    %c0_i32 = arith.constant 0 : i32
    %c0_i32_0 = arith.constant 0 : i32
    %c0_i32_1 = arith.constant 0 : i32
    return %c0_i32, %c0_i32_0 : i32, i32
  }
  func.func @transform_1(%arg0: i32, %arg1: memref<1024xi32, #tpu.memory_space<smem>>, %arg2: memref<1024xi32, #tpu.memory_space<smem>>) -> (i32, i32) {
    %c0_i32 = arith.constant 0 : i32
    %c0_i32_0 = arith.constant 0 : i32
    %c0_i32_1 = arith.constant 0 : i32
    return %c0_i32, %c0_i32_0 : i32, i32
  }
  func.func @transform_2(%arg0: i32, %arg1: memref<1024xi32, #tpu.memory_space<smem>>, %arg2: memref<1024xi32, #tpu.memory_space<smem>>) -> (i32, i32) {
    %mul3A = arith.constant 64 : i32
    %mul3A_0 = arith.muli %arg0, %mul3A : i32
    %add3A = arith.constant 0 : i32
    %add3A_1 = arith.addi %mul3A_0, %add3A : i32
    %get3A = arith.index_cast %add3A_1 : i32 to index
    %get3A_2 = memref.load %arg1[%get3A] : memref<1024xi32, #tpu.memory_space<smem>>
    %jit3A = arith.constant 128 : i32
    %div3A = arith.divsi %get3A_2, %jit3A : i32
    %sign3A = arith.constant 0 : i32
    %sign3A_3 = arith.cmpi sgt, %get3A_2, %sign3A : i32
    %sign3A_4 = arith.extui %sign3A_3 : i1 to i32
    %sign3A_5 = arith.constant 0 : i32
    %sign3A_6 = arith.cmpi slt, %get3A_2, %sign3A_5 : i32
    %sign3A_7 = arith.extui %sign3A_6 : i1 to i32
    %sign3A_8 = arith.subi %sign3A_4, %sign3A_7 : i32
    %sign3A_9 = arith.constant 0 : i32
    %sign3A_10 = arith.cmpi sgt, %jit3A, %sign3A_9 : i32
    %sign3A_11 = arith.extui %sign3A_10 : i1 to i32
    %sign3A_12 = arith.constant 0 : i32
    %sign3A_13 = arith.cmpi slt, %jit3A, %sign3A_12 : i32
    %sign3A_14 = arith.extui %sign3A_13 : i1 to i32
    %sign3A_15 = arith.subi %sign3A_11, %sign3A_14 : i32
    %ne3A = arith.cmpi ne, %sign3A_8, %sign3A_15 : i32
    %rem3A = arith.remsi %get3A_2, %jit3A : i32
    %ne3A_16 = arith.constant 0 : i32
    %ne3A_17 = arith.cmpi ne, %rem3A, %ne3A_16 : i32
    %and3A = arith.andi %ne3A, %ne3A_17 : i1
    %sub3A = arith.constant 1 : i32
    %sub3A_18 = arith.subi %div3A, %sub3A : i32
    %select_n3A = arith.select %and3A, %sub3A_18, %div3A : i32
    %c0_i32 = arith.constant 0 : i32
    %c0_i32_19 = arith.constant 0 : i32
    return %c0_i32, %select_n3A : i32, i32
  }
  func.func @transform_3(%arg0: i32, %arg1: memref<1024xi32, #tpu.memory_space<smem>>, %arg2: memref<1024xi32, #tpu.memory_space<smem>>) -> (i32, i32) {
    %mul3A = arith.constant 64 : i32
    %mul3A_0 = arith.muli %arg0, %mul3A : i32
    %add3A = arith.constant 1 : i32
    %add3A_1 = arith.addi %mul3A_0, %add3A : i32
    %get3A = arith.index_cast %add3A_1 : i32 to index
    %get3A_2 = memref.load %arg1[%get3A] : memref<1024xi32, #tpu.memory_space<smem>>
    %jit3A = arith.constant 128 : i32
    %div3A = arith.divsi %get3A_2, %jit3A : i32
    %sign3A = arith.constant 0 : i32
    %sign3A_3 = arith.cmpi sgt, %get3A_2, %sign3A : i32
    %sign3A_4 = arith.extui %sign3A_3 : i1 to i32
    %sign3A_5 = arith.constant 0 : i32
    %sign3A_6 = arith.cmpi slt, %get3A_2, %sign3A_5 : i32
    %sign3A_7 = arith.extui %sign3A_6 : i1 to i32
    %sign3A_8 = arith.subi %sign3A_4, %sign3A_7 : i32
    %sign3A_9 = arith.constant 0 : i32
    %sign3A_10 = arith.cmpi sgt, %jit3A, %sign3A_9 : i32
    %sign3A_11 = arith.extui %sign3A_10 : i1 to i32
    %sign3A_12 = arith.constant 0 : i32
    %sign3A_13 = arith.cmpi slt, %jit3A, %sign3A_12 : i32
    %sign3A_14 = arith.extui %sign3A_13 : i1 to i32
    %sign3A_15 = arith.subi %sign3A_11, %sign3A_14 : i32
    %ne3A = arith.cmpi ne, %sign3A_8, %sign3A_15 : i32
    %rem3A = arith.remsi %get3A_2, %jit3A : i32
    %ne3A_16 = arith.constant 0 : i32
    %ne3A_17 = arith.cmpi ne, %rem3A, %ne3A_16 : i32
    %and3A = arith.andi %ne3A, %ne3A_17 : i1
    %sub3A = arith.constant 1 : i32
    %sub3A_18 = arith.subi %div3A, %sub3A : i32
    %select_n3A = arith.select %and3A, %sub3A_18, %div3A : i32
    %c0_i32 = arith.constant 0 : i32
    %c0_i32_19 = arith.constant 0 : i32
    return %c0_i32, %select_n3A : i32, i32
  }
  func.func @transform_4(%arg0: i32, %arg1: memref<1024xi32, #tpu.memory_space<smem>>, %arg2: memref<1024xi32, #tpu.memory_space<smem>>) -> (i32, i32) {
    %mul3A = arith.constant 64 : i32
    %mul3A_0 = arith.muli %arg0, %mul3A : i32
    %add3A = arith.constant 2 : i32
    %add3A_1 = arith.addi %mul3A_0, %add3A : i32
    %get3A = arith.index_cast %add3A_1 : i32 to index
    %get3A_2 = memref.load %arg1[%get3A] : memref<1024xi32, #tpu.memory_space<smem>>
    %jit3A = arith.constant 128 : i32
    %div3A = arith.divsi %get3A_2, %jit3A : i32
    %sign3A = arith.constant 0 : i32
    %sign3A_3 = arith.cmpi sgt, %get3A_2, %sign3A : i32
    %sign3A_4 = arith.extui %sign3A_3 : i1 to i32
    %sign3A_5 = arith.constant 0 : i32
    %sign3A_6 = arith.cmpi slt, %get3A_2, %sign3A_5 : i32
    %sign3A_7 = arith.extui %sign3A_6 : i1 to i32
    %sign3A_8 = arith.subi %sign3A_4, %sign3A_7 : i32
    %sign3A_9 = arith.constant 0 : i32
    %sign3A_10 = arith.cmpi sgt, %jit3A, %sign3A_9 : i32
    %sign3A_11 = arith.extui %sign3A_10 : i1 to i32
    %sign3A_12 = arith.constant 0 : i32
    %sign3A_13 = arith.cmpi slt, %jit3A, %sign3A_12 : i32
    %sign3A_14 = arith.extui %sign3A_13 : i1 to i32
    %sign3A_15 = arith.subi %sign3A_11, %sign3A_14 : i32
    %ne3A = arith.cmpi ne, %sign3A_8, %sign3A_15 : i32
    %rem3A = arith.remsi %get3A_2, %jit3A : i32
    %ne3A_16 = arith.constant 0 : i32
    %ne3A_17 = arith.cmpi ne, %rem3A, %ne3A_16 : i32
    %and3A = arith.andi %ne3A, %ne3A_17 : i1
    %sub3A = arith.constant 1 : i32
    %sub3A_18 = arith.subi %div3A, %sub3A : i32
    %select_n3A = arith.select %and3A, %sub3A_18, %div3A : i32
    %c0_i32 = arith.constant 0 : i32
    %c0_i32_19 = arith.constant 0 : i32
    return %c0_i32, %select_n3A : i32, i32
  }
  func.func @transform_5(%arg0: i32, %arg1: memref<1024xi32, #tpu.memory_space<smem>>, %arg2: memref<1024xi32, #tpu.memory_space<smem>>) -> (i32, i32) {
    %mul3A = arith.constant 64 : i32
    %mul3A_0 = arith.muli %arg0, %mul3A : i32
    %add3A = arith.constant 3 : i32
    %add3A_1 = arith.addi %mul3A_0, %add3A : i32
    %get3A = arith.index_cast %add3A_1 : i32 to index
    %get3A_2 = memref.load %arg1[%get3A] : memref<1024xi32, #tpu.memory_space<smem>>
    %jit3A = arith.constant 128 : i32
    %div3A = arith.divsi %get3A_2, %jit3A : i32
    %sign3A = arith.constant 0 : i32
    %sign3A_3 = arith.cmpi sgt, %get3A_2, %sign3A : i32
    %sign3A_4 = arith.extui %sign3A_3 : i1 to i32
    %sign3A_5 = arith.constant 0 : i32
    %sign3A_6 = arith.cmpi slt, %get3A_2, %sign3A_5 : i32
    %sign3A_7 = arith.extui %sign3A_6 : i1 to i32
    %sign3A_8 = arith.subi %sign3A_4, %sign3A_7 : i32
    %sign3A_9 = arith.constant 0 : i32
    %sign3A_10 = arith.cmpi sgt, %jit3A, %sign3A_9 : i32
    %sign3A_11 = arith.extui %sign3A_10 : i1 to i32
    %sign3A_12 = arith.constant 0 : i32
    %sign3A_13 = arith.cmpi slt, %jit3A, %sign3A_12 : i32
    %sign3A_14 = arith.extui %sign3A_13 : i1 to i32
    %sign3A_15 = arith.subi %sign3A_11, %sign3A_14 : i32
    %ne3A = arith.cmpi ne, %sign3A_8, %sign3A_15 : i32
    %rem3A = arith.remsi %get3A_2, %jit3A : i32
    %ne3A_16 = arith.constant 0 : i32
    %ne3A_17 = arith.cmpi ne, %rem3A, %ne3A_16 : i32
    %and3A = arith.andi %ne3A, %ne3A_17 : i1
    %sub3A = arith.constant 1 : i32
    %sub3A_18 = arith.subi %div3A, %sub3A : i32
    %select_n3A = arith.select %and3A, %sub3A_18, %div3A : i32
    %c0_i32 = arith.constant 0 : i32
    %c0_i32_19 = arith.constant 0 : i32
    return %c0_i32, %select_n3A : i32, i32
  }
  func.func @transform_6(%arg0: i32, %arg1: memref<1024xi32, #tpu.memory_space<smem>>, %arg2: memref<1024xi32, #tpu.memory_space<smem>>) -> (i32, i32) {
    %mul3A = arith.constant 64 : i32
    %mul3A_0 = arith.muli %arg0, %mul3A : i32
    %add3A = arith.constant 4 : i32
    %add3A_1 = arith.addi %mul3A_0, %add3A : i32
    %get3A = arith.index_cast %add3A_1 : i32 to index
    %get3A_2 = memref.load %arg1[%get3A] : memref<1024xi32, #tpu.memory_space<smem>>
    %jit3A = arith.constant 128 : i32
    %div3A = arith.divsi %get3A_2, %jit3A : i32
    %sign3A = arith.constant 0 : i32
    %sign3A_3 = arith.cmpi sgt, %get3A_2, %sign3A : i32
    %sign3A_4 = arith.extui %sign3A_3 : i1 to i32
    %sign3A_5 = arith.constant 0 : i32
    %sign3A_6 = arith.cmpi slt, %get3A_2, %sign3A_5 : i32
    %sign3A_7 = arith.extui %sign3A_6 : i1 to i32
    %sign3A_8 = arith.subi %sign3A_4, %sign3A_7 : i32
    %sign3A_9 = arith.constant 0 : i32
    %sign3A_10 = arith.cmpi sgt, %jit3A, %sign3A_9 : i32
    %sign3A_11 = arith.extui %sign3A_10 : i1 to i32
    %sign3A_12 = arith.constant 0 : i32
    %sign3A_13 = arith.cmpi slt, %jit3A, %sign3A_12 : i32
    %sign3A_14 = arith.extui %sign3A_13 : i1 to i32
    %sign3A_15 = arith.subi %sign3A_11, %sign3A_14 : i32
    %ne3A = arith.cmpi ne, %sign3A_8, %sign3A_15 : i32
    %rem3A = arith.remsi %get3A_2, %jit3A : i32
    %ne3A_16 = arith.constant 0 : i32
    %ne3A_17 = arith.cmpi ne, %rem3A, %ne3A_16 : i32
    %and3A = arith.andi %ne3A, %ne3A_17 : i1
    %sub3A = arith.constant 1 : i32
    %sub3A_18 = arith.subi %div3A, %sub3A : i32
    %select_n3A = arith.select %and3A, %sub3A_18, %div3A : i32
    %c0_i32 = arith.constant 0 : i32
    %c0_i32_19 = arith.constant 0 : i32
    return %c0_i32, %select_n3A : i32, i32
  }
  func.func @transform_7(%arg0: i32, %arg1: memref<1024xi32, #tpu.memory_space<smem>>, %arg2: memref<1024xi32, #tpu.memory_space<smem>>) -> (i32, i32) {
    %mul3A = arith.constant 64 : i32
    %mul3A_0 = arith.muli %arg0, %mul3A : i32
    %add3A = arith.constant 5 : i32
    %add3A_1 = arith.addi %mul3A_0, %add3A : i32
    %get3A = arith.index_cast %add3A_1 : i32 to index
    %get3A_2 = memref.load %arg1[%get3A] : memref<1024xi32, #tpu.memory_space<smem>>
    %jit3A = arith.constant 128 : i32
    %div3A = arith.divsi %get3A_2, %jit3A : i32
    %sign3A = arith.constant 0 : i32
    %sign3A_3 = arith.cmpi sgt, %get3A_2, %sign3A : i32
    %sign3A_4 = arith.extui %sign3A_3 : i1 to i32
    %sign3A_5 = arith.constant 0 : i32
    %sign3A_6 = arith.cmpi slt, %get3A_2, %sign3A_5 : i32
    %sign3A_7 = arith.extui %sign3A_6 : i1 to i32
    %sign3A_8 = arith.subi %sign3A_4, %sign3A_7 : i32
    %sign3A_9 = arith.constant 0 : i32
    %sign3A_10 = arith.cmpi sgt, %jit3A, %sign3A_9 : i32
    %sign3A_11 = arith.extui %sign3A_10 : i1 to i32
    %sign3A_12 = arith.constant 0 : i32
    %sign3A_13 = arith.cmpi slt, %jit3A, %sign3A_12 : i32
    %sign3A_14 = arith.extui %sign3A_13 : i1 to i32
    %sign3A_15 = arith.subi %sign3A_11, %sign3A_14 : i32
    %ne3A = arith.cmpi ne, %sign3A_8, %sign3A_15 : i32
    %rem3A = arith.remsi %get3A_2, %jit3A : i32
    %ne3A_16 = arith.constant 0 : i32
    %ne3A_17 = arith.cmpi ne, %rem3A, %ne3A_16 : i32
    %and3A = arith.andi %ne3A, %ne3A_17 : i1
    %sub3A = arith.constant 1 : i32
    %sub3A_18 = arith.subi %div3A, %sub3A : i32
    %select_n3A = arith.select %and3A, %sub3A_18, %div3A : i32
    %c0_i32 = arith.constant 0 : i32
    %c0_i32_19 = arith.constant 0 : i32
    return %c0_i32, %select_n3A : i32, i32
  }
  func.func @transform_8(%arg0: i32, %arg1: memref<1024xi32, #tpu.memory_space<smem>>, %arg2: memref<1024xi32, #tpu.memory_space<smem>>) -> (i32, i32) {
    %mul3A = arith.constant 64 : i32
    %mul3A_0 = arith.muli %arg0, %mul3A : i32
    %add3A = arith.constant 6 : i32
    %add3A_1 = arith.addi %mul3A_0, %add3A : i32
    %get3A = arith.index_cast %add3A_1 : i32 to index
    %get3A_2 = memref.load %arg1[%get3A] : memref<1024xi32, #tpu.memory_space<smem>>
    %jit3A = arith.constant 128 : i32
    %div3A = arith.divsi %get3A_2, %jit3A : i32
    %sign3A = arith.constant 0 : i32
    %sign3A_3 = arith.cmpi sgt, %get3A_2, %sign3A : i32
    %sign3A_4 = arith.extui %sign3A_3 : i1 to i32
    %sign3A_5 = arith.constant 0 : i32
    %sign3A_6 = arith.cmpi slt, %get3A_2, %sign3A_5 : i32
    %sign3A_7 = arith.extui %sign3A_6 : i1 to i32
    %sign3A_8 = arith.subi %sign3A_4, %sign3A_7 : i32
    %sign3A_9 = arith.constant 0 : i32
    %sign3A_10 = arith.cmpi sgt, %jit3A, %sign3A_9 : i32
    %sign3A_11 = arith.extui %sign3A_10 : i1 to i32
    %sign3A_12 = arith.constant 0 : i32
    %sign3A_13 = arith.cmpi slt, %jit3A, %sign3A_12 : i32
    %sign3A_14 = arith.extui %sign3A_13 : i1 to i32
    %sign3A_15 = arith.subi %sign3A_11, %sign3A_14 : i32
    %ne3A = arith.cmpi ne, %sign3A_8, %sign3A_15 : i32
    %rem3A = arith.remsi %get3A_2, %jit3A : i32
    %ne3A_16 = arith.constant 0 : i32
    %ne3A_17 = arith.cmpi ne, %rem3A, %ne3A_16 : i32
    %and3A = arith.andi %ne3A, %ne3A_17 : i1
    %sub3A = arith.constant 1 : i32
    %sub3A_18 = arith.subi %div3A, %sub3A : i32
    %select_n3A = arith.select %and3A, %sub3A_18, %div3A : i32
    %c0_i32 = arith.constant 0 : i32
    %c0_i32_19 = arith.constant 0 : i32
    return %c0_i32, %select_n3A : i32, i32
  }
  func.func @transform_9(%arg0: i32, %arg1: memref<1024xi32, #tpu.memory_space<smem>>, %arg2: memref<1024xi32, #tpu.memory_space<smem>>) -> (i32, i32) {
    %mul3A = arith.constant 64 : i32
    %mul3A_0 = arith.muli %arg0, %mul3A : i32
    %add3A = arith.constant 7 : i32
    %add3A_1 = arith.addi %mul3A_0, %add3A : i32
    %get3A = arith.index_cast %add3A_1 : i32 to index
    %get3A_2 = memref.load %arg1[%get3A] : memref<1024xi32, #tpu.memory_space<smem>>
    %jit3A = arith.constant 128 : i32
    %div3A = arith.divsi %get3A_2, %jit3A : i32
    %sign3A = arith.constant 0 : i32
    %sign3A_3 = arith.cmpi sgt, %get3A_2, %sign3A : i32
    %sign3A_4 = arith.extui %sign3A_3 : i1 to i32
    %sign3A_5 = arith.constant 0 : i32
    %sign3A_6 = arith.cmpi slt, %get3A_2, %sign3A_5 : i32
    %sign3A_7 = arith.extui %sign3A_6 : i1 to i32
    %sign3A_8 = arith.subi %sign3A_4, %sign3A_7 : i32
    %sign3A_9 = arith.constant 0 : i32
    %sign3A_10 = arith.cmpi sgt, %jit3A, %sign3A_9 : i32
    %sign3A_11 = arith.extui %sign3A_10 : i1 to i32
    %sign3A_12 = arith.constant 0 : i32
    %sign3A_13 = arith.cmpi slt, %jit3A, %sign3A_12 : i32
    %sign3A_14 = arith.extui %sign3A_13 : i1 to i32
    %sign3A_15 = arith.subi %sign3A_11, %sign3A_14 : i32
    %ne3A = arith.cmpi ne, %sign3A_8, %sign3A_15 : i32
    %rem3A = arith.remsi %get3A_2, %jit3A : i32
    %ne3A_16 = arith.constant 0 : i32
    %ne3A_17 = arith.cmpi ne, %rem3A, %ne3A_16 : i32
    %and3A = arith.andi %ne3A, %ne3A_17 : i1
    %sub3A = arith.constant 1 : i32
    %sub3A_18 = arith.subi %div3A, %sub3A : i32
    %select_n3A = arith.select %and3A, %sub3A_18, %div3A : i32
    %c0_i32 = arith.constant 0 : i32
    %c0_i32_19 = arith.constant 0 : i32
    return %c0_i32, %select_n3A : i32, i32
  }
  func.func @transform_10(%arg0: i32, %arg1: memref<1024xi32, #tpu.memory_space<smem>>, %arg2: memref<1024xi32, #tpu.memory_space<smem>>) -> (i32, i32) {
    %mul3A = arith.constant 64 : i32
    %mul3A_0 = arith.muli %arg0, %mul3A : i32
    %add3A = arith.constant 8 : i32
    %add3A_1 = arith.addi %mul3A_0, %add3A : i32
    %get3A = arith.index_cast %add3A_1 : i32 to index
    %get3A_2 = memref.load %arg1[%get3A] : memref<1024xi32, #tpu.memory_space<smem>>
    %jit3A = arith.constant 128 : i32
    %div3A = arith.divsi %get3A_2, %jit3A : i32
    %sign3A = arith.constant 0 : i32
    %sign3A_3 = arith.cmpi sgt, %get3A_2, %sign3A : i32
    %sign3A_4 = arith.extui %sign3A_3 : i1 to i32
    %sign3A_5 = arith.constant 0 : i32
    %sign3A_6 = arith.cmpi slt, %get3A_2, %sign3A_5 : i32
    %sign3A_7 = arith.extui %sign3A_6 : i1 to i32
    %sign3A_8 = arith.subi %sign3A_4, %sign3A_7 : i32
    %sign3A_9 = arith.constant 0 : i32
    %sign3A_10 = arith.cmpi sgt, %jit3A, %sign3A_9 : i32
    %sign3A_11 = arith.extui %sign3A_10 : i1 to i32
    %sign3A_12 = arith.constant 0 : i32
    %sign3A_13 = arith.cmpi slt, %jit3A, %sign3A_12 : i32
    %sign3A_14 = arith.extui %sign3A_13 : i1 to i32
    %sign3A_15 = arith.subi %sign3A_11, %sign3A_14 : i32
    %ne3A = arith.cmpi ne, %sign3A_8, %sign3A_15 : i32
    %rem3A = arith.remsi %get3A_2, %jit3A : i32
    %ne3A_16 = arith.constant 0 : i32
    %ne3A_17 = arith.cmpi ne, %rem3A, %ne3A_16 : i32
    %and3A = arith.andi %ne3A, %ne3A_17 : i1
    %sub3A = arith.constant 1 : i32
    %sub3A_18 = arith.subi %div3A, %sub3A : i32
    %select_n3A = arith.select %and3A, %sub3A_18, %div3A : i32
    %c0_i32 = arith.constant 0 : i32
    %c0_i32_19 = arith.constant 0 : i32
    return %c0_i32, %select_n3A : i32, i32
  }
  func.func @transform_11(%arg0: i32, %arg1: memref<1024xi32, #tpu.memory_space<smem>>, %arg2: memref<1024xi32, #tpu.memory_space<smem>>) -> (i32, i32) {
    %mul3A = arith.constant 64 : i32
    %mul3A_0 = arith.muli %arg0, %mul3A : i32
    %add3A = arith.constant 9 : i32
    %add3A_1 = arith.addi %mul3A_0, %add3A : i32
    %get3A = arith.index_cast %add3A_1 : i32 to index
    %get3A_2 = memref.load %arg1[%get3A] : memref<1024xi32, #tpu.memory_space<smem>>
    %jit3A = arith.constant 128 : i32
    %div3A = arith.divsi %get3A_2, %jit3A : i32
    %sign3A = arith.constant 0 : i32
    %sign3A_3 = arith.cmpi sgt, %get3A_2, %sign3A : i32
    %sign3A_4 = arith.extui %sign3A_3 : i1 to i32
    %sign3A_5 = arith.constant 0 : i32
    %sign3A_6 = arith.cmpi slt, %get3A_2, %sign3A_5 : i32
    %sign3A_7 = arith.extui %sign3A_6 : i1 to i32
    %sign3A_8 = arith.subi %sign3A_4, %sign3A_7 : i32
    %sign3A_9 = arith.constant 0 : i32
    %sign3A_10 = arith.cmpi sgt, %jit3A, %sign3A_9 : i32
    %sign3A_11 = arith.extui %sign3A_10 : i1 to i32
    %sign3A_12 = arith.constant 0 : i32
    %sign3A_13 = arith.cmpi slt, %jit3A, %sign3A_12 : i32
    %sign3A_14 = arith.extui %sign3A_13 : i1 to i32
    %sign3A_15 = arith.subi %sign3A_11, %sign3A_14 : i32
    %ne3A = arith.cmpi ne, %sign3A_8, %sign3A_15 : i32
    %rem3A = arith.remsi %get3A_2, %jit3A : i32
    %ne3A_16 = arith.constant 0 : i32
    %ne3A_17 = arith.cmpi ne, %rem3A, %ne3A_16 : i32
    %and3A = arith.andi %ne3A, %ne3A_17 : i1
    %sub3A = arith.constant 1 : i32
    %sub3A_18 = arith.subi %div3A, %sub3A : i32
    %select_n3A = arith.select %and3A, %sub3A_18, %div3A : i32
    %c0_i32 = arith.constant 0 : i32
    %c0_i32_19 = arith.constant 0 : i32
    return %c0_i32, %select_n3A : i32, i32
  }
  func.func @transform_12(%arg0: i32, %arg1: memref<1024xi32, #tpu.memory_space<smem>>, %arg2: memref<1024xi32, #tpu.memory_space<smem>>) -> (i32, i32) {
    %mul3A = arith.constant 64 : i32
    %mul3A_0 = arith.muli %arg0, %mul3A : i32
    %add3A = arith.constant 10 : i32
    %add3A_1 = arith.addi %mul3A_0, %add3A : i32
    %get3A = arith.index_cast %add3A_1 : i32 to index
    %get3A_2 = memref.load %arg1[%get3A] : memref<1024xi32, #tpu.memory_space<smem>>
    %jit3A = arith.constant 128 : i32
    %div3A = arith.divsi %get3A_2, %jit3A : i32
    %sign3A = arith.constant 0 : i32
    %sign3A_3 = arith.cmpi sgt, %get3A_2, %sign3A : i32
    %sign3A_4 = arith.extui %sign3A_3 : i1 to i32
    %sign3A_5 = arith.constant 0 : i32
    %sign3A_6 = arith.cmpi slt, %get3A_2, %sign3A_5 : i32
    %sign3A_7 = arith.extui %sign3A_6 : i1 to i32
    %sign3A_8 = arith.subi %sign3A_4, %sign3A_7 : i32
    %sign3A_9 = arith.constant 0 : i32
    %sign3A_10 = arith.cmpi sgt, %jit3A, %sign3A_9 : i32
    %sign3A_11 = arith.extui %sign3A_10 : i1 to i32
    %sign3A_12 = arith.constant 0 : i32
    %sign3A_13 = arith.cmpi slt, %jit3A, %sign3A_12 : i32
    %sign3A_14 = arith.extui %sign3A_13 : i1 to i32
    %sign3A_15 = arith.subi %sign3A_11, %sign3A_14 : i32
    %ne3A = arith.cmpi ne, %sign3A_8, %sign3A_15 : i32
    %rem3A = arith.remsi %get3A_2, %jit3A : i32
    %ne3A_16 = arith.constant 0 : i32
    %ne3A_17 = arith.cmpi ne, %rem3A, %ne3A_16 : i32
    %and3A = arith.andi %ne3A, %ne3A_17 : i1
    %sub3A = arith.constant 1 : i32
    %sub3A_18 = arith.subi %div3A, %sub3A : i32
    %select_n3A = arith.select %and3A, %sub3A_18, %div3A : i32
    %c0_i32 = arith.constant 0 : i32
    %c0_i32_19 = arith.constant 0 : i32
    return %c0_i32, %select_n3A : i32, i32
  }
  func.func @transform_13(%arg0: i32, %arg1: memref<1024xi32, #tpu.memory_space<smem>>, %arg2: memref<1024xi32, #tpu.memory_space<smem>>) -> (i32, i32) {
    %mul3A = arith.constant 64 : i32
    %mul3A_0 = arith.muli %arg0, %mul3A : i32
    %add3A = arith.constant 11 : i32
    %add3A_1 = arith.addi %mul3A_0, %add3A : i32
    %get3A = arith.index_cast %add3A_1 : i32 to index
    %get3A_2 = memref.load %arg1[%get3A] : memref<1024xi32, #tpu.memory_space<smem>>
    %jit3A = arith.constant 128 : i32
    %div3A = arith.divsi %get3A_2, %jit3A : i32
    %sign3A = arith.constant 0 : i32
    %sign3A_3 = arith.cmpi sgt, %get3A_2, %sign3A : i32
    %sign3A_4 = arith.extui %sign3A_3 : i1 to i32
    %sign3A_5 = arith.constant 0 : i32
    %sign3A_6 = arith.cmpi slt, %get3A_2, %sign3A_5 : i32
    %sign3A_7 = arith.extui %sign3A_6 : i1 to i32
    %sign3A_8 = arith.subi %sign3A_4, %sign3A_7 : i32
    %sign3A_9 = arith.constant 0 : i32
    %sign3A_10 = arith.cmpi sgt, %jit3A, %sign3A_9 : i32
    %sign3A_11 = arith.extui %sign3A_10 : i1 to i32
    %sign3A_12 = arith.constant 0 : i32
    %sign3A_13 = arith.cmpi slt, %jit3A, %sign3A_12 : i32
    %sign3A_14 = arith.extui %sign3A_13 : i1 to i32
    %sign3A_15 = arith.subi %sign3A_11, %sign3A_14 : i32
    %ne3A = arith.cmpi ne, %sign3A_8, %sign3A_15 : i32
    %rem3A = arith.remsi %get3A_2, %jit3A : i32
    %ne3A_16 = arith.constant 0 : i32
    %ne3A_17 = arith.cmpi ne, %rem3A, %ne3A_16 : i32
    %and3A = arith.andi %ne3A, %ne3A_17 : i1
    %sub3A = arith.constant 1 : i32
    %sub3A_18 = arith.subi %div3A, %sub3A : i32
    %select_n3A = arith.select %and3A, %sub3A_18, %div3A : i32
    %c0_i32 = arith.constant 0 : i32
    %c0_i32_19 = arith.constant 0 : i32
    return %c0_i32, %select_n3A : i32, i32
  }
  func.func @transform_14(%arg0: i32, %arg1: memref<1024xi32, #tpu.memory_space<smem>>, %arg2: memref<1024xi32, #tpu.memory_space<smem>>) -> (i32, i32) {
    %mul3A = arith.constant 64 : i32
    %mul3A_0 = arith.muli %arg0, %mul3A : i32
    %add3A = arith.constant 12 : i32
    %add3A_1 = arith.addi %mul3A_0, %add3A : i32
    %get3A = arith.index_cast %add3A_1 : i32 to index
    %get3A_2 = memref.load %arg1[%get3A] : memref<1024xi32, #tpu.memory_space<smem>>
    %jit3A = arith.constant 128 : i32
    %div3A = arith.divsi %get3A_2, %jit3A : i32
    %sign3A = arith.constant 0 : i32
    %sign3A_3 = arith.cmpi sgt, %get3A_2, %sign3A : i32
    %sign3A_4 = arith.extui %sign3A_3 : i1 to i32
    %sign3A_5 = arith.constant 0 : i32
    %sign3A_6 = arith.cmpi slt, %get3A_2, %sign3A_5 : i32
    %sign3A_7 = arith.extui %sign3A_6 : i1 to i32
    %sign3A_8 = arith.subi %sign3A_4, %sign3A_7 : i32
    %sign3A_9 = arith.constant 0 : i32
    %sign3A_10 = arith.cmpi sgt, %jit3A, %sign3A_9 : i32
    %sign3A_11 = arith.extui %sign3A_10 : i1 to i32
    %sign3A_12 = arith.constant 0 : i32
    %sign3A_13 = arith.cmpi slt, %jit3A, %sign3A_12 : i32
    %sign3A_14 = arith.extui %sign3A_13 : i1 to i32
    %sign3A_15 = arith.subi %sign3A_11, %sign3A_14 : i32
    %ne3A = arith.cmpi ne, %sign3A_8, %sign3A_15 : i32
    %rem3A = arith.remsi %get3A_2, %jit3A : i32
    %ne3A_16 = arith.constant 0 : i32
    %ne3A_17 = arith.cmpi ne, %rem3A, %ne3A_16 : i32
    %and3A = arith.andi %ne3A, %ne3A_17 : i1
    %sub3A = arith.constant 1 : i32
    %sub3A_18 = arith.subi %div3A, %sub3A : i32
    %select_n3A = arith.select %and3A, %sub3A_18, %div3A : i32
    %c0_i32 = arith.constant 0 : i32
    %c0_i32_19 = arith.constant 0 : i32
    return %c0_i32, %select_n3A : i32, i32
  }
  func.func @transform_15(%arg0: i32, %arg1: memref<1024xi32, #tpu.memory_space<smem>>, %arg2: memref<1024xi32, #tpu.memory_space<smem>>) -> (i32, i32) {
    %mul3A = arith.constant 64 : i32
    %mul3A_0 = arith.muli %arg0, %mul3A : i32
    %add3A = arith.constant 13 : i32
    %add3A_1 = arith.addi %mul3A_0, %add3A : i32
    %get3A = arith.index_cast %add3A_1 : i32 to index
    %get3A_2 = memref.load %arg1[%get3A] : memref<1024xi32, #tpu.memory_space<smem>>
    %jit3A = arith.constant 128 : i32
    %div3A = arith.divsi %get3A_2, %jit3A : i32
    %sign3A = arith.constant 0 : i32
    %sign3A_3 = arith.cmpi sgt, %get3A_2, %sign3A : i32
    %sign3A_4 = arith.extui %sign3A_3 : i1 to i32
    %sign3A_5 = arith.constant 0 : i32
    %sign3A_6 = arith.cmpi slt, %get3A_2, %sign3A_5 : i32
    %sign3A_7 = arith.extui %sign3A_6 : i1 to i32
    %sign3A_8 = arith.subi %sign3A_4, %sign3A_7 : i32
    %sign3A_9 = arith.constant 0 : i32
    %sign3A_10 = arith.cmpi sgt, %jit3A, %sign3A_9 : i32
    %sign3A_11 = arith.extui %sign3A_10 : i1 to i32
    %sign3A_12 = arith.constant 0 : i32
    %sign3A_13 = arith.cmpi slt, %jit3A, %sign3A_12 : i32
    %sign3A_14 = arith.extui %sign3A_13 : i1 to i32
    %sign3A_15 = arith.subi %sign3A_11, %sign3A_14 : i32
    %ne3A = arith.cmpi ne, %sign3A_8, %sign3A_15 : i32
    %rem3A = arith.remsi %get3A_2, %jit3A : i32
    %ne3A_16 = arith.constant 0 : i32
    %ne3A_17 = arith.cmpi ne, %rem3A, %ne3A_16 : i32
    %and3A = arith.andi %ne3A, %ne3A_17 : i1
    %sub3A = arith.constant 1 : i32
    %sub3A_18 = arith.subi %div3A, %sub3A : i32
    %select_n3A = arith.select %and3A, %sub3A_18, %div3A : i32
    %c0_i32 = arith.constant 0 : i32
    %c0_i32_19 = arith.constant 0 : i32
    return %c0_i32, %select_n3A : i32, i32
  }
  func.func @transform_16(%arg0: i32, %arg1: memref<1024xi32, #tpu.memory_space<smem>>, %arg2: memref<1024xi32, #tpu.memory_space<smem>>) -> (i32, i32) {
    %mul3A = arith.constant 64 : i32
    %mul3A_0 = arith.muli %arg0, %mul3A : i32
    %add3A = arith.constant 14 : i32
    %add3A_1 = arith.addi %mul3A_0, %add3A : i32
    %get3A = arith.index_cast %add3A_1 : i32 to index
    %get3A_2 = memref.load %arg1[%get3A] : memref<1024xi32, #tpu.memory_space<smem>>
    %jit3A = arith.constant 128 : i32
    %div3A = arith.divsi %get3A_2, %jit3A : i32
    %sign3A = arith.constant 0 : i32
    %sign3A_3 = arith.cmpi sgt, %get3A_2, %sign3A : i32
    %sign3A_4 = arith.extui %sign3A_3 : i1 to i32
    %sign3A_5 = arith.constant 0 : i32
    %sign3A_6 = arith.cmpi slt, %get3A_2, %sign3A_5 : i32
    %sign3A_7 = arith.extui %sign3A_6 : i1 to i32
    %sign3A_8 = arith.subi %sign3A_4, %sign3A_7 : i32
    %sign3A_9 = arith.constant 0 : i32
    %sign3A_10 = arith.cmpi sgt, %jit3A, %sign3A_9 : i32
    %sign3A_11 = arith.extui %sign3A_10 : i1 to i32
    %sign3A_12 = arith.constant 0 : i32
    %sign3A_13 = arith.cmpi slt, %jit3A, %sign3A_12 : i32
    %sign3A_14 = arith.extui %sign3A_13 : i1 to i32
    %sign3A_15 = arith.subi %sign3A_11, %sign3A_14 : i32
    %ne3A = arith.cmpi ne, %sign3A_8, %sign3A_15 : i32
    %rem3A = arith.remsi %get3A_2, %jit3A : i32
    %ne3A_16 = arith.constant 0 : i32
    %ne3A_17 = arith.cmpi ne, %rem3A, %ne3A_16 : i32
    %and3A = arith.andi %ne3A, %ne3A_17 : i1
    %sub3A = arith.constant 1 : i32
    %sub3A_18 = arith.subi %div3A, %sub3A : i32
    %select_n3A = arith.select %and3A, %sub3A_18, %div3A : i32
    %c0_i32 = arith.constant 0 : i32
    %c0_i32_19 = arith.constant 0 : i32
    return %c0_i32, %select_n3A : i32, i32
  }
  func.func @transform_17(%arg0: i32, %arg1: memref<1024xi32, #tpu.memory_space<smem>>, %arg2: memref<1024xi32, #tpu.memory_space<smem>>) -> (i32, i32) {
    %mul3A = arith.constant 64 : i32
    %mul3A_0 = arith.muli %arg0, %mul3A : i32
    %add3A = arith.constant 15 : i32
    %add3A_1 = arith.addi %mul3A_0, %add3A : i32
    %get3A = arith.index_cast %add3A_1 : i32 to index
    %get3A_2 = memref.load %arg1[%get3A] : memref<1024xi32, #tpu.memory_space<smem>>
    %jit3A = arith.constant 128 : i32
    %div3A = arith.divsi %get3A_2, %jit3A : i32
    %sign3A = arith.constant 0 : i32
    %sign3A_3 = arith.cmpi sgt, %get3A_2, %sign3A : i32
    %sign3A_4 = arith.extui %sign3A_3 : i1 to i32
    %sign3A_5 = arith.constant 0 : i32
    %sign3A_6 = arith.cmpi slt, %get3A_2, %sign3A_5 : i32
    %sign3A_7 = arith.extui %sign3A_6 : i1 to i32
    %sign3A_8 = arith.subi %sign3A_4, %sign3A_7 : i32
    %sign3A_9 = arith.constant 0 : i32
    %sign3A_10 = arith.cmpi sgt, %jit3A, %sign3A_9 : i32
    %sign3A_11 = arith.extui %sign3A_10 : i1 to i32
    %sign3A_12 = arith.constant 0 : i32
    %sign3A_13 = arith.cmpi slt, %jit3A, %sign3A_12 : i32
    %sign3A_14 = arith.extui %sign3A_13 : i1 to i32
    %sign3A_15 = arith.subi %sign3A_11, %sign3A_14 : i32
    %ne3A = arith.cmpi ne, %sign3A_8, %sign3A_15 : i32
    %rem3A = arith.remsi %get3A_2, %jit3A : i32
    %ne3A_16 = arith.constant 0 : i32
    %ne3A_17 = arith.cmpi ne, %rem3A, %ne3A_16 : i32
    %and3A = arith.andi %ne3A, %ne3A_17 : i1
    %sub3A = arith.constant 1 : i32
    %sub3A_18 = arith.subi %div3A, %sub3A : i32
    %select_n3A = arith.select %and3A, %sub3A_18, %div3A : i32
    %c0_i32 = arith.constant 0 : i32
    %c0_i32_19 = arith.constant 0 : i32
    return %c0_i32, %select_n3A : i32, i32
  }
  func.func @transform_18(%arg0: i32, %arg1: memref<1024xi32, #tpu.memory_space<smem>>, %arg2: memref<1024xi32, #tpu.memory_space<smem>>) -> (i32, i32) {
    %mul3A = arith.constant 64 : i32
    %mul3A_0 = arith.muli %arg0, %mul3A : i32
    %add3A = arith.constant 16 : i32
    %add3A_1 = arith.addi %mul3A_0, %add3A : i32
    %get3A = arith.index_cast %add3A_1 : i32 to index
    %get3A_2 = memref.load %arg1[%get3A] : memref<1024xi32, #tpu.memory_space<smem>>
    %jit3A = arith.constant 128 : i32
    %div3A = arith.divsi %get3A_2, %jit3A : i32
    %sign3A = arith.constant 0 : i32
    %sign3A_3 = arith.cmpi sgt, %get3A_2, %sign3A : i32
    %sign3A_4 = arith.extui %sign3A_3 : i1 to i32
    %sign3A_5 = arith.constant 0 : i32
    %sign3A_6 = arith.cmpi slt, %get3A_2, %sign3A_5 : i32
    %sign3A_7 = arith.extui %sign3A_6 : i1 to i32
    %sign3A_8 = arith.subi %sign3A_4, %sign3A_7 : i32
    %sign3A_9 = arith.constant 0 : i32
    %sign3A_10 = arith.cmpi sgt, %jit3A, %sign3A_9 : i32
    %sign3A_11 = arith.extui %sign3A_10 : i1 to i32
    %sign3A_12 = arith.constant 0 : i32
    %sign3A_13 = arith.cmpi slt, %jit3A, %sign3A_12 : i32
    %sign3A_14 = arith.extui %sign3A_13 : i1 to i32
    %sign3A_15 = arith.subi %sign3A_11, %sign3A_14 : i32
    %ne3A = arith.cmpi ne, %sign3A_8, %sign3A_15 : i32
    %rem3A = arith.remsi %get3A_2, %jit3A : i32
    %ne3A_16 = arith.constant 0 : i32
    %ne3A_17 = arith.cmpi ne, %rem3A, %ne3A_16 : i32
    %and3A = arith.andi %ne3A, %ne3A_17 : i1
    %sub3A = arith.constant 1 : i32
    %sub3A_18 = arith.subi %div3A, %sub3A : i32
    %select_n3A = arith.select %and3A, %sub3A_18, %div3A : i32
    %c0_i32 = arith.constant 0 : i32
    %c0_i32_19 = arith.constant 0 : i32
    return %c0_i32, %select_n3A : i32, i32
  }
  func.func @transform_19(%arg0: i32, %arg1: memref<1024xi32, #tpu.memory_space<smem>>, %arg2: memref<1024xi32, #tpu.memory_space<smem>>) -> (i32, i32) {
    %mul3A = arith.constant 64 : i32
    %mul3A_0 = arith.muli %arg0, %mul3A : i32
    %add3A = arith.constant 17 : i32
    %add3A_1 = arith.addi %mul3A_0, %add3A : i32
    %get3A = arith.index_cast %add3A_1 : i32 to index
    %get3A_2 = memref.load %arg1[%get3A] : memref<1024xi32, #tpu.memory_space<smem>>
    %jit3A = arith.constant 128 : i32
    %div3A = arith.divsi %get3A_2, %jit3A : i32
    %sign3A = arith.constant 0 : i32
    %sign3A_3 = arith.cmpi sgt, %get3A_2, %sign3A : i32
    %sign3A_4 = arith.extui %sign3A_3 : i1 to i32
    %sign3A_5 = arith.constant 0 : i32
    %sign3A_6 = arith.cmpi slt, %get3A_2, %sign3A_5 : i32
    %sign3A_7 = arith.extui %sign3A_6 : i1 to i32
    %sign3A_8 = arith.subi %sign3A_4, %sign3A_7 : i32
    %sign3A_9 = arith.constant 0 : i32
    %sign3A_10 = arith.cmpi sgt, %jit3A, %sign3A_9 : i32
    %sign3A_11 = arith.extui %sign3A_10 : i1 to i32
    %sign3A_12 = arith.constant 0 : i32
    %sign3A_13 = arith.cmpi slt, %jit3A, %sign3A_12 : i32
    %sign3A_14 = arith.extui %sign3A_13 : i1 to i32
    %sign3A_15 = arith.subi %sign3A_11, %sign3A_14 : i32
    %ne3A = arith.cmpi ne, %sign3A_8, %sign3A_15 : i32
    %rem3A = arith.remsi %get3A_2, %jit3A : i32
    %ne3A_16 = arith.constant 0 : i32
    %ne3A_17 = arith.cmpi ne, %rem3A, %ne3A_16 : i32
    %and3A = arith.andi %ne3A, %ne3A_17 : i1
    %sub3A = arith.constant 1 : i32
    %sub3A_18 = arith.subi %div3A, %sub3A : i32
    %select_n3A = arith.select %and3A, %sub3A_18, %div3A : i32
    %c0_i32 = arith.constant 0 : i32
    %c0_i32_19 = arith.constant 0 : i32
    return %c0_i32, %select_n3A : i32, i32
  }
  func.func @transform_20(%arg0: i32, %arg1: memref<1024xi32, #tpu.memory_space<smem>>, %arg2: memref<1024xi32, #tpu.memory_space<smem>>) -> (i32, i32) {
    %mul3A = arith.constant 64 : i32
    %mul3A_0 = arith.muli %arg0, %mul3A : i32
    %add3A = arith.constant 18 : i32
    %add3A_1 = arith.addi %mul3A_0, %add3A : i32
    %get3A = arith.index_cast %add3A_1 : i32 to index
    %get3A_2 = memref.load %arg1[%get3A] : memref<1024xi32, #tpu.memory_space<smem>>
    %jit3A = arith.constant 128 : i32
    %div3A = arith.divsi %get3A_2, %jit3A : i32
    %sign3A = arith.constant 0 : i32
    %sign3A_3 = arith.cmpi sgt, %get3A_2, %sign3A : i32
    %sign3A_4 = arith.extui %sign3A_3 : i1 to i32
    %sign3A_5 = arith.constant 0 : i32
    %sign3A_6 = arith.cmpi slt, %get3A_2, %sign3A_5 : i32
    %sign3A_7 = arith.extui %sign3A_6 : i1 to i32
    %sign3A_8 = arith.subi %sign3A_4, %sign3A_7 : i32
    %sign3A_9 = arith.constant 0 : i32
    %sign3A_10 = arith.cmpi sgt, %jit3A, %sign3A_9 : i32
    %sign3A_11 = arith.extui %sign3A_10 : i1 to i32
    %sign3A_12 = arith.constant 0 : i32
    %sign3A_13 = arith.cmpi slt, %jit3A, %sign3A_12 : i32
    %sign3A_14 = arith.extui %sign3A_13 : i1 to i32
    %sign3A_15 = arith.subi %sign3A_11, %sign3A_14 : i32
    %ne3A = arith.cmpi ne, %sign3A_8, %sign3A_15 : i32
    %rem3A = arith.remsi %get3A_2, %jit3A : i32
    %ne3A_16 = arith.constant 0 : i32
    %ne3A_17 = arith.cmpi ne, %rem3A, %ne3A_16 : i32
    %and3A = arith.andi %ne3A, %ne3A_17 : i1
    %sub3A = arith.constant 1 : i32
    %sub3A_18 = arith.subi %div3A, %sub3A : i32
    %select_n3A = arith.select %and3A, %sub3A_18, %div3A : i32
    %c0_i32 = arith.constant 0 : i32
    %c0_i32_19 = arith.constant 0 : i32
    return %c0_i32, %select_n3A : i32, i32
  }
  func.func @transform_21(%arg0: i32, %arg1: memref<1024xi32, #tpu.memory_space<smem>>, %arg2: memref<1024xi32, #tpu.memory_space<smem>>) -> (i32, i32) {
    %mul3A = arith.constant 64 : i32
    %mul3A_0 = arith.muli %arg0, %mul3A : i32
    %add3A = arith.constant 19 : i32
    %add3A_1 = arith.addi %mul3A_0, %add3A : i32
    %get3A = arith.index_cast %add3A_1 : i32 to index
    %get3A_2 = memref.load %arg1[%get3A] : memref<1024xi32, #tpu.memory_space<smem>>
    %jit3A = arith.constant 128 : i32
    %div3A = arith.divsi %get3A_2, %jit3A : i32
    %sign3A = arith.constant 0 : i32
    %sign3A_3 = arith.cmpi sgt, %get3A_2, %sign3A : i32
    %sign3A_4 = arith.extui %sign3A_3 : i1 to i32
    %sign3A_5 = arith.constant 0 : i32
    %sign3A_6 = arith.cmpi slt, %get3A_2, %sign3A_5 : i32
    %sign3A_7 = arith.extui %sign3A_6 : i1 to i32
    %sign3A_8 = arith.subi %sign3A_4, %sign3A_7 : i32
    %sign3A_9 = arith.constant 0 : i32
    %sign3A_10 = arith.cmpi sgt, %jit3A, %sign3A_9 : i32
    %sign3A_11 = arith.extui %sign3A_10 : i1 to i32
    %sign3A_12 = arith.constant 0 : i32
    %sign3A_13 = arith.cmpi slt, %jit3A, %sign3A_12 : i32
    %sign3A_14 = arith.extui %sign3A_13 : i1 to i32
    %sign3A_15 = arith.subi %sign3A_11, %sign3A_14 : i32
    %ne3A = arith.cmpi ne, %sign3A_8, %sign3A_15 : i32
    %rem3A = arith.remsi %get3A_2, %jit3A : i32
    %ne3A_16 = arith.constant 0 : i32
    %ne3A_17 = arith.cmpi ne, %rem3A, %ne3A_16 : i32
    %and3A = arith.andi %ne3A, %ne3A_17 : i1
    %sub3A = arith.constant 1 : i32
    %sub3A_18 = arith.subi %div3A, %sub3A : i32
    %select_n3A = arith.select %and3A, %sub3A_18, %div3A : i32
    %c0_i32 = arith.constant 0 : i32
    %c0_i32_19 = arith.constant 0 : i32
    return %c0_i32, %select_n3A : i32, i32
  }
  func.func @transform_22(%arg0: i32, %arg1: memref<1024xi32, #tpu.memory_space<smem>>, %arg2: memref<1024xi32, #tpu.memory_space<smem>>) -> (i32, i32) {
    %mul3A = arith.constant 64 : i32
    %mul3A_0 = arith.muli %arg0, %mul3A : i32
    %add3A = arith.constant 20 : i32
    %add3A_1 = arith.addi %mul3A_0, %add3A : i32
    %get3A = arith.index_cast %add3A_1 : i32 to index
    %get3A_2 = memref.load %arg1[%get3A] : memref<1024xi32, #tpu.memory_space<smem>>
    %jit3A = arith.constant 128 : i32
    %div3A = arith.divsi %get3A_2, %jit3A : i32
    %sign3A = arith.constant 0 : i32
    %sign3A_3 = arith.cmpi sgt, %get3A_2, %sign3A : i32
    %sign3A_4 = arith.extui %sign3A_3 : i1 to i32
    %sign3A_5 = arith.constant 0 : i32
    %sign3A_6 = arith.cmpi slt, %get3A_2, %sign3A_5 : i32
    %sign3A_7 = arith.extui %sign3A_6 : i1 to i32
    %sign3A_8 = arith.subi %sign3A_4, %sign3A_7 : i32
    %sign3A_9 = arith.constant 0 : i32
    %sign3A_10 = arith.cmpi sgt, %jit3A, %sign3A_9 : i32
    %sign3A_11 = arith.extui %sign3A_10 : i1 to i32
    %sign3A_12 = arith.constant 0 : i32
    %sign3A_13 = arith.cmpi slt, %jit3A, %sign3A_12 : i32
    %sign3A_14 = arith.extui %sign3A_13 : i1 to i32
    %sign3A_15 = arith.subi %sign3A_11, %sign3A_14 : i32
    %ne3A = arith.cmpi ne, %sign3A_8, %sign3A_15 : i32
    %rem3A = arith.remsi %get3A_2, %jit3A : i32
    %ne3A_16 = arith.constant 0 : i32
    %ne3A_17 = arith.cmpi ne, %rem3A, %ne3A_16 : i32
    %and3A = arith.andi %ne3A, %ne3A_17 : i1
    %sub3A = arith.constant 1 : i32
    %sub3A_18 = arith.subi %div3A, %sub3A : i32
    %select_n3A = arith.select %and3A, %sub3A_18, %div3A : i32
    %c0_i32 = arith.constant 0 : i32
    %c0_i32_19 = arith.constant 0 : i32
    return %c0_i32, %select_n3A : i32, i32
  }
  func.func @transform_23(%arg0: i32, %arg1: memref<1024xi32, #tpu.memory_space<smem>>, %arg2: memref<1024xi32, #tpu.memory_space<smem>>) -> (i32, i32) {
    %mul3A = arith.constant 64 : i32
    %mul3A_0 = arith.muli %arg0, %mul3A : i32
    %add3A = arith.constant 21 : i32
    %add3A_1 = arith.addi %mul3A_0, %add3A : i32
    %get3A = arith.index_cast %add3A_1 : i32 to index
    %get3A_2 = memref.load %arg1[%get3A] : memref<1024xi32, #tpu.memory_space<smem>>
    %jit3A = arith.constant 128 : i32
    %div3A = arith.divsi %get3A_2, %jit3A : i32
    %sign3A = arith.constant 0 : i32
    %sign3A_3 = arith.cmpi sgt, %get3A_2, %sign3A : i32
    %sign3A_4 = arith.extui %sign3A_3 : i1 to i32
    %sign3A_5 = arith.constant 0 : i32
    %sign3A_6 = arith.cmpi slt, %get3A_2, %sign3A_5 : i32
    %sign3A_7 = arith.extui %sign3A_6 : i1 to i32
    %sign3A_8 = arith.subi %sign3A_4, %sign3A_7 : i32
    %sign3A_9 = arith.constant 0 : i32
    %sign3A_10 = arith.cmpi sgt, %jit3A, %sign3A_9 : i32
    %sign3A_11 = arith.extui %sign3A_10 : i1 to i32
    %sign3A_12 = arith.constant 0 : i32
    %sign3A_13 = arith.cmpi slt, %jit3A, %sign3A_12 : i32
    %sign3A_14 = arith.extui %sign3A_13 : i1 to i32
    %sign3A_15 = arith.subi %sign3A_11, %sign3A_14 : i32
    %ne3A = arith.cmpi ne, %sign3A_8, %sign3A_15 : i32
    %rem3A = arith.remsi %get3A_2, %jit3A : i32
    %ne3A_16 = arith.constant 0 : i32
    %ne3A_17 = arith.cmpi ne, %rem3A, %ne3A_16 : i32
    %and3A = arith.andi %ne3A, %ne3A_17 : i1
    %sub3A = arith.constant 1 : i32
    %sub3A_18 = arith.subi %div3A, %sub3A : i32
    %select_n3A = arith.select %and3A, %sub3A_18, %div3A : i32
    %c0_i32 = arith.constant 0 : i32
    %c0_i32_19 = arith.constant 0 : i32
    return %c0_i32, %select_n3A : i32, i32
  }
  func.func @transform_24(%arg0: i32, %arg1: memref<1024xi32, #tpu.memory_space<smem>>, %arg2: memref<1024xi32, #tpu.memory_space<smem>>) -> (i32, i32) {
    %mul3A = arith.constant 64 : i32
    %mul3A_0 = arith.muli %arg0, %mul3A : i32
    %add3A = arith.constant 22 : i32
    %add3A_1 = arith.addi %mul3A_0, %add3A : i32
    %get3A = arith.index_cast %add3A_1 : i32 to index
    %get3A_2 = memref.load %arg1[%get3A] : memref<1024xi32, #tpu.memory_space<smem>>
    %jit3A = arith.constant 128 : i32
    %div3A = arith.divsi %get3A_2, %jit3A : i32
    %sign3A = arith.constant 0 : i32
    %sign3A_3 = arith.cmpi sgt, %get3A_2, %sign3A : i32
    %sign3A_4 = arith.extui %sign3A_3 : i1 to i32
    %sign3A_5 = arith.constant 0 : i32
    %sign3A_6 = arith.cmpi slt, %get3A_2, %sign3A_5 : i32
    %sign3A_7 = arith.extui %sign3A_6 : i1 to i32
    %sign3A_8 = arith.subi %sign3A_4, %sign3A_7 : i32
    %sign3A_9 = arith.constant 0 : i32
    %sign3A_10 = arith.cmpi sgt, %jit3A, %sign3A_9 : i32
    %sign3A_11 = arith.extui %sign3A_10 : i1 to i32
    %sign3A_12 = arith.constant 0 : i32
    %sign3A_13 = arith.cmpi slt, %jit3A, %sign3A_12 : i32
    %sign3A_14 = arith.extui %sign3A_13 : i1 to i32
    %sign3A_15 = arith.subi %sign3A_11, %sign3A_14 : i32
    %ne3A = arith.cmpi ne, %sign3A_8, %sign3A_15 : i32
    %rem3A = arith.remsi %get3A_2, %jit3A : i32
    %ne3A_16 = arith.constant 0 : i32
    %ne3A_17 = arith.cmpi ne, %rem3A, %ne3A_16 : i32
    %and3A = arith.andi %ne3A, %ne3A_17 : i1
    %sub3A = arith.constant 1 : i32
    %sub3A_18 = arith.subi %div3A, %sub3A : i32
    %select_n3A = arith.select %and3A, %sub3A_18, %div3A : i32
    %c0_i32 = arith.constant 0 : i32
    %c0_i32_19 = arith.constant 0 : i32
    return %c0_i32, %select_n3A : i32, i32
  }
  func.func @transform_25(%arg0: i32, %arg1: memref<1024xi32, #tpu.memory_space<smem>>, %arg2: memref<1024xi32, #tpu.memory_space<smem>>) -> (i32, i32) {
    %mul3A = arith.constant 64 : i32
    %mul3A_0 = arith.muli %arg0, %mul3A : i32
    %add3A = arith.constant 23 : i32
    %add3A_1 = arith.addi %mul3A_0, %add3A : i32
    %get3A = arith.index_cast %add3A_1 : i32 to index
    %get3A_2 = memref.load %arg1[%get3A] : memref<1024xi32, #tpu.memory_space<smem>>
    %jit3A = arith.constant 128 : i32
    %div3A = arith.divsi %get3A_2, %jit3A : i32
    %sign3A = arith.constant 0 : i32
    %sign3A_3 = arith.cmpi sgt, %get3A_2, %sign3A : i32
    %sign3A_4 = arith.extui %sign3A_3 : i1 to i32
    %sign3A_5 = arith.constant 0 : i32
    %sign3A_6 = arith.cmpi slt, %get3A_2, %sign3A_5 : i32
    %sign3A_7 = arith.extui %sign3A_6 : i1 to i32
    %sign3A_8 = arith.subi %sign3A_4, %sign3A_7 : i32
    %sign3A_9 = arith.constant 0 : i32
    %sign3A_10 = arith.cmpi sgt, %jit3A, %sign3A_9 : i32
    %sign3A_11 = arith.extui %sign3A_10 : i1 to i32
    %sign3A_12 = arith.constant 0 : i32
    %sign3A_13 = arith.cmpi slt, %jit3A, %sign3A_12 : i32
    %sign3A_14 = arith.extui %sign3A_13 : i1 to i32
    %sign3A_15 = arith.subi %sign3A_11, %sign3A_14 : i32
    %ne3A = arith.cmpi ne, %sign3A_8, %sign3A_15 : i32
    %rem3A = arith.remsi %get3A_2, %jit3A : i32
    %ne3A_16 = arith.constant 0 : i32
    %ne3A_17 = arith.cmpi ne, %rem3A, %ne3A_16 : i32
    %and3A = arith.andi %ne3A, %ne3A_17 : i1
    %sub3A = arith.constant 1 : i32
    %sub3A_18 = arith.subi %div3A, %sub3A : i32
    %select_n3A = arith.select %and3A, %sub3A_18, %div3A : i32
    %c0_i32 = arith.constant 0 : i32
    %c0_i32_19 = arith.constant 0 : i32
    return %c0_i32, %select_n3A : i32, i32
  }
  func.func @transform_26(%arg0: i32, %arg1: memref<1024xi32, #tpu.memory_space<smem>>, %arg2: memref<1024xi32, #tpu.memory_space<smem>>) -> (i32, i32) {
    %mul3A = arith.constant 64 : i32
    %mul3A_0 = arith.muli %arg0, %mul3A : i32
    %add3A = arith.constant 24 : i32
    %add3A_1 = arith.addi %mul3A_0, %add3A : i32
    %get3A = arith.index_cast %add3A_1 : i32 to index
    %get3A_2 = memref.load %arg1[%get3A] : memref<1024xi32, #tpu.memory_space<smem>>
    %jit3A = arith.constant 128 : i32
    %div3A = arith.divsi %get3A_2, %jit3A : i32
    %sign3A = arith.constant 0 : i32
    %sign3A_3 = arith.cmpi sgt, %get3A_2, %sign3A : i32
    %sign3A_4 = arith.extui %sign3A_3 : i1 to i32
    %sign3A_5 = arith.constant 0 : i32
    %sign3A_6 = arith.cmpi slt, %get3A_2, %sign3A_5 : i32
    %sign3A_7 = arith.extui %sign3A_6 : i1 to i32
    %sign3A_8 = arith.subi %sign3A_4, %sign3A_7 : i32
    %sign3A_9 = arith.constant 0 : i32
    %sign3A_10 = arith.cmpi sgt, %jit3A, %sign3A_9 : i32
    %sign3A_11 = arith.extui %sign3A_10 : i1 to i32
    %sign3A_12 = arith.constant 0 : i32
    %sign3A_13 = arith.cmpi slt, %jit3A, %sign3A_12 : i32
    %sign3A_14 = arith.extui %sign3A_13 : i1 to i32
    %sign3A_15 = arith.subi %sign3A_11, %sign3A_14 : i32
    %ne3A = arith.cmpi ne, %sign3A_8, %sign3A_15 : i32
    %rem3A = arith.remsi %get3A_2, %jit3A : i32
    %ne3A_16 = arith.constant 0 : i32
    %ne3A_17 = arith.cmpi ne, %rem3A, %ne3A_16 : i32
    %and3A = arith.andi %ne3A, %ne3A_17 : i1
    %sub3A = arith.constant 1 : i32
    %sub3A_18 = arith.subi %div3A, %sub3A : i32
    %select_n3A = arith.select %and3A, %sub3A_18, %div3A : i32
    %c0_i32 = arith.constant 0 : i32
    %c0_i32_19 = arith.constant 0 : i32
    return %c0_i32, %select_n3A : i32, i32
  }
  func.func @transform_27(%arg0: i32, %arg1: memref<1024xi32, #tpu.memory_space<smem>>, %arg2: memref<1024xi32, #tpu.memory_space<smem>>) -> (i32, i32) {
    %mul3A = arith.constant 64 : i32
    %mul3A_0 = arith.muli %arg0, %mul3A : i32
    %add3A = arith.constant 25 : i32
    %add3A_1 = arith.addi %mul3A_0, %add3A : i32
    %get3A = arith.index_cast %add3A_1 : i32 to index
    %get3A_2 = memref.load %arg1[%get3A] : memref<1024xi32, #tpu.memory_space<smem>>
    %jit3A = arith.constant 128 : i32
    %div3A = arith.divsi %get3A_2, %jit3A : i32
    %sign3A = arith.constant 0 : i32
    %sign3A_3 = arith.cmpi sgt, %get3A_2, %sign3A : i32
    %sign3A_4 = arith.extui %sign3A_3 : i1 to i32
    %sign3A_5 = arith.constant 0 : i32
    %sign3A_6 = arith.cmpi slt, %get3A_2, %sign3A_5 : i32
    %sign3A_7 = arith.extui %sign3A_6 : i1 to i32
    %sign3A_8 = arith.subi %sign3A_4, %sign3A_7 : i32
    %sign3A_9 = arith.constant 0 : i32
    %sign3A_10 = arith.cmpi sgt, %jit3A, %sign3A_9 : i32
    %sign3A_11 = arith.extui %sign3A_10 : i1 to i32
    %sign3A_12 = arith.constant 0 : i32
    %sign3A_13 = arith.cmpi slt, %jit3A, %sign3A_12 : i32
    %sign3A_14 = arith.extui %sign3A_13 : i1 to i32
    %sign3A_15 = arith.subi %sign3A_11, %sign3A_14 : i32
    %ne3A = arith.cmpi ne, %sign3A_8, %sign3A_15 : i32
    %rem3A = arith.remsi %get3A_2, %jit3A : i32
    %ne3A_16 = arith.constant 0 : i32
    %ne3A_17 = arith.cmpi ne, %rem3A, %ne3A_16 : i32
    %and3A = arith.andi %ne3A, %ne3A_17 : i1
    %sub3A = arith.constant 1 : i32
    %sub3A_18 = arith.subi %div3A, %sub3A : i32
    %select_n3A = arith.select %and3A, %sub3A_18, %div3A : i32
    %c0_i32 = arith.constant 0 : i32
    %c0_i32_19 = arith.constant 0 : i32
    return %c0_i32, %select_n3A : i32, i32
  }
  func.func @transform_28(%arg0: i32, %arg1: memref<1024xi32, #tpu.memory_space<smem>>, %arg2: memref<1024xi32, #tpu.memory_space<smem>>) -> (i32, i32) {
    %mul3A = arith.constant 64 : i32
    %mul3A_0 = arith.muli %arg0, %mul3A : i32
    %add3A = arith.constant 26 : i32
    %add3A_1 = arith.addi %mul3A_0, %add3A : i32
    %get3A = arith.index_cast %add3A_1 : i32 to index
    %get3A_2 = memref.load %arg1[%get3A] : memref<1024xi32, #tpu.memory_space<smem>>
    %jit3A = arith.constant 128 : i32
    %div3A = arith.divsi %get3A_2, %jit3A : i32
    %sign3A = arith.constant 0 : i32
    %sign3A_3 = arith.cmpi sgt, %get3A_2, %sign3A : i32
    %sign3A_4 = arith.extui %sign3A_3 : i1 to i32
    %sign3A_5 = arith.constant 0 : i32
    %sign3A_6 = arith.cmpi slt, %get3A_2, %sign3A_5 : i32
    %sign3A_7 = arith.extui %sign3A_6 : i1 to i32
    %sign3A_8 = arith.subi %sign3A_4, %sign3A_7 : i32
    %sign3A_9 = arith.constant 0 : i32
    %sign3A_10 = arith.cmpi sgt, %jit3A, %sign3A_9 : i32
    %sign3A_11 = arith.extui %sign3A_10 : i1 to i32
    %sign3A_12 = arith.constant 0 : i32
    %sign3A_13 = arith.cmpi slt, %jit3A, %sign3A_12 : i32
    %sign3A_14 = arith.extui %sign3A_13 : i1 to i32
    %sign3A_15 = arith.subi %sign3A_11, %sign3A_14 : i32
    %ne3A = arith.cmpi ne, %sign3A_8, %sign3A_15 : i32
    %rem3A = arith.remsi %get3A_2, %jit3A : i32
    %ne3A_16 = arith.constant 0 : i32
    %ne3A_17 = arith.cmpi ne, %rem3A, %ne3A_16 : i32
    %and3A = arith.andi %ne3A, %ne3A_17 : i1
    %sub3A = arith.constant 1 : i32
    %sub3A_18 = arith.subi %div3A, %sub3A : i32
    %select_n3A = arith.select %and3A, %sub3A_18, %div3A : i32
    %c0_i32 = arith.constant 0 : i32
    %c0_i32_19 = arith.constant 0 : i32
    return %c0_i32, %select_n3A : i32, i32
  }
  func.func @transform_29(%arg0: i32, %arg1: memref<1024xi32, #tpu.memory_space<smem>>, %arg2: memref<1024xi32, #tpu.memory_space<smem>>) -> (i32, i32) {
    %mul3A = arith.constant 64 : i32
    %mul3A_0 = arith.muli %arg0, %mul3A : i32
    %add3A = arith.constant 27 : i32
    %add3A_1 = arith.addi %mul3A_0, %add3A : i32
    %get3A = arith.index_cast %add3A_1 : i32 to index
    %get3A_2 = memref.load %arg1[%get3A] : memref<1024xi32, #tpu.memory_space<smem>>
    %jit3A = arith.constant 128 : i32
    %div3A = arith.divsi %get3A_2, %jit3A : i32
    %sign3A = arith.constant 0 : i32
    %sign3A_3 = arith.cmpi sgt, %get3A_2, %sign3A : i32
    %sign3A_4 = arith.extui %sign3A_3 : i1 to i32
    %sign3A_5 = arith.constant 0 : i32
    %sign3A_6 = arith.cmpi slt, %get3A_2, %sign3A_5 : i32
    %sign3A_7 = arith.extui %sign3A_6 : i1 to i32
    %sign3A_8 = arith.subi %sign3A_4, %sign3A_7 : i32
    %sign3A_9 = arith.constant 0 : i32
    %sign3A_10 = arith.cmpi sgt, %jit3A, %sign3A_9 : i32
    %sign3A_11 = arith.extui %sign3A_10 : i1 to i32
    %sign3A_12 = arith.constant 0 : i32
    %sign3A_13 = arith.cmpi slt, %jit3A, %sign3A_12 : i32
    %sign3A_14 = arith.extui %sign3A_13 : i1 to i32
    %sign3A_15 = arith.subi %sign3A_11, %sign3A_14 : i32
    %ne3A = arith.cmpi ne, %sign3A_8, %sign3A_15 : i32
    %rem3A = arith.remsi %get3A_2, %jit3A : i32
    %ne3A_16 = arith.constant 0 : i32
    %ne3A_17 = arith.cmpi ne, %rem3A, %ne3A_16 : i32
    %and3A = arith.andi %ne3A, %ne3A_17 : i1
    %sub3A = arith.constant 1 : i32
    %sub3A_18 = arith.subi %div3A, %sub3A : i32
    %select_n3A = arith.select %and3A, %sub3A_18, %div3A : i32
    %c0_i32 = arith.constant 0 : i32
    %c0_i32_19 = arith.constant 0 : i32
    return %c0_i32, %select_n3A : i32, i32
  }
  func.func @transform_30(%arg0: i32, %arg1: memref<1024xi32, #tpu.memory_space<smem>>, %arg2: memref<1024xi32, #tpu.memory_space<smem>>) -> (i32, i32) {
    %mul3A = arith.constant 64 : i32
    %mul3A_0 = arith.muli %arg0, %mul3A : i32
    %add3A = arith.constant 28 : i32
    %add3A_1 = arith.addi %mul3A_0, %add3A : i32
    %get3A = arith.index_cast %add3A_1 : i32 to index
    %get3A_2 = memref.load %arg1[%get3A] : memref<1024xi32, #tpu.memory_space<smem>>
    %jit3A = arith.constant 128 : i32
    %div3A = arith.divsi %get3A_2, %jit3A : i32
    %sign3A = arith.constant 0 : i32
    %sign3A_3 = arith.cmpi sgt, %get3A_2, %sign3A : i32
    %sign3A_4 = arith.extui %sign3A_3 : i1 to i32
    %sign3A_5 = arith.constant 0 : i32
    %sign3A_6 = arith.cmpi slt, %get3A_2, %sign3A_5 : i32
    %sign3A_7 = arith.extui %sign3A_6 : i1 to i32
    %sign3A_8 = arith.subi %sign3A_4, %sign3A_7 : i32
    %sign3A_9 = arith.constant 0 : i32
    %sign3A_10 = arith.cmpi sgt, %jit3A, %sign3A_9 : i32
    %sign3A_11 = arith.extui %sign3A_10 : i1 to i32
    %sign3A_12 = arith.constant 0 : i32
    %sign3A_13 = arith.cmpi slt, %jit3A, %sign3A_12 : i32
    %sign3A_14 = arith.extui %sign3A_13 : i1 to i32
    %sign3A_15 = arith.subi %sign3A_11, %sign3A_14 : i32
    %ne3A = arith.cmpi ne, %sign3A_8, %sign3A_15 : i32
    %rem3A = arith.remsi %get3A_2, %jit3A : i32
    %ne3A_16 = arith.constant 0 : i32
    %ne3A_17 = arith.cmpi ne, %rem3A, %ne3A_16 : i32
    %and3A = arith.andi %ne3A, %ne3A_17 : i1
    %sub3A = arith.constant 1 : i32
    %sub3A_18 = arith.subi %div3A, %sub3A : i32
    %select_n3A = arith.select %and3A, %sub3A_18, %div3A : i32
    %c0_i32 = arith.constant 0 : i32
    %c0_i32_19 = arith.constant 0 : i32
    return %c0_i32, %select_n3A : i32, i32
  }
  func.func @transform_31(%arg0: i32, %arg1: memref<1024xi32, #tpu.memory_space<smem>>, %arg2: memref<1024xi32, #tpu.memory_space<smem>>) -> (i32, i32) {
    %mul3A = arith.constant 64 : i32
    %mul3A_0 = arith.muli %arg0, %mul3A : i32
    %add3A = arith.constant 29 : i32
    %add3A_1 = arith.addi %mul3A_0, %add3A : i32
    %get3A = arith.index_cast %add3A_1 : i32 to index
    %get3A_2 = memref.load %arg1[%get3A] : memref<1024xi32, #tpu.memory_space<smem>>
    %jit3A = arith.constant 128 : i32
    %div3A = arith.divsi %get3A_2, %jit3A : i32
    %sign3A = arith.constant 0 : i32
    %sign3A_3 = arith.cmpi sgt, %get3A_2, %sign3A : i32
    %sign3A_4 = arith.extui %sign3A_3 : i1 to i32
    %sign3A_5 = arith.constant 0 : i32
    %sign3A_6 = arith.cmpi slt, %get3A_2, %sign3A_5 : i32
    %sign3A_7 = arith.extui %sign3A_6 : i1 to i32
    %sign3A_8 = arith.subi %sign3A_4, %sign3A_7 : i32
    %sign3A_9 = arith.constant 0 : i32
    %sign3A_10 = arith.cmpi sgt, %jit3A, %sign3A_9 : i32
    %sign3A_11 = arith.extui %sign3A_10 : i1 to i32
    %sign3A_12 = arith.constant 0 : i32
    %sign3A_13 = arith.cmpi slt, %jit3A, %sign3A_12 : i32
    %sign3A_14 = arith.extui %sign3A_13 : i1 to i32
    %sign3A_15 = arith.subi %sign3A_11, %sign3A_14 : i32
    %ne3A = arith.cmpi ne, %sign3A_8, %sign3A_15 : i32
    %rem3A = arith.remsi %get3A_2, %jit3A : i32
    %ne3A_16 = arith.constant 0 : i32
    %ne3A_17 = arith.cmpi ne, %rem3A, %ne3A_16 : i32
    %and3A = arith.andi %ne3A, %ne3A_17 : i1
    %sub3A = arith.constant 1 : i32
    %sub3A_18 = arith.subi %div3A, %sub3A : i32
    %select_n3A = arith.select %and3A, %sub3A_18, %div3A : i32
    %c0_i32 = arith.constant 0 : i32
    %c0_i32_19 = arith.constant 0 : i32
    return %c0_i32, %select_n3A : i32, i32
  }
  func.func @transform_32(%arg0: i32, %arg1: memref<1024xi32, #tpu.memory_space<smem>>, %arg2: memref<1024xi32, #tpu.memory_space<smem>>) -> (i32, i32) {
    %mul3A = arith.constant 64 : i32
    %mul3A_0 = arith.muli %arg0, %mul3A : i32
    %add3A = arith.constant 30 : i32
    %add3A_1 = arith.addi %mul3A_0, %add3A : i32
    %get3A = arith.index_cast %add3A_1 : i32 to index
    %get3A_2 = memref.load %arg1[%get3A] : memref<1024xi32, #tpu.memory_space<smem>>
    %jit3A = arith.constant 128 : i32
    %div3A = arith.divsi %get3A_2, %jit3A : i32
    %sign3A = arith.constant 0 : i32
    %sign3A_3 = arith.cmpi sgt, %get3A_2, %sign3A : i32
    %sign3A_4 = arith.extui %sign3A_3 : i1 to i32
    %sign3A_5 = arith.constant 0 : i32
    %sign3A_6 = arith.cmpi slt, %get3A_2, %sign3A_5 : i32
    %sign3A_7 = arith.extui %sign3A_6 : i1 to i32
    %sign3A_8 = arith.subi %sign3A_4, %sign3A_7 : i32
    %sign3A_9 = arith.constant 0 : i32
    %sign3A_10 = arith.cmpi sgt, %jit3A, %sign3A_9 : i32
    %sign3A_11 = arith.extui %sign3A_10 : i1 to i32
    %sign3A_12 = arith.constant 0 : i32
    %sign3A_13 = arith.cmpi slt, %jit3A, %sign3A_12 : i32
    %sign3A_14 = arith.extui %sign3A_13 : i1 to i32
    %sign3A_15 = arith.subi %sign3A_11, %sign3A_14 : i32
    %ne3A = arith.cmpi ne, %sign3A_8, %sign3A_15 : i32
    %rem3A = arith.remsi %get3A_2, %jit3A : i32
    %ne3A_16 = arith.constant 0 : i32
    %ne3A_17 = arith.cmpi ne, %rem3A, %ne3A_16 : i32
    %and3A = arith.andi %ne3A, %ne3A_17 : i1
    %sub3A = arith.constant 1 : i32
    %sub3A_18 = arith.subi %div3A, %sub3A : i32
    %select_n3A = arith.select %and3A, %sub3A_18, %div3A : i32
    %c0_i32 = arith.constant 0 : i32
    %c0_i32_19 = arith.constant 0 : i32
    return %c0_i32, %select_n3A : i32, i32
  }
  func.func @transform_33(%arg0: i32, %arg1: memref<1024xi32, #tpu.memory_space<smem>>, %arg2: memref<1024xi32, #tpu.memory_space<smem>>) -> (i32, i32) {
    %mul3A = arith.constant 64 : i32
    %mul3A_0 = arith.muli %arg0, %mul3A : i32
    %add3A = arith.constant 31 : i32
    %add3A_1 = arith.addi %mul3A_0, %add3A : i32
    %get3A = arith.index_cast %add3A_1 : i32 to index
    %get3A_2 = memref.load %arg1[%get3A] : memref<1024xi32, #tpu.memory_space<smem>>
    %jit3A = arith.constant 128 : i32
    %div3A = arith.divsi %get3A_2, %jit3A : i32
    %sign3A = arith.constant 0 : i32
    %sign3A_3 = arith.cmpi sgt, %get3A_2, %sign3A : i32
    %sign3A_4 = arith.extui %sign3A_3 : i1 to i32
    %sign3A_5 = arith.constant 0 : i32
    %sign3A_6 = arith.cmpi slt, %get3A_2, %sign3A_5 : i32
    %sign3A_7 = arith.extui %sign3A_6 : i1 to i32
    %sign3A_8 = arith.subi %sign3A_4, %sign3A_7 : i32
    %sign3A_9 = arith.constant 0 : i32
    %sign3A_10 = arith.cmpi sgt, %jit3A, %sign3A_9 : i32
    %sign3A_11 = arith.extui %sign3A_10 : i1 to i32
    %sign3A_12 = arith.constant 0 : i32
    %sign3A_13 = arith.cmpi slt, %jit3A, %sign3A_12 : i32
    %sign3A_14 = arith.extui %sign3A_13 : i1 to i32
    %sign3A_15 = arith.subi %sign3A_11, %sign3A_14 : i32
    %ne3A = arith.cmpi ne, %sign3A_8, %sign3A_15 : i32
    %rem3A = arith.remsi %get3A_2, %jit3A : i32
    %ne3A_16 = arith.constant 0 : i32
    %ne3A_17 = arith.cmpi ne, %rem3A, %ne3A_16 : i32
    %and3A = arith.andi %ne3A, %ne3A_17 : i1
    %sub3A = arith.constant 1 : i32
    %sub3A_18 = arith.subi %div3A, %sub3A : i32
    %select_n3A = arith.select %and3A, %sub3A_18, %div3A : i32
    %c0_i32 = arith.constant 0 : i32
    %c0_i32_19 = arith.constant 0 : i32
    return %c0_i32, %select_n3A : i32, i32
  }
  func.func @transform_34(%arg0: i32, %arg1: memref<1024xi32, #tpu.memory_space<smem>>, %arg2: memref<1024xi32, #tpu.memory_space<smem>>) -> (i32, i32) {
    %mul3A = arith.constant 64 : i32
    %mul3A_0 = arith.muli %arg0, %mul3A : i32
    %add3A = arith.constant 32 : i32
    %add3A_1 = arith.addi %mul3A_0, %add3A : i32
    %get3A = arith.index_cast %add3A_1 : i32 to index
    %get3A_2 = memref.load %arg1[%get3A] : memref<1024xi32, #tpu.memory_space<smem>>
    %jit3A = arith.constant 128 : i32
    %div3A = arith.divsi %get3A_2, %jit3A : i32
    %sign3A = arith.constant 0 : i32
    %sign3A_3 = arith.cmpi sgt, %get3A_2, %sign3A : i32
    %sign3A_4 = arith.extui %sign3A_3 : i1 to i32
    %sign3A_5 = arith.constant 0 : i32
    %sign3A_6 = arith.cmpi slt, %get3A_2, %sign3A_5 : i32
    %sign3A_7 = arith.extui %sign3A_6 : i1 to i32
    %sign3A_8 = arith.subi %sign3A_4, %sign3A_7 : i32
    %sign3A_9 = arith.constant 0 : i32
    %sign3A_10 = arith.cmpi sgt, %jit3A, %sign3A_9 : i32
    %sign3A_11 = arith.extui %sign3A_10 : i1 to i32
    %sign3A_12 = arith.constant 0 : i32
    %sign3A_13 = arith.cmpi slt, %jit3A, %sign3A_12 : i32
    %sign3A_14 = arith.extui %sign3A_13 : i1 to i32
    %sign3A_15 = arith.subi %sign3A_11, %sign3A_14 : i32
    %ne3A = arith.cmpi ne, %sign3A_8, %sign3A_15 : i32
    %rem3A = arith.remsi %get3A_2, %jit3A : i32
    %ne3A_16 = arith.constant 0 : i32
    %ne3A_17 = arith.cmpi ne, %rem3A, %ne3A_16 : i32
    %and3A = arith.andi %ne3A, %ne3A_17 : i1
    %sub3A = arith.constant 1 : i32
    %sub3A_18 = arith.subi %div3A, %sub3A : i32
    %select_n3A = arith.select %and3A, %sub3A_18, %div3A : i32
    %c0_i32 = arith.constant 0 : i32
    %c0_i32_19 = arith.constant 0 : i32
    return %c0_i32, %select_n3A : i32, i32
  }
  func.func @transform_35(%arg0: i32, %arg1: memref<1024xi32, #tpu.memory_space<smem>>, %arg2: memref<1024xi32, #tpu.memory_space<smem>>) -> (i32, i32) {
    %mul3A = arith.constant 64 : i32
    %mul3A_0 = arith.muli %arg0, %mul3A : i32
    %add3A = arith.constant 33 : i32
    %add3A_1 = arith.addi %mul3A_0, %add3A : i32
    %get3A = arith.index_cast %add3A_1 : i32 to index
    %get3A_2 = memref.load %arg1[%get3A] : memref<1024xi32, #tpu.memory_space<smem>>
    %jit3A = arith.constant 128 : i32
    %div3A = arith.divsi %get3A_2, %jit3A : i32
    %sign3A = arith.constant 0 : i32
    %sign3A_3 = arith.cmpi sgt, %get3A_2, %sign3A : i32
    %sign3A_4 = arith.extui %sign3A_3 : i1 to i32
    %sign3A_5 = arith.constant 0 : i32
    %sign3A_6 = arith.cmpi slt, %get3A_2, %sign3A_5 : i32
    %sign3A_7 = arith.extui %sign3A_6 : i1 to i32
    %sign3A_8 = arith.subi %sign3A_4, %sign3A_7 : i32
    %sign3A_9 = arith.constant 0 : i32
    %sign3A_10 = arith.cmpi sgt, %jit3A, %sign3A_9 : i32
    %sign3A_11 = arith.extui %sign3A_10 : i1 to i32
    %sign3A_12 = arith.constant 0 : i32
    %sign3A_13 = arith.cmpi slt, %jit3A, %sign3A_12 : i32
    %sign3A_14 = arith.extui %sign3A_13 : i1 to i32
    %sign3A_15 = arith.subi %sign3A_11, %sign3A_14 : i32
    %ne3A = arith.cmpi ne, %sign3A_8, %sign3A_15 : i32
    %rem3A = arith.remsi %get3A_2, %jit3A : i32
    %ne3A_16 = arith.constant 0 : i32
    %ne3A_17 = arith.cmpi ne, %rem3A, %ne3A_16 : i32
    %and3A = arith.andi %ne3A, %ne3A_17 : i1
    %sub3A = arith.constant 1 : i32
    %sub3A_18 = arith.subi %div3A, %sub3A : i32
    %select_n3A = arith.select %and3A, %sub3A_18, %div3A : i32
    %c0_i32 = arith.constant 0 : i32
    %c0_i32_19 = arith.constant 0 : i32
    return %c0_i32, %select_n3A : i32, i32
  }
  func.func @transform_36(%arg0: i32, %arg1: memref<1024xi32, #tpu.memory_space<smem>>, %arg2: memref<1024xi32, #tpu.memory_space<smem>>) -> (i32, i32) {
    %mul3A = arith.constant 64 : i32
    %mul3A_0 = arith.muli %arg0, %mul3A : i32
    %add3A = arith.constant 34 : i32
    %add3A_1 = arith.addi %mul3A_0, %add3A : i32
    %get3A = arith.index_cast %add3A_1 : i32 to index
    %get3A_2 = memref.load %arg1[%get3A] : memref<1024xi32, #tpu.memory_space<smem>>
    %jit3A = arith.constant 128 : i32
    %div3A = arith.divsi %get3A_2, %jit3A : i32
    %sign3A = arith.constant 0 : i32
    %sign3A_3 = arith.cmpi sgt, %get3A_2, %sign3A : i32
    %sign3A_4 = arith.extui %sign3A_3 : i1 to i32
    %sign3A_5 = arith.constant 0 : i32
    %sign3A_6 = arith.cmpi slt, %get3A_2, %sign3A_5 : i32
    %sign3A_7 = arith.extui %sign3A_6 : i1 to i32
    %sign3A_8 = arith.subi %sign3A_4, %sign3A_7 : i32
    %sign3A_9 = arith.constant 0 : i32
    %sign3A_10 = arith.cmpi sgt, %jit3A, %sign3A_9 : i32
    %sign3A_11 = arith.extui %sign3A_10 : i1 to i32
    %sign3A_12 = arith.constant 0 : i32
    %sign3A_13 = arith.cmpi slt, %jit3A, %sign3A_12 : i32
    %sign3A_14 = arith.extui %sign3A_13 : i1 to i32
    %sign3A_15 = arith.subi %sign3A_11, %sign3A_14 : i32
    %ne3A = arith.cmpi ne, %sign3A_8, %sign3A_15 : i32
    %rem3A = arith.remsi %get3A_2, %jit3A : i32
    %ne3A_16 = arith.constant 0 : i32
    %ne3A_17 = arith.cmpi ne, %rem3A, %ne3A_16 : i32
    %and3A = arith.andi %ne3A, %ne3A_17 : i1
    %sub3A = arith.constant 1 : i32
    %sub3A_18 = arith.subi %div3A, %sub3A : i32
    %select_n3A = arith.select %and3A, %sub3A_18, %div3A : i32
    %c0_i32 = arith.constant 0 : i32
    %c0_i32_19 = arith.constant 0 : i32
    return %c0_i32, %select_n3A : i32, i32
  }
  func.func @transform_37(%arg0: i32, %arg1: memref<1024xi32, #tpu.memory_space<smem>>, %arg2: memref<1024xi32, #tpu.memory_space<smem>>) -> (i32, i32) {
    %mul3A = arith.constant 64 : i32
    %mul3A_0 = arith.muli %arg0, %mul3A : i32
    %add3A = arith.constant 35 : i32
    %add3A_1 = arith.addi %mul3A_0, %add3A : i32
    %get3A = arith.index_cast %add3A_1 : i32 to index
    %get3A_2 = memref.load %arg1[%get3A] : memref<1024xi32, #tpu.memory_space<smem>>
    %jit3A = arith.constant 128 : i32
    %div3A = arith.divsi %get3A_2, %jit3A : i32
    %sign3A = arith.constant 0 : i32
    %sign3A_3 = arith.cmpi sgt, %get3A_2, %sign3A : i32
    %sign3A_4 = arith.extui %sign3A_3 : i1 to i32
    %sign3A_5 = arith.constant 0 : i32
    %sign3A_6 = arith.cmpi slt, %get3A_2, %sign3A_5 : i32
    %sign3A_7 = arith.extui %sign3A_6 : i1 to i32
    %sign3A_8 = arith.subi %sign3A_4, %sign3A_7 : i32
    %sign3A_9 = arith.constant 0 : i32
    %sign3A_10 = arith.cmpi sgt, %jit3A, %sign3A_9 : i32
    %sign3A_11 = arith.extui %sign3A_10 : i1 to i32
    %sign3A_12 = arith.constant 0 : i32
    %sign3A_13 = arith.cmpi slt, %jit3A, %sign3A_12 : i32
    %sign3A_14 = arith.extui %sign3A_13 : i1 to i32
    %sign3A_15 = arith.subi %sign3A_11, %sign3A_14 : i32
    %ne3A = arith.cmpi ne, %sign3A_8, %sign3A_15 : i32
    %rem3A = arith.remsi %get3A_2, %jit3A : i32
    %ne3A_16 = arith.constant 0 : i32
    %ne3A_17 = arith.cmpi ne, %rem3A, %ne3A_16 : i32
    %and3A = arith.andi %ne3A, %ne3A_17 : i1
    %sub3A = arith.constant 1 : i32
    %sub3A_18 = arith.subi %div3A, %sub3A : i32
    %select_n3A = arith.select %and3A, %sub3A_18, %div3A : i32
    %c0_i32 = arith.constant 0 : i32
    %c0_i32_19 = arith.constant 0 : i32
    return %c0_i32, %select_n3A : i32, i32
  }
  func.func @transform_38(%arg0: i32, %arg1: memref<1024xi32, #tpu.memory_space<smem>>, %arg2: memref<1024xi32, #tpu.memory_space<smem>>) -> (i32, i32) {
    %mul3A = arith.constant 64 : i32
    %mul3A_0 = arith.muli %arg0, %mul3A : i32
    %add3A = arith.constant 36 : i32
    %add3A_1 = arith.addi %mul3A_0, %add3A : i32
    %get3A = arith.index_cast %add3A_1 : i32 to index
    %get3A_2 = memref.load %arg1[%get3A] : memref<1024xi32, #tpu.memory_space<smem>>
    %jit3A = arith.constant 128 : i32
    %div3A = arith.divsi %get3A_2, %jit3A : i32
    %sign3A = arith.constant 0 : i32
    %sign3A_3 = arith.cmpi sgt, %get3A_2, %sign3A : i32
    %sign3A_4 = arith.extui %sign3A_3 : i1 to i32
    %sign3A_5 = arith.constant 0 : i32
    %sign3A_6 = arith.cmpi slt, %get3A_2, %sign3A_5 : i32
    %sign3A_7 = arith.extui %sign3A_6 : i1 to i32
    %sign3A_8 = arith.subi %sign3A_4, %sign3A_7 : i32
    %sign3A_9 = arith.constant 0 : i32
    %sign3A_10 = arith.cmpi sgt, %jit3A, %sign3A_9 : i32
    %sign3A_11 = arith.extui %sign3A_10 : i1 to i32
    %sign3A_12 = arith.constant 0 : i32
    %sign3A_13 = arith.cmpi slt, %jit3A, %sign3A_12 : i32
    %sign3A_14 = arith.extui %sign3A_13 : i1 to i32
    %sign3A_15 = arith.subi %sign3A_11, %sign3A_14 : i32
    %ne3A = arith.cmpi ne, %sign3A_8, %sign3A_15 : i32
    %rem3A = arith.remsi %get3A_2, %jit3A : i32
    %ne3A_16 = arith.constant 0 : i32
    %ne3A_17 = arith.cmpi ne, %rem3A, %ne3A_16 : i32
    %and3A = arith.andi %ne3A, %ne3A_17 : i1
    %sub3A = arith.constant 1 : i32
    %sub3A_18 = arith.subi %div3A, %sub3A : i32
    %select_n3A = arith.select %and3A, %sub3A_18, %div3A : i32
    %c0_i32 = arith.constant 0 : i32
    %c0_i32_19 = arith.constant 0 : i32
    return %c0_i32, %select_n3A : i32, i32
  }
  func.func @transform_39(%arg0: i32, %arg1: memref<1024xi32, #tpu.memory_space<smem>>, %arg2: memref<1024xi32, #tpu.memory_space<smem>>) -> (i32, i32) {
    %mul3A = arith.constant 64 : i32
    %mul3A_0 = arith.muli %arg0, %mul3A : i32
    %add3A = arith.constant 37 : i32
    %add3A_1 = arith.addi %mul3A_0, %add3A : i32
    %get3A = arith.index_cast %add3A_1 : i32 to index
    %get3A_2 = memref.load %arg1[%get3A] : memref<1024xi32, #tpu.memory_space<smem>>
    %jit3A = arith.constant 128 : i32
    %div3A = arith.divsi %get3A_2, %jit3A : i32
    %sign3A = arith.constant 0 : i32
    %sign3A_3 = arith.cmpi sgt, %get3A_2, %sign3A : i32
    %sign3A_4 = arith.extui %sign3A_3 : i1 to i32
    %sign3A_5 = arith.constant 0 : i32
    %sign3A_6 = arith.cmpi slt, %get3A_2, %sign3A_5 : i32
    %sign3A_7 = arith.extui %sign3A_6 : i1 to i32
    %sign3A_8 = arith.subi %sign3A_4, %sign3A_7 : i32
    %sign3A_9 = arith.constant 0 : i32
    %sign3A_10 = arith.cmpi sgt, %jit3A, %sign3A_9 : i32
    %sign3A_11 = arith.extui %sign3A_10 : i1 to i32
    %sign3A_12 = arith.constant 0 : i32
    %sign3A_13 = arith.cmpi slt, %jit3A, %sign3A_12 : i32
    %sign3A_14 = arith.extui %sign3A_13 : i1 to i32
    %sign3A_15 = arith.subi %sign3A_11, %sign3A_14 : i32
    %ne3A = arith.cmpi ne, %sign3A_8, %sign3A_15 : i32
    %rem3A = arith.remsi %get3A_2, %jit3A : i32
    %ne3A_16 = arith.constant 0 : i32
    %ne3A_17 = arith.cmpi ne, %rem3A, %ne3A_16 : i32
    %and3A = arith.andi %ne3A, %ne3A_17 : i1
    %sub3A = arith.constant 1 : i32
    %sub3A_18 = arith.subi %div3A, %sub3A : i32
    %select_n3A = arith.select %and3A, %sub3A_18, %div3A : i32
    %c0_i32 = arith.constant 0 : i32
    %c0_i32_19 = arith.constant 0 : i32
    return %c0_i32, %select_n3A : i32, i32
  }
  func.func @transform_40(%arg0: i32, %arg1: memref<1024xi32, #tpu.memory_space<smem>>, %arg2: memref<1024xi32, #tpu.memory_space<smem>>) -> (i32, i32) {
    %mul3A = arith.constant 64 : i32
    %mul3A_0 = arith.muli %arg0, %mul3A : i32
    %add3A = arith.constant 38 : i32
    %add3A_1 = arith.addi %mul3A_0, %add3A : i32
    %get3A = arith.index_cast %add3A_1 : i32 to index
    %get3A_2 = memref.load %arg1[%get3A] : memref<1024xi32, #tpu.memory_space<smem>>
    %jit3A = arith.constant 128 : i32
    %div3A = arith.divsi %get3A_2, %jit3A : i32
    %sign3A = arith.constant 0 : i32
    %sign3A_3 = arith.cmpi sgt, %get3A_2, %sign3A : i32
    %sign3A_4 = arith.extui %sign3A_3 : i1 to i32
    %sign3A_5 = arith.constant 0 : i32
    %sign3A_6 = arith.cmpi slt, %get3A_2, %sign3A_5 : i32
    %sign3A_7 = arith.extui %sign3A_6 : i1 to i32
    %sign3A_8 = arith.subi %sign3A_4, %sign3A_7 : i32
    %sign3A_9 = arith.constant 0 : i32
    %sign3A_10 = arith.cmpi sgt, %jit3A, %sign3A_9 : i32
    %sign3A_11 = arith.extui %sign3A_10 : i1 to i32
    %sign3A_12 = arith.constant 0 : i32
    %sign3A_13 = arith.cmpi slt, %jit3A, %sign3A_12 : i32
    %sign3A_14 = arith.extui %sign3A_13 : i1 to i32
    %sign3A_15 = arith.subi %sign3A_11, %sign3A_14 : i32
    %ne3A = arith.cmpi ne, %sign3A_8, %sign3A_15 : i32
    %rem3A = arith.remsi %get3A_2, %jit3A : i32
    %ne3A_16 = arith.constant 0 : i32
    %ne3A_17 = arith.cmpi ne, %rem3A, %ne3A_16 : i32
    %and3A = arith.andi %ne3A, %ne3A_17 : i1
    %sub3A = arith.constant 1 : i32
    %sub3A_18 = arith.subi %div3A, %sub3A : i32
    %select_n3A = arith.select %and3A, %sub3A_18, %div3A : i32
    %c0_i32 = arith.constant 0 : i32
    %c0_i32_19 = arith.constant 0 : i32
    return %c0_i32, %select_n3A : i32, i32
  }
  func.func @transform_41(%arg0: i32, %arg1: memref<1024xi32, #tpu.memory_space<smem>>, %arg2: memref<1024xi32, #tpu.memory_space<smem>>) -> (i32, i32) {
    %mul3A = arith.constant 64 : i32
    %mul3A_0 = arith.muli %arg0, %mul3A : i32
    %add3A = arith.constant 39 : i32
    %add3A_1 = arith.addi %mul3A_0, %add3A : i32
    %get3A = arith.index_cast %add3A_1 : i32 to index
    %get3A_2 = memref.load %arg1[%get3A] : memref<1024xi32, #tpu.memory_space<smem>>
    %jit3A = arith.constant 128 : i32
    %div3A = arith.divsi %get3A_2, %jit3A : i32
    %sign3A = arith.constant 0 : i32
    %sign3A_3 = arith.cmpi sgt, %get3A_2, %sign3A : i32
    %sign3A_4 = arith.extui %sign3A_3 : i1 to i32
    %sign3A_5 = arith.constant 0 : i32
    %sign3A_6 = arith.cmpi slt, %get3A_2, %sign3A_5 : i32
    %sign3A_7 = arith.extui %sign3A_6 : i1 to i32
    %sign3A_8 = arith.subi %sign3A_4, %sign3A_7 : i32
    %sign3A_9 = arith.constant 0 : i32
    %sign3A_10 = arith.cmpi sgt, %jit3A, %sign3A_9 : i32
    %sign3A_11 = arith.extui %sign3A_10 : i1 to i32
    %sign3A_12 = arith.constant 0 : i32
    %sign3A_13 = arith.cmpi slt, %jit3A, %sign3A_12 : i32
    %sign3A_14 = arith.extui %sign3A_13 : i1 to i32
    %sign3A_15 = arith.subi %sign3A_11, %sign3A_14 : i32
    %ne3A = arith.cmpi ne, %sign3A_8, %sign3A_15 : i32
    %rem3A = arith.remsi %get3A_2, %jit3A : i32
    %ne3A_16 = arith.constant 0 : i32
    %ne3A_17 = arith.cmpi ne, %rem3A, %ne3A_16 : i32
    %and3A = arith.andi %ne3A, %ne3A_17 : i1
    %sub3A = arith.constant 1 : i32
    %sub3A_18 = arith.subi %div3A, %sub3A : i32
    %select_n3A = arith.select %and3A, %sub3A_18, %div3A : i32
    %c0_i32 = arith.constant 0 : i32
    %c0_i32_19 = arith.constant 0 : i32
    return %c0_i32, %select_n3A : i32, i32
  }
  func.func @transform_42(%arg0: i32, %arg1: memref<1024xi32, #tpu.memory_space<smem>>, %arg2: memref<1024xi32, #tpu.memory_space<smem>>) -> (i32, i32) {
    %mul3A = arith.constant 64 : i32
    %mul3A_0 = arith.muli %arg0, %mul3A : i32
    %add3A = arith.constant 40 : i32
    %add3A_1 = arith.addi %mul3A_0, %add3A : i32
    %get3A = arith.index_cast %add3A_1 : i32 to index
    %get3A_2 = memref.load %arg1[%get3A] : memref<1024xi32, #tpu.memory_space<smem>>
    %jit3A = arith.constant 128 : i32
    %div3A = arith.divsi %get3A_2, %jit3A : i32
    %sign3A = arith.constant 0 : i32
    %sign3A_3 = arith.cmpi sgt, %get3A_2, %sign3A : i32
    %sign3A_4 = arith.extui %sign3A_3 : i1 to i32
    %sign3A_5 = arith.constant 0 : i32
    %sign3A_6 = arith.cmpi slt, %get3A_2, %sign3A_5 : i32
    %sign3A_7 = arith.extui %sign3A_6 : i1 to i32
    %sign3A_8 = arith.subi %sign3A_4, %sign3A_7 : i32
    %sign3A_9 = arith.constant 0 : i32
    %sign3A_10 = arith.cmpi sgt, %jit3A, %sign3A_9 : i32
    %sign3A_11 = arith.extui %sign3A_10 : i1 to i32
    %sign3A_12 = arith.constant 0 : i32
    %sign3A_13 = arith.cmpi slt, %jit3A, %sign3A_12 : i32
    %sign3A_14 = arith.extui %sign3A_13 : i1 to i32
    %sign3A_15 = arith.subi %sign3A_11, %sign3A_14 : i32
    %ne3A = arith.cmpi ne, %sign3A_8, %sign3A_15 : i32
    %rem3A = arith.remsi %get3A_2, %jit3A : i32
    %ne3A_16 = arith.constant 0 : i32
    %ne3A_17 = arith.cmpi ne, %rem3A, %ne3A_16 : i32
    %and3A = arith.andi %ne3A, %ne3A_17 : i1
    %sub3A = arith.constant 1 : i32
    %sub3A_18 = arith.subi %div3A, %sub3A : i32
    %select_n3A = arith.select %and3A, %sub3A_18, %div3A : i32
    %c0_i32 = arith.constant 0 : i32
    %c0_i32_19 = arith.constant 0 : i32
    return %c0_i32, %select_n3A : i32, i32
  }
  func.func @transform_43(%arg0: i32, %arg1: memref<1024xi32, #tpu.memory_space<smem>>, %arg2: memref<1024xi32, #tpu.memory_space<smem>>) -> (i32, i32) {
    %mul3A = arith.constant 64 : i32
    %mul3A_0 = arith.muli %arg0, %mul3A : i32
    %add3A = arith.constant 41 : i32
    %add3A_1 = arith.addi %mul3A_0, %add3A : i32
    %get3A = arith.index_cast %add3A_1 : i32 to index
    %get3A_2 = memref.load %arg1[%get3A] : memref<1024xi32, #tpu.memory_space<smem>>
    %jit3A = arith.constant 128 : i32
    %div3A = arith.divsi %get3A_2, %jit3A : i32
    %sign3A = arith.constant 0 : i32
    %sign3A_3 = arith.cmpi sgt, %get3A_2, %sign3A : i32
    %sign3A_4 = arith.extui %sign3A_3 : i1 to i32
    %sign3A_5 = arith.constant 0 : i32
    %sign3A_6 = arith.cmpi slt, %get3A_2, %sign3A_5 : i32
    %sign3A_7 = arith.extui %sign3A_6 : i1 to i32
    %sign3A_8 = arith.subi %sign3A_4, %sign3A_7 : i32
    %sign3A_9 = arith.constant 0 : i32
    %sign3A_10 = arith.cmpi sgt, %jit3A, %sign3A_9 : i32
    %sign3A_11 = arith.extui %sign3A_10 : i1 to i32
    %sign3A_12 = arith.constant 0 : i32
    %sign3A_13 = arith.cmpi slt, %jit3A, %sign3A_12 : i32
    %sign3A_14 = arith.extui %sign3A_13 : i1 to i32
    %sign3A_15 = arith.subi %sign3A_11, %sign3A_14 : i32
    %ne3A = arith.cmpi ne, %sign3A_8, %sign3A_15 : i32
    %rem3A = arith.remsi %get3A_2, %jit3A : i32
    %ne3A_16 = arith.constant 0 : i32
    %ne3A_17 = arith.cmpi ne, %rem3A, %ne3A_16 : i32
    %and3A = arith.andi %ne3A, %ne3A_17 : i1
    %sub3A = arith.constant 1 : i32
    %sub3A_18 = arith.subi %div3A, %sub3A : i32
    %select_n3A = arith.select %and3A, %sub3A_18, %div3A : i32
    %c0_i32 = arith.constant 0 : i32
    %c0_i32_19 = arith.constant 0 : i32
    return %c0_i32, %select_n3A : i32, i32
  }
  func.func @transform_44(%arg0: i32, %arg1: memref<1024xi32, #tpu.memory_space<smem>>, %arg2: memref<1024xi32, #tpu.memory_space<smem>>) -> (i32, i32) {
    %mul3A = arith.constant 64 : i32
    %mul3A_0 = arith.muli %arg0, %mul3A : i32
    %add3A = arith.constant 42 : i32
    %add3A_1 = arith.addi %mul3A_0, %add3A : i32
    %get3A = arith.index_cast %add3A_1 : i32 to index
    %get3A_2 = memref.load %arg1[%get3A] : memref<1024xi32, #tpu.memory_space<smem>>
    %jit3A = arith.constant 128 : i32
    %div3A = arith.divsi %get3A_2, %jit3A : i32
    %sign3A = arith.constant 0 : i32
    %sign3A_3 = arith.cmpi sgt, %get3A_2, %sign3A : i32
    %sign3A_4 = arith.extui %sign3A_3 : i1 to i32
    %sign3A_5 = arith.constant 0 : i32
    %sign3A_6 = arith.cmpi slt, %get3A_2, %sign3A_5 : i32
    %sign3A_7 = arith.extui %sign3A_6 : i1 to i32
    %sign3A_8 = arith.subi %sign3A_4, %sign3A_7 : i32
    %sign3A_9 = arith.constant 0 : i32
    %sign3A_10 = arith.cmpi sgt, %jit3A, %sign3A_9 : i32
    %sign3A_11 = arith.extui %sign3A_10 : i1 to i32
    %sign3A_12 = arith.constant 0 : i32
    %sign3A_13 = arith.cmpi slt, %jit3A, %sign3A_12 : i32
    %sign3A_14 = arith.extui %sign3A_13 : i1 to i32
    %sign3A_15 = arith.subi %sign3A_11, %sign3A_14 : i32
    %ne3A = arith.cmpi ne, %sign3A_8, %sign3A_15 : i32
    %rem3A = arith.remsi %get3A_2, %jit3A : i32
    %ne3A_16 = arith.constant 0 : i32
    %ne3A_17 = arith.cmpi ne, %rem3A, %ne3A_16 : i32
    %and3A = arith.andi %ne3A, %ne3A_17 : i1
    %sub3A = arith.constant 1 : i32
    %sub3A_18 = arith.subi %div3A, %sub3A : i32
    %select_n3A = arith.select %and3A, %sub3A_18, %div3A : i32
    %c0_i32 = arith.constant 0 : i32
    %c0_i32_19 = arith.constant 0 : i32
    return %c0_i32, %select_n3A : i32, i32
  }
  func.func @transform_45(%arg0: i32, %arg1: memref<1024xi32, #tpu.memory_space<smem>>, %arg2: memref<1024xi32, #tpu.memory_space<smem>>) -> (i32, i32) {
    %mul3A = arith.constant 64 : i32
    %mul3A_0 = arith.muli %arg0, %mul3A : i32
    %add3A = arith.constant 43 : i32
    %add3A_1 = arith.addi %mul3A_0, %add3A : i32
    %get3A = arith.index_cast %add3A_1 : i32 to index
    %get3A_2 = memref.load %arg1[%get3A] : memref<1024xi32, #tpu.memory_space<smem>>
    %jit3A = arith.constant 128 : i32
    %div3A = arith.divsi %get3A_2, %jit3A : i32
    %sign3A = arith.constant 0 : i32
    %sign3A_3 = arith.cmpi sgt, %get3A_2, %sign3A : i32
    %sign3A_4 = arith.extui %sign3A_3 : i1 to i32
    %sign3A_5 = arith.constant 0 : i32
    %sign3A_6 = arith.cmpi slt, %get3A_2, %sign3A_5 : i32
    %sign3A_7 = arith.extui %sign3A_6 : i1 to i32
    %sign3A_8 = arith.subi %sign3A_4, %sign3A_7 : i32
    %sign3A_9 = arith.constant 0 : i32
    %sign3A_10 = arith.cmpi sgt, %jit3A, %sign3A_9 : i32
    %sign3A_11 = arith.extui %sign3A_10 : i1 to i32
    %sign3A_12 = arith.constant 0 : i32
    %sign3A_13 = arith.cmpi slt, %jit3A, %sign3A_12 : i32
    %sign3A_14 = arith.extui %sign3A_13 : i1 to i32
    %sign3A_15 = arith.subi %sign3A_11, %sign3A_14 : i32
    %ne3A = arith.cmpi ne, %sign3A_8, %sign3A_15 : i32
    %rem3A = arith.remsi %get3A_2, %jit3A : i32
    %ne3A_16 = arith.constant 0 : i32
    %ne3A_17 = arith.cmpi ne, %rem3A, %ne3A_16 : i32
    %and3A = arith.andi %ne3A, %ne3A_17 : i1
    %sub3A = arith.constant 1 : i32
    %sub3A_18 = arith.subi %div3A, %sub3A : i32
    %select_n3A = arith.select %and3A, %sub3A_18, %div3A : i32
    %c0_i32 = arith.constant 0 : i32
    %c0_i32_19 = arith.constant 0 : i32
    return %c0_i32, %select_n3A : i32, i32
  }
  func.func @transform_46(%arg0: i32, %arg1: memref<1024xi32, #tpu.memory_space<smem>>, %arg2: memref<1024xi32, #tpu.memory_space<smem>>) -> (i32, i32) {
    %mul3A = arith.constant 64 : i32
    %mul3A_0 = arith.muli %arg0, %mul3A : i32
    %add3A = arith.constant 44 : i32
    %add3A_1 = arith.addi %mul3A_0, %add3A : i32
    %get3A = arith.index_cast %add3A_1 : i32 to index
    %get3A_2 = memref.load %arg1[%get3A] : memref<1024xi32, #tpu.memory_space<smem>>
    %jit3A = arith.constant 128 : i32
    %div3A = arith.divsi %get3A_2, %jit3A : i32
    %sign3A = arith.constant 0 : i32
    %sign3A_3 = arith.cmpi sgt, %get3A_2, %sign3A : i32
    %sign3A_4 = arith.extui %sign3A_3 : i1 to i32
    %sign3A_5 = arith.constant 0 : i32
    %sign3A_6 = arith.cmpi slt, %get3A_2, %sign3A_5 : i32
    %sign3A_7 = arith.extui %sign3A_6 : i1 to i32
    %sign3A_8 = arith.subi %sign3A_4, %sign3A_7 : i32
    %sign3A_9 = arith.constant 0 : i32
    %sign3A_10 = arith.cmpi sgt, %jit3A, %sign3A_9 : i32
    %sign3A_11 = arith.extui %sign3A_10 : i1 to i32
    %sign3A_12 = arith.constant 0 : i32
    %sign3A_13 = arith.cmpi slt, %jit3A, %sign3A_12 : i32
    %sign3A_14 = arith.extui %sign3A_13 : i1 to i32
    %sign3A_15 = arith.subi %sign3A_11, %sign3A_14 : i32
    %ne3A = arith.cmpi ne, %sign3A_8, %sign3A_15 : i32
    %rem3A = arith.remsi %get3A_2, %jit3A : i32
    %ne3A_16 = arith.constant 0 : i32
    %ne3A_17 = arith.cmpi ne, %rem3A, %ne3A_16 : i32
    %and3A = arith.andi %ne3A, %ne3A_17 : i1
    %sub3A = arith.constant 1 : i32
    %sub3A_18 = arith.subi %div3A, %sub3A : i32
    %select_n3A = arith.select %and3A, %sub3A_18, %div3A : i32
    %c0_i32 = arith.constant 0 : i32
    %c0_i32_19 = arith.constant 0 : i32
    return %c0_i32, %select_n3A : i32, i32
  }
  func.func @transform_47(%arg0: i32, %arg1: memref<1024xi32, #tpu.memory_space<smem>>, %arg2: memref<1024xi32, #tpu.memory_space<smem>>) -> (i32, i32) {
    %mul3A = arith.constant 64 : i32
    %mul3A_0 = arith.muli %arg0, %mul3A : i32
    %add3A = arith.constant 45 : i32
    %add3A_1 = arith.addi %mul3A_0, %add3A : i32
    %get3A = arith.index_cast %add3A_1 : i32 to index
    %get3A_2 = memref.load %arg1[%get3A] : memref<1024xi32, #tpu.memory_space<smem>>
    %jit3A = arith.constant 128 : i32
    %div3A = arith.divsi %get3A_2, %jit3A : i32
    %sign3A = arith.constant 0 : i32
    %sign3A_3 = arith.cmpi sgt, %get3A_2, %sign3A : i32
    %sign3A_4 = arith.extui %sign3A_3 : i1 to i32
    %sign3A_5 = arith.constant 0 : i32
    %sign3A_6 = arith.cmpi slt, %get3A_2, %sign3A_5 : i32
    %sign3A_7 = arith.extui %sign3A_6 : i1 to i32
    %sign3A_8 = arith.subi %sign3A_4, %sign3A_7 : i32
    %sign3A_9 = arith.constant 0 : i32
    %sign3A_10 = arith.cmpi sgt, %jit3A, %sign3A_9 : i32
    %sign3A_11 = arith.extui %sign3A_10 : i1 to i32
    %sign3A_12 = arith.constant 0 : i32
    %sign3A_13 = arith.cmpi slt, %jit3A, %sign3A_12 : i32
    %sign3A_14 = arith.extui %sign3A_13 : i1 to i32
    %sign3A_15 = arith.subi %sign3A_11, %sign3A_14 : i32
    %ne3A = arith.cmpi ne, %sign3A_8, %sign3A_15 : i32
    %rem3A = arith.remsi %get3A_2, %jit3A : i32
    %ne3A_16 = arith.constant 0 : i32
    %ne3A_17 = arith.cmpi ne, %rem3A, %ne3A_16 : i32
    %and3A = arith.andi %ne3A, %ne3A_17 : i1
    %sub3A = arith.constant 1 : i32
    %sub3A_18 = arith.subi %div3A, %sub3A : i32
    %select_n3A = arith.select %and3A, %sub3A_18, %div3A : i32
    %c0_i32 = arith.constant 0 : i32
    %c0_i32_19 = arith.constant 0 : i32
    return %c0_i32, %select_n3A : i32, i32
  }
  func.func @transform_48(%arg0: i32, %arg1: memref<1024xi32, #tpu.memory_space<smem>>, %arg2: memref<1024xi32, #tpu.memory_space<smem>>) -> (i32, i32) {
    %mul3A = arith.constant 64 : i32
    %mul3A_0 = arith.muli %arg0, %mul3A : i32
    %add3A = arith.constant 46 : i32
    %add3A_1 = arith.addi %mul3A_0, %add3A : i32
    %get3A = arith.index_cast %add3A_1 : i32 to index
    %get3A_2 = memref.load %arg1[%get3A] : memref<1024xi32, #tpu.memory_space<smem>>
    %jit3A = arith.constant 128 : i32
    %div3A = arith.divsi %get3A_2, %jit3A : i32
    %sign3A = arith.constant 0 : i32
    %sign3A_3 = arith.cmpi sgt, %get3A_2, %sign3A : i32
    %sign3A_4 = arith.extui %sign3A_3 : i1 to i32
    %sign3A_5 = arith.constant 0 : i32
    %sign3A_6 = arith.cmpi slt, %get3A_2, %sign3A_5 : i32
    %sign3A_7 = arith.extui %sign3A_6 : i1 to i32
    %sign3A_8 = arith.subi %sign3A_4, %sign3A_7 : i32
    %sign3A_9 = arith.constant 0 : i32
    %sign3A_10 = arith.cmpi sgt, %jit3A, %sign3A_9 : i32
    %sign3A_11 = arith.extui %sign3A_10 : i1 to i32
    %sign3A_12 = arith.constant 0 : i32
    %sign3A_13 = arith.cmpi slt, %jit3A, %sign3A_12 : i32
    %sign3A_14 = arith.extui %sign3A_13 : i1 to i32
    %sign3A_15 = arith.subi %sign3A_11, %sign3A_14 : i32
    %ne3A = arith.cmpi ne, %sign3A_8, %sign3A_15 : i32
    %rem3A = arith.remsi %get3A_2, %jit3A : i32
    %ne3A_16 = arith.constant 0 : i32
    %ne3A_17 = arith.cmpi ne, %rem3A, %ne3A_16 : i32
    %and3A = arith.andi %ne3A, %ne3A_17 : i1
    %sub3A = arith.constant 1 : i32
    %sub3A_18 = arith.subi %div3A, %sub3A : i32
    %select_n3A = arith.select %and3A, %sub3A_18, %div3A : i32
    %c0_i32 = arith.constant 0 : i32
    %c0_i32_19 = arith.constant 0 : i32
    return %c0_i32, %select_n3A : i32, i32
  }
  func.func @transform_49(%arg0: i32, %arg1: memref<1024xi32, #tpu.memory_space<smem>>, %arg2: memref<1024xi32, #tpu.memory_space<smem>>) -> (i32, i32) {
    %mul3A = arith.constant 64 : i32
    %mul3A_0 = arith.muli %arg0, %mul3A : i32
    %add3A = arith.constant 47 : i32
    %add3A_1 = arith.addi %mul3A_0, %add3A : i32
    %get3A = arith.index_cast %add3A_1 : i32 to index
    %get3A_2 = memref.load %arg1[%get3A] : memref<1024xi32, #tpu.memory_space<smem>>
    %jit3A = arith.constant 128 : i32
    %div3A = arith.divsi %get3A_2, %jit3A : i32
    %sign3A = arith.constant 0 : i32
    %sign3A_3 = arith.cmpi sgt, %get3A_2, %sign3A : i32
    %sign3A_4 = arith.extui %sign3A_3 : i1 to i32
    %sign3A_5 = arith.constant 0 : i32
    %sign3A_6 = arith.cmpi slt, %get3A_2, %sign3A_5 : i32
    %sign3A_7 = arith.extui %sign3A_6 : i1 to i32
    %sign3A_8 = arith.subi %sign3A_4, %sign3A_7 : i32
    %sign3A_9 = arith.constant 0 : i32
    %sign3A_10 = arith.cmpi sgt, %jit3A, %sign3A_9 : i32
    %sign3A_11 = arith.extui %sign3A_10 : i1 to i32
    %sign3A_12 = arith.constant 0 : i32
    %sign3A_13 = arith.cmpi slt, %jit3A, %sign3A_12 : i32
    %sign3A_14 = arith.extui %sign3A_13 : i1 to i32
    %sign3A_15 = arith.subi %sign3A_11, %sign3A_14 : i32
    %ne3A = arith.cmpi ne, %sign3A_8, %sign3A_15 : i32
    %rem3A = arith.remsi %get3A_2, %jit3A : i32
    %ne3A_16 = arith.constant 0 : i32
    %ne3A_17 = arith.cmpi ne, %rem3A, %ne3A_16 : i32
    %and3A = arith.andi %ne3A, %ne3A_17 : i1
    %sub3A = arith.constant 1 : i32
    %sub3A_18 = arith.subi %div3A, %sub3A : i32
    %select_n3A = arith.select %and3A, %sub3A_18, %div3A : i32
    %c0_i32 = arith.constant 0 : i32
    %c0_i32_19 = arith.constant 0 : i32
    return %c0_i32, %select_n3A : i32, i32
  }
  func.func @transform_50(%arg0: i32, %arg1: memref<1024xi32, #tpu.memory_space<smem>>, %arg2: memref<1024xi32, #tpu.memory_space<smem>>) -> (i32, i32) {
    %mul3A = arith.constant 64 : i32
    %mul3A_0 = arith.muli %arg0, %mul3A : i32
    %add3A = arith.constant 48 : i32
    %add3A_1 = arith.addi %mul3A_0, %add3A : i32
    %get3A = arith.index_cast %add3A_1 : i32 to index
    %get3A_2 = memref.load %arg1[%get3A] : memref<1024xi32, #tpu.memory_space<smem>>
    %jit3A = arith.constant 128 : i32
    %div3A = arith.divsi %get3A_2, %jit3A : i32
    %sign3A = arith.constant 0 : i32
    %sign3A_3 = arith.cmpi sgt, %get3A_2, %sign3A : i32
    %sign3A_4 = arith.extui %sign3A_3 : i1 to i32
    %sign3A_5 = arith.constant 0 : i32
    %sign3A_6 = arith.cmpi slt, %get3A_2, %sign3A_5 : i32
    %sign3A_7 = arith.extui %sign3A_6 : i1 to i32
    %sign3A_8 = arith.subi %sign3A_4, %sign3A_7 : i32
    %sign3A_9 = arith.constant 0 : i32
    %sign3A_10 = arith.cmpi sgt, %jit3A, %sign3A_9 : i32
    %sign3A_11 = arith.extui %sign3A_10 : i1 to i32
    %sign3A_12 = arith.constant 0 : i32
    %sign3A_13 = arith.cmpi slt, %jit3A, %sign3A_12 : i32
    %sign3A_14 = arith.extui %sign3A_13 : i1 to i32
    %sign3A_15 = arith.subi %sign3A_11, %sign3A_14 : i32
    %ne3A = arith.cmpi ne, %sign3A_8, %sign3A_15 : i32
    %rem3A = arith.remsi %get3A_2, %jit3A : i32
    %ne3A_16 = arith.constant 0 : i32
    %ne3A_17 = arith.cmpi ne, %rem3A, %ne3A_16 : i32
    %and3A = arith.andi %ne3A, %ne3A_17 : i1
    %sub3A = arith.constant 1 : i32
    %sub3A_18 = arith.subi %div3A, %sub3A : i32
    %select_n3A = arith.select %and3A, %sub3A_18, %div3A : i32
    %c0_i32 = arith.constant 0 : i32
    %c0_i32_19 = arith.constant 0 : i32
    return %c0_i32, %select_n3A : i32, i32
  }
  func.func @transform_51(%arg0: i32, %arg1: memref<1024xi32, #tpu.memory_space<smem>>, %arg2: memref<1024xi32, #tpu.memory_space<smem>>) -> (i32, i32) {
    %mul3A = arith.constant 64 : i32
    %mul3A_0 = arith.muli %arg0, %mul3A : i32
    %add3A = arith.constant 49 : i32
    %add3A_1 = arith.addi %mul3A_0, %add3A : i32
    %get3A = arith.index_cast %add3A_1 : i32 to index
    %get3A_2 = memref.load %arg1[%get3A] : memref<1024xi32, #tpu.memory_space<smem>>
    %jit3A = arith.constant 128 : i32
    %div3A = arith.divsi %get3A_2, %jit3A : i32
    %sign3A = arith.constant 0 : i32
    %sign3A_3 = arith.cmpi sgt, %get3A_2, %sign3A : i32
    %sign3A_4 = arith.extui %sign3A_3 : i1 to i32
    %sign3A_5 = arith.constant 0 : i32
    %sign3A_6 = arith.cmpi slt, %get3A_2, %sign3A_5 : i32
    %sign3A_7 = arith.extui %sign3A_6 : i1 to i32
    %sign3A_8 = arith.subi %sign3A_4, %sign3A_7 : i32
    %sign3A_9 = arith.constant 0 : i32
    %sign3A_10 = arith.cmpi sgt, %jit3A, %sign3A_9 : i32
    %sign3A_11 = arith.extui %sign3A_10 : i1 to i32
    %sign3A_12 = arith.constant 0 : i32
    %sign3A_13 = arith.cmpi slt, %jit3A, %sign3A_12 : i32
    %sign3A_14 = arith.extui %sign3A_13 : i1 to i32
    %sign3A_15 = arith.subi %sign3A_11, %sign3A_14 : i32
    %ne3A = arith.cmpi ne, %sign3A_8, %sign3A_15 : i32
    %rem3A = arith.remsi %get3A_2, %jit3A : i32
    %ne3A_16 = arith.constant 0 : i32
    %ne3A_17 = arith.cmpi ne, %rem3A, %ne3A_16 : i32
    %and3A = arith.andi %ne3A, %ne3A_17 : i1
    %sub3A = arith.constant 1 : i32
    %sub3A_18 = arith.subi %div3A, %sub3A : i32
    %select_n3A = arith.select %and3A, %sub3A_18, %div3A : i32
    %c0_i32 = arith.constant 0 : i32
    %c0_i32_19 = arith.constant 0 : i32
    return %c0_i32, %select_n3A : i32, i32
  }
  func.func @transform_52(%arg0: i32, %arg1: memref<1024xi32, #tpu.memory_space<smem>>, %arg2: memref<1024xi32, #tpu.memory_space<smem>>) -> (i32, i32) {
    %mul3A = arith.constant 64 : i32
    %mul3A_0 = arith.muli %arg0, %mul3A : i32
    %add3A = arith.constant 50 : i32
    %add3A_1 = arith.addi %mul3A_0, %add3A : i32
    %get3A = arith.index_cast %add3A_1 : i32 to index
    %get3A_2 = memref.load %arg1[%get3A] : memref<1024xi32, #tpu.memory_space<smem>>
    %jit3A = arith.constant 128 : i32
    %div3A = arith.divsi %get3A_2, %jit3A : i32
    %sign3A = arith.constant 0 : i32
    %sign3A_3 = arith.cmpi sgt, %get3A_2, %sign3A : i32
    %sign3A_4 = arith.extui %sign3A_3 : i1 to i32
    %sign3A_5 = arith.constant 0 : i32
    %sign3A_6 = arith.cmpi slt, %get3A_2, %sign3A_5 : i32
    %sign3A_7 = arith.extui %sign3A_6 : i1 to i32
    %sign3A_8 = arith.subi %sign3A_4, %sign3A_7 : i32
    %sign3A_9 = arith.constant 0 : i32
    %sign3A_10 = arith.cmpi sgt, %jit3A, %sign3A_9 : i32
    %sign3A_11 = arith.extui %sign3A_10 : i1 to i32
    %sign3A_12 = arith.constant 0 : i32
    %sign3A_13 = arith.cmpi slt, %jit3A, %sign3A_12 : i32
    %sign3A_14 = arith.extui %sign3A_13 : i1 to i32
    %sign3A_15 = arith.subi %sign3A_11, %sign3A_14 : i32
    %ne3A = arith.cmpi ne, %sign3A_8, %sign3A_15 : i32
    %rem3A = arith.remsi %get3A_2, %jit3A : i32
    %ne3A_16 = arith.constant 0 : i32
    %ne3A_17 = arith.cmpi ne, %rem3A, %ne3A_16 : i32
    %and3A = arith.andi %ne3A, %ne3A_17 : i1
    %sub3A = arith.constant 1 : i32
    %sub3A_18 = arith.subi %div3A, %sub3A : i32
    %select_n3A = arith.select %and3A, %sub3A_18, %div3A : i32
    %c0_i32 = arith.constant 0 : i32
    %c0_i32_19 = arith.constant 0 : i32
    return %c0_i32, %select_n3A : i32, i32
  }
  func.func @transform_53(%arg0: i32, %arg1: memref<1024xi32, #tpu.memory_space<smem>>, %arg2: memref<1024xi32, #tpu.memory_space<smem>>) -> (i32, i32) {
    %mul3A = arith.constant 64 : i32
    %mul3A_0 = arith.muli %arg0, %mul3A : i32
    %add3A = arith.constant 51 : i32
    %add3A_1 = arith.addi %mul3A_0, %add3A : i32
    %get3A = arith.index_cast %add3A_1 : i32 to index
    %get3A_2 = memref.load %arg1[%get3A] : memref<1024xi32, #tpu.memory_space<smem>>
    %jit3A = arith.constant 128 : i32
    %div3A = arith.divsi %get3A_2, %jit3A : i32
    %sign3A = arith.constant 0 : i32
    %sign3A_3 = arith.cmpi sgt, %get3A_2, %sign3A : i32
    %sign3A_4 = arith.extui %sign3A_3 : i1 to i32
    %sign3A_5 = arith.constant 0 : i32
    %sign3A_6 = arith.cmpi slt, %get3A_2, %sign3A_5 : i32
    %sign3A_7 = arith.extui %sign3A_6 : i1 to i32
    %sign3A_8 = arith.subi %sign3A_4, %sign3A_7 : i32
    %sign3A_9 = arith.constant 0 : i32
    %sign3A_10 = arith.cmpi sgt, %jit3A, %sign3A_9 : i32
    %sign3A_11 = arith.extui %sign3A_10 : i1 to i32
    %sign3A_12 = arith.constant 0 : i32
    %sign3A_13 = arith.cmpi slt, %jit3A, %sign3A_12 : i32
    %sign3A_14 = arith.extui %sign3A_13 : i1 to i32
    %sign3A_15 = arith.subi %sign3A_11, %sign3A_14 : i32
    %ne3A = arith.cmpi ne, %sign3A_8, %sign3A_15 : i32
    %rem3A = arith.remsi %get3A_2, %jit3A : i32
    %ne3A_16 = arith.constant 0 : i32
    %ne3A_17 = arith.cmpi ne, %rem3A, %ne3A_16 : i32
    %and3A = arith.andi %ne3A, %ne3A_17 : i1
    %sub3A = arith.constant 1 : i32
    %sub3A_18 = arith.subi %div3A, %sub3A : i32
    %select_n3A = arith.select %and3A, %sub3A_18, %div3A : i32
    %c0_i32 = arith.constant 0 : i32
    %c0_i32_19 = arith.constant 0 : i32
    return %c0_i32, %select_n3A : i32, i32
  }
  func.func @transform_54(%arg0: i32, %arg1: memref<1024xi32, #tpu.memory_space<smem>>, %arg2: memref<1024xi32, #tpu.memory_space<smem>>) -> (i32, i32) {
    %mul3A = arith.constant 64 : i32
    %mul3A_0 = arith.muli %arg0, %mul3A : i32
    %add3A = arith.constant 52 : i32
    %add3A_1 = arith.addi %mul3A_0, %add3A : i32
    %get3A = arith.index_cast %add3A_1 : i32 to index
    %get3A_2 = memref.load %arg1[%get3A] : memref<1024xi32, #tpu.memory_space<smem>>
    %jit3A = arith.constant 128 : i32
    %div3A = arith.divsi %get3A_2, %jit3A : i32
    %sign3A = arith.constant 0 : i32
    %sign3A_3 = arith.cmpi sgt, %get3A_2, %sign3A : i32
    %sign3A_4 = arith.extui %sign3A_3 : i1 to i32
    %sign3A_5 = arith.constant 0 : i32
    %sign3A_6 = arith.cmpi slt, %get3A_2, %sign3A_5 : i32
    %sign3A_7 = arith.extui %sign3A_6 : i1 to i32
    %sign3A_8 = arith.subi %sign3A_4, %sign3A_7 : i32
    %sign3A_9 = arith.constant 0 : i32
    %sign3A_10 = arith.cmpi sgt, %jit3A, %sign3A_9 : i32
    %sign3A_11 = arith.extui %sign3A_10 : i1 to i32
    %sign3A_12 = arith.constant 0 : i32
    %sign3A_13 = arith.cmpi slt, %jit3A, %sign3A_12 : i32
    %sign3A_14 = arith.extui %sign3A_13 : i1 to i32
    %sign3A_15 = arith.subi %sign3A_11, %sign3A_14 : i32
    %ne3A = arith.cmpi ne, %sign3A_8, %sign3A_15 : i32
    %rem3A = arith.remsi %get3A_2, %jit3A : i32
    %ne3A_16 = arith.constant 0 : i32
    %ne3A_17 = arith.cmpi ne, %rem3A, %ne3A_16 : i32
    %and3A = arith.andi %ne3A, %ne3A_17 : i1
    %sub3A = arith.constant 1 : i32
    %sub3A_18 = arith.subi %div3A, %sub3A : i32
    %select_n3A = arith.select %and3A, %sub3A_18, %div3A : i32
    %c0_i32 = arith.constant 0 : i32
    %c0_i32_19 = arith.constant 0 : i32
    return %c0_i32, %select_n3A : i32, i32
  }
  func.func @transform_55(%arg0: i32, %arg1: memref<1024xi32, #tpu.memory_space<smem>>, %arg2: memref<1024xi32, #tpu.memory_space<smem>>) -> (i32, i32) {
    %mul3A = arith.constant 64 : i32
    %mul3A_0 = arith.muli %arg0, %mul3A : i32
    %add3A = arith.constant 53 : i32
    %add3A_1 = arith.addi %mul3A_0, %add3A : i32
    %get3A = arith.index_cast %add3A_1 : i32 to index
    %get3A_2 = memref.load %arg1[%get3A] : memref<1024xi32, #tpu.memory_space<smem>>
    %jit3A = arith.constant 128 : i32
    %div3A = arith.divsi %get3A_2, %jit3A : i32
    %sign3A = arith.constant 0 : i32
    %sign3A_3 = arith.cmpi sgt, %get3A_2, %sign3A : i32
    %sign3A_4 = arith.extui %sign3A_3 : i1 to i32
    %sign3A_5 = arith.constant 0 : i32
    %sign3A_6 = arith.cmpi slt, %get3A_2, %sign3A_5 : i32
    %sign3A_7 = arith.extui %sign3A_6 : i1 to i32
    %sign3A_8 = arith.subi %sign3A_4, %sign3A_7 : i32
    %sign3A_9 = arith.constant 0 : i32
    %sign3A_10 = arith.cmpi sgt, %jit3A, %sign3A_9 : i32
    %sign3A_11 = arith.extui %sign3A_10 : i1 to i32
    %sign3A_12 = arith.constant 0 : i32
    %sign3A_13 = arith.cmpi slt, %jit3A, %sign3A_12 : i32
    %sign3A_14 = arith.extui %sign3A_13 : i1 to i32
    %sign3A_15 = arith.subi %sign3A_11, %sign3A_14 : i32
    %ne3A = arith.cmpi ne, %sign3A_8, %sign3A_15 : i32
    %rem3A = arith.remsi %get3A_2, %jit3A : i32
    %ne3A_16 = arith.constant 0 : i32
    %ne3A_17 = arith.cmpi ne, %rem3A, %ne3A_16 : i32
    %and3A = arith.andi %ne3A, %ne3A_17 : i1
    %sub3A = arith.constant 1 : i32
    %sub3A_18 = arith.subi %div3A, %sub3A : i32
    %select_n3A = arith.select %and3A, %sub3A_18, %div3A : i32
    %c0_i32 = arith.constant 0 : i32
    %c0_i32_19 = arith.constant 0 : i32
    return %c0_i32, %select_n3A : i32, i32
  }
  func.func @transform_56(%arg0: i32, %arg1: memref<1024xi32, #tpu.memory_space<smem>>, %arg2: memref<1024xi32, #tpu.memory_space<smem>>) -> (i32, i32) {
    %mul3A = arith.constant 64 : i32
    %mul3A_0 = arith.muli %arg0, %mul3A : i32
    %add3A = arith.constant 54 : i32
    %add3A_1 = arith.addi %mul3A_0, %add3A : i32
    %get3A = arith.index_cast %add3A_1 : i32 to index
    %get3A_2 = memref.load %arg1[%get3A] : memref<1024xi32, #tpu.memory_space<smem>>
    %jit3A = arith.constant 128 : i32
    %div3A = arith.divsi %get3A_2, %jit3A : i32
    %sign3A = arith.constant 0 : i32
    %sign3A_3 = arith.cmpi sgt, %get3A_2, %sign3A : i32
    %sign3A_4 = arith.extui %sign3A_3 : i1 to i32
    %sign3A_5 = arith.constant 0 : i32
    %sign3A_6 = arith.cmpi slt, %get3A_2, %sign3A_5 : i32
    %sign3A_7 = arith.extui %sign3A_6 : i1 to i32
    %sign3A_8 = arith.subi %sign3A_4, %sign3A_7 : i32
    %sign3A_9 = arith.constant 0 : i32
    %sign3A_10 = arith.cmpi sgt, %jit3A, %sign3A_9 : i32
    %sign3A_11 = arith.extui %sign3A_10 : i1 to i32
    %sign3A_12 = arith.constant 0 : i32
    %sign3A_13 = arith.cmpi slt, %jit3A, %sign3A_12 : i32
    %sign3A_14 = arith.extui %sign3A_13 : i1 to i32
    %sign3A_15 = arith.subi %sign3A_11, %sign3A_14 : i32
    %ne3A = arith.cmpi ne, %sign3A_8, %sign3A_15 : i32
    %rem3A = arith.remsi %get3A_2, %jit3A : i32
    %ne3A_16 = arith.constant 0 : i32
    %ne3A_17 = arith.cmpi ne, %rem3A, %ne3A_16 : i32
    %and3A = arith.andi %ne3A, %ne3A_17 : i1
    %sub3A = arith.constant 1 : i32
    %sub3A_18 = arith.subi %div3A, %sub3A : i32
    %select_n3A = arith.select %and3A, %sub3A_18, %div3A : i32
    %c0_i32 = arith.constant 0 : i32
    %c0_i32_19 = arith.constant 0 : i32
    return %c0_i32, %select_n3A : i32, i32
  }
  func.func @transform_57(%arg0: i32, %arg1: memref<1024xi32, #tpu.memory_space<smem>>, %arg2: memref<1024xi32, #tpu.memory_space<smem>>) -> (i32, i32) {
    %mul3A = arith.constant 64 : i32
    %mul3A_0 = arith.muli %arg0, %mul3A : i32
    %add3A = arith.constant 55 : i32
    %add3A_1 = arith.addi %mul3A_0, %add3A : i32
    %get3A = arith.index_cast %add3A_1 : i32 to index
    %get3A_2 = memref.load %arg1[%get3A] : memref<1024xi32, #tpu.memory_space<smem>>
    %jit3A = arith.constant 128 : i32
    %div3A = arith.divsi %get3A_2, %jit3A : i32
    %sign3A = arith.constant 0 : i32
    %sign3A_3 = arith.cmpi sgt, %get3A_2, %sign3A : i32
    %sign3A_4 = arith.extui %sign3A_3 : i1 to i32
    %sign3A_5 = arith.constant 0 : i32
    %sign3A_6 = arith.cmpi slt, %get3A_2, %sign3A_5 : i32
    %sign3A_7 = arith.extui %sign3A_6 : i1 to i32
    %sign3A_8 = arith.subi %sign3A_4, %sign3A_7 : i32
    %sign3A_9 = arith.constant 0 : i32
    %sign3A_10 = arith.cmpi sgt, %jit3A, %sign3A_9 : i32
    %sign3A_11 = arith.extui %sign3A_10 : i1 to i32
    %sign3A_12 = arith.constant 0 : i32
    %sign3A_13 = arith.cmpi slt, %jit3A, %sign3A_12 : i32
    %sign3A_14 = arith.extui %sign3A_13 : i1 to i32
    %sign3A_15 = arith.subi %sign3A_11, %sign3A_14 : i32
    %ne3A = arith.cmpi ne, %sign3A_8, %sign3A_15 : i32
    %rem3A = arith.remsi %get3A_2, %jit3A : i32
    %ne3A_16 = arith.constant 0 : i32
    %ne3A_17 = arith.cmpi ne, %rem3A, %ne3A_16 : i32
    %and3A = arith.andi %ne3A, %ne3A_17 : i1
    %sub3A = arith.constant 1 : i32
    %sub3A_18 = arith.subi %div3A, %sub3A : i32
    %select_n3A = arith.select %and3A, %sub3A_18, %div3A : i32
    %c0_i32 = arith.constant 0 : i32
    %c0_i32_19 = arith.constant 0 : i32
    return %c0_i32, %select_n3A : i32, i32
  }
  func.func @transform_58(%arg0: i32, %arg1: memref<1024xi32, #tpu.memory_space<smem>>, %arg2: memref<1024xi32, #tpu.memory_space<smem>>) -> (i32, i32) {
    %mul3A = arith.constant 64 : i32
    %mul3A_0 = arith.muli %arg0, %mul3A : i32
    %add3A = arith.constant 56 : i32
    %add3A_1 = arith.addi %mul3A_0, %add3A : i32
    %get3A = arith.index_cast %add3A_1 : i32 to index
    %get3A_2 = memref.load %arg1[%get3A] : memref<1024xi32, #tpu.memory_space<smem>>
    %jit3A = arith.constant 128 : i32
    %div3A = arith.divsi %get3A_2, %jit3A : i32
    %sign3A = arith.constant 0 : i32
    %sign3A_3 = arith.cmpi sgt, %get3A_2, %sign3A : i32
    %sign3A_4 = arith.extui %sign3A_3 : i1 to i32
    %sign3A_5 = arith.constant 0 : i32
    %sign3A_6 = arith.cmpi slt, %get3A_2, %sign3A_5 : i32
    %sign3A_7 = arith.extui %sign3A_6 : i1 to i32
    %sign3A_8 = arith.subi %sign3A_4, %sign3A_7 : i32
    %sign3A_9 = arith.constant 0 : i32
    %sign3A_10 = arith.cmpi sgt, %jit3A, %sign3A_9 : i32
    %sign3A_11 = arith.extui %sign3A_10 : i1 to i32
    %sign3A_12 = arith.constant 0 : i32
    %sign3A_13 = arith.cmpi slt, %jit3A, %sign3A_12 : i32
    %sign3A_14 = arith.extui %sign3A_13 : i1 to i32
    %sign3A_15 = arith.subi %sign3A_11, %sign3A_14 : i32
    %ne3A = arith.cmpi ne, %sign3A_8, %sign3A_15 : i32
    %rem3A = arith.remsi %get3A_2, %jit3A : i32
    %ne3A_16 = arith.constant 0 : i32
    %ne3A_17 = arith.cmpi ne, %rem3A, %ne3A_16 : i32
    %and3A = arith.andi %ne3A, %ne3A_17 : i1
    %sub3A = arith.constant 1 : i32
    %sub3A_18 = arith.subi %div3A, %sub3A : i32
    %select_n3A = arith.select %and3A, %sub3A_18, %div3A : i32
    %c0_i32 = arith.constant 0 : i32
    %c0_i32_19 = arith.constant 0 : i32
    return %c0_i32, %select_n3A : i32, i32
  }
  func.func @transform_59(%arg0: i32, %arg1: memref<1024xi32, #tpu.memory_space<smem>>, %arg2: memref<1024xi32, #tpu.memory_space<smem>>) -> (i32, i32) {
    %mul3A = arith.constant 64 : i32
    %mul3A_0 = arith.muli %arg0, %mul3A : i32
    %add3A = arith.constant 57 : i32
    %add3A_1 = arith.addi %mul3A_0, %add3A : i32
    %get3A = arith.index_cast %add3A_1 : i32 to index
    %get3A_2 = memref.load %arg1[%get3A] : memref<1024xi32, #tpu.memory_space<smem>>
    %jit3A = arith.constant 128 : i32
    %div3A = arith.divsi %get3A_2, %jit3A : i32
    %sign3A = arith.constant 0 : i32
    %sign3A_3 = arith.cmpi sgt, %get3A_2, %sign3A : i32
    %sign3A_4 = arith.extui %sign3A_3 : i1 to i32
    %sign3A_5 = arith.constant 0 : i32
    %sign3A_6 = arith.cmpi slt, %get3A_2, %sign3A_5 : i32
    %sign3A_7 = arith.extui %sign3A_6 : i1 to i32
    %sign3A_8 = arith.subi %sign3A_4, %sign3A_7 : i32
    %sign3A_9 = arith.constant 0 : i32
    %sign3A_10 = arith.cmpi sgt, %jit3A, %sign3A_9 : i32
    %sign3A_11 = arith.extui %sign3A_10 : i1 to i32
    %sign3A_12 = arith.constant 0 : i32
    %sign3A_13 = arith.cmpi slt, %jit3A, %sign3A_12 : i32
    %sign3A_14 = arith.extui %sign3A_13 : i1 to i32
    %sign3A_15 = arith.subi %sign3A_11, %sign3A_14 : i32
    %ne3A = arith.cmpi ne, %sign3A_8, %sign3A_15 : i32
    %rem3A = arith.remsi %get3A_2, %jit3A : i32
    %ne3A_16 = arith.constant 0 : i32
    %ne3A_17 = arith.cmpi ne, %rem3A, %ne3A_16 : i32
    %and3A = arith.andi %ne3A, %ne3A_17 : i1
    %sub3A = arith.constant 1 : i32
    %sub3A_18 = arith.subi %div3A, %sub3A : i32
    %select_n3A = arith.select %and3A, %sub3A_18, %div3A : i32
    %c0_i32 = arith.constant 0 : i32
    %c0_i32_19 = arith.constant 0 : i32
    return %c0_i32, %select_n3A : i32, i32
  }
  func.func @transform_60(%arg0: i32, %arg1: memref<1024xi32, #tpu.memory_space<smem>>, %arg2: memref<1024xi32, #tpu.memory_space<smem>>) -> (i32, i32) {
    %mul3A = arith.constant 64 : i32
    %mul3A_0 = arith.muli %arg0, %mul3A : i32
    %add3A = arith.constant 58 : i32
    %add3A_1 = arith.addi %mul3A_0, %add3A : i32
    %get3A = arith.index_cast %add3A_1 : i32 to index
    %get3A_2 = memref.load %arg1[%get3A] : memref<1024xi32, #tpu.memory_space<smem>>
    %jit3A = arith.constant 128 : i32
    %div3A = arith.divsi %get3A_2, %jit3A : i32
    %sign3A = arith.constant 0 : i32
    %sign3A_3 = arith.cmpi sgt, %get3A_2, %sign3A : i32
    %sign3A_4 = arith.extui %sign3A_3 : i1 to i32
    %sign3A_5 = arith.constant 0 : i32
    %sign3A_6 = arith.cmpi slt, %get3A_2, %sign3A_5 : i32
    %sign3A_7 = arith.extui %sign3A_6 : i1 to i32
    %sign3A_8 = arith.subi %sign3A_4, %sign3A_7 : i32
    %sign3A_9 = arith.constant 0 : i32
    %sign3A_10 = arith.cmpi sgt, %jit3A, %sign3A_9 : i32
    %sign3A_11 = arith.extui %sign3A_10 : i1 to i32
    %sign3A_12 = arith.constant 0 : i32
    %sign3A_13 = arith.cmpi slt, %jit3A, %sign3A_12 : i32
    %sign3A_14 = arith.extui %sign3A_13 : i1 to i32
    %sign3A_15 = arith.subi %sign3A_11, %sign3A_14 : i32
    %ne3A = arith.cmpi ne, %sign3A_8, %sign3A_15 : i32
    %rem3A = arith.remsi %get3A_2, %jit3A : i32
    %ne3A_16 = arith.constant 0 : i32
    %ne3A_17 = arith.cmpi ne, %rem3A, %ne3A_16 : i32
    %and3A = arith.andi %ne3A, %ne3A_17 : i1
    %sub3A = arith.constant 1 : i32
    %sub3A_18 = arith.subi %div3A, %sub3A : i32
    %select_n3A = arith.select %and3A, %sub3A_18, %div3A : i32
    %c0_i32 = arith.constant 0 : i32
    %c0_i32_19 = arith.constant 0 : i32
    return %c0_i32, %select_n3A : i32, i32
  }
  func.func @transform_61(%arg0: i32, %arg1: memref<1024xi32, #tpu.memory_space<smem>>, %arg2: memref<1024xi32, #tpu.memory_space<smem>>) -> (i32, i32) {
    %mul3A = arith.constant 64 : i32
    %mul3A_0 = arith.muli %arg0, %mul3A : i32
    %add3A = arith.constant 59 : i32
    %add3A_1 = arith.addi %mul3A_0, %add3A : i32
    %get3A = arith.index_cast %add3A_1 : i32 to index
    %get3A_2 = memref.load %arg1[%get3A] : memref<1024xi32, #tpu.memory_space<smem>>
    %jit3A = arith.constant 128 : i32
    %div3A = arith.divsi %get3A_2, %jit3A : i32
    %sign3A = arith.constant 0 : i32
    %sign3A_3 = arith.cmpi sgt, %get3A_2, %sign3A : i32
    %sign3A_4 = arith.extui %sign3A_3 : i1 to i32
    %sign3A_5 = arith.constant 0 : i32
    %sign3A_6 = arith.cmpi slt, %get3A_2, %sign3A_5 : i32
    %sign3A_7 = arith.extui %sign3A_6 : i1 to i32
    %sign3A_8 = arith.subi %sign3A_4, %sign3A_7 : i32
    %sign3A_9 = arith.constant 0 : i32
    %sign3A_10 = arith.cmpi sgt, %jit3A, %sign3A_9 : i32
    %sign3A_11 = arith.extui %sign3A_10 : i1 to i32
    %sign3A_12 = arith.constant 0 : i32
    %sign3A_13 = arith.cmpi slt, %jit3A, %sign3A_12 : i32
    %sign3A_14 = arith.extui %sign3A_13 : i1 to i32
    %sign3A_15 = arith.subi %sign3A_11, %sign3A_14 : i32
    %ne3A = arith.cmpi ne, %sign3A_8, %sign3A_15 : i32
    %rem3A = arith.remsi %get3A_2, %jit3A : i32
    %ne3A_16 = arith.constant 0 : i32
    %ne3A_17 = arith.cmpi ne, %rem3A, %ne3A_16 : i32
    %and3A = arith.andi %ne3A, %ne3A_17 : i1
    %sub3A = arith.constant 1 : i32
    %sub3A_18 = arith.subi %div3A, %sub3A : i32
    %select_n3A = arith.select %and3A, %sub3A_18, %div3A : i32
    %c0_i32 = arith.constant 0 : i32
    %c0_i32_19 = arith.constant 0 : i32
    return %c0_i32, %select_n3A : i32, i32
  }
  func.func @transform_62(%arg0: i32, %arg1: memref<1024xi32, #tpu.memory_space<smem>>, %arg2: memref<1024xi32, #tpu.memory_space<smem>>) -> (i32, i32) {
    %mul3A = arith.constant 64 : i32
    %mul3A_0 = arith.muli %arg0, %mul3A : i32
    %add3A = arith.constant 60 : i32
    %add3A_1 = arith.addi %mul3A_0, %add3A : i32
    %get3A = arith.index_cast %add3A_1 : i32 to index
    %get3A_2 = memref.load %arg1[%get3A] : memref<1024xi32, #tpu.memory_space<smem>>
    %jit3A = arith.constant 128 : i32
    %div3A = arith.divsi %get3A_2, %jit3A : i32
    %sign3A = arith.constant 0 : i32
    %sign3A_3 = arith.cmpi sgt, %get3A_2, %sign3A : i32
    %sign3A_4 = arith.extui %sign3A_3 : i1 to i32
    %sign3A_5 = arith.constant 0 : i32
    %sign3A_6 = arith.cmpi slt, %get3A_2, %sign3A_5 : i32
    %sign3A_7 = arith.extui %sign3A_6 : i1 to i32
    %sign3A_8 = arith.subi %sign3A_4, %sign3A_7 : i32
    %sign3A_9 = arith.constant 0 : i32
    %sign3A_10 = arith.cmpi sgt, %jit3A, %sign3A_9 : i32
    %sign3A_11 = arith.extui %sign3A_10 : i1 to i32
    %sign3A_12 = arith.constant 0 : i32
    %sign3A_13 = arith.cmpi slt, %jit3A, %sign3A_12 : i32
    %sign3A_14 = arith.extui %sign3A_13 : i1 to i32
    %sign3A_15 = arith.subi %sign3A_11, %sign3A_14 : i32
    %ne3A = arith.cmpi ne, %sign3A_8, %sign3A_15 : i32
    %rem3A = arith.remsi %get3A_2, %jit3A : i32
    %ne3A_16 = arith.constant 0 : i32
    %ne3A_17 = arith.cmpi ne, %rem3A, %ne3A_16 : i32
    %and3A = arith.andi %ne3A, %ne3A_17 : i1
    %sub3A = arith.constant 1 : i32
    %sub3A_18 = arith.subi %div3A, %sub3A : i32
    %select_n3A = arith.select %and3A, %sub3A_18, %div3A : i32
    %c0_i32 = arith.constant 0 : i32
    %c0_i32_19 = arith.constant 0 : i32
    return %c0_i32, %select_n3A : i32, i32
  }
  func.func @transform_63(%arg0: i32, %arg1: memref<1024xi32, #tpu.memory_space<smem>>, %arg2: memref<1024xi32, #tpu.memory_space<smem>>) -> (i32, i32) {
    %mul3A = arith.constant 64 : i32
    %mul3A_0 = arith.muli %arg0, %mul3A : i32
    %add3A = arith.constant 61 : i32
    %add3A_1 = arith.addi %mul3A_0, %add3A : i32
    %get3A = arith.index_cast %add3A_1 : i32 to index
    %get3A_2 = memref.load %arg1[%get3A] : memref<1024xi32, #tpu.memory_space<smem>>
    %jit3A = arith.constant 128 : i32
    %div3A = arith.divsi %get3A_2, %jit3A : i32
    %sign3A = arith.constant 0 : i32
    %sign3A_3 = arith.cmpi sgt, %get3A_2, %sign3A : i32
    %sign3A_4 = arith.extui %sign3A_3 : i1 to i32
    %sign3A_5 = arith.constant 0 : i32
    %sign3A_6 = arith.cmpi slt, %get3A_2, %sign3A_5 : i32
    %sign3A_7 = arith.extui %sign3A_6 : i1 to i32
    %sign3A_8 = arith.subi %sign3A_4, %sign3A_7 : i32
    %sign3A_9 = arith.constant 0 : i32
    %sign3A_10 = arith.cmpi sgt, %jit3A, %sign3A_9 : i32
    %sign3A_11 = arith.extui %sign3A_10 : i1 to i32
    %sign3A_12 = arith.constant 0 : i32
    %sign3A_13 = arith.cmpi slt, %jit3A, %sign3A_12 : i32
    %sign3A_14 = arith.extui %sign3A_13 : i1 to i32
    %sign3A_15 = arith.subi %sign3A_11, %sign3A_14 : i32
    %ne3A = arith.cmpi ne, %sign3A_8, %sign3A_15 : i32
    %rem3A = arith.remsi %get3A_2, %jit3A : i32
    %ne3A_16 = arith.constant 0 : i32
    %ne3A_17 = arith.cmpi ne, %rem3A, %ne3A_16 : i32
    %and3A = arith.andi %ne3A, %ne3A_17 : i1
    %sub3A = arith.constant 1 : i32
    %sub3A_18 = arith.subi %div3A, %sub3A : i32
    %select_n3A = arith.select %and3A, %sub3A_18, %div3A : i32
    %c0_i32 = arith.constant 0 : i32
    %c0_i32_19 = arith.constant 0 : i32
    return %c0_i32, %select_n3A : i32, i32
  }
  func.func @transform_64(%arg0: i32, %arg1: memref<1024xi32, #tpu.memory_space<smem>>, %arg2: memref<1024xi32, #tpu.memory_space<smem>>) -> (i32, i32) {
    %mul3A = arith.constant 64 : i32
    %mul3A_0 = arith.muli %arg0, %mul3A : i32
    %add3A = arith.constant 62 : i32
    %add3A_1 = arith.addi %mul3A_0, %add3A : i32
    %get3A = arith.index_cast %add3A_1 : i32 to index
    %get3A_2 = memref.load %arg1[%get3A] : memref<1024xi32, #tpu.memory_space<smem>>
    %jit3A = arith.constant 128 : i32
    %div3A = arith.divsi %get3A_2, %jit3A : i32
    %sign3A = arith.constant 0 : i32
    %sign3A_3 = arith.cmpi sgt, %get3A_2, %sign3A : i32
    %sign3A_4 = arith.extui %sign3A_3 : i1 to i32
    %sign3A_5 = arith.constant 0 : i32
    %sign3A_6 = arith.cmpi slt, %get3A_2, %sign3A_5 : i32
    %sign3A_7 = arith.extui %sign3A_6 : i1 to i32
    %sign3A_8 = arith.subi %sign3A_4, %sign3A_7 : i32
    %sign3A_9 = arith.constant 0 : i32
    %sign3A_10 = arith.cmpi sgt, %jit3A, %sign3A_9 : i32
    %sign3A_11 = arith.extui %sign3A_10 : i1 to i32
    %sign3A_12 = arith.constant 0 : i32
    %sign3A_13 = arith.cmpi slt, %jit3A, %sign3A_12 : i32
    %sign3A_14 = arith.extui %sign3A_13 : i1 to i32
    %sign3A_15 = arith.subi %sign3A_11, %sign3A_14 : i32
    %ne3A = arith.cmpi ne, %sign3A_8, %sign3A_15 : i32
    %rem3A = arith.remsi %get3A_2, %jit3A : i32
    %ne3A_16 = arith.constant 0 : i32
    %ne3A_17 = arith.cmpi ne, %rem3A, %ne3A_16 : i32
    %and3A = arith.andi %ne3A, %ne3A_17 : i1
    %sub3A = arith.constant 1 : i32
    %sub3A_18 = arith.subi %div3A, %sub3A : i32
    %select_n3A = arith.select %and3A, %sub3A_18, %div3A : i32
    %c0_i32 = arith.constant 0 : i32
    %c0_i32_19 = arith.constant 0 : i32
    return %c0_i32, %select_n3A : i32, i32
  }
  func.func @transform_65(%arg0: i32, %arg1: memref<1024xi32, #tpu.memory_space<smem>>, %arg2: memref<1024xi32, #tpu.memory_space<smem>>) -> (i32, i32) {
    %mul3A = arith.constant 64 : i32
    %mul3A_0 = arith.muli %arg0, %mul3A : i32
    %add3A = arith.constant 63 : i32
    %add3A_1 = arith.addi %mul3A_0, %add3A : i32
    %get3A = arith.index_cast %add3A_1 : i32 to index
    %get3A_2 = memref.load %arg1[%get3A] : memref<1024xi32, #tpu.memory_space<smem>>
    %jit3A = arith.constant 128 : i32
    %div3A = arith.divsi %get3A_2, %jit3A : i32
    %sign3A = arith.constant 0 : i32
    %sign3A_3 = arith.cmpi sgt, %get3A_2, %sign3A : i32
    %sign3A_4 = arith.extui %sign3A_3 : i1 to i32
    %sign3A_5 = arith.constant 0 : i32
    %sign3A_6 = arith.cmpi slt, %get3A_2, %sign3A_5 : i32
    %sign3A_7 = arith.extui %sign3A_6 : i1 to i32
    %sign3A_8 = arith.subi %sign3A_4, %sign3A_7 : i32
    %sign3A_9 = arith.constant 0 : i32
    %sign3A_10 = arith.cmpi sgt, %jit3A, %sign3A_9 : i32
    %sign3A_11 = arith.extui %sign3A_10 : i1 to i32
    %sign3A_12 = arith.constant 0 : i32
    %sign3A_13 = arith.cmpi slt, %jit3A, %sign3A_12 : i32
    %sign3A_14 = arith.extui %sign3A_13 : i1 to i32
    %sign3A_15 = arith.subi %sign3A_11, %sign3A_14 : i32
    %ne3A = arith.cmpi ne, %sign3A_8, %sign3A_15 : i32
    %rem3A = arith.remsi %get3A_2, %jit3A : i32
    %ne3A_16 = arith.constant 0 : i32
    %ne3A_17 = arith.cmpi ne, %rem3A, %ne3A_16 : i32
    %and3A = arith.andi %ne3A, %ne3A_17 : i1
    %sub3A = arith.constant 1 : i32
    %sub3A_18 = arith.subi %div3A, %sub3A : i32
    %select_n3A = arith.select %and3A, %sub3A_18, %div3A : i32
    %c0_i32 = arith.constant 0 : i32
    %c0_i32_19 = arith.constant 0 : i32
    return %c0_i32, %select_n3A : i32, i32
  }
  func.func @transform_66(%arg0: i32, %arg1: memref<1024xi32, #tpu.memory_space<smem>>, %arg2: memref<1024xi32, #tpu.memory_space<smem>>) -> (i32, i32) {
    %mul3A = arith.constant 64 : i32
    %mul3A_0 = arith.muli %arg0, %mul3A : i32
    %add3A = arith.constant 0 : i32
    %add3A_1 = arith.addi %mul3A_0, %add3A : i32
    %get3A = arith.index_cast %add3A_1 : i32 to index
    %get3A_2 = memref.load %arg2[%get3A] : memref<1024xi32, #tpu.memory_space<smem>>
    %jit3A = arith.constant 128 : i32
    %div3A = arith.divsi %get3A_2, %jit3A : i32
    %sign3A = arith.constant 0 : i32
    %sign3A_3 = arith.cmpi sgt, %get3A_2, %sign3A : i32
    %sign3A_4 = arith.extui %sign3A_3 : i1 to i32
    %sign3A_5 = arith.constant 0 : i32
    %sign3A_6 = arith.cmpi slt, %get3A_2, %sign3A_5 : i32
    %sign3A_7 = arith.extui %sign3A_6 : i1 to i32
    %sign3A_8 = arith.subi %sign3A_4, %sign3A_7 : i32
    %sign3A_9 = arith.constant 0 : i32
    %sign3A_10 = arith.cmpi sgt, %jit3A, %sign3A_9 : i32
    %sign3A_11 = arith.extui %sign3A_10 : i1 to i32
    %sign3A_12 = arith.constant 0 : i32
    %sign3A_13 = arith.cmpi slt, %jit3A, %sign3A_12 : i32
    %sign3A_14 = arith.extui %sign3A_13 : i1 to i32
    %sign3A_15 = arith.subi %sign3A_11, %sign3A_14 : i32
    %ne3A = arith.cmpi ne, %sign3A_8, %sign3A_15 : i32
    %rem3A = arith.remsi %get3A_2, %jit3A : i32
    %ne3A_16 = arith.constant 0 : i32
    %ne3A_17 = arith.cmpi ne, %rem3A, %ne3A_16 : i32
    %and3A = arith.andi %ne3A, %ne3A_17 : i1
    %sub3A = arith.constant 1 : i32
    %sub3A_18 = arith.subi %div3A, %sub3A : i32
    %select_n3A = arith.select %and3A, %sub3A_18, %div3A : i32
    %c0_i32 = arith.constant 0 : i32
    %c0_i32_19 = arith.constant 0 : i32
    return %c0_i32, %select_n3A : i32, i32
  }
  func.func @transform_67(%arg0: i32, %arg1: memref<1024xi32, #tpu.memory_space<smem>>, %arg2: memref<1024xi32, #tpu.memory_space<smem>>) -> (i32, i32) {
    %mul3A = arith.constant 64 : i32
    %mul3A_0 = arith.muli %arg0, %mul3A : i32
    %add3A = arith.constant 1 : i32
    %add3A_1 = arith.addi %mul3A_0, %add3A : i32
    %get3A = arith.index_cast %add3A_1 : i32 to index
    %get3A_2 = memref.load %arg2[%get3A] : memref<1024xi32, #tpu.memory_space<smem>>
    %jit3A = arith.constant 128 : i32
    %div3A = arith.divsi %get3A_2, %jit3A : i32
    %sign3A = arith.constant 0 : i32
    %sign3A_3 = arith.cmpi sgt, %get3A_2, %sign3A : i32
    %sign3A_4 = arith.extui %sign3A_3 : i1 to i32
    %sign3A_5 = arith.constant 0 : i32
    %sign3A_6 = arith.cmpi slt, %get3A_2, %sign3A_5 : i32
    %sign3A_7 = arith.extui %sign3A_6 : i1 to i32
    %sign3A_8 = arith.subi %sign3A_4, %sign3A_7 : i32
    %sign3A_9 = arith.constant 0 : i32
    %sign3A_10 = arith.cmpi sgt, %jit3A, %sign3A_9 : i32
    %sign3A_11 = arith.extui %sign3A_10 : i1 to i32
    %sign3A_12 = arith.constant 0 : i32
    %sign3A_13 = arith.cmpi slt, %jit3A, %sign3A_12 : i32
    %sign3A_14 = arith.extui %sign3A_13 : i1 to i32
    %sign3A_15 = arith.subi %sign3A_11, %sign3A_14 : i32
    %ne3A = arith.cmpi ne, %sign3A_8, %sign3A_15 : i32
    %rem3A = arith.remsi %get3A_2, %jit3A : i32
    %ne3A_16 = arith.constant 0 : i32
    %ne3A_17 = arith.cmpi ne, %rem3A, %ne3A_16 : i32
    %and3A = arith.andi %ne3A, %ne3A_17 : i1
    %sub3A = arith.constant 1 : i32
    %sub3A_18 = arith.subi %div3A, %sub3A : i32
    %select_n3A = arith.select %and3A, %sub3A_18, %div3A : i32
    %c0_i32 = arith.constant 0 : i32
    %c0_i32_19 = arith.constant 0 : i32
    return %c0_i32, %select_n3A : i32, i32
  }
  func.func @transform_68(%arg0: i32, %arg1: memref<1024xi32, #tpu.memory_space<smem>>, %arg2: memref<1024xi32, #tpu.memory_space<smem>>) -> (i32, i32) {
    %mul3A = arith.constant 64 : i32
    %mul3A_0 = arith.muli %arg0, %mul3A : i32
    %add3A = arith.constant 2 : i32
    %add3A_1 = arith.addi %mul3A_0, %add3A : i32
    %get3A = arith.index_cast %add3A_1 : i32 to index
    %get3A_2 = memref.load %arg2[%get3A] : memref<1024xi32, #tpu.memory_space<smem>>
    %jit3A = arith.constant 128 : i32
    %div3A = arith.divsi %get3A_2, %jit3A : i32
    %sign3A = arith.constant 0 : i32
    %sign3A_3 = arith.cmpi sgt, %get3A_2, %sign3A : i32
    %sign3A_4 = arith.extui %sign3A_3 : i1 to i32
    %sign3A_5 = arith.constant 0 : i32
    %sign3A_6 = arith.cmpi slt, %get3A_2, %sign3A_5 : i32
    %sign3A_7 = arith.extui %sign3A_6 : i1 to i32
    %sign3A_8 = arith.subi %sign3A_4, %sign3A_7 : i32
    %sign3A_9 = arith.constant 0 : i32
    %sign3A_10 = arith.cmpi sgt, %jit3A, %sign3A_9 : i32
    %sign3A_11 = arith.extui %sign3A_10 : i1 to i32
    %sign3A_12 = arith.constant 0 : i32
    %sign3A_13 = arith.cmpi slt, %jit3A, %sign3A_12 : i32
    %sign3A_14 = arith.extui %sign3A_13 : i1 to i32
    %sign3A_15 = arith.subi %sign3A_11, %sign3A_14 : i32
    %ne3A = arith.cmpi ne, %sign3A_8, %sign3A_15 : i32
    %rem3A = arith.remsi %get3A_2, %jit3A : i32
    %ne3A_16 = arith.constant 0 : i32
    %ne3A_17 = arith.cmpi ne, %rem3A, %ne3A_16 : i32
    %and3A = arith.andi %ne3A, %ne3A_17 : i1
    %sub3A = arith.constant 1 : i32
    %sub3A_18 = arith.subi %div3A, %sub3A : i32
    %select_n3A = arith.select %and3A, %sub3A_18, %div3A : i32
    %c0_i32 = arith.constant 0 : i32
    %c0_i32_19 = arith.constant 0 : i32
    return %c0_i32, %select_n3A : i32, i32
  }
  func.func @transform_69(%arg0: i32, %arg1: memref<1024xi32, #tpu.memory_space<smem>>, %arg2: memref<1024xi32, #tpu.memory_space<smem>>) -> (i32, i32) {
    %mul3A = arith.constant 64 : i32
    %mul3A_0 = arith.muli %arg0, %mul3A : i32
    %add3A = arith.constant 3 : i32
    %add3A_1 = arith.addi %mul3A_0, %add3A : i32
    %get3A = arith.index_cast %add3A_1 : i32 to index
    %get3A_2 = memref.load %arg2[%get3A] : memref<1024xi32, #tpu.memory_space<smem>>
    %jit3A = arith.constant 128 : i32
    %div3A = arith.divsi %get3A_2, %jit3A : i32
    %sign3A = arith.constant 0 : i32
    %sign3A_3 = arith.cmpi sgt, %get3A_2, %sign3A : i32
    %sign3A_4 = arith.extui %sign3A_3 : i1 to i32
    %sign3A_5 = arith.constant 0 : i32
    %sign3A_6 = arith.cmpi slt, %get3A_2, %sign3A_5 : i32
    %sign3A_7 = arith.extui %sign3A_6 : i1 to i32
    %sign3A_8 = arith.subi %sign3A_4, %sign3A_7 : i32
    %sign3A_9 = arith.constant 0 : i32
    %sign3A_10 = arith.cmpi sgt, %jit3A, %sign3A_9 : i32
    %sign3A_11 = arith.extui %sign3A_10 : i1 to i32
    %sign3A_12 = arith.constant 0 : i32
    %sign3A_13 = arith.cmpi slt, %jit3A, %sign3A_12 : i32
    %sign3A_14 = arith.extui %sign3A_13 : i1 to i32
    %sign3A_15 = arith.subi %sign3A_11, %sign3A_14 : i32
    %ne3A = arith.cmpi ne, %sign3A_8, %sign3A_15 : i32
    %rem3A = arith.remsi %get3A_2, %jit3A : i32
    %ne3A_16 = arith.constant 0 : i32
    %ne3A_17 = arith.cmpi ne, %rem3A, %ne3A_16 : i32
    %and3A = arith.andi %ne3A, %ne3A_17 : i1
    %sub3A = arith.constant 1 : i32
    %sub3A_18 = arith.subi %div3A, %sub3A : i32
    %select_n3A = arith.select %and3A, %sub3A_18, %div3A : i32
    %c0_i32 = arith.constant 0 : i32
    %c0_i32_19 = arith.constant 0 : i32
    return %c0_i32, %select_n3A : i32, i32
  }
  func.func @transform_70(%arg0: i32, %arg1: memref<1024xi32, #tpu.memory_space<smem>>, %arg2: memref<1024xi32, #tpu.memory_space<smem>>) -> (i32, i32) {
    %mul3A = arith.constant 64 : i32
    %mul3A_0 = arith.muli %arg0, %mul3A : i32
    %add3A = arith.constant 4 : i32
    %add3A_1 = arith.addi %mul3A_0, %add3A : i32
    %get3A = arith.index_cast %add3A_1 : i32 to index
    %get3A_2 = memref.load %arg2[%get3A] : memref<1024xi32, #tpu.memory_space<smem>>
    %jit3A = arith.constant 128 : i32
    %div3A = arith.divsi %get3A_2, %jit3A : i32
    %sign3A = arith.constant 0 : i32
    %sign3A_3 = arith.cmpi sgt, %get3A_2, %sign3A : i32
    %sign3A_4 = arith.extui %sign3A_3 : i1 to i32
    %sign3A_5 = arith.constant 0 : i32
    %sign3A_6 = arith.cmpi slt, %get3A_2, %sign3A_5 : i32
    %sign3A_7 = arith.extui %sign3A_6 : i1 to i32
    %sign3A_8 = arith.subi %sign3A_4, %sign3A_7 : i32
    %sign3A_9 = arith.constant 0 : i32
    %sign3A_10 = arith.cmpi sgt, %jit3A, %sign3A_9 : i32
    %sign3A_11 = arith.extui %sign3A_10 : i1 to i32
    %sign3A_12 = arith.constant 0 : i32
    %sign3A_13 = arith.cmpi slt, %jit3A, %sign3A_12 : i32
    %sign3A_14 = arith.extui %sign3A_13 : i1 to i32
    %sign3A_15 = arith.subi %sign3A_11, %sign3A_14 : i32
    %ne3A = arith.cmpi ne, %sign3A_8, %sign3A_15 : i32
    %rem3A = arith.remsi %get3A_2, %jit3A : i32
    %ne3A_16 = arith.constant 0 : i32
    %ne3A_17 = arith.cmpi ne, %rem3A, %ne3A_16 : i32
    %and3A = arith.andi %ne3A, %ne3A_17 : i1
    %sub3A = arith.constant 1 : i32
    %sub3A_18 = arith.subi %div3A, %sub3A : i32
    %select_n3A = arith.select %and3A, %sub3A_18, %div3A : i32
    %c0_i32 = arith.constant 0 : i32
    %c0_i32_19 = arith.constant 0 : i32
    return %c0_i32, %select_n3A : i32, i32
  }
  func.func @transform_71(%arg0: i32, %arg1: memref<1024xi32, #tpu.memory_space<smem>>, %arg2: memref<1024xi32, #tpu.memory_space<smem>>) -> (i32, i32) {
    %mul3A = arith.constant 64 : i32
    %mul3A_0 = arith.muli %arg0, %mul3A : i32
    %add3A = arith.constant 5 : i32
    %add3A_1 = arith.addi %mul3A_0, %add3A : i32
    %get3A = arith.index_cast %add3A_1 : i32 to index
    %get3A_2 = memref.load %arg2[%get3A] : memref<1024xi32, #tpu.memory_space<smem>>
    %jit3A = arith.constant 128 : i32
    %div3A = arith.divsi %get3A_2, %jit3A : i32
    %sign3A = arith.constant 0 : i32
    %sign3A_3 = arith.cmpi sgt, %get3A_2, %sign3A : i32
    %sign3A_4 = arith.extui %sign3A_3 : i1 to i32
    %sign3A_5 = arith.constant 0 : i32
    %sign3A_6 = arith.cmpi slt, %get3A_2, %sign3A_5 : i32
    %sign3A_7 = arith.extui %sign3A_6 : i1 to i32
    %sign3A_8 = arith.subi %sign3A_4, %sign3A_7 : i32
    %sign3A_9 = arith.constant 0 : i32
    %sign3A_10 = arith.cmpi sgt, %jit3A, %sign3A_9 : i32
    %sign3A_11 = arith.extui %sign3A_10 : i1 to i32
    %sign3A_12 = arith.constant 0 : i32
    %sign3A_13 = arith.cmpi slt, %jit3A, %sign3A_12 : i32
    %sign3A_14 = arith.extui %sign3A_13 : i1 to i32
    %sign3A_15 = arith.subi %sign3A_11, %sign3A_14 : i32
    %ne3A = arith.cmpi ne, %sign3A_8, %sign3A_15 : i32
    %rem3A = arith.remsi %get3A_2, %jit3A : i32
    %ne3A_16 = arith.constant 0 : i32
    %ne3A_17 = arith.cmpi ne, %rem3A, %ne3A_16 : i32
    %and3A = arith.andi %ne3A, %ne3A_17 : i1
    %sub3A = arith.constant 1 : i32
    %sub3A_18 = arith.subi %div3A, %sub3A : i32
    %select_n3A = arith.select %and3A, %sub3A_18, %div3A : i32
    %c0_i32 = arith.constant 0 : i32
    %c0_i32_19 = arith.constant 0 : i32
    return %c0_i32, %select_n3A : i32, i32
  }
  func.func @transform_72(%arg0: i32, %arg1: memref<1024xi32, #tpu.memory_space<smem>>, %arg2: memref<1024xi32, #tpu.memory_space<smem>>) -> (i32, i32) {
    %mul3A = arith.constant 64 : i32
    %mul3A_0 = arith.muli %arg0, %mul3A : i32
    %add3A = arith.constant 6 : i32
    %add3A_1 = arith.addi %mul3A_0, %add3A : i32
    %get3A = arith.index_cast %add3A_1 : i32 to index
    %get3A_2 = memref.load %arg2[%get3A] : memref<1024xi32, #tpu.memory_space<smem>>
    %jit3A = arith.constant 128 : i32
    %div3A = arith.divsi %get3A_2, %jit3A : i32
    %sign3A = arith.constant 0 : i32
    %sign3A_3 = arith.cmpi sgt, %get3A_2, %sign3A : i32
    %sign3A_4 = arith.extui %sign3A_3 : i1 to i32
    %sign3A_5 = arith.constant 0 : i32
    %sign3A_6 = arith.cmpi slt, %get3A_2, %sign3A_5 : i32
    %sign3A_7 = arith.extui %sign3A_6 : i1 to i32
    %sign3A_8 = arith.subi %sign3A_4, %sign3A_7 : i32
    %sign3A_9 = arith.constant 0 : i32
    %sign3A_10 = arith.cmpi sgt, %jit3A, %sign3A_9 : i32
    %sign3A_11 = arith.extui %sign3A_10 : i1 to i32
    %sign3A_12 = arith.constant 0 : i32
    %sign3A_13 = arith.cmpi slt, %jit3A, %sign3A_12 : i32
    %sign3A_14 = arith.extui %sign3A_13 : i1 to i32
    %sign3A_15 = arith.subi %sign3A_11, %sign3A_14 : i32
    %ne3A = arith.cmpi ne, %sign3A_8, %sign3A_15 : i32
    %rem3A = arith.remsi %get3A_2, %jit3A : i32
    %ne3A_16 = arith.constant 0 : i32
    %ne3A_17 = arith.cmpi ne, %rem3A, %ne3A_16 : i32
    %and3A = arith.andi %ne3A, %ne3A_17 : i1
    %sub3A = arith.constant 1 : i32
    %sub3A_18 = arith.subi %div3A, %sub3A : i32
    %select_n3A = arith.select %and3A, %sub3A_18, %div3A : i32
    %c0_i32 = arith.constant 0 : i32
    %c0_i32_19 = arith.constant 0 : i32
    return %c0_i32, %select_n3A : i32, i32
  }
  func.func @transform_73(%arg0: i32, %arg1: memref<1024xi32, #tpu.memory_space<smem>>, %arg2: memref<1024xi32, #tpu.memory_space<smem>>) -> (i32, i32) {
    %mul3A = arith.constant 64 : i32
    %mul3A_0 = arith.muli %arg0, %mul3A : i32
    %add3A = arith.constant 7 : i32
    %add3A_1 = arith.addi %mul3A_0, %add3A : i32
    %get3A = arith.index_cast %add3A_1 : i32 to index
    %get3A_2 = memref.load %arg2[%get3A] : memref<1024xi32, #tpu.memory_space<smem>>
    %jit3A = arith.constant 128 : i32
    %div3A = arith.divsi %get3A_2, %jit3A : i32
    %sign3A = arith.constant 0 : i32
    %sign3A_3 = arith.cmpi sgt, %get3A_2, %sign3A : i32
    %sign3A_4 = arith.extui %sign3A_3 : i1 to i32
    %sign3A_5 = arith.constant 0 : i32
    %sign3A_6 = arith.cmpi slt, %get3A_2, %sign3A_5 : i32
    %sign3A_7 = arith.extui %sign3A_6 : i1 to i32
    %sign3A_8 = arith.subi %sign3A_4, %sign3A_7 : i32
    %sign3A_9 = arith.constant 0 : i32
    %sign3A_10 = arith.cmpi sgt, %jit3A, %sign3A_9 : i32
    %sign3A_11 = arith.extui %sign3A_10 : i1 to i32
    %sign3A_12 = arith.constant 0 : i32
    %sign3A_13 = arith.cmpi slt, %jit3A, %sign3A_12 : i32
    %sign3A_14 = arith.extui %sign3A_13 : i1 to i32
    %sign3A_15 = arith.subi %sign3A_11, %sign3A_14 : i32
    %ne3A = arith.cmpi ne, %sign3A_8, %sign3A_15 : i32
    %rem3A = arith.remsi %get3A_2, %jit3A : i32
    %ne3A_16 = arith.constant 0 : i32
    %ne3A_17 = arith.cmpi ne, %rem3A, %ne3A_16 : i32
    %and3A = arith.andi %ne3A, %ne3A_17 : i1
    %sub3A = arith.constant 1 : i32
    %sub3A_18 = arith.subi %div3A, %sub3A : i32
    %select_n3A = arith.select %and3A, %sub3A_18, %div3A : i32
    %c0_i32 = arith.constant 0 : i32
    %c0_i32_19 = arith.constant 0 : i32
    return %c0_i32, %select_n3A : i32, i32
  }
  func.func @transform_74(%arg0: i32, %arg1: memref<1024xi32, #tpu.memory_space<smem>>, %arg2: memref<1024xi32, #tpu.memory_space<smem>>) -> (i32, i32) {
    %mul3A = arith.constant 64 : i32
    %mul3A_0 = arith.muli %arg0, %mul3A : i32
    %add3A = arith.constant 8 : i32
    %add3A_1 = arith.addi %mul3A_0, %add3A : i32
    %get3A = arith.index_cast %add3A_1 : i32 to index
    %get3A_2 = memref.load %arg2[%get3A] : memref<1024xi32, #tpu.memory_space<smem>>
    %jit3A = arith.constant 128 : i32
    %div3A = arith.divsi %get3A_2, %jit3A : i32
    %sign3A = arith.constant 0 : i32
    %sign3A_3 = arith.cmpi sgt, %get3A_2, %sign3A : i32
    %sign3A_4 = arith.extui %sign3A_3 : i1 to i32
    %sign3A_5 = arith.constant 0 : i32
    %sign3A_6 = arith.cmpi slt, %get3A_2, %sign3A_5 : i32
    %sign3A_7 = arith.extui %sign3A_6 : i1 to i32
    %sign3A_8 = arith.subi %sign3A_4, %sign3A_7 : i32
    %sign3A_9 = arith.constant 0 : i32
    %sign3A_10 = arith.cmpi sgt, %jit3A, %sign3A_9 : i32
    %sign3A_11 = arith.extui %sign3A_10 : i1 to i32
    %sign3A_12 = arith.constant 0 : i32
    %sign3A_13 = arith.cmpi slt, %jit3A, %sign3A_12 : i32
    %sign3A_14 = arith.extui %sign3A_13 : i1 to i32
    %sign3A_15 = arith.subi %sign3A_11, %sign3A_14 : i32
    %ne3A = arith.cmpi ne, %sign3A_8, %sign3A_15 : i32
    %rem3A = arith.remsi %get3A_2, %jit3A : i32
    %ne3A_16 = arith.constant 0 : i32
    %ne3A_17 = arith.cmpi ne, %rem3A, %ne3A_16 : i32
    %and3A = arith.andi %ne3A, %ne3A_17 : i1
    %sub3A = arith.constant 1 : i32
    %sub3A_18 = arith.subi %div3A, %sub3A : i32
    %select_n3A = arith.select %and3A, %sub3A_18, %div3A : i32
    %c0_i32 = arith.constant 0 : i32
    %c0_i32_19 = arith.constant 0 : i32
    return %c0_i32, %select_n3A : i32, i32
  }
  func.func @transform_75(%arg0: i32, %arg1: memref<1024xi32, #tpu.memory_space<smem>>, %arg2: memref<1024xi32, #tpu.memory_space<smem>>) -> (i32, i32) {
    %mul3A = arith.constant 64 : i32
    %mul3A_0 = arith.muli %arg0, %mul3A : i32
    %add3A = arith.constant 9 : i32
    %add3A_1 = arith.addi %mul3A_0, %add3A : i32
    %get3A = arith.index_cast %add3A_1 : i32 to index
    %get3A_2 = memref.load %arg2[%get3A] : memref<1024xi32, #tpu.memory_space<smem>>
    %jit3A = arith.constant 128 : i32
    %div3A = arith.divsi %get3A_2, %jit3A : i32
    %sign3A = arith.constant 0 : i32
    %sign3A_3 = arith.cmpi sgt, %get3A_2, %sign3A : i32
    %sign3A_4 = arith.extui %sign3A_3 : i1 to i32
    %sign3A_5 = arith.constant 0 : i32
    %sign3A_6 = arith.cmpi slt, %get3A_2, %sign3A_5 : i32
    %sign3A_7 = arith.extui %sign3A_6 : i1 to i32
    %sign3A_8 = arith.subi %sign3A_4, %sign3A_7 : i32
    %sign3A_9 = arith.constant 0 : i32
    %sign3A_10 = arith.cmpi sgt, %jit3A, %sign3A_9 : i32
    %sign3A_11 = arith.extui %sign3A_10 : i1 to i32
    %sign3A_12 = arith.constant 0 : i32
    %sign3A_13 = arith.cmpi slt, %jit3A, %sign3A_12 : i32
    %sign3A_14 = arith.extui %sign3A_13 : i1 to i32
    %sign3A_15 = arith.subi %sign3A_11, %sign3A_14 : i32
    %ne3A = arith.cmpi ne, %sign3A_8, %sign3A_15 : i32
    %rem3A = arith.remsi %get3A_2, %jit3A : i32
    %ne3A_16 = arith.constant 0 : i32
    %ne3A_17 = arith.cmpi ne, %rem3A, %ne3A_16 : i32
    %and3A = arith.andi %ne3A, %ne3A_17 : i1
    %sub3A = arith.constant 1 : i32
    %sub3A_18 = arith.subi %div3A, %sub3A : i32
    %select_n3A = arith.select %and3A, %sub3A_18, %div3A : i32
    %c0_i32 = arith.constant 0 : i32
    %c0_i32_19 = arith.constant 0 : i32
    return %c0_i32, %select_n3A : i32, i32
  }
  func.func @transform_76(%arg0: i32, %arg1: memref<1024xi32, #tpu.memory_space<smem>>, %arg2: memref<1024xi32, #tpu.memory_space<smem>>) -> (i32, i32) {
    %mul3A = arith.constant 64 : i32
    %mul3A_0 = arith.muli %arg0, %mul3A : i32
    %add3A = arith.constant 10 : i32
    %add3A_1 = arith.addi %mul3A_0, %add3A : i32
    %get3A = arith.index_cast %add3A_1 : i32 to index
    %get3A_2 = memref.load %arg2[%get3A] : memref<1024xi32, #tpu.memory_space<smem>>
    %jit3A = arith.constant 128 : i32
    %div3A = arith.divsi %get3A_2, %jit3A : i32
    %sign3A = arith.constant 0 : i32
    %sign3A_3 = arith.cmpi sgt, %get3A_2, %sign3A : i32
    %sign3A_4 = arith.extui %sign3A_3 : i1 to i32
    %sign3A_5 = arith.constant 0 : i32
    %sign3A_6 = arith.cmpi slt, %get3A_2, %sign3A_5 : i32
    %sign3A_7 = arith.extui %sign3A_6 : i1 to i32
    %sign3A_8 = arith.subi %sign3A_4, %sign3A_7 : i32
    %sign3A_9 = arith.constant 0 : i32
    %sign3A_10 = arith.cmpi sgt, %jit3A, %sign3A_9 : i32
    %sign3A_11 = arith.extui %sign3A_10 : i1 to i32
    %sign3A_12 = arith.constant 0 : i32
    %sign3A_13 = arith.cmpi slt, %jit3A, %sign3A_12 : i32
    %sign3A_14 = arith.extui %sign3A_13 : i1 to i32
    %sign3A_15 = arith.subi %sign3A_11, %sign3A_14 : i32
    %ne3A = arith.cmpi ne, %sign3A_8, %sign3A_15 : i32
    %rem3A = arith.remsi %get3A_2, %jit3A : i32
    %ne3A_16 = arith.constant 0 : i32
    %ne3A_17 = arith.cmpi ne, %rem3A, %ne3A_16 : i32
    %and3A = arith.andi %ne3A, %ne3A_17 : i1
    %sub3A = arith.constant 1 : i32
    %sub3A_18 = arith.subi %div3A, %sub3A : i32
    %select_n3A = arith.select %and3A, %sub3A_18, %div3A : i32
    %c0_i32 = arith.constant 0 : i32
    %c0_i32_19 = arith.constant 0 : i32
    return %c0_i32, %select_n3A : i32, i32
  }
  func.func @transform_77(%arg0: i32, %arg1: memref<1024xi32, #tpu.memory_space<smem>>, %arg2: memref<1024xi32, #tpu.memory_space<smem>>) -> (i32, i32) {
    %mul3A = arith.constant 64 : i32
    %mul3A_0 = arith.muli %arg0, %mul3A : i32
    %add3A = arith.constant 11 : i32
    %add3A_1 = arith.addi %mul3A_0, %add3A : i32
    %get3A = arith.index_cast %add3A_1 : i32 to index
    %get3A_2 = memref.load %arg2[%get3A] : memref<1024xi32, #tpu.memory_space<smem>>
    %jit3A = arith.constant 128 : i32
    %div3A = arith.divsi %get3A_2, %jit3A : i32
    %sign3A = arith.constant 0 : i32
    %sign3A_3 = arith.cmpi sgt, %get3A_2, %sign3A : i32
    %sign3A_4 = arith.extui %sign3A_3 : i1 to i32
    %sign3A_5 = arith.constant 0 : i32
    %sign3A_6 = arith.cmpi slt, %get3A_2, %sign3A_5 : i32
    %sign3A_7 = arith.extui %sign3A_6 : i1 to i32
    %sign3A_8 = arith.subi %sign3A_4, %sign3A_7 : i32
    %sign3A_9 = arith.constant 0 : i32
    %sign3A_10 = arith.cmpi sgt, %jit3A, %sign3A_9 : i32
    %sign3A_11 = arith.extui %sign3A_10 : i1 to i32
    %sign3A_12 = arith.constant 0 : i32
    %sign3A_13 = arith.cmpi slt, %jit3A, %sign3A_12 : i32
    %sign3A_14 = arith.extui %sign3A_13 : i1 to i32
    %sign3A_15 = arith.subi %sign3A_11, %sign3A_14 : i32
    %ne3A = arith.cmpi ne, %sign3A_8, %sign3A_15 : i32
    %rem3A = arith.remsi %get3A_2, %jit3A : i32
    %ne3A_16 = arith.constant 0 : i32
    %ne3A_17 = arith.cmpi ne, %rem3A, %ne3A_16 : i32
    %and3A = arith.andi %ne3A, %ne3A_17 : i1
    %sub3A = arith.constant 1 : i32
    %sub3A_18 = arith.subi %div3A, %sub3A : i32
    %select_n3A = arith.select %and3A, %sub3A_18, %div3A : i32
    %c0_i32 = arith.constant 0 : i32
    %c0_i32_19 = arith.constant 0 : i32
    return %c0_i32, %select_n3A : i32, i32
  }
  func.func @transform_78(%arg0: i32, %arg1: memref<1024xi32, #tpu.memory_space<smem>>, %arg2: memref<1024xi32, #tpu.memory_space<smem>>) -> (i32, i32) {
    %mul3A = arith.constant 64 : i32
    %mul3A_0 = arith.muli %arg0, %mul3A : i32
    %add3A = arith.constant 12 : i32
    %add3A_1 = arith.addi %mul3A_0, %add3A : i32
    %get3A = arith.index_cast %add3A_1 : i32 to index
    %get3A_2 = memref.load %arg2[%get3A] : memref<1024xi32, #tpu.memory_space<smem>>
    %jit3A = arith.constant 128 : i32
    %div3A = arith.divsi %get3A_2, %jit3A : i32
    %sign3A = arith.constant 0 : i32
    %sign3A_3 = arith.cmpi sgt, %get3A_2, %sign3A : i32
    %sign3A_4 = arith.extui %sign3A_3 : i1 to i32
    %sign3A_5 = arith.constant 0 : i32
    %sign3A_6 = arith.cmpi slt, %get3A_2, %sign3A_5 : i32
    %sign3A_7 = arith.extui %sign3A_6 : i1 to i32
    %sign3A_8 = arith.subi %sign3A_4, %sign3A_7 : i32
    %sign3A_9 = arith.constant 0 : i32
    %sign3A_10 = arith.cmpi sgt, %jit3A, %sign3A_9 : i32
    %sign3A_11 = arith.extui %sign3A_10 : i1 to i32
    %sign3A_12 = arith.constant 0 : i32
    %sign3A_13 = arith.cmpi slt, %jit3A, %sign3A_12 : i32
    %sign3A_14 = arith.extui %sign3A_13 : i1 to i32
    %sign3A_15 = arith.subi %sign3A_11, %sign3A_14 : i32
    %ne3A = arith.cmpi ne, %sign3A_8, %sign3A_15 : i32
    %rem3A = arith.remsi %get3A_2, %jit3A : i32
    %ne3A_16 = arith.constant 0 : i32
    %ne3A_17 = arith.cmpi ne, %rem3A, %ne3A_16 : i32
    %and3A = arith.andi %ne3A, %ne3A_17 : i1
    %sub3A = arith.constant 1 : i32
    %sub3A_18 = arith.subi %div3A, %sub3A : i32
    %select_n3A = arith.select %and3A, %sub3A_18, %div3A : i32
    %c0_i32 = arith.constant 0 : i32
    %c0_i32_19 = arith.constant 0 : i32
    return %c0_i32, %select_n3A : i32, i32
  }
  func.func @transform_79(%arg0: i32, %arg1: memref<1024xi32, #tpu.memory_space<smem>>, %arg2: memref<1024xi32, #tpu.memory_space<smem>>) -> (i32, i32) {
    %mul3A = arith.constant 64 : i32
    %mul3A_0 = arith.muli %arg0, %mul3A : i32
    %add3A = arith.constant 13 : i32
    %add3A_1 = arith.addi %mul3A_0, %add3A : i32
    %get3A = arith.index_cast %add3A_1 : i32 to index
    %get3A_2 = memref.load %arg2[%get3A] : memref<1024xi32, #tpu.memory_space<smem>>
    %jit3A = arith.constant 128 : i32
    %div3A = arith.divsi %get3A_2, %jit3A : i32
    %sign3A = arith.constant 0 : i32
    %sign3A_3 = arith.cmpi sgt, %get3A_2, %sign3A : i32
    %sign3A_4 = arith.extui %sign3A_3 : i1 to i32
    %sign3A_5 = arith.constant 0 : i32
    %sign3A_6 = arith.cmpi slt, %get3A_2, %sign3A_5 : i32
    %sign3A_7 = arith.extui %sign3A_6 : i1 to i32
    %sign3A_8 = arith.subi %sign3A_4, %sign3A_7 : i32
    %sign3A_9 = arith.constant 0 : i32
    %sign3A_10 = arith.cmpi sgt, %jit3A, %sign3A_9 : i32
    %sign3A_11 = arith.extui %sign3A_10 : i1 to i32
    %sign3A_12 = arith.constant 0 : i32
    %sign3A_13 = arith.cmpi slt, %jit3A, %sign3A_12 : i32
    %sign3A_14 = arith.extui %sign3A_13 : i1 to i32
    %sign3A_15 = arith.subi %sign3A_11, %sign3A_14 : i32
    %ne3A = arith.cmpi ne, %sign3A_8, %sign3A_15 : i32
    %rem3A = arith.remsi %get3A_2, %jit3A : i32
    %ne3A_16 = arith.constant 0 : i32
    %ne3A_17 = arith.cmpi ne, %rem3A, %ne3A_16 : i32
    %and3A = arith.andi %ne3A, %ne3A_17 : i1
    %sub3A = arith.constant 1 : i32
    %sub3A_18 = arith.subi %div3A, %sub3A : i32
    %select_n3A = arith.select %and3A, %sub3A_18, %div3A : i32
    %c0_i32 = arith.constant 0 : i32
    %c0_i32_19 = arith.constant 0 : i32
    return %c0_i32, %select_n3A : i32, i32
  }
  func.func @transform_80(%arg0: i32, %arg1: memref<1024xi32, #tpu.memory_space<smem>>, %arg2: memref<1024xi32, #tpu.memory_space<smem>>) -> (i32, i32) {
    %mul3A = arith.constant 64 : i32
    %mul3A_0 = arith.muli %arg0, %mul3A : i32
    %add3A = arith.constant 14 : i32
    %add3A_1 = arith.addi %mul3A_0, %add3A : i32
    %get3A = arith.index_cast %add3A_1 : i32 to index
    %get3A_2 = memref.load %arg2[%get3A] : memref<1024xi32, #tpu.memory_space<smem>>
    %jit3A = arith.constant 128 : i32
    %div3A = arith.divsi %get3A_2, %jit3A : i32
    %sign3A = arith.constant 0 : i32
    %sign3A_3 = arith.cmpi sgt, %get3A_2, %sign3A : i32
    %sign3A_4 = arith.extui %sign3A_3 : i1 to i32
    %sign3A_5 = arith.constant 0 : i32
    %sign3A_6 = arith.cmpi slt, %get3A_2, %sign3A_5 : i32
    %sign3A_7 = arith.extui %sign3A_6 : i1 to i32
    %sign3A_8 = arith.subi %sign3A_4, %sign3A_7 : i32
    %sign3A_9 = arith.constant 0 : i32
    %sign3A_10 = arith.cmpi sgt, %jit3A, %sign3A_9 : i32
    %sign3A_11 = arith.extui %sign3A_10 : i1 to i32
    %sign3A_12 = arith.constant 0 : i32
    %sign3A_13 = arith.cmpi slt, %jit3A, %sign3A_12 : i32
    %sign3A_14 = arith.extui %sign3A_13 : i1 to i32
    %sign3A_15 = arith.subi %sign3A_11, %sign3A_14 : i32
    %ne3A = arith.cmpi ne, %sign3A_8, %sign3A_15 : i32
    %rem3A = arith.remsi %get3A_2, %jit3A : i32
    %ne3A_16 = arith.constant 0 : i32
    %ne3A_17 = arith.cmpi ne, %rem3A, %ne3A_16 : i32
    %and3A = arith.andi %ne3A, %ne3A_17 : i1
    %sub3A = arith.constant 1 : i32
    %sub3A_18 = arith.subi %div3A, %sub3A : i32
    %select_n3A = arith.select %and3A, %sub3A_18, %div3A : i32
    %c0_i32 = arith.constant 0 : i32
    %c0_i32_19 = arith.constant 0 : i32
    return %c0_i32, %select_n3A : i32, i32
  }
  func.func @transform_81(%arg0: i32, %arg1: memref<1024xi32, #tpu.memory_space<smem>>, %arg2: memref<1024xi32, #tpu.memory_space<smem>>) -> (i32, i32) {
    %mul3A = arith.constant 64 : i32
    %mul3A_0 = arith.muli %arg0, %mul3A : i32
    %add3A = arith.constant 15 : i32
    %add3A_1 = arith.addi %mul3A_0, %add3A : i32
    %get3A = arith.index_cast %add3A_1 : i32 to index
    %get3A_2 = memref.load %arg2[%get3A] : memref<1024xi32, #tpu.memory_space<smem>>
    %jit3A = arith.constant 128 : i32
    %div3A = arith.divsi %get3A_2, %jit3A : i32
    %sign3A = arith.constant 0 : i32
    %sign3A_3 = arith.cmpi sgt, %get3A_2, %sign3A : i32
    %sign3A_4 = arith.extui %sign3A_3 : i1 to i32
    %sign3A_5 = arith.constant 0 : i32
    %sign3A_6 = arith.cmpi slt, %get3A_2, %sign3A_5 : i32
    %sign3A_7 = arith.extui %sign3A_6 : i1 to i32
    %sign3A_8 = arith.subi %sign3A_4, %sign3A_7 : i32
    %sign3A_9 = arith.constant 0 : i32
    %sign3A_10 = arith.cmpi sgt, %jit3A, %sign3A_9 : i32
    %sign3A_11 = arith.extui %sign3A_10 : i1 to i32
    %sign3A_12 = arith.constant 0 : i32
    %sign3A_13 = arith.cmpi slt, %jit3A, %sign3A_12 : i32
    %sign3A_14 = arith.extui %sign3A_13 : i1 to i32
    %sign3A_15 = arith.subi %sign3A_11, %sign3A_14 : i32
    %ne3A = arith.cmpi ne, %sign3A_8, %sign3A_15 : i32
    %rem3A = arith.remsi %get3A_2, %jit3A : i32
    %ne3A_16 = arith.constant 0 : i32
    %ne3A_17 = arith.cmpi ne, %rem3A, %ne3A_16 : i32
    %and3A = arith.andi %ne3A, %ne3A_17 : i1
    %sub3A = arith.constant 1 : i32
    %sub3A_18 = arith.subi %div3A, %sub3A : i32
    %select_n3A = arith.select %and3A, %sub3A_18, %div3A : i32
    %c0_i32 = arith.constant 0 : i32
    %c0_i32_19 = arith.constant 0 : i32
    return %c0_i32, %select_n3A : i32, i32
  }
  func.func @transform_82(%arg0: i32, %arg1: memref<1024xi32, #tpu.memory_space<smem>>, %arg2: memref<1024xi32, #tpu.memory_space<smem>>) -> (i32, i32) {
    %mul3A = arith.constant 64 : i32
    %mul3A_0 = arith.muli %arg0, %mul3A : i32
    %add3A = arith.constant 16 : i32
    %add3A_1 = arith.addi %mul3A_0, %add3A : i32
    %get3A = arith.index_cast %add3A_1 : i32 to index
    %get3A_2 = memref.load %arg2[%get3A] : memref<1024xi32, #tpu.memory_space<smem>>
    %jit3A = arith.constant 128 : i32
    %div3A = arith.divsi %get3A_2, %jit3A : i32
    %sign3A = arith.constant 0 : i32
    %sign3A_3 = arith.cmpi sgt, %get3A_2, %sign3A : i32
    %sign3A_4 = arith.extui %sign3A_3 : i1 to i32
    %sign3A_5 = arith.constant 0 : i32
    %sign3A_6 = arith.cmpi slt, %get3A_2, %sign3A_5 : i32
    %sign3A_7 = arith.extui %sign3A_6 : i1 to i32
    %sign3A_8 = arith.subi %sign3A_4, %sign3A_7 : i32
    %sign3A_9 = arith.constant 0 : i32
    %sign3A_10 = arith.cmpi sgt, %jit3A, %sign3A_9 : i32
    %sign3A_11 = arith.extui %sign3A_10 : i1 to i32
    %sign3A_12 = arith.constant 0 : i32
    %sign3A_13 = arith.cmpi slt, %jit3A, %sign3A_12 : i32
    %sign3A_14 = arith.extui %sign3A_13 : i1 to i32
    %sign3A_15 = arith.subi %sign3A_11, %sign3A_14 : i32
    %ne3A = arith.cmpi ne, %sign3A_8, %sign3A_15 : i32
    %rem3A = arith.remsi %get3A_2, %jit3A : i32
    %ne3A_16 = arith.constant 0 : i32
    %ne3A_17 = arith.cmpi ne, %rem3A, %ne3A_16 : i32
    %and3A = arith.andi %ne3A, %ne3A_17 : i1
    %sub3A = arith.constant 1 : i32
    %sub3A_18 = arith.subi %div3A, %sub3A : i32
    %select_n3A = arith.select %and3A, %sub3A_18, %div3A : i32
    %c0_i32 = arith.constant 0 : i32
    %c0_i32_19 = arith.constant 0 : i32
    return %c0_i32, %select_n3A : i32, i32
  }
  func.func @transform_83(%arg0: i32, %arg1: memref<1024xi32, #tpu.memory_space<smem>>, %arg2: memref<1024xi32, #tpu.memory_space<smem>>) -> (i32, i32) {
    %mul3A = arith.constant 64 : i32
    %mul3A_0 = arith.muli %arg0, %mul3A : i32
    %add3A = arith.constant 17 : i32
    %add3A_1 = arith.addi %mul3A_0, %add3A : i32
    %get3A = arith.index_cast %add3A_1 : i32 to index
    %get3A_2 = memref.load %arg2[%get3A] : memref<1024xi32, #tpu.memory_space<smem>>
    %jit3A = arith.constant 128 : i32
    %div3A = arith.divsi %get3A_2, %jit3A : i32
    %sign3A = arith.constant 0 : i32
    %sign3A_3 = arith.cmpi sgt, %get3A_2, %sign3A : i32
    %sign3A_4 = arith.extui %sign3A_3 : i1 to i32
    %sign3A_5 = arith.constant 0 : i32
    %sign3A_6 = arith.cmpi slt, %get3A_2, %sign3A_5 : i32
    %sign3A_7 = arith.extui %sign3A_6 : i1 to i32
    %sign3A_8 = arith.subi %sign3A_4, %sign3A_7 : i32
    %sign3A_9 = arith.constant 0 : i32
    %sign3A_10 = arith.cmpi sgt, %jit3A, %sign3A_9 : i32
    %sign3A_11 = arith.extui %sign3A_10 : i1 to i32
    %sign3A_12 = arith.constant 0 : i32
    %sign3A_13 = arith.cmpi slt, %jit3A, %sign3A_12 : i32
    %sign3A_14 = arith.extui %sign3A_13 : i1 to i32
    %sign3A_15 = arith.subi %sign3A_11, %sign3A_14 : i32
    %ne3A = arith.cmpi ne, %sign3A_8, %sign3A_15 : i32
    %rem3A = arith.remsi %get3A_2, %jit3A : i32
    %ne3A_16 = arith.constant 0 : i32
    %ne3A_17 = arith.cmpi ne, %rem3A, %ne3A_16 : i32
    %and3A = arith.andi %ne3A, %ne3A_17 : i1
    %sub3A = arith.constant 1 : i32
    %sub3A_18 = arith.subi %div3A, %sub3A : i32
    %select_n3A = arith.select %and3A, %sub3A_18, %div3A : i32
    %c0_i32 = arith.constant 0 : i32
    %c0_i32_19 = arith.constant 0 : i32
    return %c0_i32, %select_n3A : i32, i32
  }
  func.func @transform_84(%arg0: i32, %arg1: memref<1024xi32, #tpu.memory_space<smem>>, %arg2: memref<1024xi32, #tpu.memory_space<smem>>) -> (i32, i32) {
    %mul3A = arith.constant 64 : i32
    %mul3A_0 = arith.muli %arg0, %mul3A : i32
    %add3A = arith.constant 18 : i32
    %add3A_1 = arith.addi %mul3A_0, %add3A : i32
    %get3A = arith.index_cast %add3A_1 : i32 to index
    %get3A_2 = memref.load %arg2[%get3A] : memref<1024xi32, #tpu.memory_space<smem>>
    %jit3A = arith.constant 128 : i32
    %div3A = arith.divsi %get3A_2, %jit3A : i32
    %sign3A = arith.constant 0 : i32
    %sign3A_3 = arith.cmpi sgt, %get3A_2, %sign3A : i32
    %sign3A_4 = arith.extui %sign3A_3 : i1 to i32
    %sign3A_5 = arith.constant 0 : i32
    %sign3A_6 = arith.cmpi slt, %get3A_2, %sign3A_5 : i32
    %sign3A_7 = arith.extui %sign3A_6 : i1 to i32
    %sign3A_8 = arith.subi %sign3A_4, %sign3A_7 : i32
    %sign3A_9 = arith.constant 0 : i32
    %sign3A_10 = arith.cmpi sgt, %jit3A, %sign3A_9 : i32
    %sign3A_11 = arith.extui %sign3A_10 : i1 to i32
    %sign3A_12 = arith.constant 0 : i32
    %sign3A_13 = arith.cmpi slt, %jit3A, %sign3A_12 : i32
    %sign3A_14 = arith.extui %sign3A_13 : i1 to i32
    %sign3A_15 = arith.subi %sign3A_11, %sign3A_14 : i32
    %ne3A = arith.cmpi ne, %sign3A_8, %sign3A_15 : i32
    %rem3A = arith.remsi %get3A_2, %jit3A : i32
    %ne3A_16 = arith.constant 0 : i32
    %ne3A_17 = arith.cmpi ne, %rem3A, %ne3A_16 : i32
    %and3A = arith.andi %ne3A, %ne3A_17 : i1
    %sub3A = arith.constant 1 : i32
    %sub3A_18 = arith.subi %div3A, %sub3A : i32
    %select_n3A = arith.select %and3A, %sub3A_18, %div3A : i32
    %c0_i32 = arith.constant 0 : i32
    %c0_i32_19 = arith.constant 0 : i32
    return %c0_i32, %select_n3A : i32, i32
  }
  func.func @transform_85(%arg0: i32, %arg1: memref<1024xi32, #tpu.memory_space<smem>>, %arg2: memref<1024xi32, #tpu.memory_space<smem>>) -> (i32, i32) {
    %mul3A = arith.constant 64 : i32
    %mul3A_0 = arith.muli %arg0, %mul3A : i32
    %add3A = arith.constant 19 : i32
    %add3A_1 = arith.addi %mul3A_0, %add3A : i32
    %get3A = arith.index_cast %add3A_1 : i32 to index
    %get3A_2 = memref.load %arg2[%get3A] : memref<1024xi32, #tpu.memory_space<smem>>
    %jit3A = arith.constant 128 : i32
    %div3A = arith.divsi %get3A_2, %jit3A : i32
    %sign3A = arith.constant 0 : i32
    %sign3A_3 = arith.cmpi sgt, %get3A_2, %sign3A : i32
    %sign3A_4 = arith.extui %sign3A_3 : i1 to i32
    %sign3A_5 = arith.constant 0 : i32
    %sign3A_6 = arith.cmpi slt, %get3A_2, %sign3A_5 : i32
    %sign3A_7 = arith.extui %sign3A_6 : i1 to i32
    %sign3A_8 = arith.subi %sign3A_4, %sign3A_7 : i32
    %sign3A_9 = arith.constant 0 : i32
    %sign3A_10 = arith.cmpi sgt, %jit3A, %sign3A_9 : i32
    %sign3A_11 = arith.extui %sign3A_10 : i1 to i32
    %sign3A_12 = arith.constant 0 : i32
    %sign3A_13 = arith.cmpi slt, %jit3A, %sign3A_12 : i32
    %sign3A_14 = arith.extui %sign3A_13 : i1 to i32
    %sign3A_15 = arith.subi %sign3A_11, %sign3A_14 : i32
    %ne3A = arith.cmpi ne, %sign3A_8, %sign3A_15 : i32
    %rem3A = arith.remsi %get3A_2, %jit3A : i32
    %ne3A_16 = arith.constant 0 : i32
    %ne3A_17 = arith.cmpi ne, %rem3A, %ne3A_16 : i32
    %and3A = arith.andi %ne3A, %ne3A_17 : i1
    %sub3A = arith.constant 1 : i32
    %sub3A_18 = arith.subi %div3A, %sub3A : i32
    %select_n3A = arith.select %and3A, %sub3A_18, %div3A : i32
    %c0_i32 = arith.constant 0 : i32
    %c0_i32_19 = arith.constant 0 : i32
    return %c0_i32, %select_n3A : i32, i32
  }
  func.func @transform_86(%arg0: i32, %arg1: memref<1024xi32, #tpu.memory_space<smem>>, %arg2: memref<1024xi32, #tpu.memory_space<smem>>) -> (i32, i32) {
    %mul3A = arith.constant 64 : i32
    %mul3A_0 = arith.muli %arg0, %mul3A : i32
    %add3A = arith.constant 20 : i32
    %add3A_1 = arith.addi %mul3A_0, %add3A : i32
    %get3A = arith.index_cast %add3A_1 : i32 to index
    %get3A_2 = memref.load %arg2[%get3A] : memref<1024xi32, #tpu.memory_space<smem>>
    %jit3A = arith.constant 128 : i32
    %div3A = arith.divsi %get3A_2, %jit3A : i32
    %sign3A = arith.constant 0 : i32
    %sign3A_3 = arith.cmpi sgt, %get3A_2, %sign3A : i32
    %sign3A_4 = arith.extui %sign3A_3 : i1 to i32
    %sign3A_5 = arith.constant 0 : i32
    %sign3A_6 = arith.cmpi slt, %get3A_2, %sign3A_5 : i32
    %sign3A_7 = arith.extui %sign3A_6 : i1 to i32
    %sign3A_8 = arith.subi %sign3A_4, %sign3A_7 : i32
    %sign3A_9 = arith.constant 0 : i32
    %sign3A_10 = arith.cmpi sgt, %jit3A, %sign3A_9 : i32
    %sign3A_11 = arith.extui %sign3A_10 : i1 to i32
    %sign3A_12 = arith.constant 0 : i32
    %sign3A_13 = arith.cmpi slt, %jit3A, %sign3A_12 : i32
    %sign3A_14 = arith.extui %sign3A_13 : i1 to i32
    %sign3A_15 = arith.subi %sign3A_11, %sign3A_14 : i32
    %ne3A = arith.cmpi ne, %sign3A_8, %sign3A_15 : i32
    %rem3A = arith.remsi %get3A_2, %jit3A : i32
    %ne3A_16 = arith.constant 0 : i32
    %ne3A_17 = arith.cmpi ne, %rem3A, %ne3A_16 : i32
    %and3A = arith.andi %ne3A, %ne3A_17 : i1
    %sub3A = arith.constant 1 : i32
    %sub3A_18 = arith.subi %div3A, %sub3A : i32
    %select_n3A = arith.select %and3A, %sub3A_18, %div3A : i32
    %c0_i32 = arith.constant 0 : i32
    %c0_i32_19 = arith.constant 0 : i32
    return %c0_i32, %select_n3A : i32, i32
  }
  func.func @transform_87(%arg0: i32, %arg1: memref<1024xi32, #tpu.memory_space<smem>>, %arg2: memref<1024xi32, #tpu.memory_space<smem>>) -> (i32, i32) {
    %mul3A = arith.constant 64 : i32
    %mul3A_0 = arith.muli %arg0, %mul3A : i32
    %add3A = arith.constant 21 : i32
    %add3A_1 = arith.addi %mul3A_0, %add3A : i32
    %get3A = arith.index_cast %add3A_1 : i32 to index
    %get3A_2 = memref.load %arg2[%get3A] : memref<1024xi32, #tpu.memory_space<smem>>
    %jit3A = arith.constant 128 : i32
    %div3A = arith.divsi %get3A_2, %jit3A : i32
    %sign3A = arith.constant 0 : i32
    %sign3A_3 = arith.cmpi sgt, %get3A_2, %sign3A : i32
    %sign3A_4 = arith.extui %sign3A_3 : i1 to i32
    %sign3A_5 = arith.constant 0 : i32
    %sign3A_6 = arith.cmpi slt, %get3A_2, %sign3A_5 : i32
    %sign3A_7 = arith.extui %sign3A_6 : i1 to i32
    %sign3A_8 = arith.subi %sign3A_4, %sign3A_7 : i32
    %sign3A_9 = arith.constant 0 : i32
    %sign3A_10 = arith.cmpi sgt, %jit3A, %sign3A_9 : i32
    %sign3A_11 = arith.extui %sign3A_10 : i1 to i32
    %sign3A_12 = arith.constant 0 : i32
    %sign3A_13 = arith.cmpi slt, %jit3A, %sign3A_12 : i32
    %sign3A_14 = arith.extui %sign3A_13 : i1 to i32
    %sign3A_15 = arith.subi %sign3A_11, %sign3A_14 : i32
    %ne3A = arith.cmpi ne, %sign3A_8, %sign3A_15 : i32
    %rem3A = arith.remsi %get3A_2, %jit3A : i32
    %ne3A_16 = arith.constant 0 : i32
    %ne3A_17 = arith.cmpi ne, %rem3A, %ne3A_16 : i32
    %and3A = arith.andi %ne3A, %ne3A_17 : i1
    %sub3A = arith.constant 1 : i32
    %sub3A_18 = arith.subi %div3A, %sub3A : i32
    %select_n3A = arith.select %and3A, %sub3A_18, %div3A : i32
    %c0_i32 = arith.constant 0 : i32
    %c0_i32_19 = arith.constant 0 : i32
    return %c0_i32, %select_n3A : i32, i32
  }
  func.func @transform_88(%arg0: i32, %arg1: memref<1024xi32, #tpu.memory_space<smem>>, %arg2: memref<1024xi32, #tpu.memory_space<smem>>) -> (i32, i32) {
    %mul3A = arith.constant 64 : i32
    %mul3A_0 = arith.muli %arg0, %mul3A : i32
    %add3A = arith.constant 22 : i32
    %add3A_1 = arith.addi %mul3A_0, %add3A : i32
    %get3A = arith.index_cast %add3A_1 : i32 to index
    %get3A_2 = memref.load %arg2[%get3A] : memref<1024xi32, #tpu.memory_space<smem>>
    %jit3A = arith.constant 128 : i32
    %div3A = arith.divsi %get3A_2, %jit3A : i32
    %sign3A = arith.constant 0 : i32
    %sign3A_3 = arith.cmpi sgt, %get3A_2, %sign3A : i32
    %sign3A_4 = arith.extui %sign3A_3 : i1 to i32
    %sign3A_5 = arith.constant 0 : i32
    %sign3A_6 = arith.cmpi slt, %get3A_2, %sign3A_5 : i32
    %sign3A_7 = arith.extui %sign3A_6 : i1 to i32
    %sign3A_8 = arith.subi %sign3A_4, %sign3A_7 : i32
    %sign3A_9 = arith.constant 0 : i32
    %sign3A_10 = arith.cmpi sgt, %jit3A, %sign3A_9 : i32
    %sign3A_11 = arith.extui %sign3A_10 : i1 to i32
    %sign3A_12 = arith.constant 0 : i32
    %sign3A_13 = arith.cmpi slt, %jit3A, %sign3A_12 : i32
    %sign3A_14 = arith.extui %sign3A_13 : i1 to i32
    %sign3A_15 = arith.subi %sign3A_11, %sign3A_14 : i32
    %ne3A = arith.cmpi ne, %sign3A_8, %sign3A_15 : i32
    %rem3A = arith.remsi %get3A_2, %jit3A : i32
    %ne3A_16 = arith.constant 0 : i32
    %ne3A_17 = arith.cmpi ne, %rem3A, %ne3A_16 : i32
    %and3A = arith.andi %ne3A, %ne3A_17 : i1
    %sub3A = arith.constant 1 : i32
    %sub3A_18 = arith.subi %div3A, %sub3A : i32
    %select_n3A = arith.select %and3A, %sub3A_18, %div3A : i32
    %c0_i32 = arith.constant 0 : i32
    %c0_i32_19 = arith.constant 0 : i32
    return %c0_i32, %select_n3A : i32, i32
  }
  func.func @transform_89(%arg0: i32, %arg1: memref<1024xi32, #tpu.memory_space<smem>>, %arg2: memref<1024xi32, #tpu.memory_space<smem>>) -> (i32, i32) {
    %mul3A = arith.constant 64 : i32
    %mul3A_0 = arith.muli %arg0, %mul3A : i32
    %add3A = arith.constant 23 : i32
    %add3A_1 = arith.addi %mul3A_0, %add3A : i32
    %get3A = arith.index_cast %add3A_1 : i32 to index
    %get3A_2 = memref.load %arg2[%get3A] : memref<1024xi32, #tpu.memory_space<smem>>
    %jit3A = arith.constant 128 : i32
    %div3A = arith.divsi %get3A_2, %jit3A : i32
    %sign3A = arith.constant 0 : i32
    %sign3A_3 = arith.cmpi sgt, %get3A_2, %sign3A : i32
    %sign3A_4 = arith.extui %sign3A_3 : i1 to i32
    %sign3A_5 = arith.constant 0 : i32
    %sign3A_6 = arith.cmpi slt, %get3A_2, %sign3A_5 : i32
    %sign3A_7 = arith.extui %sign3A_6 : i1 to i32
    %sign3A_8 = arith.subi %sign3A_4, %sign3A_7 : i32
    %sign3A_9 = arith.constant 0 : i32
    %sign3A_10 = arith.cmpi sgt, %jit3A, %sign3A_9 : i32
    %sign3A_11 = arith.extui %sign3A_10 : i1 to i32
    %sign3A_12 = arith.constant 0 : i32
    %sign3A_13 = arith.cmpi slt, %jit3A, %sign3A_12 : i32
    %sign3A_14 = arith.extui %sign3A_13 : i1 to i32
    %sign3A_15 = arith.subi %sign3A_11, %sign3A_14 : i32
    %ne3A = arith.cmpi ne, %sign3A_8, %sign3A_15 : i32
    %rem3A = arith.remsi %get3A_2, %jit3A : i32
    %ne3A_16 = arith.constant 0 : i32
    %ne3A_17 = arith.cmpi ne, %rem3A, %ne3A_16 : i32
    %and3A = arith.andi %ne3A, %ne3A_17 : i1
    %sub3A = arith.constant 1 : i32
    %sub3A_18 = arith.subi %div3A, %sub3A : i32
    %select_n3A = arith.select %and3A, %sub3A_18, %div3A : i32
    %c0_i32 = arith.constant 0 : i32
    %c0_i32_19 = arith.constant 0 : i32
    return %c0_i32, %select_n3A : i32, i32
  }
  func.func @transform_90(%arg0: i32, %arg1: memref<1024xi32, #tpu.memory_space<smem>>, %arg2: memref<1024xi32, #tpu.memory_space<smem>>) -> (i32, i32) {
    %mul3A = arith.constant 64 : i32
    %mul3A_0 = arith.muli %arg0, %mul3A : i32
    %add3A = arith.constant 24 : i32
    %add3A_1 = arith.addi %mul3A_0, %add3A : i32
    %get3A = arith.index_cast %add3A_1 : i32 to index
    %get3A_2 = memref.load %arg2[%get3A] : memref<1024xi32, #tpu.memory_space<smem>>
    %jit3A = arith.constant 128 : i32
    %div3A = arith.divsi %get3A_2, %jit3A : i32
    %sign3A = arith.constant 0 : i32
    %sign3A_3 = arith.cmpi sgt, %get3A_2, %sign3A : i32
    %sign3A_4 = arith.extui %sign3A_3 : i1 to i32
    %sign3A_5 = arith.constant 0 : i32
    %sign3A_6 = arith.cmpi slt, %get3A_2, %sign3A_5 : i32
    %sign3A_7 = arith.extui %sign3A_6 : i1 to i32
    %sign3A_8 = arith.subi %sign3A_4, %sign3A_7 : i32
    %sign3A_9 = arith.constant 0 : i32
    %sign3A_10 = arith.cmpi sgt, %jit3A, %sign3A_9 : i32
    %sign3A_11 = arith.extui %sign3A_10 : i1 to i32
    %sign3A_12 = arith.constant 0 : i32
    %sign3A_13 = arith.cmpi slt, %jit3A, %sign3A_12 : i32
    %sign3A_14 = arith.extui %sign3A_13 : i1 to i32
    %sign3A_15 = arith.subi %sign3A_11, %sign3A_14 : i32
    %ne3A = arith.cmpi ne, %sign3A_8, %sign3A_15 : i32
    %rem3A = arith.remsi %get3A_2, %jit3A : i32
    %ne3A_16 = arith.constant 0 : i32
    %ne3A_17 = arith.cmpi ne, %rem3A, %ne3A_16 : i32
    %and3A = arith.andi %ne3A, %ne3A_17 : i1
    %sub3A = arith.constant 1 : i32
    %sub3A_18 = arith.subi %div3A, %sub3A : i32
    %select_n3A = arith.select %and3A, %sub3A_18, %div3A : i32
    %c0_i32 = arith.constant 0 : i32
    %c0_i32_19 = arith.constant 0 : i32
    return %c0_i32, %select_n3A : i32, i32
  }
  func.func @transform_91(%arg0: i32, %arg1: memref<1024xi32, #tpu.memory_space<smem>>, %arg2: memref<1024xi32, #tpu.memory_space<smem>>) -> (i32, i32) {
    %mul3A = arith.constant 64 : i32
    %mul3A_0 = arith.muli %arg0, %mul3A : i32
    %add3A = arith.constant 25 : i32
    %add3A_1 = arith.addi %mul3A_0, %add3A : i32
    %get3A = arith.index_cast %add3A_1 : i32 to index
    %get3A_2 = memref.load %arg2[%get3A] : memref<1024xi32, #tpu.memory_space<smem>>
    %jit3A = arith.constant 128 : i32
    %div3A = arith.divsi %get3A_2, %jit3A : i32
    %sign3A = arith.constant 0 : i32
    %sign3A_3 = arith.cmpi sgt, %get3A_2, %sign3A : i32
    %sign3A_4 = arith.extui %sign3A_3 : i1 to i32
    %sign3A_5 = arith.constant 0 : i32
    %sign3A_6 = arith.cmpi slt, %get3A_2, %sign3A_5 : i32
    %sign3A_7 = arith.extui %sign3A_6 : i1 to i32
    %sign3A_8 = arith.subi %sign3A_4, %sign3A_7 : i32
    %sign3A_9 = arith.constant 0 : i32
    %sign3A_10 = arith.cmpi sgt, %jit3A, %sign3A_9 : i32
    %sign3A_11 = arith.extui %sign3A_10 : i1 to i32
    %sign3A_12 = arith.constant 0 : i32
    %sign3A_13 = arith.cmpi slt, %jit3A, %sign3A_12 : i32
    %sign3A_14 = arith.extui %sign3A_13 : i1 to i32
    %sign3A_15 = arith.subi %sign3A_11, %sign3A_14 : i32
    %ne3A = arith.cmpi ne, %sign3A_8, %sign3A_15 : i32
    %rem3A = arith.remsi %get3A_2, %jit3A : i32
    %ne3A_16 = arith.constant 0 : i32
    %ne3A_17 = arith.cmpi ne, %rem3A, %ne3A_16 : i32
    %and3A = arith.andi %ne3A, %ne3A_17 : i1
    %sub3A = arith.constant 1 : i32
    %sub3A_18 = arith.subi %div3A, %sub3A : i32
    %select_n3A = arith.select %and3A, %sub3A_18, %div3A : i32
    %c0_i32 = arith.constant 0 : i32
    %c0_i32_19 = arith.constant 0 : i32
    return %c0_i32, %select_n3A : i32, i32
  }
  func.func @transform_92(%arg0: i32, %arg1: memref<1024xi32, #tpu.memory_space<smem>>, %arg2: memref<1024xi32, #tpu.memory_space<smem>>) -> (i32, i32) {
    %mul3A = arith.constant 64 : i32
    %mul3A_0 = arith.muli %arg0, %mul3A : i32
    %add3A = arith.constant 26 : i32
    %add3A_1 = arith.addi %mul3A_0, %add3A : i32
    %get3A = arith.index_cast %add3A_1 : i32 to index
    %get3A_2 = memref.load %arg2[%get3A] : memref<1024xi32, #tpu.memory_space<smem>>
    %jit3A = arith.constant 128 : i32
    %div3A = arith.divsi %get3A_2, %jit3A : i32
    %sign3A = arith.constant 0 : i32
    %sign3A_3 = arith.cmpi sgt, %get3A_2, %sign3A : i32
    %sign3A_4 = arith.extui %sign3A_3 : i1 to i32
    %sign3A_5 = arith.constant 0 : i32
    %sign3A_6 = arith.cmpi slt, %get3A_2, %sign3A_5 : i32
    %sign3A_7 = arith.extui %sign3A_6 : i1 to i32
    %sign3A_8 = arith.subi %sign3A_4, %sign3A_7 : i32
    %sign3A_9 = arith.constant 0 : i32
    %sign3A_10 = arith.cmpi sgt, %jit3A, %sign3A_9 : i32
    %sign3A_11 = arith.extui %sign3A_10 : i1 to i32
    %sign3A_12 = arith.constant 0 : i32
    %sign3A_13 = arith.cmpi slt, %jit3A, %sign3A_12 : i32
    %sign3A_14 = arith.extui %sign3A_13 : i1 to i32
    %sign3A_15 = arith.subi %sign3A_11, %sign3A_14 : i32
    %ne3A = arith.cmpi ne, %sign3A_8, %sign3A_15 : i32
    %rem3A = arith.remsi %get3A_2, %jit3A : i32
    %ne3A_16 = arith.constant 0 : i32
    %ne3A_17 = arith.cmpi ne, %rem3A, %ne3A_16 : i32
    %and3A = arith.andi %ne3A, %ne3A_17 : i1
    %sub3A = arith.constant 1 : i32
    %sub3A_18 = arith.subi %div3A, %sub3A : i32
    %select_n3A = arith.select %and3A, %sub3A_18, %div3A : i32
    %c0_i32 = arith.constant 0 : i32
    %c0_i32_19 = arith.constant 0 : i32
    return %c0_i32, %select_n3A : i32, i32
  }
  func.func @transform_93(%arg0: i32, %arg1: memref<1024xi32, #tpu.memory_space<smem>>, %arg2: memref<1024xi32, #tpu.memory_space<smem>>) -> (i32, i32) {
    %mul3A = arith.constant 64 : i32
    %mul3A_0 = arith.muli %arg0, %mul3A : i32
    %add3A = arith.constant 27 : i32
    %add3A_1 = arith.addi %mul3A_0, %add3A : i32
    %get3A = arith.index_cast %add3A_1 : i32 to index
    %get3A_2 = memref.load %arg2[%get3A] : memref<1024xi32, #tpu.memory_space<smem>>
    %jit3A = arith.constant 128 : i32
    %div3A = arith.divsi %get3A_2, %jit3A : i32
    %sign3A = arith.constant 0 : i32
    %sign3A_3 = arith.cmpi sgt, %get3A_2, %sign3A : i32
    %sign3A_4 = arith.extui %sign3A_3 : i1 to i32
    %sign3A_5 = arith.constant 0 : i32
    %sign3A_6 = arith.cmpi slt, %get3A_2, %sign3A_5 : i32
    %sign3A_7 = arith.extui %sign3A_6 : i1 to i32
    %sign3A_8 = arith.subi %sign3A_4, %sign3A_7 : i32
    %sign3A_9 = arith.constant 0 : i32
    %sign3A_10 = arith.cmpi sgt, %jit3A, %sign3A_9 : i32
    %sign3A_11 = arith.extui %sign3A_10 : i1 to i32
    %sign3A_12 = arith.constant 0 : i32
    %sign3A_13 = arith.cmpi slt, %jit3A, %sign3A_12 : i32
    %sign3A_14 = arith.extui %sign3A_13 : i1 to i32
    %sign3A_15 = arith.subi %sign3A_11, %sign3A_14 : i32
    %ne3A = arith.cmpi ne, %sign3A_8, %sign3A_15 : i32
    %rem3A = arith.remsi %get3A_2, %jit3A : i32
    %ne3A_16 = arith.constant 0 : i32
    %ne3A_17 = arith.cmpi ne, %rem3A, %ne3A_16 : i32
    %and3A = arith.andi %ne3A, %ne3A_17 : i1
    %sub3A = arith.constant 1 : i32
    %sub3A_18 = arith.subi %div3A, %sub3A : i32
    %select_n3A = arith.select %and3A, %sub3A_18, %div3A : i32
    %c0_i32 = arith.constant 0 : i32
    %c0_i32_19 = arith.constant 0 : i32
    return %c0_i32, %select_n3A : i32, i32
  }
  func.func @transform_94(%arg0: i32, %arg1: memref<1024xi32, #tpu.memory_space<smem>>, %arg2: memref<1024xi32, #tpu.memory_space<smem>>) -> (i32, i32) {
    %mul3A = arith.constant 64 : i32
    %mul3A_0 = arith.muli %arg0, %mul3A : i32
    %add3A = arith.constant 28 : i32
    %add3A_1 = arith.addi %mul3A_0, %add3A : i32
    %get3A = arith.index_cast %add3A_1 : i32 to index
    %get3A_2 = memref.load %arg2[%get3A] : memref<1024xi32, #tpu.memory_space<smem>>
    %jit3A = arith.constant 128 : i32
    %div3A = arith.divsi %get3A_2, %jit3A : i32
    %sign3A = arith.constant 0 : i32
    %sign3A_3 = arith.cmpi sgt, %get3A_2, %sign3A : i32
    %sign3A_4 = arith.extui %sign3A_3 : i1 to i32
    %sign3A_5 = arith.constant 0 : i32
    %sign3A_6 = arith.cmpi slt, %get3A_2, %sign3A_5 : i32
    %sign3A_7 = arith.extui %sign3A_6 : i1 to i32
    %sign3A_8 = arith.subi %sign3A_4, %sign3A_7 : i32
    %sign3A_9 = arith.constant 0 : i32
    %sign3A_10 = arith.cmpi sgt, %jit3A, %sign3A_9 : i32
    %sign3A_11 = arith.extui %sign3A_10 : i1 to i32
    %sign3A_12 = arith.constant 0 : i32
    %sign3A_13 = arith.cmpi slt, %jit3A, %sign3A_12 : i32
    %sign3A_14 = arith.extui %sign3A_13 : i1 to i32
    %sign3A_15 = arith.subi %sign3A_11, %sign3A_14 : i32
    %ne3A = arith.cmpi ne, %sign3A_8, %sign3A_15 : i32
    %rem3A = arith.remsi %get3A_2, %jit3A : i32
    %ne3A_16 = arith.constant 0 : i32
    %ne3A_17 = arith.cmpi ne, %rem3A, %ne3A_16 : i32
    %and3A = arith.andi %ne3A, %ne3A_17 : i1
    %sub3A = arith.constant 1 : i32
    %sub3A_18 = arith.subi %div3A, %sub3A : i32
    %select_n3A = arith.select %and3A, %sub3A_18, %div3A : i32
    %c0_i32 = arith.constant 0 : i32
    %c0_i32_19 = arith.constant 0 : i32
    return %c0_i32, %select_n3A : i32, i32
  }
  func.func @transform_95(%arg0: i32, %arg1: memref<1024xi32, #tpu.memory_space<smem>>, %arg2: memref<1024xi32, #tpu.memory_space<smem>>) -> (i32, i32) {
    %mul3A = arith.constant 64 : i32
    %mul3A_0 = arith.muli %arg0, %mul3A : i32
    %add3A = arith.constant 29 : i32
    %add3A_1 = arith.addi %mul3A_0, %add3A : i32
    %get3A = arith.index_cast %add3A_1 : i32 to index
    %get3A_2 = memref.load %arg2[%get3A] : memref<1024xi32, #tpu.memory_space<smem>>
    %jit3A = arith.constant 128 : i32
    %div3A = arith.divsi %get3A_2, %jit3A : i32
    %sign3A = arith.constant 0 : i32
    %sign3A_3 = arith.cmpi sgt, %get3A_2, %sign3A : i32
    %sign3A_4 = arith.extui %sign3A_3 : i1 to i32
    %sign3A_5 = arith.constant 0 : i32
    %sign3A_6 = arith.cmpi slt, %get3A_2, %sign3A_5 : i32
    %sign3A_7 = arith.extui %sign3A_6 : i1 to i32
    %sign3A_8 = arith.subi %sign3A_4, %sign3A_7 : i32
    %sign3A_9 = arith.constant 0 : i32
    %sign3A_10 = arith.cmpi sgt, %jit3A, %sign3A_9 : i32
    %sign3A_11 = arith.extui %sign3A_10 : i1 to i32
    %sign3A_12 = arith.constant 0 : i32
    %sign3A_13 = arith.cmpi slt, %jit3A, %sign3A_12 : i32
    %sign3A_14 = arith.extui %sign3A_13 : i1 to i32
    %sign3A_15 = arith.subi %sign3A_11, %sign3A_14 : i32
    %ne3A = arith.cmpi ne, %sign3A_8, %sign3A_15 : i32
    %rem3A = arith.remsi %get3A_2, %jit3A : i32
    %ne3A_16 = arith.constant 0 : i32
    %ne3A_17 = arith.cmpi ne, %rem3A, %ne3A_16 : i32
    %and3A = arith.andi %ne3A, %ne3A_17 : i1
    %sub3A = arith.constant 1 : i32
    %sub3A_18 = arith.subi %div3A, %sub3A : i32
    %select_n3A = arith.select %and3A, %sub3A_18, %div3A : i32
    %c0_i32 = arith.constant 0 : i32
    %c0_i32_19 = arith.constant 0 : i32
    return %c0_i32, %select_n3A : i32, i32
  }
  func.func @transform_96(%arg0: i32, %arg1: memref<1024xi32, #tpu.memory_space<smem>>, %arg2: memref<1024xi32, #tpu.memory_space<smem>>) -> (i32, i32) {
    %mul3A = arith.constant 64 : i32
    %mul3A_0 = arith.muli %arg0, %mul3A : i32
    %add3A = arith.constant 30 : i32
    %add3A_1 = arith.addi %mul3A_0, %add3A : i32
    %get3A = arith.index_cast %add3A_1 : i32 to index
    %get3A_2 = memref.load %arg2[%get3A] : memref<1024xi32, #tpu.memory_space<smem>>
    %jit3A = arith.constant 128 : i32
    %div3A = arith.divsi %get3A_2, %jit3A : i32
    %sign3A = arith.constant 0 : i32
    %sign3A_3 = arith.cmpi sgt, %get3A_2, %sign3A : i32
    %sign3A_4 = arith.extui %sign3A_3 : i1 to i32
    %sign3A_5 = arith.constant 0 : i32
    %sign3A_6 = arith.cmpi slt, %get3A_2, %sign3A_5 : i32
    %sign3A_7 = arith.extui %sign3A_6 : i1 to i32
    %sign3A_8 = arith.subi %sign3A_4, %sign3A_7 : i32
    %sign3A_9 = arith.constant 0 : i32
    %sign3A_10 = arith.cmpi sgt, %jit3A, %sign3A_9 : i32
    %sign3A_11 = arith.extui %sign3A_10 : i1 to i32
    %sign3A_12 = arith.constant 0 : i32
    %sign3A_13 = arith.cmpi slt, %jit3A, %sign3A_12 : i32
    %sign3A_14 = arith.extui %sign3A_13 : i1 to i32
    %sign3A_15 = arith.subi %sign3A_11, %sign3A_14 : i32
    %ne3A = arith.cmpi ne, %sign3A_8, %sign3A_15 : i32
    %rem3A = arith.remsi %get3A_2, %jit3A : i32
    %ne3A_16 = arith.constant 0 : i32
    %ne3A_17 = arith.cmpi ne, %rem3A, %ne3A_16 : i32
    %and3A = arith.andi %ne3A, %ne3A_17 : i1
    %sub3A = arith.constant 1 : i32
    %sub3A_18 = arith.subi %div3A, %sub3A : i32
    %select_n3A = arith.select %and3A, %sub3A_18, %div3A : i32
    %c0_i32 = arith.constant 0 : i32
    %c0_i32_19 = arith.constant 0 : i32
    return %c0_i32, %select_n3A : i32, i32
  }
  func.func @transform_97(%arg0: i32, %arg1: memref<1024xi32, #tpu.memory_space<smem>>, %arg2: memref<1024xi32, #tpu.memory_space<smem>>) -> (i32, i32) {
    %mul3A = arith.constant 64 : i32
    %mul3A_0 = arith.muli %arg0, %mul3A : i32
    %add3A = arith.constant 31 : i32
    %add3A_1 = arith.addi %mul3A_0, %add3A : i32
    %get3A = arith.index_cast %add3A_1 : i32 to index
    %get3A_2 = memref.load %arg2[%get3A] : memref<1024xi32, #tpu.memory_space<smem>>
    %jit3A = arith.constant 128 : i32
    %div3A = arith.divsi %get3A_2, %jit3A : i32
    %sign3A = arith.constant 0 : i32
    %sign3A_3 = arith.cmpi sgt, %get3A_2, %sign3A : i32
    %sign3A_4 = arith.extui %sign3A_3 : i1 to i32
    %sign3A_5 = arith.constant 0 : i32
    %sign3A_6 = arith.cmpi slt, %get3A_2, %sign3A_5 : i32
    %sign3A_7 = arith.extui %sign3A_6 : i1 to i32
    %sign3A_8 = arith.subi %sign3A_4, %sign3A_7 : i32
    %sign3A_9 = arith.constant 0 : i32
    %sign3A_10 = arith.cmpi sgt, %jit3A, %sign3A_9 : i32
    %sign3A_11 = arith.extui %sign3A_10 : i1 to i32
    %sign3A_12 = arith.constant 0 : i32
    %sign3A_13 = arith.cmpi slt, %jit3A, %sign3A_12 : i32
    %sign3A_14 = arith.extui %sign3A_13 : i1 to i32
    %sign3A_15 = arith.subi %sign3A_11, %sign3A_14 : i32
    %ne3A = arith.cmpi ne, %sign3A_8, %sign3A_15 : i32
    %rem3A = arith.remsi %get3A_2, %jit3A : i32
    %ne3A_16 = arith.constant 0 : i32
    %ne3A_17 = arith.cmpi ne, %rem3A, %ne3A_16 : i32
    %and3A = arith.andi %ne3A, %ne3A_17 : i1
    %sub3A = arith.constant 1 : i32
    %sub3A_18 = arith.subi %div3A, %sub3A : i32
    %select_n3A = arith.select %and3A, %sub3A_18, %div3A : i32
    %c0_i32 = arith.constant 0 : i32
    %c0_i32_19 = arith.constant 0 : i32
    return %c0_i32, %select_n3A : i32, i32
  }
  func.func @transform_98(%arg0: i32, %arg1: memref<1024xi32, #tpu.memory_space<smem>>, %arg2: memref<1024xi32, #tpu.memory_space<smem>>) -> (i32, i32) {
    %mul3A = arith.constant 64 : i32
    %mul3A_0 = arith.muli %arg0, %mul3A : i32
    %add3A = arith.constant 32 : i32
    %add3A_1 = arith.addi %mul3A_0, %add3A : i32
    %get3A = arith.index_cast %add3A_1 : i32 to index
    %get3A_2 = memref.load %arg2[%get3A] : memref<1024xi32, #tpu.memory_space<smem>>
    %jit3A = arith.constant 128 : i32
    %div3A = arith.divsi %get3A_2, %jit3A : i32
    %sign3A = arith.constant 0 : i32
    %sign3A_3 = arith.cmpi sgt, %get3A_2, %sign3A : i32
    %sign3A_4 = arith.extui %sign3A_3 : i1 to i32
    %sign3A_5 = arith.constant 0 : i32
    %sign3A_6 = arith.cmpi slt, %get3A_2, %sign3A_5 : i32
    %sign3A_7 = arith.extui %sign3A_6 : i1 to i32
    %sign3A_8 = arith.subi %sign3A_4, %sign3A_7 : i32
    %sign3A_9 = arith.constant 0 : i32
    %sign3A_10 = arith.cmpi sgt, %jit3A, %sign3A_9 : i32
    %sign3A_11 = arith.extui %sign3A_10 : i1 to i32
    %sign3A_12 = arith.constant 0 : i32
    %sign3A_13 = arith.cmpi slt, %jit3A, %sign3A_12 : i32
    %sign3A_14 = arith.extui %sign3A_13 : i1 to i32
    %sign3A_15 = arith.subi %sign3A_11, %sign3A_14 : i32
    %ne3A = arith.cmpi ne, %sign3A_8, %sign3A_15 : i32
    %rem3A = arith.remsi %get3A_2, %jit3A : i32
    %ne3A_16 = arith.constant 0 : i32
    %ne3A_17 = arith.cmpi ne, %rem3A, %ne3A_16 : i32
    %and3A = arith.andi %ne3A, %ne3A_17 : i1
    %sub3A = arith.constant 1 : i32
    %sub3A_18 = arith.subi %div3A, %sub3A : i32
    %select_n3A = arith.select %and3A, %sub3A_18, %div3A : i32
    %c0_i32 = arith.constant 0 : i32
    %c0_i32_19 = arith.constant 0 : i32
    return %c0_i32, %select_n3A : i32, i32
  }
  func.func @transform_99(%arg0: i32, %arg1: memref<1024xi32, #tpu.memory_space<smem>>, %arg2: memref<1024xi32, #tpu.memory_space<smem>>) -> (i32, i32) {
    %mul3A = arith.constant 64 : i32
    %mul3A_0 = arith.muli %arg0, %mul3A : i32
    %add3A = arith.constant 33 : i32
    %add3A_1 = arith.addi %mul3A_0, %add3A : i32
    %get3A = arith.index_cast %add3A_1 : i32 to index
    %get3A_2 = memref.load %arg2[%get3A] : memref<1024xi32, #tpu.memory_space<smem>>
    %jit3A = arith.constant 128 : i32
    %div3A = arith.divsi %get3A_2, %jit3A : i32
    %sign3A = arith.constant 0 : i32
    %sign3A_3 = arith.cmpi sgt, %get3A_2, %sign3A : i32
    %sign3A_4 = arith.extui %sign3A_3 : i1 to i32
    %sign3A_5 = arith.constant 0 : i32
    %sign3A_6 = arith.cmpi slt, %get3A_2, %sign3A_5 : i32
    %sign3A_7 = arith.extui %sign3A_6 : i1 to i32
    %sign3A_8 = arith.subi %sign3A_4, %sign3A_7 : i32
    %sign3A_9 = arith.constant 0 : i32
    %sign3A_10 = arith.cmpi sgt, %jit3A, %sign3A_9 : i32
    %sign3A_11 = arith.extui %sign3A_10 : i1 to i32
    %sign3A_12 = arith.constant 0 : i32
    %sign3A_13 = arith.cmpi slt, %jit3A, %sign3A_12 : i32
    %sign3A_14 = arith.extui %sign3A_13 : i1 to i32
    %sign3A_15 = arith.subi %sign3A_11, %sign3A_14 : i32
    %ne3A = arith.cmpi ne, %sign3A_8, %sign3A_15 : i32
    %rem3A = arith.remsi %get3A_2, %jit3A : i32
    %ne3A_16 = arith.constant 0 : i32
    %ne3A_17 = arith.cmpi ne, %rem3A, %ne3A_16 : i32
    %and3A = arith.andi %ne3A, %ne3A_17 : i1
    %sub3A = arith.constant 1 : i32
    %sub3A_18 = arith.subi %div3A, %sub3A : i32
    %select_n3A = arith.select %and3A, %sub3A_18, %div3A : i32
    %c0_i32 = arith.constant 0 : i32
    %c0_i32_19 = arith.constant 0 : i32
    return %c0_i32, %select_n3A : i32, i32
  }
  func.func @transform_100(%arg0: i32, %arg1: memref<1024xi32, #tpu.memory_space<smem>>, %arg2: memref<1024xi32, #tpu.memory_space<smem>>) -> (i32, i32) {
    %mul3A = arith.constant 64 : i32
    %mul3A_0 = arith.muli %arg0, %mul3A : i32
    %add3A = arith.constant 34 : i32
    %add3A_1 = arith.addi %mul3A_0, %add3A : i32
    %get3A = arith.index_cast %add3A_1 : i32 to index
    %get3A_2 = memref.load %arg2[%get3A] : memref<1024xi32, #tpu.memory_space<smem>>
    %jit3A = arith.constant 128 : i32
    %div3A = arith.divsi %get3A_2, %jit3A : i32
    %sign3A = arith.constant 0 : i32
    %sign3A_3 = arith.cmpi sgt, %get3A_2, %sign3A : i32
    %sign3A_4 = arith.extui %sign3A_3 : i1 to i32
    %sign3A_5 = arith.constant 0 : i32
    %sign3A_6 = arith.cmpi slt, %get3A_2, %sign3A_5 : i32
    %sign3A_7 = arith.extui %sign3A_6 : i1 to i32
    %sign3A_8 = arith.subi %sign3A_4, %sign3A_7 : i32
    %sign3A_9 = arith.constant 0 : i32
    %sign3A_10 = arith.cmpi sgt, %jit3A, %sign3A_9 : i32
    %sign3A_11 = arith.extui %sign3A_10 : i1 to i32
    %sign3A_12 = arith.constant 0 : i32
    %sign3A_13 = arith.cmpi slt, %jit3A, %sign3A_12 : i32
    %sign3A_14 = arith.extui %sign3A_13 : i1 to i32
    %sign3A_15 = arith.subi %sign3A_11, %sign3A_14 : i32
    %ne3A = arith.cmpi ne, %sign3A_8, %sign3A_15 : i32
    %rem3A = arith.remsi %get3A_2, %jit3A : i32
    %ne3A_16 = arith.constant 0 : i32
    %ne3A_17 = arith.cmpi ne, %rem3A, %ne3A_16 : i32
    %and3A = arith.andi %ne3A, %ne3A_17 : i1
    %sub3A = arith.constant 1 : i32
    %sub3A_18 = arith.subi %div3A, %sub3A : i32
    %select_n3A = arith.select %and3A, %sub3A_18, %div3A : i32
    %c0_i32 = arith.constant 0 : i32
    %c0_i32_19 = arith.constant 0 : i32
    return %c0_i32, %select_n3A : i32, i32
  }
  func.func @transform_101(%arg0: i32, %arg1: memref<1024xi32, #tpu.memory_space<smem>>, %arg2: memref<1024xi32, #tpu.memory_space<smem>>) -> (i32, i32) {
    %mul3A = arith.constant 64 : i32
    %mul3A_0 = arith.muli %arg0, %mul3A : i32
    %add3A = arith.constant 35 : i32
    %add3A_1 = arith.addi %mul3A_0, %add3A : i32
    %get3A = arith.index_cast %add3A_1 : i32 to index
    %get3A_2 = memref.load %arg2[%get3A] : memref<1024xi32, #tpu.memory_space<smem>>
    %jit3A = arith.constant 128 : i32
    %div3A = arith.divsi %get3A_2, %jit3A : i32
    %sign3A = arith.constant 0 : i32
    %sign3A_3 = arith.cmpi sgt, %get3A_2, %sign3A : i32
    %sign3A_4 = arith.extui %sign3A_3 : i1 to i32
    %sign3A_5 = arith.constant 0 : i32
    %sign3A_6 = arith.cmpi slt, %get3A_2, %sign3A_5 : i32
    %sign3A_7 = arith.extui %sign3A_6 : i1 to i32
    %sign3A_8 = arith.subi %sign3A_4, %sign3A_7 : i32
    %sign3A_9 = arith.constant 0 : i32
    %sign3A_10 = arith.cmpi sgt, %jit3A, %sign3A_9 : i32
    %sign3A_11 = arith.extui %sign3A_10 : i1 to i32
    %sign3A_12 = arith.constant 0 : i32
    %sign3A_13 = arith.cmpi slt, %jit3A, %sign3A_12 : i32
    %sign3A_14 = arith.extui %sign3A_13 : i1 to i32
    %sign3A_15 = arith.subi %sign3A_11, %sign3A_14 : i32
    %ne3A = arith.cmpi ne, %sign3A_8, %sign3A_15 : i32
    %rem3A = arith.remsi %get3A_2, %jit3A : i32
    %ne3A_16 = arith.constant 0 : i32
    %ne3A_17 = arith.cmpi ne, %rem3A, %ne3A_16 : i32
    %and3A = arith.andi %ne3A, %ne3A_17 : i1
    %sub3A = arith.constant 1 : i32
    %sub3A_18 = arith.subi %div3A, %sub3A : i32
    %select_n3A = arith.select %and3A, %sub3A_18, %div3A : i32
    %c0_i32 = arith.constant 0 : i32
    %c0_i32_19 = arith.constant 0 : i32
    return %c0_i32, %select_n3A : i32, i32
  }
  func.func @transform_102(%arg0: i32, %arg1: memref<1024xi32, #tpu.memory_space<smem>>, %arg2: memref<1024xi32, #tpu.memory_space<smem>>) -> (i32, i32) {
    %mul3A = arith.constant 64 : i32
    %mul3A_0 = arith.muli %arg0, %mul3A : i32
    %add3A = arith.constant 36 : i32
    %add3A_1 = arith.addi %mul3A_0, %add3A : i32
    %get3A = arith.index_cast %add3A_1 : i32 to index
    %get3A_2 = memref.load %arg2[%get3A] : memref<1024xi32, #tpu.memory_space<smem>>
    %jit3A = arith.constant 128 : i32
    %div3A = arith.divsi %get3A_2, %jit3A : i32
    %sign3A = arith.constant 0 : i32
    %sign3A_3 = arith.cmpi sgt, %get3A_2, %sign3A : i32
    %sign3A_4 = arith.extui %sign3A_3 : i1 to i32
    %sign3A_5 = arith.constant 0 : i32
    %sign3A_6 = arith.cmpi slt, %get3A_2, %sign3A_5 : i32
    %sign3A_7 = arith.extui %sign3A_6 : i1 to i32
    %sign3A_8 = arith.subi %sign3A_4, %sign3A_7 : i32
    %sign3A_9 = arith.constant 0 : i32
    %sign3A_10 = arith.cmpi sgt, %jit3A, %sign3A_9 : i32
    %sign3A_11 = arith.extui %sign3A_10 : i1 to i32
    %sign3A_12 = arith.constant 0 : i32
    %sign3A_13 = arith.cmpi slt, %jit3A, %sign3A_12 : i32
    %sign3A_14 = arith.extui %sign3A_13 : i1 to i32
    %sign3A_15 = arith.subi %sign3A_11, %sign3A_14 : i32
    %ne3A = arith.cmpi ne, %sign3A_8, %sign3A_15 : i32
    %rem3A = arith.remsi %get3A_2, %jit3A : i32
    %ne3A_16 = arith.constant 0 : i32
    %ne3A_17 = arith.cmpi ne, %rem3A, %ne3A_16 : i32
    %and3A = arith.andi %ne3A, %ne3A_17 : i1
    %sub3A = arith.constant 1 : i32
    %sub3A_18 = arith.subi %div3A, %sub3A : i32
    %select_n3A = arith.select %and3A, %sub3A_18, %div3A : i32
    %c0_i32 = arith.constant 0 : i32
    %c0_i32_19 = arith.constant 0 : i32
    return %c0_i32, %select_n3A : i32, i32
  }
  func.func @transform_103(%arg0: i32, %arg1: memref<1024xi32, #tpu.memory_space<smem>>, %arg2: memref<1024xi32, #tpu.memory_space<smem>>) -> (i32, i32) {
    %mul3A = arith.constant 64 : i32
    %mul3A_0 = arith.muli %arg0, %mul3A : i32
    %add3A = arith.constant 37 : i32
    %add3A_1 = arith.addi %mul3A_0, %add3A : i32
    %get3A = arith.index_cast %add3A_1 : i32 to index
    %get3A_2 = memref.load %arg2[%get3A] : memref<1024xi32, #tpu.memory_space<smem>>
    %jit3A = arith.constant 128 : i32
    %div3A = arith.divsi %get3A_2, %jit3A : i32
    %sign3A = arith.constant 0 : i32
    %sign3A_3 = arith.cmpi sgt, %get3A_2, %sign3A : i32
    %sign3A_4 = arith.extui %sign3A_3 : i1 to i32
    %sign3A_5 = arith.constant 0 : i32
    %sign3A_6 = arith.cmpi slt, %get3A_2, %sign3A_5 : i32
    %sign3A_7 = arith.extui %sign3A_6 : i1 to i32
    %sign3A_8 = arith.subi %sign3A_4, %sign3A_7 : i32
    %sign3A_9 = arith.constant 0 : i32
    %sign3A_10 = arith.cmpi sgt, %jit3A, %sign3A_9 : i32
    %sign3A_11 = arith.extui %sign3A_10 : i1 to i32
    %sign3A_12 = arith.constant 0 : i32
    %sign3A_13 = arith.cmpi slt, %jit3A, %sign3A_12 : i32
    %sign3A_14 = arith.extui %sign3A_13 : i1 to i32
    %sign3A_15 = arith.subi %sign3A_11, %sign3A_14 : i32
    %ne3A = arith.cmpi ne, %sign3A_8, %sign3A_15 : i32
    %rem3A = arith.remsi %get3A_2, %jit3A : i32
    %ne3A_16 = arith.constant 0 : i32
    %ne3A_17 = arith.cmpi ne, %rem3A, %ne3A_16 : i32
    %and3A = arith.andi %ne3A, %ne3A_17 : i1
    %sub3A = arith.constant 1 : i32
    %sub3A_18 = arith.subi %div3A, %sub3A : i32
    %select_n3A = arith.select %and3A, %sub3A_18, %div3A : i32
    %c0_i32 = arith.constant 0 : i32
    %c0_i32_19 = arith.constant 0 : i32
    return %c0_i32, %select_n3A : i32, i32
  }
  func.func @transform_104(%arg0: i32, %arg1: memref<1024xi32, #tpu.memory_space<smem>>, %arg2: memref<1024xi32, #tpu.memory_space<smem>>) -> (i32, i32) {
    %mul3A = arith.constant 64 : i32
    %mul3A_0 = arith.muli %arg0, %mul3A : i32
    %add3A = arith.constant 38 : i32
    %add3A_1 = arith.addi %mul3A_0, %add3A : i32
    %get3A = arith.index_cast %add3A_1 : i32 to index
    %get3A_2 = memref.load %arg2[%get3A] : memref<1024xi32, #tpu.memory_space<smem>>
    %jit3A = arith.constant 128 : i32
    %div3A = arith.divsi %get3A_2, %jit3A : i32
    %sign3A = arith.constant 0 : i32
    %sign3A_3 = arith.cmpi sgt, %get3A_2, %sign3A : i32
    %sign3A_4 = arith.extui %sign3A_3 : i1 to i32
    %sign3A_5 = arith.constant 0 : i32
    %sign3A_6 = arith.cmpi slt, %get3A_2, %sign3A_5 : i32
    %sign3A_7 = arith.extui %sign3A_6 : i1 to i32
    %sign3A_8 = arith.subi %sign3A_4, %sign3A_7 : i32
    %sign3A_9 = arith.constant 0 : i32
    %sign3A_10 = arith.cmpi sgt, %jit3A, %sign3A_9 : i32
    %sign3A_11 = arith.extui %sign3A_10 : i1 to i32
    %sign3A_12 = arith.constant 0 : i32
    %sign3A_13 = arith.cmpi slt, %jit3A, %sign3A_12 : i32
    %sign3A_14 = arith.extui %sign3A_13 : i1 to i32
    %sign3A_15 = arith.subi %sign3A_11, %sign3A_14 : i32
    %ne3A = arith.cmpi ne, %sign3A_8, %sign3A_15 : i32
    %rem3A = arith.remsi %get3A_2, %jit3A : i32
    %ne3A_16 = arith.constant 0 : i32
    %ne3A_17 = arith.cmpi ne, %rem3A, %ne3A_16 : i32
    %and3A = arith.andi %ne3A, %ne3A_17 : i1
    %sub3A = arith.constant 1 : i32
    %sub3A_18 = arith.subi %div3A, %sub3A : i32
    %select_n3A = arith.select %and3A, %sub3A_18, %div3A : i32
    %c0_i32 = arith.constant 0 : i32
    %c0_i32_19 = arith.constant 0 : i32
    return %c0_i32, %select_n3A : i32, i32
  }
  func.func @transform_105(%arg0: i32, %arg1: memref<1024xi32, #tpu.memory_space<smem>>, %arg2: memref<1024xi32, #tpu.memory_space<smem>>) -> (i32, i32) {
    %mul3A = arith.constant 64 : i32
    %mul3A_0 = arith.muli %arg0, %mul3A : i32
    %add3A = arith.constant 39 : i32
    %add3A_1 = arith.addi %mul3A_0, %add3A : i32
    %get3A = arith.index_cast %add3A_1 : i32 to index
    %get3A_2 = memref.load %arg2[%get3A] : memref<1024xi32, #tpu.memory_space<smem>>
    %jit3A = arith.constant 128 : i32
    %div3A = arith.divsi %get3A_2, %jit3A : i32
    %sign3A = arith.constant 0 : i32
    %sign3A_3 = arith.cmpi sgt, %get3A_2, %sign3A : i32
    %sign3A_4 = arith.extui %sign3A_3 : i1 to i32
    %sign3A_5 = arith.constant 0 : i32
    %sign3A_6 = arith.cmpi slt, %get3A_2, %sign3A_5 : i32
    %sign3A_7 = arith.extui %sign3A_6 : i1 to i32
    %sign3A_8 = arith.subi %sign3A_4, %sign3A_7 : i32
    %sign3A_9 = arith.constant 0 : i32
    %sign3A_10 = arith.cmpi sgt, %jit3A, %sign3A_9 : i32
    %sign3A_11 = arith.extui %sign3A_10 : i1 to i32
    %sign3A_12 = arith.constant 0 : i32
    %sign3A_13 = arith.cmpi slt, %jit3A, %sign3A_12 : i32
    %sign3A_14 = arith.extui %sign3A_13 : i1 to i32
    %sign3A_15 = arith.subi %sign3A_11, %sign3A_14 : i32
    %ne3A = arith.cmpi ne, %sign3A_8, %sign3A_15 : i32
    %rem3A = arith.remsi %get3A_2, %jit3A : i32
    %ne3A_16 = arith.constant 0 : i32
    %ne3A_17 = arith.cmpi ne, %rem3A, %ne3A_16 : i32
    %and3A = arith.andi %ne3A, %ne3A_17 : i1
    %sub3A = arith.constant 1 : i32
    %sub3A_18 = arith.subi %div3A, %sub3A : i32
    %select_n3A = arith.select %and3A, %sub3A_18, %div3A : i32
    %c0_i32 = arith.constant 0 : i32
    %c0_i32_19 = arith.constant 0 : i32
    return %c0_i32, %select_n3A : i32, i32
  }
  func.func @transform_106(%arg0: i32, %arg1: memref<1024xi32, #tpu.memory_space<smem>>, %arg2: memref<1024xi32, #tpu.memory_space<smem>>) -> (i32, i32) {
    %mul3A = arith.constant 64 : i32
    %mul3A_0 = arith.muli %arg0, %mul3A : i32
    %add3A = arith.constant 40 : i32
    %add3A_1 = arith.addi %mul3A_0, %add3A : i32
    %get3A = arith.index_cast %add3A_1 : i32 to index
    %get3A_2 = memref.load %arg2[%get3A] : memref<1024xi32, #tpu.memory_space<smem>>
    %jit3A = arith.constant 128 : i32
    %div3A = arith.divsi %get3A_2, %jit3A : i32
    %sign3A = arith.constant 0 : i32
    %sign3A_3 = arith.cmpi sgt, %get3A_2, %sign3A : i32
    %sign3A_4 = arith.extui %sign3A_3 : i1 to i32
    %sign3A_5 = arith.constant 0 : i32
    %sign3A_6 = arith.cmpi slt, %get3A_2, %sign3A_5 : i32
    %sign3A_7 = arith.extui %sign3A_6 : i1 to i32
    %sign3A_8 = arith.subi %sign3A_4, %sign3A_7 : i32
    %sign3A_9 = arith.constant 0 : i32
    %sign3A_10 = arith.cmpi sgt, %jit3A, %sign3A_9 : i32
    %sign3A_11 = arith.extui %sign3A_10 : i1 to i32
    %sign3A_12 = arith.constant 0 : i32
    %sign3A_13 = arith.cmpi slt, %jit3A, %sign3A_12 : i32
    %sign3A_14 = arith.extui %sign3A_13 : i1 to i32
    %sign3A_15 = arith.subi %sign3A_11, %sign3A_14 : i32
    %ne3A = arith.cmpi ne, %sign3A_8, %sign3A_15 : i32
    %rem3A = arith.remsi %get3A_2, %jit3A : i32
    %ne3A_16 = arith.constant 0 : i32
    %ne3A_17 = arith.cmpi ne, %rem3A, %ne3A_16 : i32
    %and3A = arith.andi %ne3A, %ne3A_17 : i1
    %sub3A = arith.constant 1 : i32
    %sub3A_18 = arith.subi %div3A, %sub3A : i32
    %select_n3A = arith.select %and3A, %sub3A_18, %div3A : i32
    %c0_i32 = arith.constant 0 : i32
    %c0_i32_19 = arith.constant 0 : i32
    return %c0_i32, %select_n3A : i32, i32
  }
  func.func @transform_107(%arg0: i32, %arg1: memref<1024xi32, #tpu.memory_space<smem>>, %arg2: memref<1024xi32, #tpu.memory_space<smem>>) -> (i32, i32) {
    %mul3A = arith.constant 64 : i32
    %mul3A_0 = arith.muli %arg0, %mul3A : i32
    %add3A = arith.constant 41 : i32
    %add3A_1 = arith.addi %mul3A_0, %add3A : i32
    %get3A = arith.index_cast %add3A_1 : i32 to index
    %get3A_2 = memref.load %arg2[%get3A] : memref<1024xi32, #tpu.memory_space<smem>>
    %jit3A = arith.constant 128 : i32
    %div3A = arith.divsi %get3A_2, %jit3A : i32
    %sign3A = arith.constant 0 : i32
    %sign3A_3 = arith.cmpi sgt, %get3A_2, %sign3A : i32
    %sign3A_4 = arith.extui %sign3A_3 : i1 to i32
    %sign3A_5 = arith.constant 0 : i32
    %sign3A_6 = arith.cmpi slt, %get3A_2, %sign3A_5 : i32
    %sign3A_7 = arith.extui %sign3A_6 : i1 to i32
    %sign3A_8 = arith.subi %sign3A_4, %sign3A_7 : i32
    %sign3A_9 = arith.constant 0 : i32
    %sign3A_10 = arith.cmpi sgt, %jit3A, %sign3A_9 : i32
    %sign3A_11 = arith.extui %sign3A_10 : i1 to i32
    %sign3A_12 = arith.constant 0 : i32
    %sign3A_13 = arith.cmpi slt, %jit3A, %sign3A_12 : i32
    %sign3A_14 = arith.extui %sign3A_13 : i1 to i32
    %sign3A_15 = arith.subi %sign3A_11, %sign3A_14 : i32
    %ne3A = arith.cmpi ne, %sign3A_8, %sign3A_15 : i32
    %rem3A = arith.remsi %get3A_2, %jit3A : i32
    %ne3A_16 = arith.constant 0 : i32
    %ne3A_17 = arith.cmpi ne, %rem3A, %ne3A_16 : i32
    %and3A = arith.andi %ne3A, %ne3A_17 : i1
    %sub3A = arith.constant 1 : i32
    %sub3A_18 = arith.subi %div3A, %sub3A : i32
    %select_n3A = arith.select %and3A, %sub3A_18, %div3A : i32
    %c0_i32 = arith.constant 0 : i32
    %c0_i32_19 = arith.constant 0 : i32
    return %c0_i32, %select_n3A : i32, i32
  }
  func.func @transform_108(%arg0: i32, %arg1: memref<1024xi32, #tpu.memory_space<smem>>, %arg2: memref<1024xi32, #tpu.memory_space<smem>>) -> (i32, i32) {
    %mul3A = arith.constant 64 : i32
    %mul3A_0 = arith.muli %arg0, %mul3A : i32
    %add3A = arith.constant 42 : i32
    %add3A_1 = arith.addi %mul3A_0, %add3A : i32
    %get3A = arith.index_cast %add3A_1 : i32 to index
    %get3A_2 = memref.load %arg2[%get3A] : memref<1024xi32, #tpu.memory_space<smem>>
    %jit3A = arith.constant 128 : i32
    %div3A = arith.divsi %get3A_2, %jit3A : i32
    %sign3A = arith.constant 0 : i32
    %sign3A_3 = arith.cmpi sgt, %get3A_2, %sign3A : i32
    %sign3A_4 = arith.extui %sign3A_3 : i1 to i32
    %sign3A_5 = arith.constant 0 : i32
    %sign3A_6 = arith.cmpi slt, %get3A_2, %sign3A_5 : i32
    %sign3A_7 = arith.extui %sign3A_6 : i1 to i32
    %sign3A_8 = arith.subi %sign3A_4, %sign3A_7 : i32
    %sign3A_9 = arith.constant 0 : i32
    %sign3A_10 = arith.cmpi sgt, %jit3A, %sign3A_9 : i32
    %sign3A_11 = arith.extui %sign3A_10 : i1 to i32
    %sign3A_12 = arith.constant 0 : i32
    %sign3A_13 = arith.cmpi slt, %jit3A, %sign3A_12 : i32
    %sign3A_14 = arith.extui %sign3A_13 : i1 to i32
    %sign3A_15 = arith.subi %sign3A_11, %sign3A_14 : i32
    %ne3A = arith.cmpi ne, %sign3A_8, %sign3A_15 : i32
    %rem3A = arith.remsi %get3A_2, %jit3A : i32
    %ne3A_16 = arith.constant 0 : i32
    %ne3A_17 = arith.cmpi ne, %rem3A, %ne3A_16 : i32
    %and3A = arith.andi %ne3A, %ne3A_17 : i1
    %sub3A = arith.constant 1 : i32
    %sub3A_18 = arith.subi %div3A, %sub3A : i32
    %select_n3A = arith.select %and3A, %sub3A_18, %div3A : i32
    %c0_i32 = arith.constant 0 : i32
    %c0_i32_19 = arith.constant 0 : i32
    return %c0_i32, %select_n3A : i32, i32
  }
  func.func @transform_109(%arg0: i32, %arg1: memref<1024xi32, #tpu.memory_space<smem>>, %arg2: memref<1024xi32, #tpu.memory_space<smem>>) -> (i32, i32) {
    %mul3A = arith.constant 64 : i32
    %mul3A_0 = arith.muli %arg0, %mul3A : i32
    %add3A = arith.constant 43 : i32
    %add3A_1 = arith.addi %mul3A_0, %add3A : i32
    %get3A = arith.index_cast %add3A_1 : i32 to index
    %get3A_2 = memref.load %arg2[%get3A] : memref<1024xi32, #tpu.memory_space<smem>>
    %jit3A = arith.constant 128 : i32
    %div3A = arith.divsi %get3A_2, %jit3A : i32
    %sign3A = arith.constant 0 : i32
    %sign3A_3 = arith.cmpi sgt, %get3A_2, %sign3A : i32
    %sign3A_4 = arith.extui %sign3A_3 : i1 to i32
    %sign3A_5 = arith.constant 0 : i32
    %sign3A_6 = arith.cmpi slt, %get3A_2, %sign3A_5 : i32
    %sign3A_7 = arith.extui %sign3A_6 : i1 to i32
    %sign3A_8 = arith.subi %sign3A_4, %sign3A_7 : i32
    %sign3A_9 = arith.constant 0 : i32
    %sign3A_10 = arith.cmpi sgt, %jit3A, %sign3A_9 : i32
    %sign3A_11 = arith.extui %sign3A_10 : i1 to i32
    %sign3A_12 = arith.constant 0 : i32
    %sign3A_13 = arith.cmpi slt, %jit3A, %sign3A_12 : i32
    %sign3A_14 = arith.extui %sign3A_13 : i1 to i32
    %sign3A_15 = arith.subi %sign3A_11, %sign3A_14 : i32
    %ne3A = arith.cmpi ne, %sign3A_8, %sign3A_15 : i32
    %rem3A = arith.remsi %get3A_2, %jit3A : i32
    %ne3A_16 = arith.constant 0 : i32
    %ne3A_17 = arith.cmpi ne, %rem3A, %ne3A_16 : i32
    %and3A = arith.andi %ne3A, %ne3A_17 : i1
    %sub3A = arith.constant 1 : i32
    %sub3A_18 = arith.subi %div3A, %sub3A : i32
    %select_n3A = arith.select %and3A, %sub3A_18, %div3A : i32
    %c0_i32 = arith.constant 0 : i32
    %c0_i32_19 = arith.constant 0 : i32
    return %c0_i32, %select_n3A : i32, i32
  }
  func.func @transform_110(%arg0: i32, %arg1: memref<1024xi32, #tpu.memory_space<smem>>, %arg2: memref<1024xi32, #tpu.memory_space<smem>>) -> (i32, i32) {
    %mul3A = arith.constant 64 : i32
    %mul3A_0 = arith.muli %arg0, %mul3A : i32
    %add3A = arith.constant 44 : i32
    %add3A_1 = arith.addi %mul3A_0, %add3A : i32
    %get3A = arith.index_cast %add3A_1 : i32 to index
    %get3A_2 = memref.load %arg2[%get3A] : memref<1024xi32, #tpu.memory_space<smem>>
    %jit3A = arith.constant 128 : i32
    %div3A = arith.divsi %get3A_2, %jit3A : i32
    %sign3A = arith.constant 0 : i32
    %sign3A_3 = arith.cmpi sgt, %get3A_2, %sign3A : i32
    %sign3A_4 = arith.extui %sign3A_3 : i1 to i32
    %sign3A_5 = arith.constant 0 : i32
    %sign3A_6 = arith.cmpi slt, %get3A_2, %sign3A_5 : i32
    %sign3A_7 = arith.extui %sign3A_6 : i1 to i32
    %sign3A_8 = arith.subi %sign3A_4, %sign3A_7 : i32
    %sign3A_9 = arith.constant 0 : i32
    %sign3A_10 = arith.cmpi sgt, %jit3A, %sign3A_9 : i32
    %sign3A_11 = arith.extui %sign3A_10 : i1 to i32
    %sign3A_12 = arith.constant 0 : i32
    %sign3A_13 = arith.cmpi slt, %jit3A, %sign3A_12 : i32
    %sign3A_14 = arith.extui %sign3A_13 : i1 to i32
    %sign3A_15 = arith.subi %sign3A_11, %sign3A_14 : i32
    %ne3A = arith.cmpi ne, %sign3A_8, %sign3A_15 : i32
    %rem3A = arith.remsi %get3A_2, %jit3A : i32
    %ne3A_16 = arith.constant 0 : i32
    %ne3A_17 = arith.cmpi ne, %rem3A, %ne3A_16 : i32
    %and3A = arith.andi %ne3A, %ne3A_17 : i1
    %sub3A = arith.constant 1 : i32
    %sub3A_18 = arith.subi %div3A, %sub3A : i32
    %select_n3A = arith.select %and3A, %sub3A_18, %div3A : i32
    %c0_i32 = arith.constant 0 : i32
    %c0_i32_19 = arith.constant 0 : i32
    return %c0_i32, %select_n3A : i32, i32
  }
  func.func @transform_111(%arg0: i32, %arg1: memref<1024xi32, #tpu.memory_space<smem>>, %arg2: memref<1024xi32, #tpu.memory_space<smem>>) -> (i32, i32) {
    %mul3A = arith.constant 64 : i32
    %mul3A_0 = arith.muli %arg0, %mul3A : i32
    %add3A = arith.constant 45 : i32
    %add3A_1 = arith.addi %mul3A_0, %add3A : i32
    %get3A = arith.index_cast %add3A_1 : i32 to index
    %get3A_2 = memref.load %arg2[%get3A] : memref<1024xi32, #tpu.memory_space<smem>>
    %jit3A = arith.constant 128 : i32
    %div3A = arith.divsi %get3A_2, %jit3A : i32
    %sign3A = arith.constant 0 : i32
    %sign3A_3 = arith.cmpi sgt, %get3A_2, %sign3A : i32
    %sign3A_4 = arith.extui %sign3A_3 : i1 to i32
    %sign3A_5 = arith.constant 0 : i32
    %sign3A_6 = arith.cmpi slt, %get3A_2, %sign3A_5 : i32
    %sign3A_7 = arith.extui %sign3A_6 : i1 to i32
    %sign3A_8 = arith.subi %sign3A_4, %sign3A_7 : i32
    %sign3A_9 = arith.constant 0 : i32
    %sign3A_10 = arith.cmpi sgt, %jit3A, %sign3A_9 : i32
    %sign3A_11 = arith.extui %sign3A_10 : i1 to i32
    %sign3A_12 = arith.constant 0 : i32
    %sign3A_13 = arith.cmpi slt, %jit3A, %sign3A_12 : i32
    %sign3A_14 = arith.extui %sign3A_13 : i1 to i32
    %sign3A_15 = arith.subi %sign3A_11, %sign3A_14 : i32
    %ne3A = arith.cmpi ne, %sign3A_8, %sign3A_15 : i32
    %rem3A = arith.remsi %get3A_2, %jit3A : i32
    %ne3A_16 = arith.constant 0 : i32
    %ne3A_17 = arith.cmpi ne, %rem3A, %ne3A_16 : i32
    %and3A = arith.andi %ne3A, %ne3A_17 : i1
    %sub3A = arith.constant 1 : i32
    %sub3A_18 = arith.subi %div3A, %sub3A : i32
    %select_n3A = arith.select %and3A, %sub3A_18, %div3A : i32
    %c0_i32 = arith.constant 0 : i32
    %c0_i32_19 = arith.constant 0 : i32
    return %c0_i32, %select_n3A : i32, i32
  }
  func.func @transform_112(%arg0: i32, %arg1: memref<1024xi32, #tpu.memory_space<smem>>, %arg2: memref<1024xi32, #tpu.memory_space<smem>>) -> (i32, i32) {
    %mul3A = arith.constant 64 : i32
    %mul3A_0 = arith.muli %arg0, %mul3A : i32
    %add3A = arith.constant 46 : i32
    %add3A_1 = arith.addi %mul3A_0, %add3A : i32
    %get3A = arith.index_cast %add3A_1 : i32 to index
    %get3A_2 = memref.load %arg2[%get3A] : memref<1024xi32, #tpu.memory_space<smem>>
    %jit3A = arith.constant 128 : i32
    %div3A = arith.divsi %get3A_2, %jit3A : i32
    %sign3A = arith.constant 0 : i32
    %sign3A_3 = arith.cmpi sgt, %get3A_2, %sign3A : i32
    %sign3A_4 = arith.extui %sign3A_3 : i1 to i32
    %sign3A_5 = arith.constant 0 : i32
    %sign3A_6 = arith.cmpi slt, %get3A_2, %sign3A_5 : i32
    %sign3A_7 = arith.extui %sign3A_6 : i1 to i32
    %sign3A_8 = arith.subi %sign3A_4, %sign3A_7 : i32
    %sign3A_9 = arith.constant 0 : i32
    %sign3A_10 = arith.cmpi sgt, %jit3A, %sign3A_9 : i32
    %sign3A_11 = arith.extui %sign3A_10 : i1 to i32
    %sign3A_12 = arith.constant 0 : i32
    %sign3A_13 = arith.cmpi slt, %jit3A, %sign3A_12 : i32
    %sign3A_14 = arith.extui %sign3A_13 : i1 to i32
    %sign3A_15 = arith.subi %sign3A_11, %sign3A_14 : i32
    %ne3A = arith.cmpi ne, %sign3A_8, %sign3A_15 : i32
    %rem3A = arith.remsi %get3A_2, %jit3A : i32
    %ne3A_16 = arith.constant 0 : i32
    %ne3A_17 = arith.cmpi ne, %rem3A, %ne3A_16 : i32
    %and3A = arith.andi %ne3A, %ne3A_17 : i1
    %sub3A = arith.constant 1 : i32
    %sub3A_18 = arith.subi %div3A, %sub3A : i32
    %select_n3A = arith.select %and3A, %sub3A_18, %div3A : i32
    %c0_i32 = arith.constant 0 : i32
    %c0_i32_19 = arith.constant 0 : i32
    return %c0_i32, %select_n3A : i32, i32
  }
  func.func @transform_113(%arg0: i32, %arg1: memref<1024xi32, #tpu.memory_space<smem>>, %arg2: memref<1024xi32, #tpu.memory_space<smem>>) -> (i32, i32) {
    %mul3A = arith.constant 64 : i32
    %mul3A_0 = arith.muli %arg0, %mul3A : i32
    %add3A = arith.constant 47 : i32
    %add3A_1 = arith.addi %mul3A_0, %add3A : i32
    %get3A = arith.index_cast %add3A_1 : i32 to index
    %get3A_2 = memref.load %arg2[%get3A] : memref<1024xi32, #tpu.memory_space<smem>>
    %jit3A = arith.constant 128 : i32
    %div3A = arith.divsi %get3A_2, %jit3A : i32
    %sign3A = arith.constant 0 : i32
    %sign3A_3 = arith.cmpi sgt, %get3A_2, %sign3A : i32
    %sign3A_4 = arith.extui %sign3A_3 : i1 to i32
    %sign3A_5 = arith.constant 0 : i32
    %sign3A_6 = arith.cmpi slt, %get3A_2, %sign3A_5 : i32
    %sign3A_7 = arith.extui %sign3A_6 : i1 to i32
    %sign3A_8 = arith.subi %sign3A_4, %sign3A_7 : i32
    %sign3A_9 = arith.constant 0 : i32
    %sign3A_10 = arith.cmpi sgt, %jit3A, %sign3A_9 : i32
    %sign3A_11 = arith.extui %sign3A_10 : i1 to i32
    %sign3A_12 = arith.constant 0 : i32
    %sign3A_13 = arith.cmpi slt, %jit3A, %sign3A_12 : i32
    %sign3A_14 = arith.extui %sign3A_13 : i1 to i32
    %sign3A_15 = arith.subi %sign3A_11, %sign3A_14 : i32
    %ne3A = arith.cmpi ne, %sign3A_8, %sign3A_15 : i32
    %rem3A = arith.remsi %get3A_2, %jit3A : i32
    %ne3A_16 = arith.constant 0 : i32
    %ne3A_17 = arith.cmpi ne, %rem3A, %ne3A_16 : i32
    %and3A = arith.andi %ne3A, %ne3A_17 : i1
    %sub3A = arith.constant 1 : i32
    %sub3A_18 = arith.subi %div3A, %sub3A : i32
    %select_n3A = arith.select %and3A, %sub3A_18, %div3A : i32
    %c0_i32 = arith.constant 0 : i32
    %c0_i32_19 = arith.constant 0 : i32
    return %c0_i32, %select_n3A : i32, i32
  }
  func.func @transform_114(%arg0: i32, %arg1: memref<1024xi32, #tpu.memory_space<smem>>, %arg2: memref<1024xi32, #tpu.memory_space<smem>>) -> (i32, i32) {
    %mul3A = arith.constant 64 : i32
    %mul3A_0 = arith.muli %arg0, %mul3A : i32
    %add3A = arith.constant 48 : i32
    %add3A_1 = arith.addi %mul3A_0, %add3A : i32
    %get3A = arith.index_cast %add3A_1 : i32 to index
    %get3A_2 = memref.load %arg2[%get3A] : memref<1024xi32, #tpu.memory_space<smem>>
    %jit3A = arith.constant 128 : i32
    %div3A = arith.divsi %get3A_2, %jit3A : i32
    %sign3A = arith.constant 0 : i32
    %sign3A_3 = arith.cmpi sgt, %get3A_2, %sign3A : i32
    %sign3A_4 = arith.extui %sign3A_3 : i1 to i32
    %sign3A_5 = arith.constant 0 : i32
    %sign3A_6 = arith.cmpi slt, %get3A_2, %sign3A_5 : i32
    %sign3A_7 = arith.extui %sign3A_6 : i1 to i32
    %sign3A_8 = arith.subi %sign3A_4, %sign3A_7 : i32
    %sign3A_9 = arith.constant 0 : i32
    %sign3A_10 = arith.cmpi sgt, %jit3A, %sign3A_9 : i32
    %sign3A_11 = arith.extui %sign3A_10 : i1 to i32
    %sign3A_12 = arith.constant 0 : i32
    %sign3A_13 = arith.cmpi slt, %jit3A, %sign3A_12 : i32
    %sign3A_14 = arith.extui %sign3A_13 : i1 to i32
    %sign3A_15 = arith.subi %sign3A_11, %sign3A_14 : i32
    %ne3A = arith.cmpi ne, %sign3A_8, %sign3A_15 : i32
    %rem3A = arith.remsi %get3A_2, %jit3A : i32
    %ne3A_16 = arith.constant 0 : i32
    %ne3A_17 = arith.cmpi ne, %rem3A, %ne3A_16 : i32
    %and3A = arith.andi %ne3A, %ne3A_17 : i1
    %sub3A = arith.constant 1 : i32
    %sub3A_18 = arith.subi %div3A, %sub3A : i32
    %select_n3A = arith.select %and3A, %sub3A_18, %div3A : i32
    %c0_i32 = arith.constant 0 : i32
    %c0_i32_19 = arith.constant 0 : i32
    return %c0_i32, %select_n3A : i32, i32
  }
  func.func @transform_115(%arg0: i32, %arg1: memref<1024xi32, #tpu.memory_space<smem>>, %arg2: memref<1024xi32, #tpu.memory_space<smem>>) -> (i32, i32) {
    %mul3A = arith.constant 64 : i32
    %mul3A_0 = arith.muli %arg0, %mul3A : i32
    %add3A = arith.constant 49 : i32
    %add3A_1 = arith.addi %mul3A_0, %add3A : i32
    %get3A = arith.index_cast %add3A_1 : i32 to index
    %get3A_2 = memref.load %arg2[%get3A] : memref<1024xi32, #tpu.memory_space<smem>>
    %jit3A = arith.constant 128 : i32
    %div3A = arith.divsi %get3A_2, %jit3A : i32
    %sign3A = arith.constant 0 : i32
    %sign3A_3 = arith.cmpi sgt, %get3A_2, %sign3A : i32
    %sign3A_4 = arith.extui %sign3A_3 : i1 to i32
    %sign3A_5 = arith.constant 0 : i32
    %sign3A_6 = arith.cmpi slt, %get3A_2, %sign3A_5 : i32
    %sign3A_7 = arith.extui %sign3A_6 : i1 to i32
    %sign3A_8 = arith.subi %sign3A_4, %sign3A_7 : i32
    %sign3A_9 = arith.constant 0 : i32
    %sign3A_10 = arith.cmpi sgt, %jit3A, %sign3A_9 : i32
    %sign3A_11 = arith.extui %sign3A_10 : i1 to i32
    %sign3A_12 = arith.constant 0 : i32
    %sign3A_13 = arith.cmpi slt, %jit3A, %sign3A_12 : i32
    %sign3A_14 = arith.extui %sign3A_13 : i1 to i32
    %sign3A_15 = arith.subi %sign3A_11, %sign3A_14 : i32
    %ne3A = arith.cmpi ne, %sign3A_8, %sign3A_15 : i32
    %rem3A = arith.remsi %get3A_2, %jit3A : i32
    %ne3A_16 = arith.constant 0 : i32
    %ne3A_17 = arith.cmpi ne, %rem3A, %ne3A_16 : i32
    %and3A = arith.andi %ne3A, %ne3A_17 : i1
    %sub3A = arith.constant 1 : i32
    %sub3A_18 = arith.subi %div3A, %sub3A : i32
    %select_n3A = arith.select %and3A, %sub3A_18, %div3A : i32
    %c0_i32 = arith.constant 0 : i32
    %c0_i32_19 = arith.constant 0 : i32
    return %c0_i32, %select_n3A : i32, i32
  }
  func.func @transform_116(%arg0: i32, %arg1: memref<1024xi32, #tpu.memory_space<smem>>, %arg2: memref<1024xi32, #tpu.memory_space<smem>>) -> (i32, i32) {
    %mul3A = arith.constant 64 : i32
    %mul3A_0 = arith.muli %arg0, %mul3A : i32
    %add3A = arith.constant 50 : i32
    %add3A_1 = arith.addi %mul3A_0, %add3A : i32
    %get3A = arith.index_cast %add3A_1 : i32 to index
    %get3A_2 = memref.load %arg2[%get3A] : memref<1024xi32, #tpu.memory_space<smem>>
    %jit3A = arith.constant 128 : i32
    %div3A = arith.divsi %get3A_2, %jit3A : i32
    %sign3A = arith.constant 0 : i32
    %sign3A_3 = arith.cmpi sgt, %get3A_2, %sign3A : i32
    %sign3A_4 = arith.extui %sign3A_3 : i1 to i32
    %sign3A_5 = arith.constant 0 : i32
    %sign3A_6 = arith.cmpi slt, %get3A_2, %sign3A_5 : i32
    %sign3A_7 = arith.extui %sign3A_6 : i1 to i32
    %sign3A_8 = arith.subi %sign3A_4, %sign3A_7 : i32
    %sign3A_9 = arith.constant 0 : i32
    %sign3A_10 = arith.cmpi sgt, %jit3A, %sign3A_9 : i32
    %sign3A_11 = arith.extui %sign3A_10 : i1 to i32
    %sign3A_12 = arith.constant 0 : i32
    %sign3A_13 = arith.cmpi slt, %jit3A, %sign3A_12 : i32
    %sign3A_14 = arith.extui %sign3A_13 : i1 to i32
    %sign3A_15 = arith.subi %sign3A_11, %sign3A_14 : i32
    %ne3A = arith.cmpi ne, %sign3A_8, %sign3A_15 : i32
    %rem3A = arith.remsi %get3A_2, %jit3A : i32
    %ne3A_16 = arith.constant 0 : i32
    %ne3A_17 = arith.cmpi ne, %rem3A, %ne3A_16 : i32
    %and3A = arith.andi %ne3A, %ne3A_17 : i1
    %sub3A = arith.constant 1 : i32
    %sub3A_18 = arith.subi %div3A, %sub3A : i32
    %select_n3A = arith.select %and3A, %sub3A_18, %div3A : i32
    %c0_i32 = arith.constant 0 : i32
    %c0_i32_19 = arith.constant 0 : i32
    return %c0_i32, %select_n3A : i32, i32
  }
  func.func @transform_117(%arg0: i32, %arg1: memref<1024xi32, #tpu.memory_space<smem>>, %arg2: memref<1024xi32, #tpu.memory_space<smem>>) -> (i32, i32) {
    %mul3A = arith.constant 64 : i32
    %mul3A_0 = arith.muli %arg0, %mul3A : i32
    %add3A = arith.constant 51 : i32
    %add3A_1 = arith.addi %mul3A_0, %add3A : i32
    %get3A = arith.index_cast %add3A_1 : i32 to index
    %get3A_2 = memref.load %arg2[%get3A] : memref<1024xi32, #tpu.memory_space<smem>>
    %jit3A = arith.constant 128 : i32
    %div3A = arith.divsi %get3A_2, %jit3A : i32
    %sign3A = arith.constant 0 : i32
    %sign3A_3 = arith.cmpi sgt, %get3A_2, %sign3A : i32
    %sign3A_4 = arith.extui %sign3A_3 : i1 to i32
    %sign3A_5 = arith.constant 0 : i32
    %sign3A_6 = arith.cmpi slt, %get3A_2, %sign3A_5 : i32
    %sign3A_7 = arith.extui %sign3A_6 : i1 to i32
    %sign3A_8 = arith.subi %sign3A_4, %sign3A_7 : i32
    %sign3A_9 = arith.constant 0 : i32
    %sign3A_10 = arith.cmpi sgt, %jit3A, %sign3A_9 : i32
    %sign3A_11 = arith.extui %sign3A_10 : i1 to i32
    %sign3A_12 = arith.constant 0 : i32
    %sign3A_13 = arith.cmpi slt, %jit3A, %sign3A_12 : i32
    %sign3A_14 = arith.extui %sign3A_13 : i1 to i32
    %sign3A_15 = arith.subi %sign3A_11, %sign3A_14 : i32
    %ne3A = arith.cmpi ne, %sign3A_8, %sign3A_15 : i32
    %rem3A = arith.remsi %get3A_2, %jit3A : i32
    %ne3A_16 = arith.constant 0 : i32
    %ne3A_17 = arith.cmpi ne, %rem3A, %ne3A_16 : i32
    %and3A = arith.andi %ne3A, %ne3A_17 : i1
    %sub3A = arith.constant 1 : i32
    %sub3A_18 = arith.subi %div3A, %sub3A : i32
    %select_n3A = arith.select %and3A, %sub3A_18, %div3A : i32
    %c0_i32 = arith.constant 0 : i32
    %c0_i32_19 = arith.constant 0 : i32
    return %c0_i32, %select_n3A : i32, i32
  }
  func.func @transform_118(%arg0: i32, %arg1: memref<1024xi32, #tpu.memory_space<smem>>, %arg2: memref<1024xi32, #tpu.memory_space<smem>>) -> (i32, i32) {
    %mul3A = arith.constant 64 : i32
    %mul3A_0 = arith.muli %arg0, %mul3A : i32
    %add3A = arith.constant 52 : i32
    %add3A_1 = arith.addi %mul3A_0, %add3A : i32
    %get3A = arith.index_cast %add3A_1 : i32 to index
    %get3A_2 = memref.load %arg2[%get3A] : memref<1024xi32, #tpu.memory_space<smem>>
    %jit3A = arith.constant 128 : i32
    %div3A = arith.divsi %get3A_2, %jit3A : i32
    %sign3A = arith.constant 0 : i32
    %sign3A_3 = arith.cmpi sgt, %get3A_2, %sign3A : i32
    %sign3A_4 = arith.extui %sign3A_3 : i1 to i32
    %sign3A_5 = arith.constant 0 : i32
    %sign3A_6 = arith.cmpi slt, %get3A_2, %sign3A_5 : i32
    %sign3A_7 = arith.extui %sign3A_6 : i1 to i32
    %sign3A_8 = arith.subi %sign3A_4, %sign3A_7 : i32
    %sign3A_9 = arith.constant 0 : i32
    %sign3A_10 = arith.cmpi sgt, %jit3A, %sign3A_9 : i32
    %sign3A_11 = arith.extui %sign3A_10 : i1 to i32
    %sign3A_12 = arith.constant 0 : i32
    %sign3A_13 = arith.cmpi slt, %jit3A, %sign3A_12 : i32
    %sign3A_14 = arith.extui %sign3A_13 : i1 to i32
    %sign3A_15 = arith.subi %sign3A_11, %sign3A_14 : i32
    %ne3A = arith.cmpi ne, %sign3A_8, %sign3A_15 : i32
    %rem3A = arith.remsi %get3A_2, %jit3A : i32
    %ne3A_16 = arith.constant 0 : i32
    %ne3A_17 = arith.cmpi ne, %rem3A, %ne3A_16 : i32
    %and3A = arith.andi %ne3A, %ne3A_17 : i1
    %sub3A = arith.constant 1 : i32
    %sub3A_18 = arith.subi %div3A, %sub3A : i32
    %select_n3A = arith.select %and3A, %sub3A_18, %div3A : i32
    %c0_i32 = arith.constant 0 : i32
    %c0_i32_19 = arith.constant 0 : i32
    return %c0_i32, %select_n3A : i32, i32
  }
  func.func @transform_119(%arg0: i32, %arg1: memref<1024xi32, #tpu.memory_space<smem>>, %arg2: memref<1024xi32, #tpu.memory_space<smem>>) -> (i32, i32) {
    %mul3A = arith.constant 64 : i32
    %mul3A_0 = arith.muli %arg0, %mul3A : i32
    %add3A = arith.constant 53 : i32
    %add3A_1 = arith.addi %mul3A_0, %add3A : i32
    %get3A = arith.index_cast %add3A_1 : i32 to index
    %get3A_2 = memref.load %arg2[%get3A] : memref<1024xi32, #tpu.memory_space<smem>>
    %jit3A = arith.constant 128 : i32
    %div3A = arith.divsi %get3A_2, %jit3A : i32
    %sign3A = arith.constant 0 : i32
    %sign3A_3 = arith.cmpi sgt, %get3A_2, %sign3A : i32
    %sign3A_4 = arith.extui %sign3A_3 : i1 to i32
    %sign3A_5 = arith.constant 0 : i32
    %sign3A_6 = arith.cmpi slt, %get3A_2, %sign3A_5 : i32
    %sign3A_7 = arith.extui %sign3A_6 : i1 to i32
    %sign3A_8 = arith.subi %sign3A_4, %sign3A_7 : i32
    %sign3A_9 = arith.constant 0 : i32
    %sign3A_10 = arith.cmpi sgt, %jit3A, %sign3A_9 : i32
    %sign3A_11 = arith.extui %sign3A_10 : i1 to i32
    %sign3A_12 = arith.constant 0 : i32
    %sign3A_13 = arith.cmpi slt, %jit3A, %sign3A_12 : i32
    %sign3A_14 = arith.extui %sign3A_13 : i1 to i32
    %sign3A_15 = arith.subi %sign3A_11, %sign3A_14 : i32
    %ne3A = arith.cmpi ne, %sign3A_8, %sign3A_15 : i32
    %rem3A = arith.remsi %get3A_2, %jit3A : i32
    %ne3A_16 = arith.constant 0 : i32
    %ne3A_17 = arith.cmpi ne, %rem3A, %ne3A_16 : i32
    %and3A = arith.andi %ne3A, %ne3A_17 : i1
    %sub3A = arith.constant 1 : i32
    %sub3A_18 = arith.subi %div3A, %sub3A : i32
    %select_n3A = arith.select %and3A, %sub3A_18, %div3A : i32
    %c0_i32 = arith.constant 0 : i32
    %c0_i32_19 = arith.constant 0 : i32
    return %c0_i32, %select_n3A : i32, i32
  }
  func.func @transform_120(%arg0: i32, %arg1: memref<1024xi32, #tpu.memory_space<smem>>, %arg2: memref<1024xi32, #tpu.memory_space<smem>>) -> (i32, i32) {
    %mul3A = arith.constant 64 : i32
    %mul3A_0 = arith.muli %arg0, %mul3A : i32
    %add3A = arith.constant 54 : i32
    %add3A_1 = arith.addi %mul3A_0, %add3A : i32
    %get3A = arith.index_cast %add3A_1 : i32 to index
    %get3A_2 = memref.load %arg2[%get3A] : memref<1024xi32, #tpu.memory_space<smem>>
    %jit3A = arith.constant 128 : i32
    %div3A = arith.divsi %get3A_2, %jit3A : i32
    %sign3A = arith.constant 0 : i32
    %sign3A_3 = arith.cmpi sgt, %get3A_2, %sign3A : i32
    %sign3A_4 = arith.extui %sign3A_3 : i1 to i32
    %sign3A_5 = arith.constant 0 : i32
    %sign3A_6 = arith.cmpi slt, %get3A_2, %sign3A_5 : i32
    %sign3A_7 = arith.extui %sign3A_6 : i1 to i32
    %sign3A_8 = arith.subi %sign3A_4, %sign3A_7 : i32
    %sign3A_9 = arith.constant 0 : i32
    %sign3A_10 = arith.cmpi sgt, %jit3A, %sign3A_9 : i32
    %sign3A_11 = arith.extui %sign3A_10 : i1 to i32
    %sign3A_12 = arith.constant 0 : i32
    %sign3A_13 = arith.cmpi slt, %jit3A, %sign3A_12 : i32
    %sign3A_14 = arith.extui %sign3A_13 : i1 to i32
    %sign3A_15 = arith.subi %sign3A_11, %sign3A_14 : i32
    %ne3A = arith.cmpi ne, %sign3A_8, %sign3A_15 : i32
    %rem3A = arith.remsi %get3A_2, %jit3A : i32
    %ne3A_16 = arith.constant 0 : i32
    %ne3A_17 = arith.cmpi ne, %rem3A, %ne3A_16 : i32
    %and3A = arith.andi %ne3A, %ne3A_17 : i1
    %sub3A = arith.constant 1 : i32
    %sub3A_18 = arith.subi %div3A, %sub3A : i32
    %select_n3A = arith.select %and3A, %sub3A_18, %div3A : i32
    %c0_i32 = arith.constant 0 : i32
    %c0_i32_19 = arith.constant 0 : i32
    return %c0_i32, %select_n3A : i32, i32
  }
  func.func @transform_121(%arg0: i32, %arg1: memref<1024xi32, #tpu.memory_space<smem>>, %arg2: memref<1024xi32, #tpu.memory_space<smem>>) -> (i32, i32) {
    %mul3A = arith.constant 64 : i32
    %mul3A_0 = arith.muli %arg0, %mul3A : i32
    %add3A = arith.constant 55 : i32
    %add3A_1 = arith.addi %mul3A_0, %add3A : i32
    %get3A = arith.index_cast %add3A_1 : i32 to index
    %get3A_2 = memref.load %arg2[%get3A] : memref<1024xi32, #tpu.memory_space<smem>>
    %jit3A = arith.constant 128 : i32
    %div3A = arith.divsi %get3A_2, %jit3A : i32
    %sign3A = arith.constant 0 : i32
    %sign3A_3 = arith.cmpi sgt, %get3A_2, %sign3A : i32
    %sign3A_4 = arith.extui %sign3A_3 : i1 to i32
    %sign3A_5 = arith.constant 0 : i32
    %sign3A_6 = arith.cmpi slt, %get3A_2, %sign3A_5 : i32
    %sign3A_7 = arith.extui %sign3A_6 : i1 to i32
    %sign3A_8 = arith.subi %sign3A_4, %sign3A_7 : i32
    %sign3A_9 = arith.constant 0 : i32
    %sign3A_10 = arith.cmpi sgt, %jit3A, %sign3A_9 : i32
    %sign3A_11 = arith.extui %sign3A_10 : i1 to i32
    %sign3A_12 = arith.constant 0 : i32
    %sign3A_13 = arith.cmpi slt, %jit3A, %sign3A_12 : i32
    %sign3A_14 = arith.extui %sign3A_13 : i1 to i32
    %sign3A_15 = arith.subi %sign3A_11, %sign3A_14 : i32
    %ne3A = arith.cmpi ne, %sign3A_8, %sign3A_15 : i32
    %rem3A = arith.remsi %get3A_2, %jit3A : i32
    %ne3A_16 = arith.constant 0 : i32
    %ne3A_17 = arith.cmpi ne, %rem3A, %ne3A_16 : i32
    %and3A = arith.andi %ne3A, %ne3A_17 : i1
    %sub3A = arith.constant 1 : i32
    %sub3A_18 = arith.subi %div3A, %sub3A : i32
    %select_n3A = arith.select %and3A, %sub3A_18, %div3A : i32
    %c0_i32 = arith.constant 0 : i32
    %c0_i32_19 = arith.constant 0 : i32
    return %c0_i32, %select_n3A : i32, i32
  }
  func.func @transform_122(%arg0: i32, %arg1: memref<1024xi32, #tpu.memory_space<smem>>, %arg2: memref<1024xi32, #tpu.memory_space<smem>>) -> (i32, i32) {
    %mul3A = arith.constant 64 : i32
    %mul3A_0 = arith.muli %arg0, %mul3A : i32
    %add3A = arith.constant 56 : i32
    %add3A_1 = arith.addi %mul3A_0, %add3A : i32
    %get3A = arith.index_cast %add3A_1 : i32 to index
    %get3A_2 = memref.load %arg2[%get3A] : memref<1024xi32, #tpu.memory_space<smem>>
    %jit3A = arith.constant 128 : i32
    %div3A = arith.divsi %get3A_2, %jit3A : i32
    %sign3A = arith.constant 0 : i32
    %sign3A_3 = arith.cmpi sgt, %get3A_2, %sign3A : i32
    %sign3A_4 = arith.extui %sign3A_3 : i1 to i32
    %sign3A_5 = arith.constant 0 : i32
    %sign3A_6 = arith.cmpi slt, %get3A_2, %sign3A_5 : i32
    %sign3A_7 = arith.extui %sign3A_6 : i1 to i32
    %sign3A_8 = arith.subi %sign3A_4, %sign3A_7 : i32
    %sign3A_9 = arith.constant 0 : i32
    %sign3A_10 = arith.cmpi sgt, %jit3A, %sign3A_9 : i32
    %sign3A_11 = arith.extui %sign3A_10 : i1 to i32
    %sign3A_12 = arith.constant 0 : i32
    %sign3A_13 = arith.cmpi slt, %jit3A, %sign3A_12 : i32
    %sign3A_14 = arith.extui %sign3A_13 : i1 to i32
    %sign3A_15 = arith.subi %sign3A_11, %sign3A_14 : i32
    %ne3A = arith.cmpi ne, %sign3A_8, %sign3A_15 : i32
    %rem3A = arith.remsi %get3A_2, %jit3A : i32
    %ne3A_16 = arith.constant 0 : i32
    %ne3A_17 = arith.cmpi ne, %rem3A, %ne3A_16 : i32
    %and3A = arith.andi %ne3A, %ne3A_17 : i1
    %sub3A = arith.constant 1 : i32
    %sub3A_18 = arith.subi %div3A, %sub3A : i32
    %select_n3A = arith.select %and3A, %sub3A_18, %div3A : i32
    %c0_i32 = arith.constant 0 : i32
    %c0_i32_19 = arith.constant 0 : i32
    return %c0_i32, %select_n3A : i32, i32
  }
  func.func @transform_123(%arg0: i32, %arg1: memref<1024xi32, #tpu.memory_space<smem>>, %arg2: memref<1024xi32, #tpu.memory_space<smem>>) -> (i32, i32) {
    %mul3A = arith.constant 64 : i32
    %mul3A_0 = arith.muli %arg0, %mul3A : i32
    %add3A = arith.constant 57 : i32
    %add3A_1 = arith.addi %mul3A_0, %add3A : i32
    %get3A = arith.index_cast %add3A_1 : i32 to index
    %get3A_2 = memref.load %arg2[%get3A] : memref<1024xi32, #tpu.memory_space<smem>>
    %jit3A = arith.constant 128 : i32
    %div3A = arith.divsi %get3A_2, %jit3A : i32
    %sign3A = arith.constant 0 : i32
    %sign3A_3 = arith.cmpi sgt, %get3A_2, %sign3A : i32
    %sign3A_4 = arith.extui %sign3A_3 : i1 to i32
    %sign3A_5 = arith.constant 0 : i32
    %sign3A_6 = arith.cmpi slt, %get3A_2, %sign3A_5 : i32
    %sign3A_7 = arith.extui %sign3A_6 : i1 to i32
    %sign3A_8 = arith.subi %sign3A_4, %sign3A_7 : i32
    %sign3A_9 = arith.constant 0 : i32
    %sign3A_10 = arith.cmpi sgt, %jit3A, %sign3A_9 : i32
    %sign3A_11 = arith.extui %sign3A_10 : i1 to i32
    %sign3A_12 = arith.constant 0 : i32
    %sign3A_13 = arith.cmpi slt, %jit3A, %sign3A_12 : i32
    %sign3A_14 = arith.extui %sign3A_13 : i1 to i32
    %sign3A_15 = arith.subi %sign3A_11, %sign3A_14 : i32
    %ne3A = arith.cmpi ne, %sign3A_8, %sign3A_15 : i32
    %rem3A = arith.remsi %get3A_2, %jit3A : i32
    %ne3A_16 = arith.constant 0 : i32
    %ne3A_17 = arith.cmpi ne, %rem3A, %ne3A_16 : i32
    %and3A = arith.andi %ne3A, %ne3A_17 : i1
    %sub3A = arith.constant 1 : i32
    %sub3A_18 = arith.subi %div3A, %sub3A : i32
    %select_n3A = arith.select %and3A, %sub3A_18, %div3A : i32
    %c0_i32 = arith.constant 0 : i32
    %c0_i32_19 = arith.constant 0 : i32
    return %c0_i32, %select_n3A : i32, i32
  }
  func.func @transform_124(%arg0: i32, %arg1: memref<1024xi32, #tpu.memory_space<smem>>, %arg2: memref<1024xi32, #tpu.memory_space<smem>>) -> (i32, i32) {
    %mul3A = arith.constant 64 : i32
    %mul3A_0 = arith.muli %arg0, %mul3A : i32
    %add3A = arith.constant 58 : i32
    %add3A_1 = arith.addi %mul3A_0, %add3A : i32
    %get3A = arith.index_cast %add3A_1 : i32 to index
    %get3A_2 = memref.load %arg2[%get3A] : memref<1024xi32, #tpu.memory_space<smem>>
    %jit3A = arith.constant 128 : i32
    %div3A = arith.divsi %get3A_2, %jit3A : i32
    %sign3A = arith.constant 0 : i32
    %sign3A_3 = arith.cmpi sgt, %get3A_2, %sign3A : i32
    %sign3A_4 = arith.extui %sign3A_3 : i1 to i32
    %sign3A_5 = arith.constant 0 : i32
    %sign3A_6 = arith.cmpi slt, %get3A_2, %sign3A_5 : i32
    %sign3A_7 = arith.extui %sign3A_6 : i1 to i32
    %sign3A_8 = arith.subi %sign3A_4, %sign3A_7 : i32
    %sign3A_9 = arith.constant 0 : i32
    %sign3A_10 = arith.cmpi sgt, %jit3A, %sign3A_9 : i32
    %sign3A_11 = arith.extui %sign3A_10 : i1 to i32
    %sign3A_12 = arith.constant 0 : i32
    %sign3A_13 = arith.cmpi slt, %jit3A, %sign3A_12 : i32
    %sign3A_14 = arith.extui %sign3A_13 : i1 to i32
    %sign3A_15 = arith.subi %sign3A_11, %sign3A_14 : i32
    %ne3A = arith.cmpi ne, %sign3A_8, %sign3A_15 : i32
    %rem3A = arith.remsi %get3A_2, %jit3A : i32
    %ne3A_16 = arith.constant 0 : i32
    %ne3A_17 = arith.cmpi ne, %rem3A, %ne3A_16 : i32
    %and3A = arith.andi %ne3A, %ne3A_17 : i1
    %sub3A = arith.constant 1 : i32
    %sub3A_18 = arith.subi %div3A, %sub3A : i32
    %select_n3A = arith.select %and3A, %sub3A_18, %div3A : i32
    %c0_i32 = arith.constant 0 : i32
    %c0_i32_19 = arith.constant 0 : i32
    return %c0_i32, %select_n3A : i32, i32
  }
  func.func @transform_125(%arg0: i32, %arg1: memref<1024xi32, #tpu.memory_space<smem>>, %arg2: memref<1024xi32, #tpu.memory_space<smem>>) -> (i32, i32) {
    %mul3A = arith.constant 64 : i32
    %mul3A_0 = arith.muli %arg0, %mul3A : i32
    %add3A = arith.constant 59 : i32
    %add3A_1 = arith.addi %mul3A_0, %add3A : i32
    %get3A = arith.index_cast %add3A_1 : i32 to index
    %get3A_2 = memref.load %arg2[%get3A] : memref<1024xi32, #tpu.memory_space<smem>>
    %jit3A = arith.constant 128 : i32
    %div3A = arith.divsi %get3A_2, %jit3A : i32
    %sign3A = arith.constant 0 : i32
    %sign3A_3 = arith.cmpi sgt, %get3A_2, %sign3A : i32
    %sign3A_4 = arith.extui %sign3A_3 : i1 to i32
    %sign3A_5 = arith.constant 0 : i32
    %sign3A_6 = arith.cmpi slt, %get3A_2, %sign3A_5 : i32
    %sign3A_7 = arith.extui %sign3A_6 : i1 to i32
    %sign3A_8 = arith.subi %sign3A_4, %sign3A_7 : i32
    %sign3A_9 = arith.constant 0 : i32
    %sign3A_10 = arith.cmpi sgt, %jit3A, %sign3A_9 : i32
    %sign3A_11 = arith.extui %sign3A_10 : i1 to i32
    %sign3A_12 = arith.constant 0 : i32
    %sign3A_13 = arith.cmpi slt, %jit3A, %sign3A_12 : i32
    %sign3A_14 = arith.extui %sign3A_13 : i1 to i32
    %sign3A_15 = arith.subi %sign3A_11, %sign3A_14 : i32
    %ne3A = arith.cmpi ne, %sign3A_8, %sign3A_15 : i32
    %rem3A = arith.remsi %get3A_2, %jit3A : i32
    %ne3A_16 = arith.constant 0 : i32
    %ne3A_17 = arith.cmpi ne, %rem3A, %ne3A_16 : i32
    %and3A = arith.andi %ne3A, %ne3A_17 : i1
    %sub3A = arith.constant 1 : i32
    %sub3A_18 = arith.subi %div3A, %sub3A : i32
    %select_n3A = arith.select %and3A, %sub3A_18, %div3A : i32
    %c0_i32 = arith.constant 0 : i32
    %c0_i32_19 = arith.constant 0 : i32
    return %c0_i32, %select_n3A : i32, i32
  }
  func.func @transform_126(%arg0: i32, %arg1: memref<1024xi32, #tpu.memory_space<smem>>, %arg2: memref<1024xi32, #tpu.memory_space<smem>>) -> (i32, i32) {
    %mul3A = arith.constant 64 : i32
    %mul3A_0 = arith.muli %arg0, %mul3A : i32
    %add3A = arith.constant 60 : i32
    %add3A_1 = arith.addi %mul3A_0, %add3A : i32
    %get3A = arith.index_cast %add3A_1 : i32 to index
    %get3A_2 = memref.load %arg2[%get3A] : memref<1024xi32, #tpu.memory_space<smem>>
    %jit3A = arith.constant 128 : i32
    %div3A = arith.divsi %get3A_2, %jit3A : i32
    %sign3A = arith.constant 0 : i32
    %sign3A_3 = arith.cmpi sgt, %get3A_2, %sign3A : i32
    %sign3A_4 = arith.extui %sign3A_3 : i1 to i32
    %sign3A_5 = arith.constant 0 : i32
    %sign3A_6 = arith.cmpi slt, %get3A_2, %sign3A_5 : i32
    %sign3A_7 = arith.extui %sign3A_6 : i1 to i32
    %sign3A_8 = arith.subi %sign3A_4, %sign3A_7 : i32
    %sign3A_9 = arith.constant 0 : i32
    %sign3A_10 = arith.cmpi sgt, %jit3A, %sign3A_9 : i32
    %sign3A_11 = arith.extui %sign3A_10 : i1 to i32
    %sign3A_12 = arith.constant 0 : i32
    %sign3A_13 = arith.cmpi slt, %jit3A, %sign3A_12 : i32
    %sign3A_14 = arith.extui %sign3A_13 : i1 to i32
    %sign3A_15 = arith.subi %sign3A_11, %sign3A_14 : i32
    %ne3A = arith.cmpi ne, %sign3A_8, %sign3A_15 : i32
    %rem3A = arith.remsi %get3A_2, %jit3A : i32
    %ne3A_16 = arith.constant 0 : i32
    %ne3A_17 = arith.cmpi ne, %rem3A, %ne3A_16 : i32
    %and3A = arith.andi %ne3A, %ne3A_17 : i1
    %sub3A = arith.constant 1 : i32
    %sub3A_18 = arith.subi %div3A, %sub3A : i32
    %select_n3A = arith.select %and3A, %sub3A_18, %div3A : i32
    %c0_i32 = arith.constant 0 : i32
    %c0_i32_19 = arith.constant 0 : i32
    return %c0_i32, %select_n3A : i32, i32
  }
  func.func @transform_127(%arg0: i32, %arg1: memref<1024xi32, #tpu.memory_space<smem>>, %arg2: memref<1024xi32, #tpu.memory_space<smem>>) -> (i32, i32) {
    %mul3A = arith.constant 64 : i32
    %mul3A_0 = arith.muli %arg0, %mul3A : i32
    %add3A = arith.constant 61 : i32
    %add3A_1 = arith.addi %mul3A_0, %add3A : i32
    %get3A = arith.index_cast %add3A_1 : i32 to index
    %get3A_2 = memref.load %arg2[%get3A] : memref<1024xi32, #tpu.memory_space<smem>>
    %jit3A = arith.constant 128 : i32
    %div3A = arith.divsi %get3A_2, %jit3A : i32
    %sign3A = arith.constant 0 : i32
    %sign3A_3 = arith.cmpi sgt, %get3A_2, %sign3A : i32
    %sign3A_4 = arith.extui %sign3A_3 : i1 to i32
    %sign3A_5 = arith.constant 0 : i32
    %sign3A_6 = arith.cmpi slt, %get3A_2, %sign3A_5 : i32
    %sign3A_7 = arith.extui %sign3A_6 : i1 to i32
    %sign3A_8 = arith.subi %sign3A_4, %sign3A_7 : i32
    %sign3A_9 = arith.constant 0 : i32
    %sign3A_10 = arith.cmpi sgt, %jit3A, %sign3A_9 : i32
    %sign3A_11 = arith.extui %sign3A_10 : i1 to i32
    %sign3A_12 = arith.constant 0 : i32
    %sign3A_13 = arith.cmpi slt, %jit3A, %sign3A_12 : i32
    %sign3A_14 = arith.extui %sign3A_13 : i1 to i32
    %sign3A_15 = arith.subi %sign3A_11, %sign3A_14 : i32
    %ne3A = arith.cmpi ne, %sign3A_8, %sign3A_15 : i32
    %rem3A = arith.remsi %get3A_2, %jit3A : i32
    %ne3A_16 = arith.constant 0 : i32
    %ne3A_17 = arith.cmpi ne, %rem3A, %ne3A_16 : i32
    %and3A = arith.andi %ne3A, %ne3A_17 : i1
    %sub3A = arith.constant 1 : i32
    %sub3A_18 = arith.subi %div3A, %sub3A : i32
    %select_n3A = arith.select %and3A, %sub3A_18, %div3A : i32
    %c0_i32 = arith.constant 0 : i32
    %c0_i32_19 = arith.constant 0 : i32
    return %c0_i32, %select_n3A : i32, i32
  }
  func.func @transform_128(%arg0: i32, %arg1: memref<1024xi32, #tpu.memory_space<smem>>, %arg2: memref<1024xi32, #tpu.memory_space<smem>>) -> (i32, i32) {
    %mul3A = arith.constant 64 : i32
    %mul3A_0 = arith.muli %arg0, %mul3A : i32
    %add3A = arith.constant 62 : i32
    %add3A_1 = arith.addi %mul3A_0, %add3A : i32
    %get3A = arith.index_cast %add3A_1 : i32 to index
    %get3A_2 = memref.load %arg2[%get3A] : memref<1024xi32, #tpu.memory_space<smem>>
    %jit3A = arith.constant 128 : i32
    %div3A = arith.divsi %get3A_2, %jit3A : i32
    %sign3A = arith.constant 0 : i32
    %sign3A_3 = arith.cmpi sgt, %get3A_2, %sign3A : i32
    %sign3A_4 = arith.extui %sign3A_3 : i1 to i32
    %sign3A_5 = arith.constant 0 : i32
    %sign3A_6 = arith.cmpi slt, %get3A_2, %sign3A_5 : i32
    %sign3A_7 = arith.extui %sign3A_6 : i1 to i32
    %sign3A_8 = arith.subi %sign3A_4, %sign3A_7 : i32
    %sign3A_9 = arith.constant 0 : i32
    %sign3A_10 = arith.cmpi sgt, %jit3A, %sign3A_9 : i32
    %sign3A_11 = arith.extui %sign3A_10 : i1 to i32
    %sign3A_12 = arith.constant 0 : i32
    %sign3A_13 = arith.cmpi slt, %jit3A, %sign3A_12 : i32
    %sign3A_14 = arith.extui %sign3A_13 : i1 to i32
    %sign3A_15 = arith.subi %sign3A_11, %sign3A_14 : i32
    %ne3A = arith.cmpi ne, %sign3A_8, %sign3A_15 : i32
    %rem3A = arith.remsi %get3A_2, %jit3A : i32
    %ne3A_16 = arith.constant 0 : i32
    %ne3A_17 = arith.cmpi ne, %rem3A, %ne3A_16 : i32
    %and3A = arith.andi %ne3A, %ne3A_17 : i1
    %sub3A = arith.constant 1 : i32
    %sub3A_18 = arith.subi %div3A, %sub3A : i32
    %select_n3A = arith.select %and3A, %sub3A_18, %div3A : i32
    %c0_i32 = arith.constant 0 : i32
    %c0_i32_19 = arith.constant 0 : i32
    return %c0_i32, %select_n3A : i32, i32
  }
  func.func @transform_129(%arg0: i32, %arg1: memref<1024xi32, #tpu.memory_space<smem>>, %arg2: memref<1024xi32, #tpu.memory_space<smem>>) -> (i32, i32) {
    %mul3A = arith.constant 64 : i32
    %mul3A_0 = arith.muli %arg0, %mul3A : i32
    %add3A = arith.constant 63 : i32
    %add3A_1 = arith.addi %mul3A_0, %add3A : i32
    %get3A = arith.index_cast %add3A_1 : i32 to index
    %get3A_2 = memref.load %arg2[%get3A] : memref<1024xi32, #tpu.memory_space<smem>>
    %jit3A = arith.constant 128 : i32
    %div3A = arith.divsi %get3A_2, %jit3A : i32
    %sign3A = arith.constant 0 : i32
    %sign3A_3 = arith.cmpi sgt, %get3A_2, %sign3A : i32
    %sign3A_4 = arith.extui %sign3A_3 : i1 to i32
    %sign3A_5 = arith.constant 0 : i32
    %sign3A_6 = arith.cmpi slt, %get3A_2, %sign3A_5 : i32
    %sign3A_7 = arith.extui %sign3A_6 : i1 to i32
    %sign3A_8 = arith.subi %sign3A_4, %sign3A_7 : i32
    %sign3A_9 = arith.constant 0 : i32
    %sign3A_10 = arith.cmpi sgt, %jit3A, %sign3A_9 : i32
    %sign3A_11 = arith.extui %sign3A_10 : i1 to i32
    %sign3A_12 = arith.constant 0 : i32
    %sign3A_13 = arith.cmpi slt, %jit3A, %sign3A_12 : i32
    %sign3A_14 = arith.extui %sign3A_13 : i1 to i32
    %sign3A_15 = arith.subi %sign3A_11, %sign3A_14 : i32
    %ne3A = arith.cmpi ne, %sign3A_8, %sign3A_15 : i32
    %rem3A = arith.remsi %get3A_2, %jit3A : i32
    %ne3A_16 = arith.constant 0 : i32
    %ne3A_17 = arith.cmpi ne, %rem3A, %ne3A_16 : i32
    %and3A = arith.andi %ne3A, %ne3A_17 : i1
    %sub3A = arith.constant 1 : i32
    %sub3A_18 = arith.subi %div3A, %sub3A : i32
    %select_n3A = arith.select %and3A, %sub3A_18, %div3A : i32
    %c0_i32 = arith.constant 0 : i32
    %c0_i32_19 = arith.constant 0 : i32
    return %c0_i32, %select_n3A : i32, i32
  }
  func.func @transform_130(%arg0: i32, %arg1: memref<1024xi32, #tpu.memory_space<smem>>, %arg2: memref<1024xi32, #tpu.memory_space<smem>>) -> (i32, i32) {
    %c0_i32 = arith.constant 0 : i32
    %c0_i32_0 = arith.constant 0 : i32
    %c0_i32_1 = arith.constant 0 : i32
    return %c0_i32, %c0_i32_0 : i32, i32
  }
}

</mosaic_0001>

<sc_bundles>
// kernel: kernel.5.cloned.1.call-start
scs
__scs_entry_jumppad:
0x0: {  	(pc) =	sbr.rel $0x88, $3  }
0x1: {  	(tag) =	ssettag $0x0;
	lr =	simm.s32 $0x1  }
0x2: {  	[smem:$0x3F9C] =	sst lr;
	_ =	strace $0xD0000000  }
0x3: {  	_ = 	snop  }
0x4: {  	_ = 	snop  }
0x5: {  	_ = 	snop  }
0x6: {  	_ = 	snop  }
0x7: {  	_ = 	snop  }
__scs_overlays_trampoline_lowered:
0x8: {  	[smem:$0x3FAB] =	sst s0  }
0x9: {  	[smem:$0x3FAC] =	sst s1  }
0xa: {  	[smem:$0x3FAD] =	sst s2  }
0xb: {  	[smem:$0x3FAE] =	sst s3  }
0xc: {  	[smem:$0x3FAF] =	sst s4  }
0xd: {  	[smem:$0x3FB0] =	sst s5  }
0xe: {  	[smem:$0x3FB1] =	sst s6  }
0xf: {  	[smem:$0x3FB2] =	sst s7  }
0x10: {  	[smem:$0x3FB3] =	sst s8  }
0x11: {  	[smem:$0x3FB4] =	sst s9;
	s0 =	simm.s32 @!p0 $0x0  }
0x12: {  	s1 =	sld [smem:$0x3F9A];
	s0 =	simm.s32 @p0 $0x1  }
0x13: {  	[smem:$0x3FB5] =	sst s0;
	s0 =	simm.s32 @!p1 $0x0  }
0x14: {  	s2 =	sld [smem:$0x3F99];
	s0 =	simm.s32 @p1 $0x1  }
0x15: {  	[smem:$0x3FB6] =	sst s0;
	s0 =	simm.s32 @!p2 $0x0  }
0x16: {  	s3 =	sld [smem:$0x3FDB];
	s0 =	simm.s32 @p2 $0x1  }
0x17: {  	s4 =	simm.s32 $0x1BF5;
	[smem:$0x3FB8] =	sst s0  }
0x18: {  	s0 =	sld [smem:$0x3F9B];
	_ =	swait.ge [sflag:s4], $0x0  }
0x19: {  	s7 =	sld [smem:$0x3F9C]  }
0x1a: {  	s8 =	sadd.s32 $0xFFFFE003, lr  }
0x1b: {  	s9 =	sadd.s32 $0xFFFFFEF7, lr;
	s5 =	simm.s32 $0xFFFFFFFF;
	p2 =	slt.u32 s8, $0xFFFFF086  }
0x1c: {  	p1 =	slt.u32 s9, $0xF7A;
	s5 =	simm.s32 @!p2 $0x0  }
0x1d: {  	s5 =	simm.s32 @p1 $0x1;
	p0 =	seq.s32 s7, s2  }
0x1e: {  	s7 =	smul.u32 @!p0 $0xF7A, s2;
	p2 =	seq.s32 @!p0 s5, $0x0  }
0x1f: {  	s9 =	smul.u32 $0xF7A, s1;
	s8 =	simm.s32 @!p0 $0x1BF5;
	p2 =	por !p2, p0  }
0x20: {  	[sflag:s8] =	ssyncset.s32 @!p0 $0xFFFFF086;
	s6 =	sadd.s32 @!p0 s3, s7;
	s7 =	simm.s32 @!p0 $0x108  }
0x21: {  	s3 =	sadd.s32 s3, s9;
	s6 =	sadd.s32 @!p0 $0x88, s6;
	s7 =	simm.s32 @p2 $0x1082  }
0x22: {  	[simem:s7], [sflag:s8] =	dma.local @!p0 [hbm:s6], $0xF7A  }
0x23: {  	s9 =	sor.u32 $0xD0000000, s2;
	s6 =	simm.s32 $0x108;
	_ =	swait.ge @!p0 [sflag:s8], $0x0  }
0x24: {  	s3 =	sadd.s32 $0x88, s3;
	s6 =	simm.s32 @!p1 $0x1082;
	[sflag:s4] =	ssyncset.s32 $0xFFFFF086  }
0x25: {  	[simem:s6], [sflag:s4] =	dma.local [hbm:s3], $0xF7A  }
0x26: {  	[smem:$0x3F9C] =	sst s1;
	(tag) =	ssettag s2;
	_ =	strace s9  }
0x27: {  	s1 =	sld [smem:$0x3FAC]  }
0x28: {  	s2 =	sld [smem:$0x3FAD]  }
0x29: {  	s4 =	sld [smem:$0x3FAF]  }
0x2a: {  	p0 =	seq.s32 s5, $0x0;
	s5 =	sld [smem:$0x3FB0]  }
0x2b: {  	s6 =	sld [smem:$0x3FB1]  }
0x2c: {  	s7 =	sld [smem:$0x3FB2]  }
0x2d: {  	s3 =	simm.s32 $0x108;
	s8 =	sld [smem:$0x3FB3]  }
0x2e: {  	s3 =	simm.s32 @!p0 $0x1082;
	s9 =	sld [smem:$0x3FB4]  }
0x2f: {  	lr =	sadd.s32 s0, s3;
	s0 =	sld [smem:$0x3FAB]  }
0x30: {  	s3 =	sld [smem:$0x3FAE]  }
0x31: {  	[smem:$0x3FB7] =	sst s10  }
0x32: {  	s10 =	sld [smem:$0x3FB5];
	_ =	sdelay $0x3  }
0x33: {  	p0 =	seq.s32 s10, $0x1;
	s10 =	sld [smem:$0x3FB7];
	_ =	sdelay $0x3  }
0x34: {  	[smem:$0x3FB7] =	sst s10  }
0x35: {  	s10 =	sld [smem:$0x3FB6];
	_ =	sdelay $0x3  }
0x36: {  	p1 =	seq.s32 s10, $0x1;
	s10 =	sld [smem:$0x3FB7];
	_ =	sdelay $0x3  }
0x37: {  	[smem:$0x3FB7] =	sst s10  }
0x38: {  	s10 =	sld [smem:$0x3FB8]  }
0x39: {  	_ = 	snop;
	(pc) =	sbr.ind lr, $3  }
0x3a: {  	_ = 	snop  }
0x3b: {  	_ = 	snop  }
0x3c: {  	p2 =	seq.s32 s10, $0x1;
	s10 =	sld [smem:$0x3FB7]  }
0x3d: {  	_ =	shalt  }
0x3e: {  	_ =	shalt  }
0x3f: {  	_ =	shalt  }
0x40: {  	_ =	shalt  }
0x41: {  	_ =	shalt  }
0x42: {  	_ =	shalt  }
0x43: {  	_ =	shalt  }
0x44: {  	_ =	shalt  }
0x45: {  	_ =	shalt  }
0x46: {  	_ =	shalt  }
0x47: {  	_ =	shalt  }
0x48: {  	_ =	shalt  }
0x49: {  	_ =	shalt  }
0x4a: {  	_ =	shalt  }
0x4b: {  	_ =	shalt  }
0x4c: {  	_ =	shalt  }
0x4d: {  	_ =	shalt  }
0x4e: {  	_ =	shalt  }
0x4f: {  	_ =	shalt  }
0x50: {  	_ =	shalt  }
0x51: {  	_ =	shalt  }
0x52: {  	_ =	shalt  }
0x53: {  	_ =	shalt  }
0x54: {  	_ =	shalt  }
0x55: {  	_ =	shalt  }
0x56: {  	_ =	shalt  }
0x57: {  	_ =	shalt  }
0x58: {  	_ =	shalt  }
0x59: {  	_ =	shalt  }
0x5a: {  	_ =	shalt  }
0x5b: {  	_ =	shalt  }
0x5c: {  	_ =	shalt  }
0x5d: {  	_ =	shalt  }
0x5e: {  	_ =	shalt  }
0x5f: {  	_ =	shalt  }
0x60: {  	_ =	shalt  }
0x61: {  	_ =	shalt  }
0x62: {  	_ =	shalt  }
0x63: {  	_ =	shalt  }
0x64: {  	_ =	shalt  }
0x65: {  	_ =	shalt  }
0x66: {  	_ =	shalt  }
0x67: {  	_ =	shalt  }
0x68: {  	_ =	shalt  }
0x69: {  	_ =	shalt  }
0x6a: {  	_ =	shalt  }
0x6b: {  	_ =	shalt  }
0x6c: {  	_ =	shalt  }
0x6d: {  	_ =	shalt  }
0x6e: {  	_ =	shalt  }
0x6f: {  	_ =	shalt  }
0x70: {  	_ =	shalt  }
0x71: {  	_ =	shalt  }
0x72: {  	_ =	shalt  }
0x73: {  	_ =	shalt  }
0x74: {  	_ =	shalt  }
0x75: {  	_ =	shalt  }
0x76: {  	_ =	shalt  }
0x77: {  	_ =	shalt  }
0x78: {  	_ =	shalt  }
0x79: {  	_ =	shalt  }
0x7a: {  	_ =	shalt  }
0x7b: {  	_ =	shalt  }
0x7c: {  	_ =	shalt  }
0x7d: {  	_ =	shalt  }
0x7e: {  	_ =	shalt  }
0x7f: {  	_ =	shalt  }
0x80: {  	_ =	shalt  }
0x81: {  	_ =	shalt  }
0x82: {  	_ =	shalt  }
0x83: {  	_ =	shalt  }
0x84: {  	_ =	shalt  }
0x85: {  	_ =	shalt  }
0x86: {  	_ =	shalt  }
0x87: {  	_ =	shalt  }
.Lfunc_end0:
.L_simem_size_0:
called_computation_lowered:
.L_overlay_start_0:
0x88: {  	s2 =	sld [smem:$0x3FD9]  }
0x89: {  	s3 =	sld [smem:$0x3FFE];
	_ =	sdelay $0x1  }
0x8a: {  	s1 =	srdreg.scid  }
0x8b: {  	s0 =	sand.u32 $0x1, s1  }
0x8c: {  	s17 =	sshll.u32 s0, $0xA;
	s2 =	sadd.s32 s3, s2  }
0x8d: {  	s2 =	sadd.s32 s2, s17  }
0x8e: {  	[smem:$0x3FC3] =	sst s2  }
0x8f: {  	_ = 	snop  }
0x90: {  	s2 =	sld [smem:$0x3FC9]  }
0x91: {  	s18 =	sld [smem:$0x3FC8]  }
0x92: {  	s4 =	sld [smem:$0x3FD0];
	(tm) =	ssettm $0x1  }
0x93: {  	s5 =	sld [smem:$0x3FFB];
	_ =	sdelay $0x3  }
0x94: {  	_ =	strace s5  }
0x95: {  	s5 =	sld [smem:$0x3FFC];
	_ =	sdelay $0x3  }
0x96: {  	_ =	strace s5  }
0x97: {  	s5 =	sld [smem:$0x3FFD];
	_ =	sdelay $0x3  }
0x98: {  	_ =	strace s5  }
0x99: {  	_ =	strace $0x8FFFFFFF  }
0x9a: {  	s19 =	sld [smem:$0x3FDB];
	_ =	sdelay $0x1  }
0x9b: {  	s6 =	simm.s32 $_scs_section_size  }
0x9c: {  	s7 =	simm.s32 $_size__tile_overlayer_lowered;
	s8 =	simm.s32 $_tile_overlayer_lowered  }
0x9d: {  	s22 =	simm.s32 $0x1BFF;
	s21 =	sshll.u32 s8, $0x1;
	s5 =	sadd.s32 s6, s19  }
0x9e: {  	s9 =	simm.s32 $0x0;
	s20 =	sshll.u32 s7, $0x1;
	s7 =	sadd.s32 s21, s5  }
0x9f: {  	[timem:s9], [sflag:s22] =	dma.local [hbm:s7], s20  }
0xa0: {  	_ =	swait.ge [sflag:s22], s20  }
0xa1: {  	s6 =	ssub.s32 $0x0, s20;
	[sflag:s22] =	ssyncset.done $0x0  }
0xa2: {  	[sflag:s22] =	ssyncadd.s32 s6;
	_ =	sdelay $0x1  }
0xa3: {  	s23 =	simm.s32 $0x1B8B  }
0xa4: {  	_ =	swait.ge [sflag:s23], $0x1  }
0xa5: {  	[sflag:s23] =	ssyncset.done $0x0  }
0xa6: {  	s25 =	simm.s32 $0x1B8E;
	s24 =	sld [smem:$0x3FFE];
	[sflag:s23] =	ssyncadd.s32 $0xFFFFFFFF  }
0xa7: {  	s26 =	simm.s32 $execute0_lowered;
	[smem:$0x3FD2] =	sst s25  }
0xa8: {  	s7 =	sshll.u32 s26, $0x1;
	_ =	strace $0x80000046;
	[dreg:$0x1] =	wrdreg $0xFFFFFFFF  }
0xa9: {  	s28 =	simm.s32 $_size_execute0_lowered;
	s5 =	sadd.s32 s5, s7;
	[dreg:$0x0] =	wrdreg $0x0  }
0xaa: {  	s7 =	sshll.u32 s28, $0x1;
	[dreg:$0x2] =	wrdreg s5  }
0xab: {  	[dreg:$0x3] =	wrdreg s7  }
0xac: {  	[dreg:$0x4] =	wrdreg $0xC0  }
0xad: {  	_ =	task [dreg:s9], $0x5FFFF  }
0xae: {  	[dreg:$0x1] =	wrdreg $0xFFFFFFFF  }
0xaf: {  	[dreg:$0x0] =	wrdreg $0x60  }
0xb0: {  	[dreg:$0x2] =	wrdreg s2  }
0xb1: {  	[dreg:$0x3] =	wrdreg s18  }
0xb2: {  	[dreg:$0x4] =	wrdreg s4  }
0xb3: {  	[dreg:$0x5] =	wrdreg s24  }
0xb4: {  	[dreg:$0x6] =	wrdreg $0x9  }
0xb5: {  	_ =	task.clear_ibuf [dreg:s9], $0x7FFFF;
	_ =	strace $0x90000046  }
0xb6: {  	s29 =	simm.s32 $0x9;
	_ =	strace $0x80000048  }
0xb7: {  	_ =	swait.ge [sflag:s29], $0x1  }
0xb8: {  	[sflag:s29] =	ssyncadd.s32 $0xFFFFFFFF  }
0xb9: {  	_ =	strace $0x90000048  }
0xba: {  	_ =	sfence  }
0xbb: {  	s30 =	sld [smem:$0x0];
	_ =	sdelay $0x2  }
0xbc: {  	s31 =	sshll.u32 s1, $0xD;
	s1 =	sshrl.u32 s1, $0x2  }
0xbd: {  	s3 =	sand.u32 $0x4000, s31;
	s1 =	sadd.s32 s1, s30  }
0xbe: {  	s0 =	sor.u32 s3, s0;
	s1 =	sshll.u32 s1, $0x11  }
0xbf: {  	s0 =	sor.u32 s1, s0  }
0xc0: {  	s0 =	sadd.s32 $0x8F2B, s0  }
0xc1: {  	[sflag:s0] =	ssyncadd.remote.s32 $0x1  }
0xc2: {  	_ =	sfence.sel $0xFFFF  }
0xc3: {  	[dreg:$0x0] =	wrdreg $0xFFFFFFFF;
	(pc) =	sbr.abs _section_cstart, $3  }
0xc4: {  	[dreg:$0x1] =	wrdreg $0xFFFFFFFF  }
0xc5: {  	_ =	task.clear_ibuf [dreg:s9], $0x2FFFF;
	_ =	strace $0x9FFFFFFF  }
0xc6: {  	(tm) =	ssettm $0x7FFFFFFF  }
0xc7: {  	_ =	shalt  }
tec
execute0_lowered:
.L_overlay_start_1:
0x0: {  	(tag) =	ssettag $0x1  }
0x1: {  	s5 =	rddreg [dreg:$0x0]  }
0x2: {  	s7 =	rddreg [dreg:$0x1]  }
0x3: {  	s2 =	rddreg [dreg:$0x2]  }
0x4: {  	s3 =	rddreg [dreg:$0x3];
	s4 =	srdreg.scid  }
0x5: {  	s0 =	rddreg [dreg:$0x4];
	s1 =	stileid.u32;
	s13 =	sand.u32 $0x1, s4  }
0x6: {  	s4 =	simm.s32 $0x0;
	s6 =	sshll.u32 s1, $0x3;
	s8 =	sshll.u32 s13, $0x2  }
0x7: {  	[smem:$0x7FF] =	sst s4;
	s14 =	sor.u32 s8, s6  }
0x8: {  	_ =	strace $0x80000047;
	s6 =	sadd.s32 s5, s14;
	s5 =	simm.s32 $0x3  }
0x9: {  	[tilespmem:s4], [sflag:$0x3] =	stream.linear.gather [hbm4b:s6+s4], $0x20, $0x38;
	[tilespmem:$0xA0] =	vst v63  }
0xa: {  	_ =	swait.ge [sflag:s5], $0x20  }
0xb: {  	[sflag:s5] =	ssyncset.done $0x0  }
0xc: {  	s8 =	simm.s32 $0x20;
	s7 =	sadd.s32 s7, s14;
	[sflag:s5] =	ssyncadd.s32 $0xFFFFFFE0  }
0xd: {  	[tilespmem:s8], [sflag:$0x3] =	stream.linear.gather [hbm4b:s7+s4], $0x20, $0x38;
	[tilespmem:$0xA0] =	vst v63  }
0xe: {  	_ =	swait.ge [sflag:s5], $0x20  }
0xf: {  	[sflag:s5] =	ssyncset.done $0x0  }
0x10: {  	s9 =	simm.s32 $0x40;
	[sflag:s5] =	ssyncadd.s32 $0xFFFFFFE0  }
0x11: {  	[tilespmem:s9], [sflag:$0x1] =	stream.indirect.gather [hbm4b:s2+s8], $0x1, s4, s8, $0xb8;
	[tilespmem:$0xA0] =	vst v63  }
0x12: {  	s10 =	simm.s32 $0x60;
	s11 =	simm.s32 $0x1  }
0x13: {  	[tilespmem:s10], [sflag:$0x2] =	stream.indirect.gather [hbm4b:s3+s8], $0x1, s8, s8, $0xb8;
	[tilespmem:$0xA0] =	vst v63  }
0x14: {  	_ =	swait.ge [sflag:s11], $0x20  }
0x15: {  	[sflag:s11] =	ssyncset.done $0x0  }
0x16: {  	s12 =	simm.s32 $0x2;
	[sflag:s11] =	ssyncadd.s32 $0xFFFFFFE0  }
0x17: {  	_ =	swait.ge [sflag:s12], $0x20  }
0x18: {  	[sflag:s12] =	ssyncset.done $0x0  }
0x19: {  	[sflag:s12] =	ssyncadd.s32 $0xFFFFFFE0  }
0x1a: {  	v0 =	vld [tilespmem:$0x70]  }
0x1b: {  	s13 =	ssub.s32 $0x2, s13;
	v1 =	vld [tilespmem:$0x40]  }
0x1c: {  	s15 =	sshrl.u32 s13, $0x1;
	v2 =	vld [tilespmem:$0x50]  }
0x1d: {  	s13 =	ssub.s32 s13, s15;
	v3 =	vld [tilespmem:$0x60]  }
0x1e: {  	s15 =	smax.u32 s13, $0x1  }
0x1f: {  	p0 =	sne.s32 s15, $0x1  }
.Ltmp0:
0x20: {  	_ = 	snop;
	(pc) =	sbr.rel @!p0 .LBB2_2-.Ltmp0, $4  }
0x21: {  	v0 =	vadd.f32 v0, v2  }
0x22: {  	v1 =	vadd.f32 v3, v1  }
0x23: {  	s31 =	sadd.s32 s14, s3;
	[tilespmem:$0x90] =	vst v0  }
0x24: {  	s14 =	simm.s32 $0x80;
	s13 =	sadd.s32 $0x1EA00, s31;
	s15 =	sadd.s32 $0xFFFFFFFF, s15;
	[tilespmem:$0x80] =	vst v1  }
.LBB2_1:
0x25: {  	[hbm4b:s13+s4] =	stream.linear.scatter [tilespmem:s14], [sflag:$0x3], $0x20, $0x38;
	[tilespmem:$0xA0] =	vst v63  }
0x26: {  	p0 =	sne.s32 s15, $0x1;
	s15 =	sadd.s32 $0xFFFFFFFF, s15;
	_ =	swait.ge [sflag:s5], $0x20  }
0x27: {  	[sflag:s5] =	ssyncset.done $0x0  }
0x28: {  	[sflag:s5] =	ssyncadd.s32 $0xFFFFFFE0  }
0x29: {  	[tilespmem:s4], [sflag:$0x3] =	stream.linear.gather [hbm4b:s6+s4], $0x20, $0x38;
	[tilespmem:$0xA0] =	vst v63  }
0x2a: {  	_ =	swait.ge [sflag:s5], $0x20  }
0x2b: {  	[sflag:s5] =	ssyncset.done $0x0  }
0x2c: {  	[sflag:s5] =	ssyncadd.s32 $0xFFFFFFE0  }
0x2d: {  	[tilespmem:s8], [sflag:$0x3] =	stream.linear.gather [hbm4b:s7+s4], $0x20, $0x38;
	[tilespmem:$0xA0] =	vst v63  }
0x2e: {  	_ =	swait.ge [sflag:s5], $0x20  }
0x2f: {  	[sflag:s5] =	ssyncset.done $0x0  }
0x30: {  	[sflag:s5] =	ssyncadd.s32 $0xFFFFFFE0  }
0x31: {  	[tilespmem:s9], [sflag:$0x1] =	stream.indirect.gather [hbm4b:s2+s8], $0x1, s4, s8, $0xb8;
	[tilespmem:$0xA0] =	vst v63  }
0x32: {  	_ = 	snop  }
0x33: {  	[tilespmem:s10], [sflag:$0x2] =	stream.indirect.gather [hbm4b:s3+s8], $0x1, s8, s8, $0xb8;
	[tilespmem:$0xA0] =	vst v63  }
0x34: {  	_ =	swait.ge [sflag:s11], $0x20  }
0x35: {  	[sflag:s11] =	ssyncset.done $0x0  }
0x36: {  	[sflag:s11] =	ssyncadd.s32 $0xFFFFFFE0  }
0x37: {  	_ =	swait.ge [sflag:s12], $0x20  }
0x38: {  	[sflag:s12] =	ssyncset.done $0x0  }
0x39: {  	[sflag:s12] =	ssyncadd.s32 $0xFFFFFFE0  }
0x3a: {  	v0 =	vld [tilespmem:$0x70]  }
0x3b: {  	v1 =	vld [tilespmem:$0x40]  }
0x3c: {  	v2 =	vld [tilespmem:$0x50]  }
0x3d: {  	v3 =	vld [tilespmem:$0x60];
	_ =	sdelay $0x2  }
.Ltmp1:
0x3e: {  	(pc) =	sbr.rel @p0 .LBB2_1-.Ltmp1, $4  }
0x3f: {  	v0 =	vadd.f32 v0, v2  }
0x40: {  	v1 =	vadd.f32 v3, v1  }
0x41: {  	[tilespmem:$0x90] =	vst v0  }
0x42: {  	[tilespmem:$0x80] =	vst v1  }
.LBB2_2:
0x43: {  	[hbm4b:s13+s4] =	stream.linear.scatter [tilespmem:s14], [sflag:$0x3], $0x20, $0x38;
	[tilespmem:$0xA0] =	vst v63  }
0x44: {  	_ =	swait.ge [sflag:s5], $0x20  }
0x45: {  	[sflag:s5] =	ssyncset.done $0x0  }
0x46: {  	[sflag:s5] =	ssyncadd.s32 $0xFFFFFFE0  }
0x47: {  	_ =	sfence.sel $0x180000  }
0x48: {  	[bflag:$0x0] =	sbarrier.arrive $0xFFFF  }
0x49: {  	p0 =	sne.s32 s1, $0x0;
	_ =	strace $0x90000047  }
0x4a: {  	s0 =	sadd.s32 @!p0 $0x100000, s0;
	[bflag:$0x2] =	sbarrier.arrive $0xFFFF  }
0x4b: {  	[sflag:s0] =	ssyncadd.tile.s32 @!p0 $0x1;
	_ =	shalt  }
.Lfunc_end2:
_tile_overlayer_lowered:
.L_overlay_start_2:
0x4c: {  	(tag) =	ssettag $0x2  }
0x4d: {  	s0 =	rddreg [dreg:$0x0];
	s2 =	stileid.u32  }
0x4e: {  	s1 =	rddreg [dreg:$0x1];
	p0 =	sne.s32 s2, $0x0  }
0x4f: {  	s3 =	rddreg [dreg:$0x2];
	[bflag:$0x3] =	sbarrier.arrive $0xFFFF;
	s2 =	simm.s32 @!p0 $0x1C03  }
0x50: {  	[timem:s3], [sflag:s2] =	dma.local @!p0 [hbm:s0], s1  }
0x51: {  	s0 =	simm.s32 @!p0 $0x3  }
0x52: {  	_ =	swait.ge @!p0 [sflag:s0], s1  }
0x53: {  	s1 =	ssub.s32 @!p0 $0x0, s1;
	[sflag:s0] =	ssyncset.done @!p0 $0x0  }
0x54: {  	[sflag:s0] =	ssyncadd.s32 @!p0 s1  }
0x55: {  	[bflag:$0x3] =	sbarrier.arrive $0xFFFF  }
0x56: {  	_ =	shalt  }

</sc_bundles>
